<compile_context>
chip_gen: v7x
topology: tpu7x:2x2x1
jax: 0.10.2.dev20260603
libtpu: 0.0.44.dev20260713+nightly
codegen_flags: <defaults>
</compile_context>

<pallas_src>
import dataclasses
import functools
import jax
import jax.numpy as jnp
from jax import lax
from jax.experimental import pallas as pl
from jax.experimental.pallas import tpu as pltpu
from jax.experimental.pallas import tpu_sc as plsc

N_NODES = 10000
NFEAT = 128
NHID = 128
NCLS = 10
NGRAPH = 16

N_SC = 2
N_SUB = 16
N_TILES = N_SC * N_SUB
CHUNK = 128
CHUNKS_PER_TILE = 79
EPT = CHUNK * CHUNKS_PER_TILE
E_PAD = EPT * N_TILES
N_ACC = 10240
DUMMY = N_NODES
ROWS_PER_TILE = N_ACC // N_SUB

_SC_MESH = plsc.VectorSubcoreMesh(
    core_axis_name="c", subcore_axis_name="s",
    num_cores=N_SC, num_subcores=N_SUB)

_SC_PARAMS = pltpu.CompilerParams()
if "needs_layout_passes" in pltpu.CompilerParams.__dataclass_fields__:
    _SC_PARAMS = dataclasses.replace(_SC_PARAMS, needs_layout_passes=False)


def _mask_deg_body(src_hbm, dst_hbm, alive_hbm, deg_out, dsteff_out,
                   src_ts, dst_ts, alive_ts, ones_ts, dsteff_ts, zrow_ts,
                   deg_spmem):
    c = lax.axis_index("c")
    s = lax.axis_index("s")
    t = c * N_SUB + s
    pltpu.sync_copy(alive_hbm, alive_ts)
    pltpu.sync_copy(src_hbm.at[t], src_ts)
    pltpu.sync_copy(dst_hbm.at[t], dst_ts)

    zeros16 = jnp.zeros((16,), jnp.float32)
    ones16 = jnp.ones((16,), jnp.float32)

    @pl.loop(0, ROWS_PER_TILE // 16)
    def _(i):
        zrow_ts[pl.ds(i * 16, 16)] = zeros16

    @pl.loop(0, CHUNK // 16)
    def _(i):
        ones_ts[0, pl.ds(i * 16, 16)] = ones16

    pltpu.sync_copy(zrow_ts, deg_spmem.at[pl.ds(s * ROWS_PER_TILE,
                                                ROWS_PER_TILE)])
    plsc.subcore_barrier()

    @pl.loop(0, CHUNKS_PER_TILE)
    def _(j):
        @pl.loop(0, CHUNK // 16)
        def _(g):
            si = src_ts[j, pl.ds(g * 16, 16)]
            di = dst_ts[j, pl.ds(g * 16, 16)]
            av = (plsc.load_gather(alive_ts, [si]) *
                  plsc.load_gather(alive_ts, [di]))
            dsteff_ts[j, pl.ds(g * 16, 16)] = jnp.where(
                av > 0, di, jnp.int32(DUMMY))
        pltpu.sync_copy(ones_ts.at[0], deg_spmem.at[dsteff_ts.at[j]],
                        add=True)

    plsc.subcore_barrier()
    pltpu.sync_copy(deg_spmem.at[pl.ds(s * ROWS_PER_TILE, ROWS_PER_TILE)],
                    deg_out.at[c, pl.ds(s * ROWS_PER_TILE, ROWS_PER_TILE)])
    pltpu.sync_copy(dsteff_ts, dsteff_out.at[t])


_sc_mask_deg = pl.kernel(
    _mask_deg_body,
    out_type=[
        jax.ShapeDtypeStruct((N_SC, N_ACC), jnp.float32),
        jax.ShapeDtypeStruct((N_TILES, CHUNKS_PER_TILE, CHUNK), jnp.int32),
    ],
    mesh=_SC_MESH,
    scratch_types=[
        pltpu.VMEM((CHUNKS_PER_TILE, CHUNK), jnp.int32),
        pltpu.VMEM((CHUNKS_PER_TILE, CHUNK), jnp.int32),
        pltpu.VMEM((N_ACC,), jnp.int32),
        pltpu.VMEM((1, CHUNK), jnp.float32),
        pltpu.VMEM((CHUNKS_PER_TILE, CHUNK), jnp.int32),
        pltpu.VMEM((ROWS_PER_TILE,), jnp.float32),
        pltpu.VMEM_SHARED((N_ACC,), jnp.float32),
    ],
    compiler_params=_SC_PARAMS,
)


def _aggregate_body(hp_hbm, src_hbm, dsteff_hbm, s_out,
                    src_ts, dsteff_ts, rows_ts, acc_spmem):
    c = lax.axis_index("c")
    s = lax.axis_index("s")
    t = c * N_SUB + s
    pltpu.sync_copy(src_hbm.at[t], src_ts)
    pltpu.sync_copy(dsteff_hbm.at[t], dsteff_ts)

    zeros16 = jnp.zeros((16,), jnp.float32)

    @pl.loop(0, CHUNK)
    def _(i):
        @pl.loop(0, CHUNK // 16)
        def _(g):
            rows_ts[i, pl.ds(g * 16, 16)] = zeros16

    @pl.loop(0, ROWS_PER_TILE // CHUNK)
    def _(i):
        pltpu.sync_copy(
            rows_ts, acc_spmem.at[pl.ds(s * ROWS_PER_TILE + i * CHUNK,
                                        CHUNK)])
    plsc.subcore_barrier()

    @pl.loop(0, CHUNKS_PER_TILE)
    def _(j):
        pltpu.sync_copy(hp_hbm.at[src_ts.at[j]], rows_ts)
        pltpu.sync_copy(rows_ts, acc_spmem.at[dsteff_ts.at[j]], add=True)

    plsc.subcore_barrier()

    @pl.loop(0, ROWS_PER_TILE // CHUNK)
    def _(i):
        off = s * ROWS_PER_TILE + i * CHUNK
        pltpu.sync_copy(acc_spmem.at[pl.ds(off, CHUNK)],
                        s_out.at[c, pl.ds(off, CHUNK)])


_sc_aggregate = pl.kernel(
    _aggregate_body,
    out_type=[jax.ShapeDtypeStruct((N_SC, N_ACC, NHID), jnp.float32)],
    mesh=_SC_MESH,
    scratch_types=[
        pltpu.VMEM((CHUNKS_PER_TILE, CHUNK), jnp.int32),
        pltpu.VMEM((CHUNKS_PER_TILE, CHUNK), jnp.int32),
        pltpu.VMEM((CHUNK, NHID), jnp.float32),
        pltpu.VMEM_SHARED((N_ACC, NHID), jnp.float32),
    ],
    compiler_params=_SC_PARAMS,
)


_BLK = 2000


def _linear_body(x_ref, w_ref, b_ref, o_ref):
    o_ref[...] = jnp.dot(x_ref[...], w_ref[...],
                         preferred_element_type=jnp.float32) + b_ref[...]


def _linear(x, W, b):
    M, K = x.shape
    _, Nout = W.shape
    return pl.pallas_call(
        _linear_body,
        grid=(M // _BLK,),
        in_specs=[
            pl.BlockSpec((_BLK, K), lambda i: (i, 0)),
            pl.BlockSpec((K, Nout), lambda i: (0, 0)),
            pl.BlockSpec((Nout,), lambda i: (0,)),
        ],
        out_specs=pl.BlockSpec((_BLK, Nout), lambda i: (i, 0)),
        out_shape=jax.ShapeDtypeStruct((M, Nout), jnp.float32),
    )(x, W, b)


def _prep_body(dp_ref, h_ref, hp_ref, r_ref):
    deg = dp_ref[:, 0] + dp_ref[:, 1] + 1.0
    r = lax.rsqrt(deg)
    hp_ref[...] = h_ref[...] * r[:, None]
    r_ref[...] = r[:, None]


def _prep(deg_partsT, h):
    return pl.pallas_call(
        _prep_body,
        grid=(N_NODES // _BLK,),
        in_specs=[
            pl.BlockSpec((_BLK, N_SC), lambda i: (i, 0)),
            pl.BlockSpec((_BLK, NHID), lambda i: (i, 0)),
        ],
        out_specs=[
            pl.BlockSpec((_BLK, NHID), lambda i: (i, 0)),
            pl.BlockSpec((_BLK, 1), lambda i: (i, 0)),
        ],
        out_shape=[
            jax.ShapeDtypeStruct((N_NODES, NHID), jnp.float32),
            jax.ShapeDtypeStruct((N_NODES, 1), jnp.float32),
        ],
    )(deg_partsT, h)


def _post_body(sp_ref, hp_ref, r_ref, p_ref, hrelu_ref, score_ref):
    ssum = sp_ref[0] + sp_ref[1]
    agg = (ssum + hp_ref[...]) * r_ref[...]
    score_ref[...] = jnp.tanh(
        jnp.dot(agg, p_ref[...], preferred_element_type=jnp.float32))
    hrelu_ref[...] = jnp.maximum(agg, 0.0)


def _post(s_parts, hp, r, p2):
    return pl.pallas_call(
        _post_body,
        grid=(N_NODES // _BLK,),
        in_specs=[
            pl.BlockSpec((N_SC, _BLK, NHID), lambda i: (0, i, 0)),
            pl.BlockSpec((_BLK, NHID), lambda i: (i, 0)),
            pl.BlockSpec((_BLK, 1), lambda i: (i, 0)),
            pl.BlockSpec((NHID, 1), lambda i: (0, 0)),
        ],
        out_specs=[
            pl.BlockSpec((_BLK, NHID), lambda i: (i, 0)),
            pl.BlockSpec((_BLK, 1), lambda i: (i, 0)),
        ],
        out_shape=[
            jax.ShapeDtypeStruct((N_NODES, NHID), jnp.float32),
            jax.ShapeDtypeStruct((N_NODES, 1), jnp.float32),
        ],
    )(s_parts, hp, r, p2)


def _pool_body(k, score_ref, alive_ref, h_ref, xn_ref, alive_out_ref):
    score = score_ref[...]
    alive = alive_ref[...]
    int_min = jnp.int32(-2**31)
    bits = lax.bitcast_convert_type(score, jnp.int32)
    skey = bits ^ ((bits >> 31) & jnp.int32(0x7FFFFFFF))
    skey = jnp.where(alive > 0, skey, int_min)
    kk = jnp.int32(k)

    cpos = jnp.sum((skey >= 0).astype(jnp.int32))
    lo = jnp.where(cpos >= kk, jnp.int32(0), int_min)
    hi = jnp.where(cpos >= kk, jnp.int32(2**31 - 1), jnp.int32(-1))

    def step(_, lh):
        lo, hi = lh
        mid = lo + ((hi - lo) >> 1)
        cgt = jnp.sum((skey > mid).astype(jnp.int32))
        take_hi = cgt < kk
        return (jnp.where(take_hi, lo, mid + 1),
                jnp.where(take_hi, mid, hi))

    lo, _ = lax.fori_loop(0, 31, step, (lo, hi))
    thr = lo
    need = kk - jnp.sum((skey > thr).astype(jnp.int32))
    ties = skey == thr
    idx = lax.broadcasted_iota(jnp.int32, score.shape, 0)

    def step2(_, lh):
        lo, hi = lh
        mid = (lo + hi) >> 1
        cnt = jnp.sum((ties & (idx < mid)).astype(jnp.int32))
        take_hi = cnt >= need
        return (jnp.where(take_hi, lo, mid + 1),
                jnp.where(take_hi, mid, hi))

    jstar, _ = lax.fori_loop(0, 14, step2,
                             (jnp.int32(0), jnp.int32(N_NODES)))
    sel = (skey > thr) | (ties & (idx < jstar))
    alive_out_ref[...] = sel.astype(jnp.float32)
    xn_ref[...] = jnp.where(sel, h_ref[...] * jnp.tanh(score), 0.0)


def _pool(score, alive, h, k):
    return pl.pallas_call(
        functools.partial(_pool_body, k),
        out_shape=[
            jax.ShapeDtypeStruct((N_NODES, NHID), jnp.float32),
            jax.ShapeDtypeStruct((N_NODES, 1), jnp.float32),
        ],
    )(score, alive, h)


def _readout_body(h_ref, batch_ref, alive_ref, out_ref):
    h = h_ref[...]
    b = batch_ref[...]
    alive = alive_ref[...] > 0
    gid = lax.broadcasted_iota(jnp.int32, (N_NODES, NGRAPH), 1)
    m = (b == gid) & alive
    mf = m.astype(jnp.float32)
    cnt = jnp.sum(mf, axis=0)
    sums = lax.dot_general(mf, h, (((0,), (0,)), ((), ())),
                           preferred_element_type=jnp.float32)
    mean = sums / jnp.maximum(cnt, 1.0)[:, None]
    neg = jnp.float32(-3.0e38)
    rowid = lax.broadcasted_iota(jnp.int32, (NGRAPH, 1), 0)

    def body(g, acc):
        mg = (b == g) & alive
        col = jnp.max(jnp.where(mg, h, neg), axis=0)
        return jnp.where(rowid == g, col[None, :], acc)

    mx = lax.fori_loop(0, NGRAPH, body,
                       jnp.zeros((NGRAPH, NHID), jnp.float32))
    mx = jnp.where(cnt[:, None] > 0, mx, 0.0)
    out_ref[:, 0:NHID] = mx
    out_ref[:, NHID:] = mean


def _readout(h, batch2, alive):
    return pl.pallas_call(
        _readout_body,
        out_shape=jax.ShapeDtypeStruct((NGRAPH, 2 * NHID), jnp.float32),
    )(h, batch2, alive)


def _mlp_body(x1_ref, x2_ref, x3_ref, w1_ref, b1_ref, w2_ref, b2_ref,
              w3_ref, b3_ref, out_ref):
    z = (jnp.maximum(x1_ref[...], 0.0) + jnp.maximum(x2_ref[...], 0.0) +
         jnp.maximum(x3_ref[...], 0.0))
    z = jnp.maximum(jnp.dot(z, w1_ref[...],
                            preferred_element_type=jnp.float32)
                    + b1_ref[...], 0.0)
    z = jnp.maximum(jnp.dot(z, w2_ref[...],
                            preferred_element_type=jnp.float32)
                    + b2_ref[...], 0.0)
    o = jnp.dot(z, w3_ref[...], preferred_element_type=jnp.float32) \
        + b3_ref[...]
    mx = jnp.max(o, axis=-1, keepdims=True)
    lse = jnp.log(jnp.sum(jnp.exp(o - mx), axis=-1, keepdims=True)) + mx
    out_ref[...] = o - lse


def _mlp(x1, x2, x3, lW1, lb1, lW2, lb2, lW3, lb3):
    return pl.pallas_call(
        _mlp_body,
        out_shape=jax.ShapeDtypeStruct((NGRAPH, NCLS), jnp.float32),
    )(x1, x2, x3, lW1, lb1, lW2, lb2, lW3, lb3)


def kernel(x, edge_index, batch, W1, b1, p1, W2, b2, p2, W3, b3, p3,
           lW1, lb1, lW2, lb2, lW3, lb3):
    src = edge_index[0].astype(jnp.int32)
    dst = edge_index[1].astype(jnp.int32)
    batch2 = batch.astype(jnp.int32)[:, None]
    n_edges = src.shape[0]
    pad = E_PAD - n_edges
    src3 = jnp.concatenate(
        [src, jnp.zeros((pad,), jnp.int32)]).reshape(
            N_TILES, CHUNKS_PER_TILE, CHUNK)
    dst3 = jnp.concatenate(
        [dst, jnp.full((pad,), DUMMY, jnp.int32)]).reshape(
            N_TILES, CHUNKS_PER_TILE, CHUNK)

    def layer(xin, alive_f, W, b, p):
        alive_i = jnp.concatenate(
            [(alive_f[:, 0] > 0).astype(jnp.int32),
             jnp.zeros((N_ACC - N_NODES,), jnp.int32)])
        h = _linear(xin, W, b)
        deg_parts, dsteff = _sc_mask_deg(src3, dst3, alive_i)
        hp, r = _prep(deg_parts.T, h)
        (s_parts,) = _sc_aggregate(hp, src3, dsteff)
        return _post(s_parts, hp, r, p[:, None])

    alive0 = jnp.ones((N_NODES, 1), jnp.float32)
    h1, score1 = layer(x, alive0, W1, b1, p1)
    xn1, alive1 = _pool(score1, alive0, h1, N_NODES // 2)
    x1 = _readout(xn1, batch2, alive1)

    h2, score2 = layer(xn1, alive1, W2, b2, p2)
    xn2, alive2 = _pool(score2, alive1, h2, N_NODES // 4)
    x2 = _readout(xn2, batch2, alive2)

    h3, _ = layer(xn2, alive2, W3, b3, p3)
    x3 = _readout(h3, batch2, alive2)

    return _mlp(x1, x2, x3, lW1, lb1, lW2, lb2, lW3, lb3)

# --- scband reference (transcript-rebuilt; emitter-appended) ---
"""Pipeline reference for scband-model-31413390803095 (READ-ONLY COPY).

The authoritative reference and input builder live on the scoring server;
editing this copy changes nothing except your own understanding.
"""

import jax, jax.numpy as jnp
import numpy as np

N_NODES = 10000
N_EDGES = 320000
NFEAT = 128
NHID = 128
NCLS = 10
NGRAPH = 16
RATIO = 0.5


def gcn_conv(x, src, dst, emask, W, b, p, N):
    # GCN layer with symmetric normalization and self-loops; returns node feats and a
    # learned attention score per node (used by the attention pooling layer).
    h = x @ W + b
    deg = jax.ops.segment_sum(emask, dst, num_segments=N) + 1.0
    norm = emask / jnp.sqrt(deg[src] * deg[dst])
    agg = jax.ops.segment_sum(h[src] * norm[:, None], dst, num_segments=N) + h / deg[:, None]
    score = jnp.tanh(agg @ p)
    return agg, score


def att_pool(h, score, src, dst, emask, batch, ratio):
    # MAtt-style top-k attention pooling with static-shape edge masking.
    N = h.shape[0]
    k = int(N * ratio)
    vals, perm = jax.lax.top_k(score, k)
    xn = h[perm] * jnp.tanh(vals)[:, None]
    mapping = jnp.full((N,), -1, dtype=jnp.int32).at[perm].set(jnp.arange(k, dtype=jnp.int32))
    ns = mapping[src]
    nd = mapping[dst]
    valid = emask * (ns >= 0).astype(h.dtype) * (nd >= 0).astype(h.dtype)
    return xn, jnp.maximum(ns, 0), jnp.maximum(nd, 0), valid, batch[perm]


def readout(h, batch, B):
    # concat of global-max-pool (gmp) and global-avg-pool (gap)
    cnt = jax.ops.segment_sum(jnp.ones((h.shape[0],), h.dtype), batch, num_segments=B)
    s = jax.ops.segment_sum(h, batch, num_segments=B)
    mean = s / jnp.maximum(cnt, 1.0)[:, None]
    mx = jax.ops.segment_max(h, batch, num_segments=B)
    mx = jnp.where(cnt[:, None] > 0, mx, 0.0)
    return jnp.concatenate([mx, mean], axis=1)


def setup_inputs(seed: int = 0):
    key = jax.random.key(seed)
    ks = jax.random.split(key, 16)
    x = jax.random.normal(ks[0], (N_NODES, NFEAT), dtype=jnp.float32)
    edge_index = jax.random.randint(ks[1], (2, N_EDGES), 0, N_NODES, dtype=jnp.int32)
    batch = jnp.sort(jax.random.randint(ks[2], (N_NODES,), 0, NGRAPH, dtype=jnp.int32))
    def lin(k, fi, fo):
        return jax.random.normal(k, (fi, fo), dtype=jnp.float32) * 0.05
    return {
        'x': x, 'edge_index': edge_index, 'batch': batch,
        'W1': lin(ks[3], NFEAT, NHID), 'b1': jnp.zeros((NHID,), jnp.float32),
        'p1': jax.random.normal(ks[4], (NHID,), jnp.float32) * 0.05,
        'W2': lin(ks[5], NHID, NHID), 'b2': jnp.zeros((NHID,), jnp.float32),
        'p2': jax.random.normal(ks[6], (NHID,), jnp.float32) * 0.05,
        'W3': lin(ks[7], NHID, NHID), 'b3': jnp.zeros((NHID,), jnp.float32),
        'p3': jax.random.normal(ks[8], (NHID,), jnp.float32) * 0.05,
        'lW1': lin(ks[9], 2 * NHID, NHID), 'lb1': jnp.zeros((NHID,), jnp.float32),
        'lW2': lin(ks[10], NHID, NHID // 2), 'lb2': jnp.zeros((NHID // 2,), jnp.float32),
        'lW3': lin(ks[11], NHID // 2, NCLS), 'lb3': jnp.zeros((NCLS,), jnp.float32),
    }


def reference(x, edge_index, batch, W1, b1, p1, W2, b2, p2, W3, b3, p3, lW1, lb1, lW2, lb2, lW3, lb3):
    src = edge_index[0].astype(jnp.int32)
    dst = edge_index[1].astype(jnp.int32)
    batch = batch.astype(jnp.int32)
    emask = jnp.ones((src.shape[0],), jnp.float32)

    h, s = gcn_conv(x, src, dst, emask, W1, b1, p1, x.shape[0])
    h = jax.nn.relu(h)
    h, src, dst, emask, batch = att_pool(h, s, src, dst, emask, batch, RATIO)
    x1 = readout(h, batch, NGRAPH)

    h2, s = gcn_conv(h, src, dst, emask, W2, b2, p2, h.shape[0])
    h2 = jax.nn.relu(h2)
    h2, src, dst, emask, batch = att_pool(h2, s, src, dst, emask, batch, RATIO)
    x2 = readout(h2, batch, NGRAPH)

    h3, s = gcn_conv(h2, src, dst, emask, W3, b3, p3, h2.shape[0])
    h3 = jax.nn.relu(h3)
    x3 = readout(h3, batch, NGRAPH)

    z = jax.nn.relu(x1) + jax.nn.relu(x2) + jax.nn.relu(x3)
    z = jax.nn.relu(z @ lW1 + lb1)
    z = jax.nn.relu(z @ lW2 + lb2)
    out = jax.nn.log_softmax(z @ lW3 + lb3, axis=-1)
    return out

if __name__ == "__main__":
    import jax
    _d = setup_inputs()
    print(jax.jit(kernel)(*tuple(_d.values())))

</pallas_src>

<mosaic_0001>
#map = affine_map<(d0, d1) -> (0, 0, 0)>
#map1 = affine_map<(d0, d1) -> (0)>
#map2 = affine_map<(d0, d1) -> (0, 0)>
module attributes {stable_mosaic.version = 14 : i64} {
  func.func @_mask_deg_body(%arg0: i32, %arg1: i32, %arg2: memref<32x79x128xi32, #tpu.memory_space<hbm>>, %arg3: memref<32x79x128xi32, #tpu.memory_space<hbm>>, %arg4: memref<10240xi32, #tpu.memory_space<hbm>>, %arg5: memref<2x10240xf32, #tpu.memory_space<hbm>>, %arg6: memref<32x79x128xi32, #tpu.memory_space<hbm>>, %arg7: memref<79x128xi32, #tpu.memory_space<vmem>>, %arg8: memref<79x128xi32, #tpu.memory_space<vmem>>, %arg9: memref<10240xi32, #tpu.memory_space<vmem>>, %arg10: memref<1x128xf32, #tpu.memory_space<vmem>>, %arg11: memref<79x128xi32, #tpu.memory_space<vmem>>, %arg12: memref<640xf32, #tpu.memory_space<vmem>>, %arg13: memref<10240xf32, #tpu.memory_space<vmem_shared>>) attributes {dimension_semantics = [#tpu.dimension_semantics<core_parallel>, #tpu.dimension_semantics<subcore_parallel>], iteration_bounds = array<i64: 2, 16>, scalar_prefetch = 0 : i64, scratch_operands = 7 : i64, tpu.core_type = #tpu.core_type<sc_vector_subcore>, window_params = [{transform_indices = #map}, {transform_indices = #map}, {transform_indices = #map1}, {transform_indices = #map2}, {transform_indices = #map}]} {
    %mul3A = arith.constant 16 : i32
    %mul3A_0 = arith.muli %arg0, %mul3A : i32
    %add3A = arith.addi %mul3A_0, %arg1 : i32
    "tpu.region"() ({
      %run_scoped3A = tpu.sem_alloc : memref<!tpu.dma_semaphore, #tpu.memory_space<semaphore_mem>>
      tpu.enqueue_dma source(%arg4 : memref<10240xi32, #tpu.memory_space<hbm>>) target(%arg9 : memref<10240xi32, #tpu.memory_space<vmem>>) target_semaphore(%run_scoped3A : memref<!tpu.dma_semaphore, #tpu.memory_space<semaphore_mem>>)
      tpu.wait_dma2 semaphore(%run_scoped3A : memref<!tpu.dma_semaphore, #tpu.memory_space<semaphore_mem>>) src(%arg4 : memref<10240xi32, #tpu.memory_space<hbm>>) dst(%arg9 : memref<10240xi32, #tpu.memory_space<vmem>>)
      tpu.yield
    }) : () -> ()
    "tpu.region"() ({
      %run_scoped3A = tpu.sem_alloc : memref<!tpu.dma_semaphore, #tpu.memory_space<semaphore_mem>>
      %dma_start3A = arith.constant 0 : i32
      %dma_start3A_25 = arith.constant 0 : i32
      %dma_start3A_26 = tpu.memref_slice %arg2[%add3A, %dma_start3A, %dma_start3A_25] : memref<32x79x128xi32, #tpu.memory_space<hbm>> -> memref<1x79x128xi32, #tpu.memory_space<hbm>>
      %dma_start3A_27 = tpu.memref_squeeze %dma_start3A_26 : memref<1x79x128xi32, #tpu.memory_space<hbm>> -> memref<79x128xi32, #tpu.memory_space<hbm>>
      %dma_start3A_28 = arith.constant 0 : i32
      %dma_start3A_29 = arith.constant 0 : i32
      %dma_start3A_30 = tpu.memref_slice %arg2[%add3A, %dma_start3A_28, %dma_start3A_29] : memref<32x79x128xi32, #tpu.memory_space<hbm>> -> memref<1x79x128xi32, #tpu.memory_space<hbm>>
      %dma_start3A_31 = tpu.memref_squeeze %dma_start3A_30 : memref<1x79x128xi32, #tpu.memory_space<hbm>> -> memref<79x128xi32, #tpu.memory_space<hbm>>
      tpu.enqueue_dma source(%dma_start3A_31 : memref<79x128xi32, #tpu.memory_space<hbm>>) target(%arg7 : memref<79x128xi32, #tpu.memory_space<vmem>>) target_semaphore(%run_scoped3A : memref<!tpu.dma_semaphore, #tpu.memory_space<semaphore_mem>>)
      %dma_wait3A = arith.constant 0 : i32
      %dma_wait3A_32 = arith.constant 0 : i32
      %dma_wait3A_33 = tpu.memref_slice %arg2[%add3A, %dma_wait3A, %dma_wait3A_32] : memref<32x79x128xi32, #tpu.memory_space<hbm>> -> memref<1x79x128xi32, #tpu.memory_space<hbm>>
      %dma_wait3A_34 = tpu.memref_squeeze %dma_wait3A_33 : memref<1x79x128xi32, #tpu.memory_space<hbm>> -> memref<79x128xi32, #tpu.memory_space<hbm>>
      %dma_wait3A_35 = arith.constant 0 : i32
      %dma_wait3A_36 = arith.constant 0 : i32
      %dma_wait3A_37 = tpu.memref_slice %arg2[%add3A, %dma_wait3A_35, %dma_wait3A_36] : memref<32x79x128xi32, #tpu.memory_space<hbm>> -> memref<1x79x128xi32, #tpu.memory_space<hbm>>
      %dma_wait3A_38 = tpu.memref_squeeze %dma_wait3A_37 : memref<1x79x128xi32, #tpu.memory_space<hbm>> -> memref<79x128xi32, #tpu.memory_space<hbm>>
      tpu.wait_dma2 semaphore(%run_scoped3A : memref<!tpu.dma_semaphore, #tpu.memory_space<semaphore_mem>>) src(%dma_wait3A_38 : memref<79x128xi32, #tpu.memory_space<hbm>>) dst(%arg7 : memref<79x128xi32, #tpu.memory_space<vmem>>)
      tpu.yield
    }) : () -> ()
    "tpu.region"() ({
      %run_scoped3A = tpu.sem_alloc : memref<!tpu.dma_semaphore, #tpu.memory_space<semaphore_mem>>
      %dma_start3A = arith.constant 0 : i32
      %dma_start3A_25 = arith.constant 0 : i32
      %dma_start3A_26 = tpu.memref_slice %arg3[%add3A, %dma_start3A, %dma_start3A_25] : memref<32x79x128xi32, #tpu.memory_space<hbm>> -> memref<1x79x128xi32, #tpu.memory_space<hbm>>
      %dma_start3A_27 = tpu.memref_squeeze %dma_start3A_26 : memref<1x79x128xi32, #tpu.memory_space<hbm>> -> memref<79x128xi32, #tpu.memory_space<hbm>>
      %dma_start3A_28 = arith.constant 0 : i32
      %dma_start3A_29 = arith.constant 0 : i32
      %dma_start3A_30 = tpu.memref_slice %arg3[%add3A, %dma_start3A_28, %dma_start3A_29] : memref<32x79x128xi32, #tpu.memory_space<hbm>> -> memref<1x79x128xi32, #tpu.memory_space<hbm>>
      %dma_start3A_31 = tpu.memref_squeeze %dma_start3A_30 : memref<1x79x128xi32, #tpu.memory_space<hbm>> -> memref<79x128xi32, #tpu.memory_space<hbm>>
      tpu.enqueue_dma source(%dma_start3A_31 : memref<79x128xi32, #tpu.memory_space<hbm>>) target(%arg8 : memref<79x128xi32, #tpu.memory_space<vmem>>) target_semaphore(%run_scoped3A : memref<!tpu.dma_semaphore, #tpu.memory_space<semaphore_mem>>)
      %dma_wait3A = arith.constant 0 : i32
      %dma_wait3A_32 = arith.constant 0 : i32
      %dma_wait3A_33 = tpu.memref_slice %arg3[%add3A, %dma_wait3A, %dma_wait3A_32] : memref<32x79x128xi32, #tpu.memory_space<hbm>> -> memref<1x79x128xi32, #tpu.memory_space<hbm>>
      %dma_wait3A_34 = tpu.memref_squeeze %dma_wait3A_33 : memref<1x79x128xi32, #tpu.memory_space<hbm>> -> memref<79x128xi32, #tpu.memory_space<hbm>>
      %dma_wait3A_35 = arith.constant 0 : i32
      %dma_wait3A_36 = arith.constant 0 : i32
      %dma_wait3A_37 = tpu.memref_slice %arg3[%add3A, %dma_wait3A_35, %dma_wait3A_36] : memref<32x79x128xi32, #tpu.memory_space<hbm>> -> memref<1x79x128xi32, #tpu.memory_space<hbm>>
      %dma_wait3A_38 = tpu.memref_squeeze %dma_wait3A_37 : memref<1x79x128xi32, #tpu.memory_space<hbm>> -> memref<79x128xi32, #tpu.memory_space<hbm>>
      tpu.wait_dma2 semaphore(%run_scoped3A : memref<!tpu.dma_semaphore, #tpu.memory_space<semaphore_mem>>) src(%dma_wait3A_38 : memref<79x128xi32, #tpu.memory_space<hbm>>) dst(%arg8 : memref<79x128xi32, #tpu.memory_space<vmem>>)
      tpu.yield
    }) : () -> ()
    %broadcast_in_dim3A = arith.constant 0.000000e+00 : f32
    %broadcast_in_dim3A_1 = vector.broadcast %broadcast_in_dim3A : f32 to vector<16xf32>
    %broadcast_in_dim3A_2 = arith.constant 1.000000e+00 : f32
    %broadcast_in_dim3A_3 = vector.broadcast %broadcast_in_dim3A_2 : f32 to vector<16xf32>
    %scan3A = arith.constant 0 : i32
    %scan3A_4 = arith.constant 40 : i32
    %scan3A_5 = arith.addi %scan3A, %scan3A_4 : i32
    %scan3A_6 = arith.constant 1 : i32
    scf.for %scan3A_25 = %scan3A to %scan3A_5 step %scan3A_6  : i32 {
      %mul3A_26 = arith.constant 1 : i32
      %mul3A_27 = arith.muli %scan3A_25, %mul3A_26 : i32
      %add3A_28 = arith.constant 0 : i32
      %add3A_29 = arith.addi %add3A_28, %mul3A_27 : i32
      %mul3A_30 = arith.constant 16 : i32
      %mul3A_31 = arith.muli %add3A_29, %mul3A_30 : i32
      %swap3A = arith.index_cast %mul3A_31 : i32 to index
      %swap3A_32 = tpu.vector_load %arg12[%swap3A] {strides = array<i32>} : memref<640xf32, #tpu.memory_space<vmem>>, vector<16xf32>,
      tpu.vector_store %arg12[%swap3A], %broadcast_in_dim3A_1 {strides = array<i32>} : memref<640xf32, #tpu.memory_space<vmem>>, vector<16xf32>,
    }
    %scan3A_7 = arith.constant 40 : i32
    %scan3A_8 = arith.constant 0 : i32
    %scan3A_9 = arith.constant 8 : i32
    %scan3A_10 = arith.addi %scan3A_8, %scan3A_9 : i32
    %scan3A_11 = arith.constant 1 : i32
    scf.for %scan3A_25 = %scan3A_8 to %scan3A_10 step %scan3A_11  : i32 {
      %mul3A_26 = arith.constant 1 : i32
      %mul3A_27 = arith.muli %scan3A_25, %mul3A_26 : i32
      %add3A_28 = arith.constant 0 : i32
      %add3A_29 = arith.addi %add3A_28, %mul3A_27 : i32
      %mul3A_30 = arith.constant 16 : i32
      %mul3A_31 = arith.muli %add3A_29, %mul3A_30 : i32
      %swap3A = arith.constant 0 : i32
      %swap3A_32 = arith.index_cast %swap3A : i32 to index
      %swap3A_33 = arith.index_cast %mul3A_31 : i32 to index
      %swap3A_34 = tpu.vector_load %arg10[%swap3A_32, %swap3A_33] {strides = array<i32>} : memref<1x128xf32, #tpu.memory_space<vmem>>, vector<16xf32>,
      tpu.vector_store %arg10[%swap3A_32, %swap3A_33], %broadcast_in_dim3A_3 {strides = array<i32>} : memref<1x128xf32, #tpu.memory_space<vmem>>, vector<16xf32>,
    }
    %scan3A_12 = arith.constant 8 : i32
    %mul3A_13 = arith.constant 640 : i32
    %mul3A_14 = arith.muli %arg1, %mul3A_13 : i32
    "tpu.region"() ({
      %run_scoped3A = tpu.sem_alloc : memref<!tpu.dma_semaphore, #tpu.memory_space<semaphore_mem>>
      %dma_start3A = tpu.memref_slice %arg13[%mul3A_14] : memref<10240xf32, #tpu.memory_space<vmem_shared>> -> memref<640xf32, #tpu.memory_space<vmem_shared>>
      %dma_start3A_25 = tpu.memref_slice %arg13[%mul3A_14] : memref<10240xf32, #tpu.memory_space<vmem_shared>> -> memref<640xf32, #tpu.memory_space<vmem_shared>>
      tpu.enqueue_dma source(%arg12 : memref<640xf32, #tpu.memory_space<vmem>>) target(%dma_start3A_25 : memref<640xf32, #tpu.memory_space<vmem_shared>>) target_semaphore(%run_scoped3A : memref<!tpu.dma_semaphore, #tpu.memory_space<semaphore_mem>>)
      %dma_wait3A = tpu.memref_slice %arg13[%mul3A_14] : memref<10240xf32, #tpu.memory_space<vmem_shared>> -> memref<640xf32, #tpu.memory_space<vmem_shared>>
      %dma_wait3A_26 = tpu.memref_slice %arg13[%mul3A_14] : memref<10240xf32, #tpu.memory_space<vmem_shared>> -> memref<640xf32, #tpu.memory_space<vmem_shared>>
      tpu.wait_dma2 semaphore(%run_scoped3A : memref<!tpu.dma_semaphore, #tpu.memory_space<semaphore_mem>>) src(%arg12 : memref<640xf32, #tpu.memory_space<vmem>>) dst(%dma_wait3A_26 : memref<640xf32, #tpu.memory_space<vmem_shared>>)
      tpu.yield
    }) : () -> ()
    %barrier3A = arith.constant 0 : index
    tpu.barrier barrier_id(%barrier3A)
    %scan3A_15 = arith.constant 0 : i32
    %scan3A_16 = arith.constant 79 : i32
    %scan3A_17 = arith.addi %scan3A_15, %scan3A_16 : i32
    %scan3A_18 = arith.constant 1 : i32
    scf.for %scan3A_25 = %scan3A_15 to %scan3A_17 step %scan3A_18  : i32 {
      %mul3A_26 = arith.constant 1 : i32
      %mul3A_27 = arith.muli %scan3A_25, %mul3A_26 : i32
      %add3A_28 = arith.constant 0 : i32
      %add3A_29 = arith.addi %add3A_28, %mul3A_27 : i32
      %scan3A_30 = arith.constant 0 : i32
      %scan3A_31 = arith.constant 8 : i32
      %scan3A_32 = arith.addi %scan3A_30, %scan3A_31 : i32
      %scan3A_33 = arith.constant 1 : i32
      scf.for %scan3A_35 = %scan3A_30 to %scan3A_32 step %scan3A_33  : i32 {
        %mul3A_36 = arith.constant 1 : i32
        %mul3A_37 = arith.muli %scan3A_35, %mul3A_36 : i32
        %add3A_38 = arith.constant 0 : i32
        %add3A_39 = arith.addi %add3A_38, %mul3A_37 : i32
        %mul3A_40 = arith.constant 16 : i32
        %mul3A_41 = arith.muli %add3A_39, %mul3A_40 : i32
        %get3A = arith.index_cast %add3A_29 : i32 to index
        %get3A_42 = arith.index_cast %mul3A_41 : i32 to index
        %get3A_43 = tpu.vector_load %arg7[%get3A, %get3A_42] {strides = array<i32>} : memref<79x128xi32, #tpu.memory_space<vmem>>, vector<16xi32>,
        %mul3A_44 = arith.constant 16 : i32
        %mul3A_45 = arith.muli %add3A_39, %mul3A_44 : i32
        %get3A_46 = arith.index_cast %add3A_29 : i32 to index
        %get3A_47 = arith.index_cast %mul3A_45 : i32 to index
        %get3A_48 = tpu.vector_load %arg8[%get3A_46, %get3A_47] {strides = array<i32>} : memref<79x128xi32, #tpu.memory_space<vmem>>, vector<16xi32>,
        %gather3A = tpu.vector_load_idx %arg9[%get3A_43] : memref<10240xi32, #tpu.memory_space<vmem>>[vector<16xi32>], vector<16xi32>,
        %gather3A_49 = tpu.vector_load_idx %arg9[%get3A_48] : memref<10240xi32, #tpu.memory_space<vmem>>[vector<16xi32>], vector<16xi32>,
        %mul3A_50 = arith.muli %gather3A, %gather3A_49 : vector<16xi32>
        %gt3A = arith.constant 0 : i32
        %gt3A_51 = vector.broadcast %gt3A : i32 to vector<16xi32>
        %gt3A_52 = arith.cmpi sgt, %mul3A_50, %gt3A_51 : vector<16xi32>
        %jit3A = arith.constant 10000 : i32
        %broadcast_in_dim3A_53 = vector.broadcast %jit3A : i32 to vector<16xi32>
        %select_n3A = arith.select %gt3A_52, %get3A_48, %broadcast_in_dim3A_53 : vector<16xi1>, vector<16xi32>
        %mul3A_54 = arith.constant 16 : i32
        %mul3A_55 = arith.muli %add3A_39, %mul3A_54 : i32
        %swap3A = arith.index_cast %add3A_29 : i32 to index
        %swap3A_56 = arith.index_cast %mul3A_55 : i32 to index
        %swap3A_57 = tpu.vector_load %arg11[%swap3A, %swap3A_56] {strides = array<i32>} : memref<79x128xi32, #tpu.memory_space<vmem>>, vector<16xi32>,
        tpu.vector_store %arg11[%swap3A, %swap3A_56], %select_n3A {strides = array<i32>} : memref<79x128xi32, #tpu.memory_space<vmem>>, vector<16xi32>,
      }
      %scan3A_34 = arith.constant 8 : i32
      %run_scoped3A = arith.constant 0 : i32
      "tpu.region"() ({
        %run_scoped3A_35 = tpu.sem_alloc : memref<!tpu.dma_semaphore, #tpu.memory_space<semaphore_mem>>
        %dma_start3A = arith.constant 0 : i32
        %dma_start3A_36 = tpu.memref_slice %arg10[%run_scoped3A, %dma_start3A] : memref<1x128xf32, #tpu.memory_space<vmem>> -> memref<1x128xf32, #tpu.memory_space<vmem>>
        %dma_start3A_37 = tpu.memref_squeeze %dma_start3A_36 : memref<1x128xf32, #tpu.memory_space<vmem>> -> memref<128xf32, #tpu.memory_space<vmem>>
        %dma_start3A_38 = arith.constant 0 : i32
        %dma_start3A_39 = tpu.memref_slice %arg11[%add3A_29, %dma_start3A_38] : memref<79x128xi32, #tpu.memory_space<vmem>> -> memref<1x128xi32, #tpu.memory_space<vmem>>
        %dma_start3A_40 = tpu.memref_squeeze %dma_start3A_39 : memref<1x128xi32, #tpu.memory_space<vmem>> -> memref<128xi32, #tpu.memory_space<vmem>>
        %dma_start3A_41 = arith.constant 0 : i32
        %dma_start3A_42 = tpu.memref_slice %arg13[%dma_start3A_41] : memref<10240xf32, #tpu.memory_space<vmem_shared>> -> memref<10240xf32, #tpu.memory_space<vmem_shared>>
        tpu.enqueue_indirect_dma source(%dma_start3A_37 : memref<128xf32, #tpu.memory_space<vmem>>) target(%dma_start3A_42 : memref<10240xf32, #tpu.memory_space<vmem_shared>>) offsets(%dma_start3A_40 : memref<128xi32, #tpu.memory_space<vmem>>) semaphore(%run_scoped3A_35 : memref<!tpu.dma_semaphore, #tpu.memory_space<semaphore_mem>>) {add = true}
        %dma_wait3A = arith.constant 0 : i32
        %dma_wait3A_43 = tpu.memref_slice %arg10[%run_scoped3A, %dma_wait3A] : memref<1x128xf32, #tpu.memory_space<vmem>> -> memref<1x128xf32, #tpu.memory_space<vmem>>
        %dma_wait3A_44 = tpu.memref_squeeze %dma_wait3A_43 : memref<1x128xf32, #tpu.memory_space<vmem>> -> memref<128xf32, #tpu.memory_space<vmem>>
        %dma_wait3A_45 = arith.constant 0 : i32
        %dma_wait3A_46 = tpu.memref_slice %arg11[%add3A_29, %dma_wait3A_45] : memref<79x128xi32, #tpu.memory_space<vmem>> -> memref<1x128xi32, #tpu.memory_space<vmem>>
        %dma_wait3A_47 = tpu.memref_squeeze %dma_wait3A_46 : memref<1x128xi32, #tpu.memory_space<vmem>> -> memref<128xi32, #tpu.memory_space<vmem>>
        %dma_wait3A_48 = arith.constant 0 : i32
        %dma_wait3A_49 = tpu.memref_slice %arg13[%dma_wait3A_48] : memref<10240xf32, #tpu.memory_space<vmem_shared>> -> memref<10240xf32, #tpu.memory_space<vmem_shared>>
        tpu.wait_indirect_dma semaphore(%run_scoped3A_35 : memref<!tpu.dma_semaphore, #tpu.memory_space<semaphore_mem>>) src(%dma_wait3A_44 : memref<128xf32, #tpu.memory_space<vmem>>) dst(%dma_wait3A_49 : memref<10240xf32, #tpu.memory_space<vmem_shared>>)
        tpu.yield
      }) : () -> ()
    }
    %scan3A_19 = arith.constant 79 : i32
    %barrier3A_20 = arith.constant 0 : index
    tpu.barrier barrier_id(%barrier3A_20)
    %mul3A_21 = arith.constant 640 : i32
    %mul3A_22 = arith.muli %arg1, %mul3A_21 : i32
    %mul3A_23 = arith.constant 640 : i32
    %mul3A_24 = arith.muli %arg1, %mul3A_23 : i32
    "tpu.region"() ({
      %run_scoped3A = tpu.sem_alloc : memref<!tpu.dma_semaphore, #tpu.memory_space<semaphore_mem>>
      %dma_start3A = tpu.memref_slice %arg5[%arg0, %mul3A_24] : memref<2x10240xf32, #tpu.memory_space<hbm>> -> memref<1x640xf32, #tpu.memory_space<hbm>>
      %dma_start3A_25 = tpu.memref_squeeze %dma_start3A : memref<1x640xf32, #tpu.memory_space<hbm>> -> memref<640xf32, #tpu.memory_space<hbm>>
      %dma_start3A_26 = tpu.memref_slice %arg13[%mul3A_22] : memref<10240xf32, #tpu.memory_space<vmem_shared>> -> memref<640xf32, #tpu.memory_space<vmem_shared>>
      tpu.enqueue_dma source(%dma_start3A_26 : memref<640xf32, #tpu.memory_space<vmem_shared>>) target(%dma_start3A_25 : memref<640xf32, #tpu.memory_space<hbm>>) target_semaphore(%run_scoped3A : memref<!tpu.dma_semaphore, #tpu.memory_space<semaphore_mem>>)
      %dma_wait3A = tpu.memref_slice %arg5[%arg0, %mul3A_24] : memref<2x10240xf32, #tpu.memory_space<hbm>> -> memref<1x640xf32, #tpu.memory_space<hbm>>
      %dma_wait3A_27 = tpu.memref_squeeze %dma_wait3A : memref<1x640xf32, #tpu.memory_space<hbm>> -> memref<640xf32, #tpu.memory_space<hbm>>
      %dma_wait3A_28 = tpu.memref_slice %arg13[%mul3A_22] : memref<10240xf32, #tpu.memory_space<vmem_shared>> -> memref<640xf32, #tpu.memory_space<vmem_shared>>
      tpu.wait_dma2 semaphore(%run_scoped3A : memref<!tpu.dma_semaphore, #tpu.memory_space<semaphore_mem>>) src(%dma_wait3A_28 : memref<640xf32, #tpu.memory_space<vmem_shared>>) dst(%dma_wait3A_27 : memref<640xf32, #tpu.memory_space<hbm>>)
      tpu.yield
    }) : () -> ()
    "tpu.region"() ({
      %run_scoped3A = tpu.sem_alloc : memref<!tpu.dma_semaphore, #tpu.memory_space<semaphore_mem>>
      %dma_start3A = arith.constant 0 : i32
      %dma_start3A_25 = arith.constant 0 : i32
      %dma_start3A_26 = tpu.memref_slice %arg6[%add3A, %dma_start3A, %dma_start3A_25] : memref<32x79x128xi32, #tpu.memory_space<hbm>> -> memref<1x79x128xi32, #tpu.memory_space<hbm>>
      %dma_start3A_27 = tpu.memref_squeeze %dma_start3A_26 : memref<1x79x128xi32, #tpu.memory_space<hbm>> -> memref<79x128xi32, #tpu.memory_space<hbm>>
      %dma_start3A_28 = arith.constant 0 : i32
      %dma_start3A_29 = arith.constant 0 : i32
      %dma_start3A_30 = tpu.memref_slice %arg6[%add3A, %dma_start3A_28, %dma_start3A_29] : memref<32x79x128xi32, #tpu.memory_space<hbm>> -> memref<1x79x128xi32, #tpu.memory_space<hbm>>
      %dma_start3A_31 = tpu.memref_squeeze %dma_start3A_30 : memref<1x79x128xi32, #tpu.memory_space<hbm>> -> memref<79x128xi32, #tpu.memory_space<hbm>>
      tpu.enqueue_dma source(%arg11 : memref<79x128xi32, #tpu.memory_space<vmem>>) target(%dma_start3A_31 : memref<79x128xi32, #tpu.memory_space<hbm>>) target_semaphore(%run_scoped3A : memref<!tpu.dma_semaphore, #tpu.memory_space<semaphore_mem>>)
      %dma_wait3A = arith.constant 0 : i32
      %dma_wait3A_32 = arith.constant 0 : i32
      %dma_wait3A_33 = tpu.memref_slice %arg6[%add3A, %dma_wait3A, %dma_wait3A_32] : memref<32x79x128xi32, #tpu.memory_space<hbm>> -> memref<1x79x128xi32, #tpu.memory_space<hbm>>
      %dma_wait3A_34 = tpu.memref_squeeze %dma_wait3A_33 : memref<1x79x128xi32, #tpu.memory_space<hbm>> -> memref<79x128xi32, #tpu.memory_space<hbm>>
      %dma_wait3A_35 = arith.constant 0 : i32
      %dma_wait3A_36 = arith.constant 0 : i32
      %dma_wait3A_37 = tpu.memref_slice %arg6[%add3A, %dma_wait3A_35, %dma_wait3A_36] : memref<32x79x128xi32, #tpu.memory_space<hbm>> -> memref<1x79x128xi32, #tpu.memory_space<hbm>>
      %dma_wait3A_38 = tpu.memref_squeeze %dma_wait3A_37 : memref<1x79x128xi32, #tpu.memory_space<hbm>> -> memref<79x128xi32, #tpu.memory_space<hbm>>
      tpu.wait_dma2 semaphore(%run_scoped3A : memref<!tpu.dma_semaphore, #tpu.memory_space<semaphore_mem>>) src(%arg11 : memref<79x128xi32, #tpu.memory_space<vmem>>) dst(%dma_wait3A_38 : memref<79x128xi32, #tpu.memory_space<hbm>>)
      tpu.yield
    }) : () -> ()
    return
  }
}

#map = affine_map<(d0, d1) -> (0, 0, 0)>
#map1 = affine_map<(d0, d1) -> (0)>
#map2 = affine_map<(d0, d1) -> (0, 0)>
module attributes {stable_mosaic.version = 14 : i64} {
  func.func @_mask_deg_body(%arg0: i32, %arg1: i32, %arg2: memref<32x79x128xi32, #tpu.memory_space<hbm>>, %arg3: memref<32x79x128xi32, #tpu.memory_space<hbm>>, %arg4: memref<10240xi32, #tpu.memory_space<hbm>>, %arg5: memref<2x10240xf32, #tpu.memory_space<hbm>>, %arg6: memref<32x79x128xi32, #tpu.memory_space<hbm>>, %arg7: memref<79x128xi32, #tpu.memory_space<vmem>>, %arg8: memref<79x128xi32, #tpu.memory_space<vmem>>, %arg9: memref<10240xi32, #tpu.memory_space<vmem>>, %arg10: memref<1x128xf32, #tpu.memory_space<vmem>>, %arg11: memref<79x128xi32, #tpu.memory_space<vmem>>, %arg12: memref<640xf32, #tpu.memory_space<vmem>>, %arg13: memref<10240xf32, #tpu.memory_space<vmem_shared>>) attributes {dimension_semantics = [#tpu.dimension_semantics<core_parallel>, #tpu.dimension_semantics<subcore_parallel>], iteration_bounds = array<i64: 2, 16>, scalar_prefetch = 0 : i64, scratch_operands = 7 : i64, tpu.core_type = #tpu.core_type<sc_vector_subcore>, window_params = [{transform_indices = #map}, {transform_indices = #map}, {transform_indices = #map1}, {transform_indices = #map2}, {transform_indices = #map}]} {
    %mul3A = arith.constant 16 : i32
    %mul3A_0 = arith.muli %arg0, %mul3A : i32
    %add3A = arith.addi %mul3A_0, %arg1 : i32
    "tpu.region"() ({
      %run_scoped3A = tpu.sem_alloc : memref<!tpu.dma_semaphore, #tpu.memory_space<semaphore_mem>>
      tpu.enqueue_dma source(%arg4 : memref<10240xi32, #tpu.memory_space<hbm>>) target(%arg9 : memref<10240xi32, #tpu.memory_space<vmem>>) target_semaphore(%run_scoped3A : memref<!tpu.dma_semaphore, #tpu.memory_space<semaphore_mem>>)
      tpu.wait_dma2 semaphore(%run_scoped3A : memref<!tpu.dma_semaphore, #tpu.memory_space<semaphore_mem>>) src(%arg4 : memref<10240xi32, #tpu.memory_space<hbm>>) dst(%arg9 : memref<10240xi32, #tpu.memory_space<vmem>>)
      tpu.yield
    }) : () -> ()
    "tpu.region"() ({
      %run_scoped3A = tpu.sem_alloc : memref<!tpu.dma_semaphore, #tpu.memory_space<semaphore_mem>>
      %dma_start3A = arith.constant 0 : i32
      %dma_start3A_25 = arith.constant 0 : i32
      %dma_start3A_26 = tpu.memref_slice %arg2[%add3A, %dma_start3A, %dma_start3A_25] : memref<32x79x128xi32, #tpu.memory_space<hbm>> -> memref<1x79x128xi32, #tpu.memory_space<hbm>>
      %dma_start3A_27 = tpu.memref_squeeze %dma_start3A_26 : memref<1x79x128xi32, #tpu.memory_space<hbm>> -> memref<79x128xi32, #tpu.memory_space<hbm>>
      %dma_start3A_28 = arith.constant 0 : i32
      %dma_start3A_29 = arith.constant 0 : i32
      %dma_start3A_30 = tpu.memref_slice %arg2[%add3A, %dma_start3A_28, %dma_start3A_29] : memref<32x79x128xi32, #tpu.memory_space<hbm>> -> memref<1x79x128xi32, #tpu.memory_space<hbm>>
      %dma_start3A_31 = tpu.memref_squeeze %dma_start3A_30 : memref<1x79x128xi32, #tpu.memory_space<hbm>> -> memref<79x128xi32, #tpu.memory_space<hbm>>
      tpu.enqueue_dma source(%dma_start3A_31 : memref<79x128xi32, #tpu.memory_space<hbm>>) target(%arg7 : memref<79x128xi32, #tpu.memory_space<vmem>>) target_semaphore(%run_scoped3A : memref<!tpu.dma_semaphore, #tpu.memory_space<semaphore_mem>>)
      %dma_wait3A = arith.constant 0 : i32
      %dma_wait3A_32 = arith.constant 0 : i32
      %dma_wait3A_33 = tpu.memref_slice %arg2[%add3A, %dma_wait3A, %dma_wait3A_32] : memref<32x79x128xi32, #tpu.memory_space<hbm>> -> memref<1x79x128xi32, #tpu.memory_space<hbm>>
      %dma_wait3A_34 = tpu.memref_squeeze %dma_wait3A_33 : memref<1x79x128xi32, #tpu.memory_space<hbm>> -> memref<79x128xi32, #tpu.memory_space<hbm>>
      %dma_wait3A_35 = arith.constant 0 : i32
      %dma_wait3A_36 = arith.constant 0 : i32
      %dma_wait3A_37 = tpu.memref_slice %arg2[%add3A, %dma_wait3A_35, %dma_wait3A_36] : memref<32x79x128xi32, #tpu.memory_space<hbm>> -> memref<1x79x128xi32, #tpu.memory_space<hbm>>
      %dma_wait3A_38 = tpu.memref_squeeze %dma_wait3A_37 : memref<1x79x128xi32, #tpu.memory_space<hbm>> -> memref<79x128xi32, #tpu.memory_space<hbm>>
      tpu.wait_dma2 semaphore(%run_scoped3A : memref<!tpu.dma_semaphore, #tpu.memory_space<semaphore_mem>>) src(%dma_wait3A_38 : memref<79x128xi32, #tpu.memory_space<hbm>>) dst(%arg7 : memref<79x128xi32, #tpu.memory_space<vmem>>)
      tpu.yield
    }) : () -> ()
    "tpu.region"() ({
      %run_scoped3A = tpu.sem_alloc : memref<!tpu.dma_semaphore, #tpu.memory_space<semaphore_mem>>
      %dma_start3A = arith.constant 0 : i32
      %dma_start3A_25 = arith.constant 0 : i32
      %dma_start3A_26 = tpu.memref_slice %arg3[%add3A, %dma_start3A, %dma_start3A_25] : memref<32x79x128xi32, #tpu.memory_space<hbm>> -> memref<1x79x128xi32, #tpu.memory_space<hbm>>
      %dma_start3A_27 = tpu.memref_squeeze %dma_start3A_26 : memref<1x79x128xi32, #tpu.memory_space<hbm>> -> memref<79x128xi32, #tpu.memory_space<hbm>>
      %dma_start3A_28 = arith.constant 0 : i32
      %dma_start3A_29 = arith.constant 0 : i32
      %dma_start3A_30 = tpu.memref_slice %arg3[%add3A, %dma_start3A_28, %dma_start3A_29] : memref<32x79x128xi32, #tpu.memory_space<hbm>> -> memref<1x79x128xi32, #tpu.memory_space<hbm>>
      %dma_start3A_31 = tpu.memref_squeeze %dma_start3A_30 : memref<1x79x128xi32, #tpu.memory_space<hbm>> -> memref<79x128xi32, #tpu.memory_space<hbm>>
      tpu.enqueue_dma source(%dma_start3A_31 : memref<79x128xi32, #tpu.memory_space<hbm>>) target(%arg8 : memref<79x128xi32, #tpu.memory_space<vmem>>) target_semaphore(%run_scoped3A : memref<!tpu.dma_semaphore, #tpu.memory_space<semaphore_mem>>)
      %dma_wait3A = arith.constant 0 : i32
      %dma_wait3A_32 = arith.constant 0 : i32
      %dma_wait3A_33 = tpu.memref_slice %arg3[%add3A, %dma_wait3A, %dma_wait3A_32] : memref<32x79x128xi32, #tpu.memory_space<hbm>> -> memref<1x79x128xi32, #tpu.memory_space<hbm>>
      %dma_wait3A_34 = tpu.memref_squeeze %dma_wait3A_33 : memref<1x79x128xi32, #tpu.memory_space<hbm>> -> memref<79x128xi32, #tpu.memory_space<hbm>>
      %dma_wait3A_35 = arith.constant 0 : i32
      %dma_wait3A_36 = arith.constant 0 : i32
      %dma_wait3A_37 = tpu.memref_slice %arg3[%add3A, %dma_wait3A_35, %dma_wait3A_36] : memref<32x79x128xi32, #tpu.memory_space<hbm>> -> memref<1x79x128xi32, #tpu.memory_space<hbm>>
      %dma_wait3A_38 = tpu.memref_squeeze %dma_wait3A_37 : memref<1x79x128xi32, #tpu.memory_space<hbm>> -> memref<79x128xi32, #tpu.memory_space<hbm>>
      tpu.wait_dma2 semaphore(%run_scoped3A : memref<!tpu.dma_semaphore, #tpu.memory_space<semaphore_mem>>) src(%dma_wait3A_38 : memref<79x128xi32, #tpu.memory_space<hbm>>) dst(%arg8 : memref<79x128xi32, #tpu.memory_space<vmem>>)
      tpu.yield
    }) : () -> ()
    %broadcast_in_dim3A = arith.constant 0.000000e+00 : f32
    %broadcast_in_dim3A_1 = vector.broadcast %broadcast_in_dim3A : f32 to vector<16xf32>
    %broadcast_in_dim3A_2 = arith.constant 1.000000e+00 : f32
    %broadcast_in_dim3A_3 = vector.broadcast %broadcast_in_dim3A_2 : f32 to vector<16xf32>
    %scan3A = arith.constant 0 : i32
    %scan3A_4 = arith.constant 40 : i32
    %scan3A_5 = arith.addi %scan3A, %scan3A_4 : i32
    %scan3A_6 = arith.constant 1 : i32
    scf.for %scan3A_25 = %scan3A to %scan3A_5 step %scan3A_6  : i32 {
      %mul3A_26 = arith.constant 1 : i32
      %mul3A_27 = arith.muli %scan3A_25, %mul3A_26 : i32
      %add3A_28 = arith.constant 0 : i32
      %add3A_29 = arith.addi %add3A_28, %mul3A_27 : i32
      %mul3A_30 = arith.constant 16 : i32
      %mul3A_31 = arith.muli %add3A_29, %mul3A_30 : i32
      %swap3A = arith.index_cast %mul3A_31 : i32 to index
      %swap3A_32 = tpu.vector_load %arg12[%swap3A] {strides = array<i32>} : memref<640xf32, #tpu.memory_space<vmem>>, vector<16xf32>,
      tpu.vector_store %arg12[%swap3A], %broadcast_in_dim3A_1 {strides = array<i32>} : memref<640xf32, #tpu.memory_space<vmem>>, vector<16xf32>,
    }
    %scan3A_7 = arith.constant 40 : i32
    %scan3A_8 = arith.constant 0 : i32
    %scan3A_9 = arith.constant 8 : i32
    %scan3A_10 = arith.addi %scan3A_8, %scan3A_9 : i32
    %scan3A_11 = arith.constant 1 : i32
    scf.for %scan3A_25 = %scan3A_8 to %scan3A_10 step %scan3A_11  : i32 {
      %mul3A_26 = arith.constant 1 : i32
      %mul3A_27 = arith.muli %scan3A_25, %mul3A_26 : i32
      %add3A_28 = arith.constant 0 : i32
      %add3A_29 = arith.addi %add3A_28, %mul3A_27 : i32
      %mul3A_30 = arith.constant 16 : i32
      %mul3A_31 = arith.muli %add3A_29, %mul3A_30 : i32
      %swap3A = arith.constant 0 : i32
      %swap3A_32 = arith.index_cast %swap3A : i32 to index
      %swap3A_33 = arith.index_cast %mul3A_31 : i32 to index
      %swap3A_34 = tpu.vector_load %arg10[%swap3A_32, %swap3A_33] {strides = array<i32>} : memref<1x128xf32, #tpu.memory_space<vmem>>, vector<16xf32>,
      tpu.vector_store %arg10[%swap3A_32, %swap3A_33], %broadcast_in_dim3A_3 {strides = array<i32>} : memref<1x128xf32, #tpu.memory_space<vmem>>, vector<16xf32>,
    }
    %scan3A_12 = arith.constant 8 : i32
    %mul3A_13 = arith.constant 640 : i32
    %mul3A_14 = arith.muli %arg1, %mul3A_13 : i32
    "tpu.region"() ({
      %run_scoped3A = tpu.sem_alloc : memref<!tpu.dma_semaphore, #tpu.memory_space<semaphore_mem>>
      %dma_start3A = tpu.memref_slice %arg13[%mul3A_14] : memref<10240xf32, #tpu.memory_space<vmem_shared>> -> memref<640xf32, #tpu.memory_space<vmem_shared>>
      %dma_start3A_25 = tpu.memref_slice %arg13[%mul3A_14] : memref<10240xf32, #tpu.memory_space<vmem_shared>> -> memref<640xf32, #tpu.memory_space<vmem_shared>>
      tpu.enqueue_dma source(%arg12 : memref<640xf32, #tpu.memory_space<vmem>>) target(%dma_start3A_25 : memref<640xf32, #tpu.memory_space<vmem_shared>>) target_semaphore(%run_scoped3A : memref<!tpu.dma_semaphore, #tpu.memory_space<semaphore_mem>>)
      %dma_wait3A = tpu.memref_slice %arg13[%mul3A_14] : memref<10240xf32, #tpu.memory_space<vmem_shared>> -> memref<640xf32, #tpu.memory_space<vmem_shared>>
      %dma_wait3A_26 = tpu.memref_slice %arg13[%mul3A_14] : memref<10240xf32, #tpu.memory_space<vmem_shared>> -> memref<640xf32, #tpu.memory_space<vmem_shared>>
      tpu.wait_dma2 semaphore(%run_scoped3A : memref<!tpu.dma_semaphore, #tpu.memory_space<semaphore_mem>>) src(%arg12 : memref<640xf32, #tpu.memory_space<vmem>>) dst(%dma_wait3A_26 : memref<640xf32, #tpu.memory_space<vmem_shared>>)
      tpu.yield
    }) : () -> ()
    %barrier3A = arith.constant 0 : index
    tpu.barrier barrier_id(%barrier3A)
    %scan3A_15 = arith.constant 0 : i32
    %scan3A_16 = arith.constant 79 : i32
    %scan3A_17 = arith.addi %scan3A_15, %scan3A_16 : i32
    %scan3A_18 = arith.constant 1 : i32
    scf.for %scan3A_25 = %scan3A_15 to %scan3A_17 step %scan3A_18  : i32 {
      %mul3A_26 = arith.constant 1 : i32
      %mul3A_27 = arith.muli %scan3A_25, %mul3A_26 : i32
      %add3A_28 = arith.constant 0 : i32
      %add3A_29 = arith.addi %add3A_28, %mul3A_27 : i32
      %scan3A_30 = arith.constant 0 : i32
      %scan3A_31 = arith.constant 8 : i32
      %scan3A_32 = arith.addi %scan3A_30, %scan3A_31 : i32
      %scan3A_33 = arith.constant 1 : i32
      scf.for %scan3A_35 = %scan3A_30 to %scan3A_32 step %scan3A_33  : i32 {
        %mul3A_36 = arith.constant 1 : i32
        %mul3A_37 = arith.muli %scan3A_35, %mul3A_36 : i32
        %add3A_38 = arith.constant 0 : i32
        %add3A_39 = arith.addi %add3A_38, %mul3A_37 : i32
        %mul3A_40 = arith.constant 16 : i32
        %mul3A_41 = arith.muli %add3A_39, %mul3A_40 : i32
        %get3A = arith.index_cast %add3A_29 : i32 to index
        %get3A_42 = arith.index_cast %mul3A_41 : i32 to index
        %get3A_43 = tpu.vector_load %arg7[%get3A, %get3A_42] {strides = array<i32>} : memref<79x128xi32, #tpu.memory_space<vmem>>, vector<16xi32>,
        %mul3A_44 = arith.constant 16 : i32
        %mul3A_45 = arith.muli %add3A_39, %mul3A_44 : i32
        %get3A_46 = arith.index_cast %add3A_29 : i32 to index
        %get3A_47 = arith.index_cast %mul3A_45 : i32 to index
        %get3A_48 = tpu.vector_load %arg8[%get3A_46, %get3A_47] {strides = array<i32>} : memref<79x128xi32, #tpu.memory_space<vmem>>, vector<16xi32>,
        %gather3A = tpu.vector_load_idx %arg9[%get3A_43] : memref<10240xi32, #tpu.memory_space<vmem>>[vector<16xi32>], vector<16xi32>,
        %gather3A_49 = tpu.vector_load_idx %arg9[%get3A_48] : memref<10240xi32, #tpu.memory_space<vmem>>[vector<16xi32>], vector<16xi32>,
        %mul3A_50 = arith.muli %gather3A, %gather3A_49 : vector<16xi32>
        %gt3A = arith.constant 0 : i32
        %gt3A_51 = vector.broadcast %gt3A : i32 to vector<16xi32>
        %gt3A_52 = arith.cmpi sgt, %mul3A_50, %gt3A_51 : vector<16xi32>
        %jit3A = arith.constant 10000 : i32
        %broadcast_in_dim3A_53 = vector.broadcast %jit3A : i32 to vector<16xi32>
        %select_n3A = arith.select %gt3A_52, %get3A_48, %broadcast_in_dim3A_53 : vector<16xi1>, vector<16xi32>
        %mul3A_54 = arith.constant 16 : i32
        %mul3A_55 = arith.muli %add3A_39, %mul3A_54 : i32
        %swap3A = arith.index_cast %add3A_29 : i32 to index
        %swap3A_56 = arith.index_cast %mul3A_55 : i32 to index
        %swap3A_57 = tpu.vector_load %arg11[%swap3A, %swap3A_56] {strides = array<i32>} : memref<79x128xi32, #tpu.memory_space<vmem>>, vector<16xi32>,
        tpu.vector_store %arg11[%swap3A, %swap3A_56], %select_n3A {strides = array<i32>} : memref<79x128xi32, #tpu.memory_space<vmem>>, vector<16xi32>,
      }
      %scan3A_34 = arith.constant 8 : i32
      %run_scoped3A = arith.constant 0 : i32
      "tpu.region"() ({
        %run_scoped3A_35 = tpu.sem_alloc : memref<!tpu.dma_semaphore, #tpu.memory_space<semaphore_mem>>
        %dma_start3A = arith.constant 0 : i32
        %dma_start3A_36 = tpu.memref_slice %arg10[%run_scoped3A, %dma_start3A] : memref<1x128xf32, #tpu.memory_space<vmem>> -> memref<1x128xf32, #tpu.memory_space<vmem>>
        %dma_start3A_37 = tpu.memref_squeeze %dma_start3A_36 : memref<1x128xf32, #tpu.memory_space<vmem>> -> memref<128xf32, #tpu.memory_space<vmem>>
        %dma_start3A_38 = arith.constant 0 : i32
        %dma_start3A_39 = tpu.memref_slice %arg11[%add3A_29, %dma_start3A_38] : memref<79x128xi32, #tpu.memory_space<vmem>> -> memref<1x128xi32, #tpu.memory_space<vmem>>
        %dma_start3A_40 = tpu.memref_squeeze %dma_start3A_39 : memref<1x128xi32, #tpu.memory_space<vmem>> -> memref<128xi32, #tpu.memory_space<vmem>>
        %dma_start3A_41 = arith.constant 0 : i32
        %dma_start3A_42 = tpu.memref_slice %arg13[%dma_start3A_41] : memref<10240xf32, #tpu.memory_space<vmem_shared>> -> memref<10240xf32, #tpu.memory_space<vmem_shared>>
        tpu.enqueue_indirect_dma source(%dma_start3A_37 : memref<128xf32, #tpu.memory_space<vmem>>) target(%dma_start3A_42 : memref<10240xf32, #tpu.memory_space<vmem_shared>>) offsets(%dma_start3A_40 : memref<128xi32, #tpu.memory_space<vmem>>) semaphore(%run_scoped3A_35 : memref<!tpu.dma_semaphore, #tpu.memory_space<semaphore_mem>>) {add = true}
        %dma_wait3A = arith.constant 0 : i32
        %dma_wait3A_43 = tpu.memref_slice %arg10[%run_scoped3A, %dma_wait3A] : memref<1x128xf32, #tpu.memory_space<vmem>> -> memref<1x128xf32, #tpu.memory_space<vmem>>
        %dma_wait3A_44 = tpu.memref_squeeze %dma_wait3A_43 : memref<1x128xf32, #tpu.memory_space<vmem>> -> memref<128xf32, #tpu.memory_space<vmem>>
        %dma_wait3A_45 = arith.constant 0 : i32
        %dma_wait3A_46 = tpu.memref_slice %arg11[%add3A_29, %dma_wait3A_45] : memref<79x128xi32, #tpu.memory_space<vmem>> -> memref<1x128xi32, #tpu.memory_space<vmem>>
        %dma_wait3A_47 = tpu.memref_squeeze %dma_wait3A_46 : memref<1x128xi32, #tpu.memory_space<vmem>> -> memref<128xi32, #tpu.memory_space<vmem>>
        %dma_wait3A_48 = arith.constant 0 : i32
        %dma_wait3A_49 = tpu.memref_slice %arg13[%dma_wait3A_48] : memref<10240xf32, #tpu.memory_space<vmem_shared>> -> memref<10240xf32, #tpu.memory_space<vmem_shared>>
        tpu.wait_indirect_dma semaphore(%run_scoped3A_35 : memref<!tpu.dma_semaphore, #tpu.memory_space<semaphore_mem>>) src(%dma_wait3A_44 : memref<128xf32, #tpu.memory_space<vmem>>) dst(%dma_wait3A_49 : memref<10240xf32, #tpu.memory_space<vmem_shared>>)
        tpu.yield
      }) : () -> ()
    }
    %scan3A_19 = arith.constant 79 : i32
    %barrier3A_20 = arith.constant 0 : index
    tpu.barrier barrier_id(%barrier3A_20)
    %mul3A_21 = arith.constant 640 : i32
    %mul3A_22 = arith.muli %arg1, %mul3A_21 : i32
    %mul3A_23 = arith.constant 640 : i32
    %mul3A_24 = arith.muli %arg1, %mul3A_23 : i32
    "tpu.region"() ({
      %run_scoped3A = tpu.sem_alloc : memref<!tpu.dma_semaphore, #tpu.memory_space<semaphore_mem>>
      %dma_start3A = tpu.memref_slice %arg5[%arg0, %mul3A_24] : memref<2x10240xf32, #tpu.memory_space<hbm>> -> memref<1x640xf32, #tpu.memory_space<hbm>>
      %dma_start3A_25 = tpu.memref_squeeze %dma_start3A : memref<1x640xf32, #tpu.memory_space<hbm>> -> memref<640xf32, #tpu.memory_space<hbm>>
      %dma_start3A_26 = tpu.memref_slice %arg13[%mul3A_22] : memref<10240xf32, #tpu.memory_space<vmem_shared>> -> memref<640xf32, #tpu.memory_space<vmem_shared>>
      tpu.enqueue_dma source(%dma_start3A_26 : memref<640xf32, #tpu.memory_space<vmem_shared>>) target(%dma_start3A_25 : memref<640xf32, #tpu.memory_space<hbm>>) target_semaphore(%run_scoped3A : memref<!tpu.dma_semaphore, #tpu.memory_space<semaphore_mem>>)
      %dma_wait3A = tpu.memref_slice %arg5[%arg0, %mul3A_24] : memref<2x10240xf32, #tpu.memory_space<hbm>> -> memref<1x640xf32, #tpu.memory_space<hbm>>
      %dma_wait3A_27 = tpu.memref_squeeze %dma_wait3A : memref<1x640xf32, #tpu.memory_space<hbm>> -> memref<640xf32, #tpu.memory_space<hbm>>
      %dma_wait3A_28 = tpu.memref_slice %arg13[%mul3A_22] : memref<10240xf32, #tpu.memory_space<vmem_shared>> -> memref<640xf32, #tpu.memory_space<vmem_shared>>
      tpu.wait_dma2 semaphore(%run_scoped3A : memref<!tpu.dma_semaphore, #tpu.memory_space<semaphore_mem>>) src(%dma_wait3A_28 : memref<640xf32, #tpu.memory_space<vmem_shared>>) dst(%dma_wait3A_27 : memref<640xf32, #tpu.memory_space<hbm>>)
      tpu.yield
    }) : () -> ()
    "tpu.region"() ({
      %run_scoped3A = tpu.sem_alloc : memref<!tpu.dma_semaphore, #tpu.memory_space<semaphore_mem>>
      %dma_start3A = arith.constant 0 : i32
      %dma_start3A_25 = arith.constant 0 : i32
      %dma_start3A_26 = tpu.memref_slice %arg6[%add3A, %dma_start3A, %dma_start3A_25] : memref<32x79x128xi32, #tpu.memory_space<hbm>> -> memref<1x79x128xi32, #tpu.memory_space<hbm>>
      %dma_start3A_27 = tpu.memref_squeeze %dma_start3A_26 : memref<1x79x128xi32, #tpu.memory_space<hbm>> -> memref<79x128xi32, #tpu.memory_space<hbm>>
      %dma_start3A_28 = arith.constant 0 : i32
      %dma_start3A_29 = arith.constant 0 : i32
      %dma_start3A_30 = tpu.memref_slice %arg6[%add3A, %dma_start3A_28, %dma_start3A_29] : memref<32x79x128xi32, #tpu.memory_space<hbm>> -> memref<1x79x128xi32, #tpu.memory_space<hbm>>
      %dma_start3A_31 = tpu.memref_squeeze %dma_start3A_30 : memref<1x79x128xi32, #tpu.memory_space<hbm>> -> memref<79x128xi32, #tpu.memory_space<hbm>>
      tpu.enqueue_dma source(%arg11 : memref<79x128xi32, #tpu.memory_space<vmem>>) target(%dma_start3A_31 : memref<79x128xi32, #tpu.memory_space<hbm>>) target_semaphore(%run_scoped3A : memref<!tpu.dma_semaphore, #tpu.memory_space<semaphore_mem>>)
      %dma_wait3A = arith.constant 0 : i32
      %dma_wait3A_32 = arith.constant 0 : i32
      %dma_wait3A_33 = tpu.memref_slice %arg6[%add3A, %dma_wait3A, %dma_wait3A_32] : memref<32x79x128xi32, #tpu.memory_space<hbm>> -> memref<1x79x128xi32, #tpu.memory_space<hbm>>
      %dma_wait3A_34 = tpu.memref_squeeze %dma_wait3A_33 : memref<1x79x128xi32, #tpu.memory_space<hbm>> -> memref<79x128xi32, #tpu.memory_space<hbm>>
      %dma_wait3A_35 = arith.constant 0 : i32
      %dma_wait3A_36 = arith.constant 0 : i32
      %dma_wait3A_37 = tpu.memref_slice %arg6[%add3A, %dma_wait3A_35, %dma_wait3A_36] : memref<32x79x128xi32, #tpu.memory_space<hbm>> -> memref<1x79x128xi32, #tpu.memory_space<hbm>>
      %dma_wait3A_38 = tpu.memref_squeeze %dma_wait3A_37 : memref<1x79x128xi32, #tpu.memory_space<hbm>> -> memref<79x128xi32, #tpu.memory_space<hbm>>
      tpu.wait_dma2 semaphore(%run_scoped3A : memref<!tpu.dma_semaphore, #tpu.memory_space<semaphore_mem>>) src(%arg11 : memref<79x128xi32, #tpu.memory_space<vmem>>) dst(%dma_wait3A_38 : memref<79x128xi32, #tpu.memory_space<hbm>>)
      tpu.yield
    }) : () -> ()
    return
  }
}

#map = affine_map<(d0, d1) -> (0, 0)>
#map1 = affine_map<(d0, d1) -> (0, 0, 0)>
module attributes {stable_mosaic.version = 14 : i64} {
  func.func @_aggregate_body(%arg0: i32, %arg1: i32, %arg2: memref<10000x128xf32, #tpu.memory_space<hbm>>, %arg3: memref<32x79x128xi32, #tpu.memory_space<hbm>>, %arg4: memref<32x79x128xi32, #tpu.memory_space<hbm>>, %arg5: memref<2x10240x128xf32, #tpu.memory_space<hbm>>, %arg6: memref<79x128xi32, #tpu.memory_space<vmem>>, %arg7: memref<79x128xi32, #tpu.memory_space<vmem>>, %arg8: memref<128x128xf32, #tpu.memory_space<vmem>>, %arg9: memref<10240x128xf32, #tpu.memory_space<vmem_shared>>) attributes {dimension_semantics = [#tpu.dimension_semantics<core_parallel>, #tpu.dimension_semantics<subcore_parallel>], iteration_bounds = array<i64: 2, 16>, scalar_prefetch = 0 : i64, scratch_operands = 4 : i64, tpu.core_type = #tpu.core_type<sc_vector_subcore>, window_params = [{transform_indices = #map}, {transform_indices = #map1}, {transform_indices = #map1}, {transform_indices = #map1}]} {
    %mul3A = arith.constant 16 : i32
    %mul3A_0 = arith.muli %arg0, %mul3A : i32
    %add3A = arith.addi %mul3A_0, %arg1 : i32
    "tpu.region"() ({
      %run_scoped3A = tpu.sem_alloc : memref<!tpu.dma_semaphore, #tpu.memory_space<semaphore_mem>>
      %dma_start3A = arith.constant 0 : i32
      %dma_start3A_22 = arith.constant 0 : i32
      %dma_start3A_23 = tpu.memref_slice %arg3[%add3A, %dma_start3A, %dma_start3A_22] : memref<32x79x128xi32, #tpu.memory_space<hbm>> -> memref<1x79x128xi32, #tpu.memory_space<hbm>>
      %dma_start3A_24 = tpu.memref_squeeze %dma_start3A_23 : memref<1x79x128xi32, #tpu.memory_space<hbm>> -> memref<79x128xi32, #tpu.memory_space<hbm>>
      %dma_start3A_25 = arith.constant 0 : i32
      %dma_start3A_26 = arith.constant 0 : i32
      %dma_start3A_27 = tpu.memref_slice %arg3[%add3A, %dma_start3A_25, %dma_start3A_26] : memref<32x79x128xi32, #tpu.memory_space<hbm>> -> memref<1x79x128xi32, #tpu.memory_space<hbm>>
      %dma_start3A_28 = tpu.memref_squeeze %dma_start3A_27 : memref<1x79x128xi32, #tpu.memory_space<hbm>> -> memref<79x128xi32, #tpu.memory_space<hbm>>
      tpu.enqueue_dma source(%dma_start3A_28 : memref<79x128xi32, #tpu.memory_space<hbm>>) target(%arg6 : memref<79x128xi32, #tpu.memory_space<vmem>>) target_semaphore(%run_scoped3A : memref<!tpu.dma_semaphore, #tpu.memory_space<semaphore_mem>>)
      %dma_wait3A = arith.constant 0 : i32
      %dma_wait3A_29 = arith.constant 0 : i32
      %dma_wait3A_30 = tpu.memref_slice %arg3[%add3A, %dma_wait3A, %dma_wait3A_29] : memref<32x79x128xi32, #tpu.memory_space<hbm>> -> memref<1x79x128xi32, #tpu.memory_space<hbm>>
      %dma_wait3A_31 = tpu.memref_squeeze %dma_wait3A_30 : memref<1x79x128xi32, #tpu.memory_space<hbm>> -> memref<79x128xi32, #tpu.memory_space<hbm>>
      %dma_wait3A_32 = arith.constant 0 : i32
      %dma_wait3A_33 = arith.constant 0 : i32
      %dma_wait3A_34 = tpu.memref_slice %arg3[%add3A, %dma_wait3A_32, %dma_wait3A_33] : memref<32x79x128xi32, #tpu.memory_space<hbm>> -> memref<1x79x128xi32, #tpu.memory_space<hbm>>
      %dma_wait3A_35 = tpu.memref_squeeze %dma_wait3A_34 : memref<1x79x128xi32, #tpu.memory_space<hbm>> -> memref<79x128xi32, #tpu.memory_space<hbm>>
      tpu.wait_dma2 semaphore(%run_scoped3A : memref<!tpu.dma_semaphore, #tpu.memory_space<semaphore_mem>>) src(%dma_wait3A_35 : memref<79x128xi32, #tpu.memory_space<hbm>>) dst(%arg6 : memref<79x128xi32, #tpu.memory_space<vmem>>)
      tpu.yield
    }) : () -> ()
    "tpu.region"() ({
      %run_scoped3A = tpu.sem_alloc : memref<!tpu.dma_semaphore, #tpu.memory_space<semaphore_mem>>
      %dma_start3A = arith.constant 0 : i32
      %dma_start3A_22 = arith.constant 0 : i32
      %dma_start3A_23 = tpu.memref_slice %arg4[%add3A, %dma_start3A, %dma_start3A_22] : memref<32x79x128xi32, #tpu.memory_space<hbm>> -> memref<1x79x128xi32, #tpu.memory_space<hbm>>
      %dma_start3A_24 = tpu.memref_squeeze %dma_start3A_23 : memref<1x79x128xi32, #tpu.memory_space<hbm>> -> memref<79x128xi32, #tpu.memory_space<hbm>>
      %dma_start3A_25 = arith.constant 0 : i32
      %dma_start3A_26 = arith.constant 0 : i32
      %dma_start3A_27 = tpu.memref_slice %arg4[%add3A, %dma_start3A_25, %dma_start3A_26] : memref<32x79x128xi32, #tpu.memory_space<hbm>> -> memref<1x79x128xi32, #tpu.memory_space<hbm>>
      %dma_start3A_28 = tpu.memref_squeeze %dma_start3A_27 : memref<1x79x128xi32, #tpu.memory_space<hbm>> -> memref<79x128xi32, #tpu.memory_space<hbm>>
      tpu.enqueue_dma source(%dma_start3A_28 : memref<79x128xi32, #tpu.memory_space<hbm>>) target(%arg7 : memref<79x128xi32, #tpu.memory_space<vmem>>) target_semaphore(%run_scoped3A : memref<!tpu.dma_semaphore, #tpu.memory_space<semaphore_mem>>)
      %dma_wait3A = arith.constant 0 : i32
      %dma_wait3A_29 = arith.constant 0 : i32
      %dma_wait3A_30 = tpu.memref_slice %arg4[%add3A, %dma_wait3A, %dma_wait3A_29] : memref<32x79x128xi32, #tpu.memory_space<hbm>> -> memref<1x79x128xi32, #tpu.memory_space<hbm>>
      %dma_wait3A_31 = tpu.memref_squeeze %dma_wait3A_30 : memref<1x79x128xi32, #tpu.memory_space<hbm>> -> memref<79x128xi32, #tpu.memory_space<hbm>>
      %dma_wait3A_32 = arith.constant 0 : i32
      %dma_wait3A_33 = arith.constant 0 : i32
      %dma_wait3A_34 = tpu.memref_slice %arg4[%add3A, %dma_wait3A_32, %dma_wait3A_33] : memref<32x79x128xi32, #tpu.memory_space<hbm>> -> memref<1x79x128xi32, #tpu.memory_space<hbm>>
      %dma_wait3A_35 = tpu.memref_squeeze %dma_wait3A_34 : memref<1x79x128xi32, #tpu.memory_space<hbm>> -> memref<79x128xi32, #tpu.memory_space<hbm>>
      tpu.wait_dma2 semaphore(%run_scoped3A : memref<!tpu.dma_semaphore, #tpu.memory_space<semaphore_mem>>) src(%dma_wait3A_35 : memref<79x128xi32, #tpu.memory_space<hbm>>) dst(%arg7 : memref<79x128xi32, #tpu.memory_space<vmem>>)
      tpu.yield
    }) : () -> ()
    %broadcast_in_dim3A = arith.constant 0.000000e+00 : f32
    %broadcast_in_dim3A_1 = vector.broadcast %broadcast_in_dim3A : f32 to vector<16xf32>
    %scan3A = arith.constant 0 : i32
    %scan3A_2 = arith.constant 128 : i32
    %scan3A_3 = arith.addi %scan3A, %scan3A_2 : i32
    %scan3A_4 = arith.constant 1 : i32
    scf.for %scan3A_22 = %scan3A to %scan3A_3 step %scan3A_4  : i32 {
      %mul3A_23 = arith.constant 1 : i32
      %mul3A_24 = arith.muli %scan3A_22, %mul3A_23 : i32
      %add3A_25 = arith.constant 0 : i32
      %add3A_26 = arith.addi %add3A_25, %mul3A_24 : i32
      %scan3A_27 = arith.constant 0 : i32
      %scan3A_28 = arith.constant 8 : i32
      %scan3A_29 = arith.addi %scan3A_27, %scan3A_28 : i32
      %scan3A_30 = arith.constant 1 : i32
      scf.for %scan3A_32 = %scan3A_27 to %scan3A_29 step %scan3A_30  : i32 {
        %mul3A_33 = arith.constant 1 : i32
        %mul3A_34 = arith.muli %scan3A_32, %mul3A_33 : i32
        %add3A_35 = arith.constant 0 : i32
        %add3A_36 = arith.addi %add3A_35, %mul3A_34 : i32
        %mul3A_37 = arith.constant 16 : i32
        %mul3A_38 = arith.muli %add3A_36, %mul3A_37 : i32
        %swap3A = arith.index_cast %add3A_26 : i32 to index
        %swap3A_39 = arith.index_cast %mul3A_38 : i32 to index
        %swap3A_40 = tpu.vector_load %arg8[%swap3A, %swap3A_39] {strides = array<i32>} : memref<128x128xf32, #tpu.memory_space<vmem>>, vector<16xf32>,
        tpu.vector_store %arg8[%swap3A, %swap3A_39], %broadcast_in_dim3A_1 {strides = array<i32>} : memref<128x128xf32, #tpu.memory_space<vmem>>, vector<16xf32>,
      }
      %scan3A_31 = arith.constant 8 : i32
    }
    %scan3A_5 = arith.constant 128 : i32
    %scan3A_6 = arith.constant 0 : i32
    %scan3A_7 = arith.constant 5 : i32
    %scan3A_8 = arith.addi %scan3A_6, %scan3A_7 : i32
    %scan3A_9 = arith.constant 1 : i32
    scf.for %scan3A_22 = %scan3A_6 to %scan3A_8 step %scan3A_9  : i32 {
      %mul3A_23 = arith.constant 1 : i32
      %mul3A_24 = arith.muli %scan3A_22, %mul3A_23 : i32
      %add3A_25 = arith.constant 0 : i32
      %add3A_26 = arith.addi %add3A_25, %mul3A_24 : i32
      %mul3A_27 = arith.constant 640 : i32
      %mul3A_28 = arith.muli %arg1, %mul3A_27 : i32
      %mul3A_29 = arith.constant 128 : i32
      %mul3A_30 = arith.muli %add3A_26, %mul3A_29 : i32
      %add3A_31 = arith.addi %mul3A_28, %mul3A_30 : i32
      "tpu.region"() ({
        %run_scoped3A = tpu.sem_alloc : memref<!tpu.dma_semaphore, #tpu.memory_space<semaphore_mem>>
        %dma_start3A = arith.constant 0 : i32
        %dma_start3A_32 = tpu.memref_slice %arg9[%add3A_31, %dma_start3A] : memref<10240x128xf32, #tpu.memory_space<vmem_shared>> -> memref<128x128xf32, #tpu.memory_space<vmem_shared>>
        %dma_start3A_33 = arith.constant 0 : i32
        %dma_start3A_34 = tpu.memref_slice %arg9[%add3A_31, %dma_start3A_33] : memref<10240x128xf32, #tpu.memory_space<vmem_shared>> -> memref<128x128xf32, #tpu.memory_space<vmem_shared>>
        tpu.enqueue_dma source(%arg8 : memref<128x128xf32, #tpu.memory_space<vmem>>) target(%dma_start3A_34 : memref<128x128xf32, #tpu.memory_space<vmem_shared>>) target_semaphore(%run_scoped3A : memref<!tpu.dma_semaphore, #tpu.memory_space<semaphore_mem>>)
        %dma_wait3A = arith.constant 0 : i32
        %dma_wait3A_35 = tpu.memref_slice %arg9[%add3A_31, %dma_wait3A] : memref<10240x128xf32, #tpu.memory_space<vmem_shared>> -> memref<128x128xf32, #tpu.memory_space<vmem_shared>>
        %dma_wait3A_36 = arith.constant 0 : i32
        %dma_wait3A_37 = tpu.memref_slice %arg9[%add3A_31, %dma_wait3A_36] : memref<10240x128xf32, #tpu.memory_space<vmem_shared>> -> memref<128x128xf32, #tpu.memory_space<vmem_shared>>
        tpu.wait_dma2 semaphore(%run_scoped3A : memref<!tpu.dma_semaphore, #tpu.memory_space<semaphore_mem>>) src(%arg8 : memref<128x128xf32, #tpu.memory_space<vmem>>) dst(%dma_wait3A_37 : memref<128x128xf32, #tpu.memory_space<vmem_shared>>)
        tpu.yield
      }) : () -> ()
    }
    %scan3A_10 = arith.constant 5 : i32
    %barrier3A = arith.constant 0 : index
    tpu.barrier barrier_id(%barrier3A)
    %scan3A_11 = arith.constant 0 : i32
    %scan3A_12 = arith.constant 79 : i32
    %scan3A_13 = arith.addi %scan3A_11, %scan3A_12 : i32
    %scan3A_14 = arith.constant 1 : i32
    scf.for %scan3A_22 = %scan3A_11 to %scan3A_13 step %scan3A_14  : i32 {
      %mul3A_23 = arith.constant 1 : i32
      %mul3A_24 = arith.muli %scan3A_22, %mul3A_23 : i32
      %add3A_25 = arith.constant 0 : i32
      %add3A_26 = arith.addi %add3A_25, %mul3A_24 : i32
      "tpu.region"() ({
        %run_scoped3A = tpu.sem_alloc : memref<!tpu.dma_semaphore, #tpu.memory_space<semaphore_mem>>
        %dma_start3A = arith.constant 0 : i32
        %dma_start3A_27 = tpu.memref_slice %arg6[%add3A_26, %dma_start3A] : memref<79x128xi32, #tpu.memory_space<vmem>> -> memref<1x128xi32, #tpu.memory_space<vmem>>
        %dma_start3A_28 = tpu.memref_squeeze %dma_start3A_27 : memref<1x128xi32, #tpu.memory_space<vmem>> -> memref<128xi32, #tpu.memory_space<vmem>>
        %dma_start3A_29 = arith.constant 0 : i32
        %dma_start3A_30 = arith.constant 0 : i32
        %dma_start3A_31 = tpu.memref_slice %arg2[%dma_start3A_29, %dma_start3A_30] : memref<10000x128xf32, #tpu.memory_space<hbm>> -> memref<10000x128xf32, #tpu.memory_space<hbm>>
        tpu.enqueue_indirect_dma source(%dma_start3A_31 : memref<10000x128xf32, #tpu.memory_space<hbm>>) target(%arg8 : memref<128x128xf32, #tpu.memory_space<vmem>>) offsets(%dma_start3A_28 : memref<128xi32, #tpu.memory_space<vmem>>) semaphore(%run_scoped3A : memref<!tpu.dma_semaphore, #tpu.memory_space<semaphore_mem>>)
        %dma_wait3A = arith.constant 0 : i32
        %dma_wait3A_32 = tpu.memref_slice %arg6[%add3A_26, %dma_wait3A] : memref<79x128xi32, #tpu.memory_space<vmem>> -> memref<1x128xi32, #tpu.memory_space<vmem>>
        %dma_wait3A_33 = tpu.memref_squeeze %dma_wait3A_32 : memref<1x128xi32, #tpu.memory_space<vmem>> -> memref<128xi32, #tpu.memory_space<vmem>>
        %dma_wait3A_34 = arith.constant 0 : i32
        %dma_wait3A_35 = arith.constant 0 : i32
        %dma_wait3A_36 = tpu.memref_slice %arg2[%dma_wait3A_34, %dma_wait3A_35] : memref<10000x128xf32, #tpu.memory_space<hbm>> -> memref<10000x128xf32, #tpu.memory_space<hbm>>
        tpu.wait_indirect_dma semaphore(%run_scoped3A : memref<!tpu.dma_semaphore, #tpu.memory_space<semaphore_mem>>) src(%dma_wait3A_36 : memref<10000x128xf32, #tpu.memory_space<hbm>>) dst(%arg8 : memref<128x128xf32, #tpu.memory_space<vmem>>)
        tpu.yield
      }) : () -> ()
      "tpu.region"() ({
        %run_scoped3A = tpu.sem_alloc : memref<!tpu.dma_semaphore, #tpu.memory_space<semaphore_mem>>
        %dma_start3A = arith.constant 0 : i32
        %dma_start3A_27 = tpu.memref_slice %arg7[%add3A_26, %dma_start3A] : memref<79x128xi32, #tpu.memory_space<vmem>> -> memref<1x128xi32, #tpu.memory_space<vmem>>
        %dma_start3A_28 = tpu.memref_squeeze %dma_start3A_27 : memref<1x128xi32, #tpu.memory_space<vmem>> -> memref<128xi32, #tpu.memory_space<vmem>>
        %dma_start3A_29 = arith.constant 0 : i32
        %dma_start3A_30 = arith.constant 0 : i32
        %dma_start3A_31 = tpu.memref_slice %arg9[%dma_start3A_29, %dma_start3A_30] : memref<10240x128xf32, #tpu.memory_space<vmem_shared>> -> memref<10240x128xf32, #tpu.memory_space<vmem_shared>>
        tpu.enqueue_indirect_dma source(%arg8 : memref<128x128xf32, #tpu.memory_space<vmem>>) target(%dma_start3A_31 : memref<10240x128xf32, #tpu.memory_space<vmem_shared>>) offsets(%dma_start3A_28 : memref<128xi32, #tpu.memory_space<vmem>>) semaphore(%run_scoped3A : memref<!tpu.dma_semaphore, #tpu.memory_space<semaphore_mem>>) {add = true}
        %dma_wait3A = arith.constant 0 : i32
        %dma_wait3A_32 = tpu.memref_slice %arg7[%add3A_26, %dma_wait3A] : memref<79x128xi32, #tpu.memory_space<vmem>> -> memref<1x128xi32, #tpu.memory_space<vmem>>
        %dma_wait3A_33 = tpu.memref_squeeze %dma_wait3A_32 : memref<1x128xi32, #tpu.memory_space<vmem>> -> memref<128xi32, #tpu.memory_space<vmem>>
        %dma_wait3A_34 = arith.constant 0 : i32
        %dma_wait3A_35 = arith.constant 0 : i32
        %dma_wait3A_36 = tpu.memref_slice %arg9[%dma_wait3A_34, %dma_wait3A_35] : memref<10240x128xf32, #tpu.memory_space<vmem_shared>> -> memref<10240x128xf32, #tpu.memory_space<vmem_shared>>
        tpu.wait_indirect_dma semaphore(%run_scoped3A : memref<!tpu.dma_semaphore, #tpu.memory_space<semaphore_mem>>) src(%arg8 : memref<128x128xf32, #tpu.memory_space<vmem>>) dst(%dma_wait3A_36 : memref<10240x128xf32, #tpu.memory_space<vmem_shared>>)
        tpu.yield
      }) : () -> ()
    }
    %scan3A_15 = arith.constant 79 : i32
    %barrier3A_16 = arith.constant 0 : index
    tpu.barrier barrier_id(%barrier3A_16)
    %scan3A_17 = arith.constant 0 : i32
    %scan3A_18 = arith.constant 5 : i32
    %scan3A_19 = arith.addi %scan3A_17, %scan3A_18 : i32
    %scan3A_20 = arith.constant 1 : i32
    scf.for %scan3A_22 = %scan3A_17 to %scan3A_19 step %scan3A_20  : i32 {
      %mul3A_23 = arith.constant 1 : i32
      %mul3A_24 = arith.muli %scan3A_22, %mul3A_23 : i32
      %add3A_25 = arith.constant 0 : i32
      %add3A_26 = arith.addi %add3A_25, %mul3A_24 : i32
      %mul3A_27 = arith.constant 640 : i32
      %mul3A_28 = arith.muli %arg1, %mul3A_27 : i32
      %mul3A_29 = arith.constant 128 : i32
      %mul3A_30 = arith.muli %add3A_26, %mul3A_29 : i32
      %add3A_31 = arith.addi %mul3A_28, %mul3A_30 : i32
      "tpu.region"() ({
        %run_scoped3A = tpu.sem_alloc : memref<!tpu.dma_semaphore, #tpu.memory_space<semaphore_mem>>
        %dma_start3A = arith.constant 0 : i32
        %dma_start3A_32 = tpu.memref_slice %arg5[%arg0, %add3A_31, %dma_start3A] : memref<2x10240x128xf32, #tpu.memory_space<hbm>> -> memref<1x128x128xf32, #tpu.memory_space<hbm>>
        %dma_start3A_33 = tpu.memref_squeeze %dma_start3A_32 : memref<1x128x128xf32, #tpu.memory_space<hbm>> -> memref<128x128xf32, #tpu.memory_space<hbm>>
        %dma_start3A_34 = arith.constant 0 : i32
        %dma_start3A_35 = tpu.memref_slice %arg9[%add3A_31, %dma_start3A_34] : memref<10240x128xf32, #tpu.memory_space<vmem_shared>> -> memref<128x128xf32, #tpu.memory_space<vmem_shared>>
        tpu.enqueue_dma source(%dma_start3A_35 : memref<128x128xf32, #tpu.memory_space<vmem_shared>>) target(%dma_start3A_33 : memref<128x128xf32, #tpu.memory_space<hbm>>) target_semaphore(%run_scoped3A : memref<!tpu.dma_semaphore, #tpu.memory_space<semaphore_mem>>)
        %dma_wait3A = arith.constant 0 : i32
        %dma_wait3A_36 = tpu.memref_slice %arg5[%arg0, %add3A_31, %dma_wait3A] : memref<2x10240x128xf32, #tpu.memory_space<hbm>> -> memref<1x128x128xf32, #tpu.memory_space<hbm>>
        %dma_wait3A_37 = tpu.memref_squeeze %dma_wait3A_36 : memref<1x128x128xf32, #tpu.memory_space<hbm>> -> memref<128x128xf32, #tpu.memory_space<hbm>>
        %dma_wait3A_38 = arith.constant 0 : i32
        %dma_wait3A_39 = tpu.memref_slice %arg9[%add3A_31, %dma_wait3A_38] : memref<10240x128xf32, #tpu.memory_space<vmem_shared>> -> memref<128x128xf32, #tpu.memory_space<vmem_shared>>
        tpu.wait_dma2 semaphore(%run_scoped3A : memref<!tpu.dma_semaphore, #tpu.memory_space<semaphore_mem>>) src(%dma_wait3A_39 : memref<128x128xf32, #tpu.memory_space<vmem_shared>>) dst(%dma_wait3A_37 : memref<128x128xf32, #tpu.memory_space<hbm>>)
        tpu.yield
      }) : () -> ()
    }
    %scan3A_21 = arith.constant 5 : i32
    return
  }
}

#map = affine_map<(d0, d1) -> (0, 0)>
#map1 = affine_map<(d0, d1) -> (0, 0, 0)>
module attributes {stable_mosaic.version = 14 : i64} {
  func.func @_aggregate_body(%arg0: i32, %arg1: i32, %arg2: memref<10000x128xf32, #tpu.memory_space<hbm>>, %arg3: memref<32x79x128xi32, #tpu.memory_space<hbm>>, %arg4: memref<32x79x128xi32, #tpu.memory_space<hbm>>, %arg5: memref<2x10240x128xf32, #tpu.memory_space<hbm>>, %arg6: memref<79x128xi32, #tpu.memory_space<vmem>>, %arg7: memref<79x128xi32, #tpu.memory_space<vmem>>, %arg8: memref<128x128xf32, #tpu.memory_space<vmem>>, %arg9: memref<10240x128xf32, #tpu.memory_space<vmem_shared>>) attributes {dimension_semantics = [#tpu.dimension_semantics<core_parallel>, #tpu.dimension_semantics<subcore_parallel>], iteration_bounds = array<i64: 2, 16>, scalar_prefetch = 0 : i64, scratch_operands = 4 : i64, tpu.core_type = #tpu.core_type<sc_vector_subcore>, window_params = [{transform_indices = #map}, {transform_indices = #map1}, {transform_indices = #map1}, {transform_indices = #map1}]} {
    %mul3A = arith.constant 16 : i32
    %mul3A_0 = arith.muli %arg0, %mul3A : i32
    %add3A = arith.addi %mul3A_0, %arg1 : i32
    "tpu.region"() ({
      %run_scoped3A = tpu.sem_alloc : memref<!tpu.dma_semaphore, #tpu.memory_space<semaphore_mem>>
      %dma_start3A = arith.constant 0 : i32
      %dma_start3A_22 = arith.constant 0 : i32
      %dma_start3A_23 = tpu.memref_slice %arg3[%add3A, %dma_start3A, %dma_start3A_22] : memref<32x79x128xi32, #tpu.memory_space<hbm>> -> memref<1x79x128xi32, #tpu.memory_space<hbm>>
      %dma_start3A_24 = tpu.memref_squeeze %dma_start3A_23 : memref<1x79x128xi32, #tpu.memory_space<hbm>> -> memref<79x128xi32, #tpu.memory_space<hbm>>
      %dma_start3A_25 = arith.constant 0 : i32
      %dma_start3A_26 = arith.constant 0 : i32
      %dma_start3A_27 = tpu.memref_slice %arg3[%add3A, %dma_start3A_25, %dma_start3A_26] : memref<32x79x128xi32, #tpu.memory_space<hbm>> -> memref<1x79x128xi32, #tpu.memory_space<hbm>>
      %dma_start3A_28 = tpu.memref_squeeze %dma_start3A_27 : memref<1x79x128xi32, #tpu.memory_space<hbm>> -> memref<79x128xi32, #tpu.memory_space<hbm>>
      tpu.enqueue_dma source(%dma_start3A_28 : memref<79x128xi32, #tpu.memory_space<hbm>>) target(%arg6 : memref<79x128xi32, #tpu.memory_space<vmem>>) target_semaphore(%run_scoped3A : memref<!tpu.dma_semaphore, #tpu.memory_space<semaphore_mem>>)
      %dma_wait3A = arith.constant 0 : i32
      %dma_wait3A_29 = arith.constant 0 : i32
      %dma_wait3A_30 = tpu.memref_slice %arg3[%add3A, %dma_wait3A, %dma_wait3A_29] : memref<32x79x128xi32, #tpu.memory_space<hbm>> -> memref<1x79x128xi32, #tpu.memory_space<hbm>>
      %dma_wait3A_31 = tpu.memref_squeeze %dma_wait3A_30 : memref<1x79x128xi32, #tpu.memory_space<hbm>> -> memref<79x128xi32, #tpu.memory_space<hbm>>
      %dma_wait3A_32 = arith.constant 0 : i32
      %dma_wait3A_33 = arith.constant 0 : i32
      %dma_wait3A_34 = tpu.memref_slice %arg3[%add3A, %dma_wait3A_32, %dma_wait3A_33] : memref<32x79x128xi32, #tpu.memory_space<hbm>> -> memref<1x79x128xi32, #tpu.memory_space<hbm>>
      %dma_wait3A_35 = tpu.memref_squeeze %dma_wait3A_34 : memref<1x79x128xi32, #tpu.memory_space<hbm>> -> memref<79x128xi32, #tpu.memory_space<hbm>>
      tpu.wait_dma2 semaphore(%run_scoped3A : memref<!tpu.dma_semaphore, #tpu.memory_space<semaphore_mem>>) src(%dma_wait3A_35 : memref<79x128xi32, #tpu.memory_space<hbm>>) dst(%arg6 : memref<79x128xi32, #tpu.memory_space<vmem>>)
      tpu.yield
    }) : () -> ()
    "tpu.region"() ({
      %run_scoped3A = tpu.sem_alloc : memref<!tpu.dma_semaphore, #tpu.memory_space<semaphore_mem>>
      %dma_start3A = arith.constant 0 : i32
      %dma_start3A_22 = arith.constant 0 : i32
      %dma_start3A_23 = tpu.memref_slice %arg4[%add3A, %dma_start3A, %dma_start3A_22] : memref<32x79x128xi32, #tpu.memory_space<hbm>> -> memref<1x79x128xi32, #tpu.memory_space<hbm>>
      %dma_start3A_24 = tpu.memref_squeeze %dma_start3A_23 : memref<1x79x128xi32, #tpu.memory_space<hbm>> -> memref<79x128xi32, #tpu.memory_space<hbm>>
      %dma_start3A_25 = arith.constant 0 : i32
      %dma_start3A_26 = arith.constant 0 : i32
      %dma_start3A_27 = tpu.memref_slice %arg4[%add3A, %dma_start3A_25, %dma_start3A_26] : memref<32x79x128xi32, #tpu.memory_space<hbm>> -> memref<1x79x128xi32, #tpu.memory_space<hbm>>
      %dma_start3A_28 = tpu.memref_squeeze %dma_start3A_27 : memref<1x79x128xi32, #tpu.memory_space<hbm>> -> memref<79x128xi32, #tpu.memory_space<hbm>>
      tpu.enqueue_dma source(%dma_start3A_28 : memref<79x128xi32, #tpu.memory_space<hbm>>) target(%arg7 : memref<79x128xi32, #tpu.memory_space<vmem>>) target_semaphore(%run_scoped3A : memref<!tpu.dma_semaphore, #tpu.memory_space<semaphore_mem>>)
      %dma_wait3A = arith.constant 0 : i32
      %dma_wait3A_29 = arith.constant 0 : i32
      %dma_wait3A_30 = tpu.memref_slice %arg4[%add3A, %dma_wait3A, %dma_wait3A_29] : memref<32x79x128xi32, #tpu.memory_space<hbm>> -> memref<1x79x128xi32, #tpu.memory_space<hbm>>
      %dma_wait3A_31 = tpu.memref_squeeze %dma_wait3A_30 : memref<1x79x128xi32, #tpu.memory_space<hbm>> -> memref<79x128xi32, #tpu.memory_space<hbm>>
      %dma_wait3A_32 = arith.constant 0 : i32
      %dma_wait3A_33 = arith.constant 0 : i32
      %dma_wait3A_34 = tpu.memref_slice %arg4[%add3A, %dma_wait3A_32, %dma_wait3A_33] : memref<32x79x128xi32, #tpu.memory_space<hbm>> -> memref<1x79x128xi32, #tpu.memory_space<hbm>>
      %dma_wait3A_35 = tpu.memref_squeeze %dma_wait3A_34 : memref<1x79x128xi32, #tpu.memory_space<hbm>> -> memref<79x128xi32, #tpu.memory_space<hbm>>
      tpu.wait_dma2 semaphore(%run_scoped3A : memref<!tpu.dma_semaphore, #tpu.memory_space<semaphore_mem>>) src(%dma_wait3A_35 : memref<79x128xi32, #tpu.memory_space<hbm>>) dst(%arg7 : memref<79x128xi32, #tpu.memory_space<vmem>>)
      tpu.yield
    }) : () -> ()
    %broadcast_in_dim3A = arith.constant 0.000000e+00 : f32
    %broadcast_in_dim3A_1 = vector.broadcast %broadcast_in_dim3A : f32 to vector<16xf32>
    %scan3A = arith.constant 0 : i32
    %scan3A_2 = arith.constant 128 : i32
    %scan3A_3 = arith.addi %scan3A, %scan3A_2 : i32
    %scan3A_4 = arith.constant 1 : i32
    scf.for %scan3A_22 = %scan3A to %scan3A_3 step %scan3A_4  : i32 {
      %mul3A_23 = arith.constant 1 : i32
      %mul3A_24 = arith.muli %scan3A_22, %mul3A_23 : i32
      %add3A_25 = arith.constant 0 : i32
      %add3A_26 = arith.addi %add3A_25, %mul3A_24 : i32
      %scan3A_27 = arith.constant 0 : i32
      %scan3A_28 = arith.constant 8 : i32
      %scan3A_29 = arith.addi %scan3A_27, %scan3A_28 : i32
      %scan3A_30 = arith.constant 1 : i32
      scf.for %scan3A_32 = %scan3A_27 to %scan3A_29 step %scan3A_30  : i32 {
        %mul3A_33 = arith.constant 1 : i32
        %mul3A_34 = arith.muli %scan3A_32, %mul3A_33 : i32
        %add3A_35 = arith.constant 0 : i32
        %add3A_36 = arith.addi %add3A_35, %mul3A_34 : i32
        %mul3A_37 = arith.constant 16 : i32
        %mul3A_38 = arith.muli %add3A_36, %mul3A_37 : i32
        %swap3A = arith.index_cast %add3A_26 : i32 to index
        %swap3A_39 = arith.index_cast %mul3A_38 : i32 to index
        %swap3A_40 = tpu.vector_load %arg8[%swap3A, %swap3A_39] {strides = array<i32>} : memref<128x128xf32, #tpu.memory_space<vmem>>, vector<16xf32>,
        tpu.vector_store %arg8[%swap3A, %swap3A_39], %broadcast_in_dim3A_1 {strides = array<i32>} : memref<128x128xf32, #tpu.memory_space<vmem>>, vector<16xf32>,
      }
      %scan3A_31 = arith.constant 8 : i32
    }
    %scan3A_5 = arith.constant 128 : i32
    %scan3A_6 = arith.constant 0 : i32
    %scan3A_7 = arith.constant 5 : i32
    %scan3A_8 = arith.addi %scan3A_6, %scan3A_7 : i32
    %scan3A_9 = arith.constant 1 : i32
    scf.for %scan3A_22 = %scan3A_6 to %scan3A_8 step %scan3A_9  : i32 {
      %mul3A_23 = arith.constant 1 : i32
      %mul3A_24 = arith.muli %scan3A_22, %mul3A_23 : i32
      %add3A_25 = arith.constant 0 : i32
      %add3A_26 = arith.addi %add3A_25, %mul3A_24 : i32
      %mul3A_27 = arith.constant 640 : i32
      %mul3A_28 = arith.muli %arg1, %mul3A_27 : i32
      %mul3A_29 = arith.constant 128 : i32
      %mul3A_30 = arith.muli %add3A_26, %mul3A_29 : i32
      %add3A_31 = arith.addi %mul3A_28, %mul3A_30 : i32
      "tpu.region"() ({
        %run_scoped3A = tpu.sem_alloc : memref<!tpu.dma_semaphore, #tpu.memory_space<semaphore_mem>>
        %dma_start3A = arith.constant 0 : i32
        %dma_start3A_32 = tpu.memref_slice %arg9[%add3A_31, %dma_start3A] : memref<10240x128xf32, #tpu.memory_space<vmem_shared>> -> memref<128x128xf32, #tpu.memory_space<vmem_shared>>
        %dma_start3A_33 = arith.constant 0 : i32
        %dma_start3A_34 = tpu.memref_slice %arg9[%add3A_31, %dma_start3A_33] : memref<10240x128xf32, #tpu.memory_space<vmem_shared>> -> memref<128x128xf32, #tpu.memory_space<vmem_shared>>
        tpu.enqueue_dma source(%arg8 : memref<128x128xf32, #tpu.memory_space<vmem>>) target(%dma_start3A_34 : memref<128x128xf32, #tpu.memory_space<vmem_shared>>) target_semaphore(%run_scoped3A : memref<!tpu.dma_semaphore, #tpu.memory_space<semaphore_mem>>)
        %dma_wait3A = arith.constant 0 : i32
        %dma_wait3A_35 = tpu.memref_slice %arg9[%add3A_31, %dma_wait3A] : memref<10240x128xf32, #tpu.memory_space<vmem_shared>> -> memref<128x128xf32, #tpu.memory_space<vmem_shared>>
        %dma_wait3A_36 = arith.constant 0 : i32
        %dma_wait3A_37 = tpu.memref_slice %arg9[%add3A_31, %dma_wait3A_36] : memref<10240x128xf32, #tpu.memory_space<vmem_shared>> -> memref<128x128xf32, #tpu.memory_space<vmem_shared>>
        tpu.wait_dma2 semaphore(%run_scoped3A : memref<!tpu.dma_semaphore, #tpu.memory_space<semaphore_mem>>) src(%arg8 : memref<128x128xf32, #tpu.memory_space<vmem>>) dst(%dma_wait3A_37 : memref<128x128xf32, #tpu.memory_space<vmem_shared>>)
        tpu.yield
      }) : () -> ()
    }
    %scan3A_10 = arith.constant 5 : i32
    %barrier3A = arith.constant 0 : index
    tpu.barrier barrier_id(%barrier3A)
    %scan3A_11 = arith.constant 0 : i32
    %scan3A_12 = arith.constant 79 : i32
    %scan3A_13 = arith.addi %scan3A_11, %scan3A_12 : i32
    %scan3A_14 = arith.constant 1 : i32
    scf.for %scan3A_22 = %scan3A_11 to %scan3A_13 step %scan3A_14  : i32 {
      %mul3A_23 = arith.constant 1 : i32
      %mul3A_24 = arith.muli %scan3A_22, %mul3A_23 : i32
      %add3A_25 = arith.constant 0 : i32
      %add3A_26 = arith.addi %add3A_25, %mul3A_24 : i32
      "tpu.region"() ({
        %run_scoped3A = tpu.sem_alloc : memref<!tpu.dma_semaphore, #tpu.memory_space<semaphore_mem>>
        %dma_start3A = arith.constant 0 : i32
        %dma_start3A_27 = tpu.memref_slice %arg6[%add3A_26, %dma_start3A] : memref<79x128xi32, #tpu.memory_space<vmem>> -> memref<1x128xi32, #tpu.memory_space<vmem>>
        %dma_start3A_28 = tpu.memref_squeeze %dma_start3A_27 : memref<1x128xi32, #tpu.memory_space<vmem>> -> memref<128xi32, #tpu.memory_space<vmem>>
        %dma_start3A_29 = arith.constant 0 : i32
        %dma_start3A_30 = arith.constant 0 : i32
        %dma_start3A_31 = tpu.memref_slice %arg2[%dma_start3A_29, %dma_start3A_30] : memref<10000x128xf32, #tpu.memory_space<hbm>> -> memref<10000x128xf32, #tpu.memory_space<hbm>>
        tpu.enqueue_indirect_dma source(%dma_start3A_31 : memref<10000x128xf32, #tpu.memory_space<hbm>>) target(%arg8 : memref<128x128xf32, #tpu.memory_space<vmem>>) offsets(%dma_start3A_28 : memref<128xi32, #tpu.memory_space<vmem>>) semaphore(%run_scoped3A : memref<!tpu.dma_semaphore, #tpu.memory_space<semaphore_mem>>)
        %dma_wait3A = arith.constant 0 : i32
        %dma_wait3A_32 = tpu.memref_slice %arg6[%add3A_26, %dma_wait3A] : memref<79x128xi32, #tpu.memory_space<vmem>> -> memref<1x128xi32, #tpu.memory_space<vmem>>
        %dma_wait3A_33 = tpu.memref_squeeze %dma_wait3A_32 : memref<1x128xi32, #tpu.memory_space<vmem>> -> memref<128xi32, #tpu.memory_space<vmem>>
        %dma_wait3A_34 = arith.constant 0 : i32
        %dma_wait3A_35 = arith.constant 0 : i32
        %dma_wait3A_36 = tpu.memref_slice %arg2[%dma_wait3A_34, %dma_wait3A_35] : memref<10000x128xf32, #tpu.memory_space<hbm>> -> memref<10000x128xf32, #tpu.memory_space<hbm>>
        tpu.wait_indirect_dma semaphore(%run_scoped3A : memref<!tpu.dma_semaphore, #tpu.memory_space<semaphore_mem>>) src(%dma_wait3A_36 : memref<10000x128xf32, #tpu.memory_space<hbm>>) dst(%arg8 : memref<128x128xf32, #tpu.memory_space<vmem>>)
        tpu.yield
      }) : () -> ()
      "tpu.region"() ({
        %run_scoped3A = tpu.sem_alloc : memref<!tpu.dma_semaphore, #tpu.memory_space<semaphore_mem>>
        %dma_start3A = arith.constant 0 : i32
        %dma_start3A_27 = tpu.memref_slice %arg7[%add3A_26, %dma_start3A] : memref<79x128xi32, #tpu.memory_space<vmem>> -> memref<1x128xi32, #tpu.memory_space<vmem>>
        %dma_start3A_28 = tpu.memref_squeeze %dma_start3A_27 : memref<1x128xi32, #tpu.memory_space<vmem>> -> memref<128xi32, #tpu.memory_space<vmem>>
        %dma_start3A_29 = arith.constant 0 : i32
        %dma_start3A_30 = arith.constant 0 : i32
        %dma_start3A_31 = tpu.memref_slice %arg9[%dma_start3A_29, %dma_start3A_30] : memref<10240x128xf32, #tpu.memory_space<vmem_shared>> -> memref<10240x128xf32, #tpu.memory_space<vmem_shared>>
        tpu.enqueue_indirect_dma source(%arg8 : memref<128x128xf32, #tpu.memory_space<vmem>>) target(%dma_start3A_31 : memref<10240x128xf32, #tpu.memory_space<vmem_shared>>) offsets(%dma_start3A_28 : memref<128xi32, #tpu.memory_space<vmem>>) semaphore(%run_scoped3A : memref<!tpu.dma_semaphore, #tpu.memory_space<semaphore_mem>>) {add = true}
        %dma_wait3A = arith.constant 0 : i32
        %dma_wait3A_32 = tpu.memref_slice %arg7[%add3A_26, %dma_wait3A] : memref<79x128xi32, #tpu.memory_space<vmem>> -> memref<1x128xi32, #tpu.memory_space<vmem>>
        %dma_wait3A_33 = tpu.memref_squeeze %dma_wait3A_32 : memref<1x128xi32, #tpu.memory_space<vmem>> -> memref<128xi32, #tpu.memory_space<vmem>>
        %dma_wait3A_34 = arith.constant 0 : i32
        %dma_wait3A_35 = arith.constant 0 : i32
        %dma_wait3A_36 = tpu.memref_slice %arg9[%dma_wait3A_34, %dma_wait3A_35] : memref<10240x128xf32, #tpu.memory_space<vmem_shared>> -> memref<10240x128xf32, #tpu.memory_space<vmem_shared>>
        tpu.wait_indirect_dma semaphore(%run_scoped3A : memref<!tpu.dma_semaphore, #tpu.memory_space<semaphore_mem>>) src(%arg8 : memref<128x128xf32, #tpu.memory_space<vmem>>) dst(%dma_wait3A_36 : memref<10240x128xf32, #tpu.memory_space<vmem_shared>>)
        tpu.yield
      }) : () -> ()
    }
    %scan3A_15 = arith.constant 79 : i32
    %barrier3A_16 = arith.constant 0 : index
    tpu.barrier barrier_id(%barrier3A_16)
    %scan3A_17 = arith.constant 0 : i32
    %scan3A_18 = arith.constant 5 : i32
    %scan3A_19 = arith.addi %scan3A_17, %scan3A_18 : i32
    %scan3A_20 = arith.constant 1 : i32
    scf.for %scan3A_22 = %scan3A_17 to %scan3A_19 step %scan3A_20  : i32 {
      %mul3A_23 = arith.constant 1 : i32
      %mul3A_24 = arith.muli %scan3A_22, %mul3A_23 : i32
      %add3A_25 = arith.constant 0 : i32
      %add3A_26 = arith.addi %add3A_25, %mul3A_24 : i32
      %mul3A_27 = arith.constant 640 : i32
      %mul3A_28 = arith.muli %arg1, %mul3A_27 : i32
      %mul3A_29 = arith.constant 128 : i32
      %mul3A_30 = arith.muli %add3A_26, %mul3A_29 : i32
      %add3A_31 = arith.addi %mul3A_28, %mul3A_30 : i32
      "tpu.region"() ({
        %run_scoped3A = tpu.sem_alloc : memref<!tpu.dma_semaphore, #tpu.memory_space<semaphore_mem>>
        %dma_start3A = arith.constant 0 : i32
        %dma_start3A_32 = tpu.memref_slice %arg5[%arg0, %add3A_31, %dma_start3A] : memref<2x10240x128xf32, #tpu.memory_space<hbm>> -> memref<1x128x128xf32, #tpu.memory_space<hbm>>
        %dma_start3A_33 = tpu.memref_squeeze %dma_start3A_32 : memref<1x128x128xf32, #tpu.memory_space<hbm>> -> memref<128x128xf32, #tpu.memory_space<hbm>>
        %dma_start3A_34 = arith.constant 0 : i32
        %dma_start3A_35 = tpu.memref_slice %arg9[%add3A_31, %dma_start3A_34] : memref<10240x128xf32, #tpu.memory_space<vmem_shared>> -> memref<128x128xf32, #tpu.memory_space<vmem_shared>>
        tpu.enqueue_dma source(%dma_start3A_35 : memref<128x128xf32, #tpu.memory_space<vmem_shared>>) target(%dma_start3A_33 : memref<128x128xf32, #tpu.memory_space<hbm>>) target_semaphore(%run_scoped3A : memref<!tpu.dma_semaphore, #tpu.memory_space<semaphore_mem>>)
        %dma_wait3A = arith.constant 0 : i32
        %dma_wait3A_36 = tpu.memref_slice %arg5[%arg0, %add3A_31, %dma_wait3A] : memref<2x10240x128xf32, #tpu.memory_space<hbm>> -> memref<1x128x128xf32, #tpu.memory_space<hbm>>
        %dma_wait3A_37 = tpu.memref_squeeze %dma_wait3A_36 : memref<1x128x128xf32, #tpu.memory_space<hbm>> -> memref<128x128xf32, #tpu.memory_space<hbm>>
        %dma_wait3A_38 = arith.constant 0 : i32
        %dma_wait3A_39 = tpu.memref_slice %arg9[%add3A_31, %dma_wait3A_38] : memref<10240x128xf32, #tpu.memory_space<vmem_shared>> -> memref<128x128xf32, #tpu.memory_space<vmem_shared>>
        tpu.wait_dma2 semaphore(%run_scoped3A : memref<!tpu.dma_semaphore, #tpu.memory_space<semaphore_mem>>) src(%dma_wait3A_39 : memref<128x128xf32, #tpu.memory_space<vmem_shared>>) dst(%dma_wait3A_37 : memref<128x128xf32, #tpu.memory_space<hbm>>)
        tpu.yield
      }) : () -> ()
    }
    %scan3A_21 = arith.constant 5 : i32
    return
  }
}

#map = affine_map<(d0, d1) -> (0, 0, 0)>
#map1 = affine_map<(d0, d1) -> (0)>
#map2 = affine_map<(d0, d1) -> (0, 0)>
module attributes {stable_mosaic.version = 14 : i64} {
  func.func @_mask_deg_body(%arg0: i32, %arg1: i32, %arg2: memref<32x79x128xi32, #tpu.memory_space<hbm>>, %arg3: memref<32x79x128xi32, #tpu.memory_space<hbm>>, %arg4: memref<10240xi32, #tpu.memory_space<hbm>>, %arg5: memref<2x10240xf32, #tpu.memory_space<hbm>>, %arg6: memref<32x79x128xi32, #tpu.memory_space<hbm>>, %arg7: memref<79x128xi32, #tpu.memory_space<vmem>>, %arg8: memref<79x128xi32, #tpu.memory_space<vmem>>, %arg9: memref<10240xi32, #tpu.memory_space<vmem>>, %arg10: memref<1x128xf32, #tpu.memory_space<vmem>>, %arg11: memref<79x128xi32, #tpu.memory_space<vmem>>, %arg12: memref<640xf32, #tpu.memory_space<vmem>>, %arg13: memref<10240xf32, #tpu.memory_space<vmem_shared>>) attributes {dimension_semantics = [#tpu.dimension_semantics<core_parallel>, #tpu.dimension_semantics<subcore_parallel>], iteration_bounds = array<i64: 2, 16>, scalar_prefetch = 0 : i64, scratch_operands = 7 : i64, tpu.core_type = #tpu.core_type<sc_vector_subcore>, window_params = [{transform_indices = #map}, {transform_indices = #map}, {transform_indices = #map1}, {transform_indices = #map2}, {transform_indices = #map}]} {
    %mul3A = arith.constant 16 : i32
    %mul3A_0 = arith.muli %arg0, %mul3A : i32
    %add3A = arith.addi %mul3A_0, %arg1 : i32
    "tpu.region"() ({
      %run_scoped3A = tpu.sem_alloc : memref<!tpu.dma_semaphore, #tpu.memory_space<semaphore_mem>>
      tpu.enqueue_dma source(%arg4 : memref<10240xi32, #tpu.memory_space<hbm>>) target(%arg9 : memref<10240xi32, #tpu.memory_space<vmem>>) target_semaphore(%run_scoped3A : memref<!tpu.dma_semaphore, #tpu.memory_space<semaphore_mem>>)
      tpu.wait_dma2 semaphore(%run_scoped3A : memref<!tpu.dma_semaphore, #tpu.memory_space<semaphore_mem>>) src(%arg4 : memref<10240xi32, #tpu.memory_space<hbm>>) dst(%arg9 : memref<10240xi32, #tpu.memory_space<vmem>>)
      tpu.yield
    }) : () -> ()
    "tpu.region"() ({
      %run_scoped3A = tpu.sem_alloc : memref<!tpu.dma_semaphore, #tpu.memory_space<semaphore_mem>>
      %dma_start3A = arith.constant 0 : i32
      %dma_start3A_25 = arith.constant 0 : i32
      %dma_start3A_26 = tpu.memref_slice %arg2[%add3A, %dma_start3A, %dma_start3A_25] : memref<32x79x128xi32, #tpu.memory_space<hbm>> -> memref<1x79x128xi32, #tpu.memory_space<hbm>>
      %dma_start3A_27 = tpu.memref_squeeze %dma_start3A_26 : memref<1x79x128xi32, #tpu.memory_space<hbm>> -> memref<79x128xi32, #tpu.memory_space<hbm>>
      %dma_start3A_28 = arith.constant 0 : i32
      %dma_start3A_29 = arith.constant 0 : i32
      %dma_start3A_30 = tpu.memref_slice %arg2[%add3A, %dma_start3A_28, %dma_start3A_29] : memref<32x79x128xi32, #tpu.memory_space<hbm>> -> memref<1x79x128xi32, #tpu.memory_space<hbm>>
      %dma_start3A_31 = tpu.memref_squeeze %dma_start3A_30 : memref<1x79x128xi32, #tpu.memory_space<hbm>> -> memref<79x128xi32, #tpu.memory_space<hbm>>
      tpu.enqueue_dma source(%dma_start3A_31 : memref<79x128xi32, #tpu.memory_space<hbm>>) target(%arg7 : memref<79x128xi32, #tpu.memory_space<vmem>>) target_semaphore(%run_scoped3A : memref<!tpu.dma_semaphore, #tpu.memory_space<semaphore_mem>>)
      %dma_wait3A = arith.constant 0 : i32
      %dma_wait3A_32 = arith.constant 0 : i32
      %dma_wait3A_33 = tpu.memref_slice %arg2[%add3A, %dma_wait3A, %dma_wait3A_32] : memref<32x79x128xi32, #tpu.memory_space<hbm>> -> memref<1x79x128xi32, #tpu.memory_space<hbm>>
      %dma_wait3A_34 = tpu.memref_squeeze %dma_wait3A_33 : memref<1x79x128xi32, #tpu.memory_space<hbm>> -> memref<79x128xi32, #tpu.memory_space<hbm>>
      %dma_wait3A_35 = arith.constant 0 : i32
      %dma_wait3A_36 = arith.constant 0 : i32
      %dma_wait3A_37 = tpu.memref_slice %arg2[%add3A, %dma_wait3A_35, %dma_wait3A_36] : memref<32x79x128xi32, #tpu.memory_space<hbm>> -> memref<1x79x128xi32, #tpu.memory_space<hbm>>
      %dma_wait3A_38 = tpu.memref_squeeze %dma_wait3A_37 : memref<1x79x128xi32, #tpu.memory_space<hbm>> -> memref<79x128xi32, #tpu.memory_space<hbm>>
      tpu.wait_dma2 semaphore(%run_scoped3A : memref<!tpu.dma_semaphore, #tpu.memory_space<semaphore_mem>>) src(%dma_wait3A_38 : memref<79x128xi32, #tpu.memory_space<hbm>>) dst(%arg7 : memref<79x128xi32, #tpu.memory_space<vmem>>)
      tpu.yield
    }) : () -> ()
    "tpu.region"() ({
      %run_scoped3A = tpu.sem_alloc : memref<!tpu.dma_semaphore, #tpu.memory_space<semaphore_mem>>
      %dma_start3A = arith.constant 0 : i32
      %dma_start3A_25 = arith.constant 0 : i32
      %dma_start3A_26 = tpu.memref_slice %arg3[%add3A, %dma_start3A, %dma_start3A_25] : memref<32x79x128xi32, #tpu.memory_space<hbm>> -> memref<1x79x128xi32, #tpu.memory_space<hbm>>
      %dma_start3A_27 = tpu.memref_squeeze %dma_start3A_26 : memref<1x79x128xi32, #tpu.memory_space<hbm>> -> memref<79x128xi32, #tpu.memory_space<hbm>>
      %dma_start3A_28 = arith.constant 0 : i32
      %dma_start3A_29 = arith.constant 0 : i32
      %dma_start3A_30 = tpu.memref_slice %arg3[%add3A, %dma_start3A_28, %dma_start3A_29] : memref<32x79x128xi32, #tpu.memory_space<hbm>> -> memref<1x79x128xi32, #tpu.memory_space<hbm>>
      %dma_start3A_31 = tpu.memref_squeeze %dma_start3A_30 : memref<1x79x128xi32, #tpu.memory_space<hbm>> -> memref<79x128xi32, #tpu.memory_space<hbm>>
      tpu.enqueue_dma source(%dma_start3A_31 : memref<79x128xi32, #tpu.memory_space<hbm>>) target(%arg8 : memref<79x128xi32, #tpu.memory_space<vmem>>) target_semaphore(%run_scoped3A : memref<!tpu.dma_semaphore, #tpu.memory_space<semaphore_mem>>)
      %dma_wait3A = arith.constant 0 : i32
      %dma_wait3A_32 = arith.constant 0 : i32
      %dma_wait3A_33 = tpu.memref_slice %arg3[%add3A, %dma_wait3A, %dma_wait3A_32] : memref<32x79x128xi32, #tpu.memory_space<hbm>> -> memref<1x79x128xi32, #tpu.memory_space<hbm>>
      %dma_wait3A_34 = tpu.memref_squeeze %dma_wait3A_33 : memref<1x79x128xi32, #tpu.memory_space<hbm>> -> memref<79x128xi32, #tpu.memory_space<hbm>>
      %dma_wait3A_35 = arith.constant 0 : i32
      %dma_wait3A_36 = arith.constant 0 : i32
      %dma_wait3A_37 = tpu.memref_slice %arg3[%add3A, %dma_wait3A_35, %dma_wait3A_36] : memref<32x79x128xi32, #tpu.memory_space<hbm>> -> memref<1x79x128xi32, #tpu.memory_space<hbm>>
      %dma_wait3A_38 = tpu.memref_squeeze %dma_wait3A_37 : memref<1x79x128xi32, #tpu.memory_space<hbm>> -> memref<79x128xi32, #tpu.memory_space<hbm>>
      tpu.wait_dma2 semaphore(%run_scoped3A : memref<!tpu.dma_semaphore, #tpu.memory_space<semaphore_mem>>) src(%dma_wait3A_38 : memref<79x128xi32, #tpu.memory_space<hbm>>) dst(%arg8 : memref<79x128xi32, #tpu.memory_space<vmem>>)
      tpu.yield
    }) : () -> ()
    %broadcast_in_dim3A = arith.constant 0.000000e+00 : f32
    %broadcast_in_dim3A_1 = vector.broadcast %broadcast_in_dim3A : f32 to vector<16xf32>
    %broadcast_in_dim3A_2 = arith.constant 1.000000e+00 : f32
    %broadcast_in_dim3A_3 = vector.broadcast %broadcast_in_dim3A_2 : f32 to vector<16xf32>
    %scan3A = arith.constant 0 : i32
    %scan3A_4 = arith.constant 40 : i32
    %scan3A_5 = arith.addi %scan3A, %scan3A_4 : i32
    %scan3A_6 = arith.constant 1 : i32
    scf.for %scan3A_25 = %scan3A to %scan3A_5 step %scan3A_6  : i32 {
      %mul3A_26 = arith.constant 1 : i32
      %mul3A_27 = arith.muli %scan3A_25, %mul3A_26 : i32
      %add3A_28 = arith.constant 0 : i32
      %add3A_29 = arith.addi %add3A_28, %mul3A_27 : i32
      %mul3A_30 = arith.constant 16 : i32
      %mul3A_31 = arith.muli %add3A_29, %mul3A_30 : i32
      %swap3A = arith.index_cast %mul3A_31 : i32 to index
      %swap3A_32 = tpu.vector_load %arg12[%swap3A] {strides = array<i32>} : memref<640xf32, #tpu.memory_space<vmem>>, vector<16xf32>,
      tpu.vector_store %arg12[%swap3A], %broadcast_in_dim3A_1 {strides = array<i32>} : memref<640xf32, #tpu.memory_space<vmem>>, vector<16xf32>,
    }
    %scan3A_7 = arith.constant 40 : i32
    %scan3A_8 = arith.constant 0 : i32
    %scan3A_9 = arith.constant 8 : i32
    %scan3A_10 = arith.addi %scan3A_8, %scan3A_9 : i32
    %scan3A_11 = arith.constant 1 : i32
    scf.for %scan3A_25 = %scan3A_8 to %scan3A_10 step %scan3A_11  : i32 {
      %mul3A_26 = arith.constant 1 : i32
      %mul3A_27 = arith.muli %scan3A_25, %mul3A_26 : i32
      %add3A_28 = arith.constant 0 : i32
      %add3A_29 = arith.addi %add3A_28, %mul3A_27 : i32
      %mul3A_30 = arith.constant 16 : i32
      %mul3A_31 = arith.muli %add3A_29, %mul3A_30 : i32
      %swap3A = arith.constant 0 : i32
      %swap3A_32 = arith.index_cast %swap3A : i32 to index
      %swap3A_33 = arith.index_cast %mul3A_31 : i32 to index
      %swap3A_34 = tpu.vector_load %arg10[%swap3A_32, %swap3A_33] {strides = array<i32>} : memref<1x128xf32, #tpu.memory_space<vmem>>, vector<16xf32>,
      tpu.vector_store %arg10[%swap3A_32, %swap3A_33], %broadcast_in_dim3A_3 {strides = array<i32>} : memref<1x128xf32, #tpu.memory_space<vmem>>, vector<16xf32>,
    }
    %scan3A_12 = arith.constant 8 : i32
    %mul3A_13 = arith.constant 640 : i32
    %mul3A_14 = arith.muli %arg1, %mul3A_13 : i32
    "tpu.region"() ({
      %run_scoped3A = tpu.sem_alloc : memref<!tpu.dma_semaphore, #tpu.memory_space<semaphore_mem>>
      %dma_start3A = tpu.memref_slice %arg13[%mul3A_14] : memref<10240xf32, #tpu.memory_space<vmem_shared>> -> memref<640xf32, #tpu.memory_space<vmem_shared>>
      %dma_start3A_25 = tpu.memref_slice %arg13[%mul3A_14] : memref<10240xf32, #tpu.memory_space<vmem_shared>> -> memref<640xf32, #tpu.memory_space<vmem_shared>>
      tpu.enqueue_dma source(%arg12 : memref<640xf32, #tpu.memory_space<vmem>>) target(%dma_start3A_25 : memref<640xf32, #tpu.memory_space<vmem_shared>>) target_semaphore(%run_scoped3A : memref<!tpu.dma_semaphore, #tpu.memory_space<semaphore_mem>>)
      %dma_wait3A = tpu.memref_slice %arg13[%mul3A_14] : memref<10240xf32, #tpu.memory_space<vmem_shared>> -> memref<640xf32, #tpu.memory_space<vmem_shared>>
      %dma_wait3A_26 = tpu.memref_slice %arg13[%mul3A_14] : memref<10240xf32, #tpu.memory_space<vmem_shared>> -> memref<640xf32, #tpu.memory_space<vmem_shared>>
      tpu.wait_dma2 semaphore(%run_scoped3A : memref<!tpu.dma_semaphore, #tpu.memory_space<semaphore_mem>>) src(%arg12 : memref<640xf32, #tpu.memory_space<vmem>>) dst(%dma_wait3A_26 : memref<640xf32, #tpu.memory_space<vmem_shared>>)
      tpu.yield
    }) : () -> ()
    %barrier3A = arith.constant 0 : index
    tpu.barrier barrier_id(%barrier3A)
    %scan3A_15 = arith.constant 0 : i32
    %scan3A_16 = arith.constant 79 : i32
    %scan3A_17 = arith.addi %scan3A_15, %scan3A_16 : i32
    %scan3A_18 = arith.constant 1 : i32
    scf.for %scan3A_25 = %scan3A_15 to %scan3A_17 step %scan3A_18  : i32 {
      %mul3A_26 = arith.constant 1 : i32
      %mul3A_27 = arith.muli %scan3A_25, %mul3A_26 : i32
      %add3A_28 = arith.constant 0 : i32
      %add3A_29 = arith.addi %add3A_28, %mul3A_27 : i32
      %scan3A_30 = arith.constant 0 : i32
      %scan3A_31 = arith.constant 8 : i32
      %scan3A_32 = arith.addi %scan3A_30, %scan3A_31 : i32
      %scan3A_33 = arith.constant 1 : i32
      scf.for %scan3A_35 = %scan3A_30 to %scan3A_32 step %scan3A_33  : i32 {
        %mul3A_36 = arith.constant 1 : i32
        %mul3A_37 = arith.muli %scan3A_35, %mul3A_36 : i32
        %add3A_38 = arith.constant 0 : i32
        %add3A_39 = arith.addi %add3A_38, %mul3A_37 : i32
        %mul3A_40 = arith.constant 16 : i32
        %mul3A_41 = arith.muli %add3A_39, %mul3A_40 : i32
        %get3A = arith.index_cast %add3A_29 : i32 to index
        %get3A_42 = arith.index_cast %mul3A_41 : i32 to index
        %get3A_43 = tpu.vector_load %arg7[%get3A, %get3A_42] {strides = array<i32>} : memref<79x128xi32, #tpu.memory_space<vmem>>, vector<16xi32>,
        %mul3A_44 = arith.constant 16 : i32
        %mul3A_45 = arith.muli %add3A_39, %mul3A_44 : i32
        %get3A_46 = arith.index_cast %add3A_29 : i32 to index
        %get3A_47 = arith.index_cast %mul3A_45 : i32 to index
        %get3A_48 = tpu.vector_load %arg8[%get3A_46, %get3A_47] {strides = array<i32>} : memref<79x128xi32, #tpu.memory_space<vmem>>, vector<16xi32>,
        %gather3A = tpu.vector_load_idx %arg9[%get3A_43] : memref<10240xi32, #tpu.memory_space<vmem>>[vector<16xi32>], vector<16xi32>,
        %gather3A_49 = tpu.vector_load_idx %arg9[%get3A_48] : memref<10240xi32, #tpu.memory_space<vmem>>[vector<16xi32>], vector<16xi32>,
        %mul3A_50 = arith.muli %gather3A, %gather3A_49 : vector<16xi32>
        %gt3A = arith.constant 0 : i32
        %gt3A_51 = vector.broadcast %gt3A : i32 to vector<16xi32>
        %gt3A_52 = arith.cmpi sgt, %mul3A_50, %gt3A_51 : vector<16xi32>
        %jit3A = arith.constant 10000 : i32
        %broadcast_in_dim3A_53 = vector.broadcast %jit3A : i32 to vector<16xi32>
        %select_n3A = arith.select %gt3A_52, %get3A_48, %broadcast_in_dim3A_53 : vector<16xi1>, vector<16xi32>
        %mul3A_54 = arith.constant 16 : i32
        %mul3A_55 = arith.muli %add3A_39, %mul3A_54 : i32
        %swap3A = arith.index_cast %add3A_29 : i32 to index
        %swap3A_56 = arith.index_cast %mul3A_55 : i32 to index
        %swap3A_57 = tpu.vector_load %arg11[%swap3A, %swap3A_56] {strides = array<i32>} : memref<79x128xi32, #tpu.memory_space<vmem>>, vector<16xi32>,
        tpu.vector_store %arg11[%swap3A, %swap3A_56], %select_n3A {strides = array<i32>} : memref<79x128xi32, #tpu.memory_space<vmem>>, vector<16xi32>,
      }
      %scan3A_34 = arith.constant 8 : i32
      %run_scoped3A = arith.constant 0 : i32
      "tpu.region"() ({
        %run_scoped3A_35 = tpu.sem_alloc : memref<!tpu.dma_semaphore, #tpu.memory_space<semaphore_mem>>
        %dma_start3A = arith.constant 0 : i32
        %dma_start3A_36 = tpu.memref_slice %arg10[%run_scoped3A, %dma_start3A] : memref<1x128xf32, #tpu.memory_space<vmem>> -> memref<1x128xf32, #tpu.memory_space<vmem>>
        %dma_start3A_37 = tpu.memref_squeeze %dma_start3A_36 : memref<1x128xf32, #tpu.memory_space<vmem>> -> memref<128xf32, #tpu.memory_space<vmem>>
        %dma_start3A_38 = arith.constant 0 : i32
        %dma_start3A_39 = tpu.memref_slice %arg11[%add3A_29, %dma_start3A_38] : memref<79x128xi32, #tpu.memory_space<vmem>> -> memref<1x128xi32, #tpu.memory_space<vmem>>
        %dma_start3A_40 = tpu.memref_squeeze %dma_start3A_39 : memref<1x128xi32, #tpu.memory_space<vmem>> -> memref<128xi32, #tpu.memory_space<vmem>>
        %dma_start3A_41 = arith.constant 0 : i32
        %dma_start3A_42 = tpu.memref_slice %arg13[%dma_start3A_41] : memref<10240xf32, #tpu.memory_space<vmem_shared>> -> memref<10240xf32, #tpu.memory_space<vmem_shared>>
        tpu.enqueue_indirect_dma source(%dma_start3A_37 : memref<128xf32, #tpu.memory_space<vmem>>) target(%dma_start3A_42 : memref<10240xf32, #tpu.memory_space<vmem_shared>>) offsets(%dma_start3A_40 : memref<128xi32, #tpu.memory_space<vmem>>) semaphore(%run_scoped3A_35 : memref<!tpu.dma_semaphore, #tpu.memory_space<semaphore_mem>>) {add = true}
        %dma_wait3A = arith.constant 0 : i32
        %dma_wait3A_43 = tpu.memref_slice %arg10[%run_scoped3A, %dma_wait3A] : memref<1x128xf32, #tpu.memory_space<vmem>> -> memref<1x128xf32, #tpu.memory_space<vmem>>
        %dma_wait3A_44 = tpu.memref_squeeze %dma_wait3A_43 : memref<1x128xf32, #tpu.memory_space<vmem>> -> memref<128xf32, #tpu.memory_space<vmem>>
        %dma_wait3A_45 = arith.constant 0 : i32
        %dma_wait3A_46 = tpu.memref_slice %arg11[%add3A_29, %dma_wait3A_45] : memref<79x128xi32, #tpu.memory_space<vmem>> -> memref<1x128xi32, #tpu.memory_space<vmem>>
        %dma_wait3A_47 = tpu.memref_squeeze %dma_wait3A_46 : memref<1x128xi32, #tpu.memory_space<vmem>> -> memref<128xi32, #tpu.memory_space<vmem>>
        %dma_wait3A_48 = arith.constant 0 : i32
        %dma_wait3A_49 = tpu.memref_slice %arg13[%dma_wait3A_48] : memref<10240xf32, #tpu.memory_space<vmem_shared>> -> memref<10240xf32, #tpu.memory_space<vmem_shared>>
        tpu.wait_indirect_dma semaphore(%run_scoped3A_35 : memref<!tpu.dma_semaphore, #tpu.memory_space<semaphore_mem>>) src(%dma_wait3A_44 : memref<128xf32, #tpu.memory_space<vmem>>) dst(%dma_wait3A_49 : memref<10240xf32, #tpu.memory_space<vmem_shared>>)
        tpu.yield
      }) : () -> ()
    }
    %scan3A_19 = arith.constant 79 : i32
    %barrier3A_20 = arith.constant 0 : index
    tpu.barrier barrier_id(%barrier3A_20)
    %mul3A_21 = arith.constant 640 : i32
    %mul3A_22 = arith.muli %arg1, %mul3A_21 : i32
    %mul3A_23 = arith.constant 640 : i32
    %mul3A_24 = arith.muli %arg1, %mul3A_23 : i32
    "tpu.region"() ({
      %run_scoped3A = tpu.sem_alloc : memref<!tpu.dma_semaphore, #tpu.memory_space<semaphore_mem>>
      %dma_start3A = tpu.memref_slice %arg5[%arg0, %mul3A_24] : memref<2x10240xf32, #tpu.memory_space<hbm>> -> memref<1x640xf32, #tpu.memory_space<hbm>>
      %dma_start3A_25 = tpu.memref_squeeze %dma_start3A : memref<1x640xf32, #tpu.memory_space<hbm>> -> memref<640xf32, #tpu.memory_space<hbm>>
      %dma_start3A_26 = tpu.memref_slice %arg13[%mul3A_22] : memref<10240xf32, #tpu.memory_space<vmem_shared>> -> memref<640xf32, #tpu.memory_space<vmem_shared>>
      tpu.enqueue_dma source(%dma_start3A_26 : memref<640xf32, #tpu.memory_space<vmem_shared>>) target(%dma_start3A_25 : memref<640xf32, #tpu.memory_space<hbm>>) target_semaphore(%run_scoped3A : memref<!tpu.dma_semaphore, #tpu.memory_space<semaphore_mem>>)
      %dma_wait3A = tpu.memref_slice %arg5[%arg0, %mul3A_24] : memref<2x10240xf32, #tpu.memory_space<hbm>> -> memref<1x640xf32, #tpu.memory_space<hbm>>
      %dma_wait3A_27 = tpu.memref_squeeze %dma_wait3A : memref<1x640xf32, #tpu.memory_space<hbm>> -> memref<640xf32, #tpu.memory_space<hbm>>
      %dma_wait3A_28 = tpu.memref_slice %arg13[%mul3A_22] : memref<10240xf32, #tpu.memory_space<vmem_shared>> -> memref<640xf32, #tpu.memory_space<vmem_shared>>
      tpu.wait_dma2 semaphore(%run_scoped3A : memref<!tpu.dma_semaphore, #tpu.memory_space<semaphore_mem>>) src(%dma_wait3A_28 : memref<640xf32, #tpu.memory_space<vmem_shared>>) dst(%dma_wait3A_27 : memref<640xf32, #tpu.memory_space<hbm>>)
      tpu.yield
    }) : () -> ()
    "tpu.region"() ({
      %run_scoped3A = tpu.sem_alloc : memref<!tpu.dma_semaphore, #tpu.memory_space<semaphore_mem>>
      %dma_start3A = arith.constant 0 : i32
      %dma_start3A_25 = arith.constant 0 : i32
      %dma_start3A_26 = tpu.memref_slice %arg6[%add3A, %dma_start3A, %dma_start3A_25] : memref<32x79x128xi32, #tpu.memory_space<hbm>> -> memref<1x79x128xi32, #tpu.memory_space<hbm>>
      %dma_start3A_27 = tpu.memref_squeeze %dma_start3A_26 : memref<1x79x128xi32, #tpu.memory_space<hbm>> -> memref<79x128xi32, #tpu.memory_space<hbm>>
      %dma_start3A_28 = arith.constant 0 : i32
      %dma_start3A_29 = arith.constant 0 : i32
      %dma_start3A_30 = tpu.memref_slice %arg6[%add3A, %dma_start3A_28, %dma_start3A_29] : memref<32x79x128xi32, #tpu.memory_space<hbm>> -> memref<1x79x128xi32, #tpu.memory_space<hbm>>
      %dma_start3A_31 = tpu.memref_squeeze %dma_start3A_30 : memref<1x79x128xi32, #tpu.memory_space<hbm>> -> memref<79x128xi32, #tpu.memory_space<hbm>>
      tpu.enqueue_dma source(%arg11 : memref<79x128xi32, #tpu.memory_space<vmem>>) target(%dma_start3A_31 : memref<79x128xi32, #tpu.memory_space<hbm>>) target_semaphore(%run_scoped3A : memref<!tpu.dma_semaphore, #tpu.memory_space<semaphore_mem>>)
      %dma_wait3A = arith.constant 0 : i32
      %dma_wait3A_32 = arith.constant 0 : i32
      %dma_wait3A_33 = tpu.memref_slice %arg6[%add3A, %dma_wait3A, %dma_wait3A_32] : memref<32x79x128xi32, #tpu.memory_space<hbm>> -> memref<1x79x128xi32, #tpu.memory_space<hbm>>
      %dma_wait3A_34 = tpu.memref_squeeze %dma_wait3A_33 : memref<1x79x128xi32, #tpu.memory_space<hbm>> -> memref<79x128xi32, #tpu.memory_space<hbm>>
      %dma_wait3A_35 = arith.constant 0 : i32
      %dma_wait3A_36 = arith.constant 0 : i32
      %dma_wait3A_37 = tpu.memref_slice %arg6[%add3A, %dma_wait3A_35, %dma_wait3A_36] : memref<32x79x128xi32, #tpu.memory_space<hbm>> -> memref<1x79x128xi32, #tpu.memory_space<hbm>>
      %dma_wait3A_38 = tpu.memref_squeeze %dma_wait3A_37 : memref<1x79x128xi32, #tpu.memory_space<hbm>> -> memref<79x128xi32, #tpu.memory_space<hbm>>
      tpu.wait_dma2 semaphore(%run_scoped3A : memref<!tpu.dma_semaphore, #tpu.memory_space<semaphore_mem>>) src(%arg11 : memref<79x128xi32, #tpu.memory_space<vmem>>) dst(%dma_wait3A_38 : memref<79x128xi32, #tpu.memory_space<hbm>>)
      tpu.yield
    }) : () -> ()
    return
  }
}

#map = affine_map<(d0, d1) -> (0, 0)>
#map1 = affine_map<(d0, d1) -> (0, 0, 0)>
module attributes {stable_mosaic.version = 14 : i64} {
  func.func @_aggregate_body(%arg0: i32, %arg1: i32, %arg2: memref<10000x128xf32, #tpu.memory_space<hbm>>, %arg3: memref<32x79x128xi32, #tpu.memory_space<hbm>>, %arg4: memref<32x79x128xi32, #tpu.memory_space<hbm>>, %arg5: memref<2x10240x128xf32, #tpu.memory_space<hbm>>, %arg6: memref<79x128xi32, #tpu.memory_space<vmem>>, %arg7: memref<79x128xi32, #tpu.memory_space<vmem>>, %arg8: memref<128x128xf32, #tpu.memory_space<vmem>>, %arg9: memref<10240x128xf32, #tpu.memory_space<vmem_shared>>) attributes {dimension_semantics = [#tpu.dimension_semantics<core_parallel>, #tpu.dimension_semantics<subcore_parallel>], iteration_bounds = array<i64: 2, 16>, scalar_prefetch = 0 : i64, scratch_operands = 4 : i64, tpu.core_type = #tpu.core_type<sc_vector_subcore>, window_params = [{transform_indices = #map}, {transform_indices = #map1}, {transform_indices = #map1}, {transform_indices = #map1}]} {
    %mul3A = arith.constant 16 : i32
    %mul3A_0 = arith.muli %arg0, %mul3A : i32
    %add3A = arith.addi %mul3A_0, %arg1 : i32
    "tpu.region"() ({
      %run_scoped3A = tpu.sem_alloc : memref<!tpu.dma_semaphore, #tpu.memory_space<semaphore_mem>>
      %dma_start3A = arith.constant 0 : i32
      %dma_start3A_22 = arith.constant 0 : i32
      %dma_start3A_23 = tpu.memref_slice %arg3[%add3A, %dma_start3A, %dma_start3A_22] : memref<32x79x128xi32, #tpu.memory_space<hbm>> -> memref<1x79x128xi32, #tpu.memory_space<hbm>>
      %dma_start3A_24 = tpu.memref_squeeze %dma_start3A_23 : memref<1x79x128xi32, #tpu.memory_space<hbm>> -> memref<79x128xi32, #tpu.memory_space<hbm>>
      %dma_start3A_25 = arith.constant 0 : i32
      %dma_start3A_26 = arith.constant 0 : i32
      %dma_start3A_27 = tpu.memref_slice %arg3[%add3A, %dma_start3A_25, %dma_start3A_26] : memref<32x79x128xi32, #tpu.memory_space<hbm>> -> memref<1x79x128xi32, #tpu.memory_space<hbm>>
      %dma_start3A_28 = tpu.memref_squeeze %dma_start3A_27 : memref<1x79x128xi32, #tpu.memory_space<hbm>> -> memref<79x128xi32, #tpu.memory_space<hbm>>
      tpu.enqueue_dma source(%dma_start3A_28 : memref<79x128xi32, #tpu.memory_space<hbm>>) target(%arg6 : memref<79x128xi32, #tpu.memory_space<vmem>>) target_semaphore(%run_scoped3A : memref<!tpu.dma_semaphore, #tpu.memory_space<semaphore_mem>>)
      %dma_wait3A = arith.constant 0 : i32
      %dma_wait3A_29 = arith.constant 0 : i32
      %dma_wait3A_30 = tpu.memref_slice %arg3[%add3A, %dma_wait3A, %dma_wait3A_29] : memref<32x79x128xi32, #tpu.memory_space<hbm>> -> memref<1x79x128xi32, #tpu.memory_space<hbm>>
      %dma_wait3A_31 = tpu.memref_squeeze %dma_wait3A_30 : memref<1x79x128xi32, #tpu.memory_space<hbm>> -> memref<79x128xi32, #tpu.memory_space<hbm>>
      %dma_wait3A_32 = arith.constant 0 : i32
      %dma_wait3A_33 = arith.constant 0 : i32
      %dma_wait3A_34 = tpu.memref_slice %arg3[%add3A, %dma_wait3A_32, %dma_wait3A_33] : memref<32x79x128xi32, #tpu.memory_space<hbm>> -> memref<1x79x128xi32, #tpu.memory_space<hbm>>
      %dma_wait3A_35 = tpu.memref_squeeze %dma_wait3A_34 : memref<1x79x128xi32, #tpu.memory_space<hbm>> -> memref<79x128xi32, #tpu.memory_space<hbm>>
      tpu.wait_dma2 semaphore(%run_scoped3A : memref<!tpu.dma_semaphore, #tpu.memory_space<semaphore_mem>>) src(%dma_wait3A_35 : memref<79x128xi32, #tpu.memory_space<hbm>>) dst(%arg6 : memref<79x128xi32, #tpu.memory_space<vmem>>)
      tpu.yield
    }) : () -> ()
    "tpu.region"() ({
      %run_scoped3A = tpu.sem_alloc : memref<!tpu.dma_semaphore, #tpu.memory_space<semaphore_mem>>
      %dma_start3A = arith.constant 0 : i32
      %dma_start3A_22 = arith.constant 0 : i32
      %dma_start3A_23 = tpu.memref_slice %arg4[%add3A, %dma_start3A, %dma_start3A_22] : memref<32x79x128xi32, #tpu.memory_space<hbm>> -> memref<1x79x128xi32, #tpu.memory_space<hbm>>
      %dma_start3A_24 = tpu.memref_squeeze %dma_start3A_23 : memref<1x79x128xi32, #tpu.memory_space<hbm>> -> memref<79x128xi32, #tpu.memory_space<hbm>>
      %dma_start3A_25 = arith.constant 0 : i32
      %dma_start3A_26 = arith.constant 0 : i32
      %dma_start3A_27 = tpu.memref_slice %arg4[%add3A, %dma_start3A_25, %dma_start3A_26] : memref<32x79x128xi32, #tpu.memory_space<hbm>> -> memref<1x79x128xi32, #tpu.memory_space<hbm>>
      %dma_start3A_28 = tpu.memref_squeeze %dma_start3A_27 : memref<1x79x128xi32, #tpu.memory_space<hbm>> -> memref<79x128xi32, #tpu.memory_space<hbm>>
      tpu.enqueue_dma source(%dma_start3A_28 : memref<79x128xi32, #tpu.memory_space<hbm>>) target(%arg7 : memref<79x128xi32, #tpu.memory_space<vmem>>) target_semaphore(%run_scoped3A : memref<!tpu.dma_semaphore, #tpu.memory_space<semaphore_mem>>)
      %dma_wait3A = arith.constant 0 : i32
      %dma_wait3A_29 = arith.constant 0 : i32
      %dma_wait3A_30 = tpu.memref_slice %arg4[%add3A, %dma_wait3A, %dma_wait3A_29] : memref<32x79x128xi32, #tpu.memory_space<hbm>> -> memref<1x79x128xi32, #tpu.memory_space<hbm>>
      %dma_wait3A_31 = tpu.memref_squeeze %dma_wait3A_30 : memref<1x79x128xi32, #tpu.memory_space<hbm>> -> memref<79x128xi32, #tpu.memory_space<hbm>>
      %dma_wait3A_32 = arith.constant 0 : i32
      %dma_wait3A_33 = arith.constant 0 : i32
      %dma_wait3A_34 = tpu.memref_slice %arg4[%add3A, %dma_wait3A_32, %dma_wait3A_33] : memref<32x79x128xi32, #tpu.memory_space<hbm>> -> memref<1x79x128xi32, #tpu.memory_space<hbm>>
      %dma_wait3A_35 = tpu.memref_squeeze %dma_wait3A_34 : memref<1x79x128xi32, #tpu.memory_space<hbm>> -> memref<79x128xi32, #tpu.memory_space<hbm>>
      tpu.wait_dma2 semaphore(%run_scoped3A : memref<!tpu.dma_semaphore, #tpu.memory_space<semaphore_mem>>) src(%dma_wait3A_35 : memref<79x128xi32, #tpu.memory_space<hbm>>) dst(%arg7 : memref<79x128xi32, #tpu.memory_space<vmem>>)
      tpu.yield
    }) : () -> ()
    %broadcast_in_dim3A = arith.constant 0.000000e+00 : f32
    %broadcast_in_dim3A_1 = vector.broadcast %broadcast_in_dim3A : f32 to vector<16xf32>
    %scan3A = arith.constant 0 : i32
    %scan3A_2 = arith.constant 128 : i32
    %scan3A_3 = arith.addi %scan3A, %scan3A_2 : i32
    %scan3A_4 = arith.constant 1 : i32
    scf.for %scan3A_22 = %scan3A to %scan3A_3 step %scan3A_4  : i32 {
      %mul3A_23 = arith.constant 1 : i32
      %mul3A_24 = arith.muli %scan3A_22, %mul3A_23 : i32
      %add3A_25 = arith.constant 0 : i32
      %add3A_26 = arith.addi %add3A_25, %mul3A_24 : i32
      %scan3A_27 = arith.constant 0 : i32
      %scan3A_28 = arith.constant 8 : i32
      %scan3A_29 = arith.addi %scan3A_27, %scan3A_28 : i32
      %scan3A_30 = arith.constant 1 : i32
      scf.for %scan3A_32 = %scan3A_27 to %scan3A_29 step %scan3A_30  : i32 {
        %mul3A_33 = arith.constant 1 : i32
        %mul3A_34 = arith.muli %scan3A_32, %mul3A_33 : i32
        %add3A_35 = arith.constant 0 : i32
        %add3A_36 = arith.addi %add3A_35, %mul3A_34 : i32
        %mul3A_37 = arith.constant 16 : i32
        %mul3A_38 = arith.muli %add3A_36, %mul3A_37 : i32
        %swap3A = arith.index_cast %add3A_26 : i32 to index
        %swap3A_39 = arith.index_cast %mul3A_38 : i32 to index
        %swap3A_40 = tpu.vector_load %arg8[%swap3A, %swap3A_39] {strides = array<i32>} : memref<128x128xf32, #tpu.memory_space<vmem>>, vector<16xf32>,
        tpu.vector_store %arg8[%swap3A, %swap3A_39], %broadcast_in_dim3A_1 {strides = array<i32>} : memref<128x128xf32, #tpu.memory_space<vmem>>, vector<16xf32>,
      }
      %scan3A_31 = arith.constant 8 : i32
    }
    %scan3A_5 = arith.constant 128 : i32
    %scan3A_6 = arith.constant 0 : i32
    %scan3A_7 = arith.constant 5 : i32
    %scan3A_8 = arith.addi %scan3A_6, %scan3A_7 : i32
    %scan3A_9 = arith.constant 1 : i32
    scf.for %scan3A_22 = %scan3A_6 to %scan3A_8 step %scan3A_9  : i32 {
      %mul3A_23 = arith.constant 1 : i32
      %mul3A_24 = arith.muli %scan3A_22, %mul3A_23 : i32
      %add3A_25 = arith.constant 0 : i32
      %add3A_26 = arith.addi %add3A_25, %mul3A_24 : i32
      %mul3A_27 = arith.constant 640 : i32
      %mul3A_28 = arith.muli %arg1, %mul3A_27 : i32
      %mul3A_29 = arith.constant 128 : i32
      %mul3A_30 = arith.muli %add3A_26, %mul3A_29 : i32
      %add3A_31 = arith.addi %mul3A_28, %mul3A_30 : i32
      "tpu.region"() ({
        %run_scoped3A = tpu.sem_alloc : memref<!tpu.dma_semaphore, #tpu.memory_space<semaphore_mem>>
        %dma_start3A = arith.constant 0 : i32
        %dma_start3A_32 = tpu.memref_slice %arg9[%add3A_31, %dma_start3A] : memref<10240x128xf32, #tpu.memory_space<vmem_shared>> -> memref<128x128xf32, #tpu.memory_space<vmem_shared>>
        %dma_start3A_33 = arith.constant 0 : i32
        %dma_start3A_34 = tpu.memref_slice %arg9[%add3A_31, %dma_start3A_33] : memref<10240x128xf32, #tpu.memory_space<vmem_shared>> -> memref<128x128xf32, #tpu.memory_space<vmem_shared>>
        tpu.enqueue_dma source(%arg8 : memref<128x128xf32, #tpu.memory_space<vmem>>) target(%dma_start3A_34 : memref<128x128xf32, #tpu.memory_space<vmem_shared>>) target_semaphore(%run_scoped3A : memref<!tpu.dma_semaphore, #tpu.memory_space<semaphore_mem>>)
        %dma_wait3A = arith.constant 0 : i32
        %dma_wait3A_35 = tpu.memref_slice %arg9[%add3A_31, %dma_wait3A] : memref<10240x128xf32, #tpu.memory_space<vmem_shared>> -> memref<128x128xf32, #tpu.memory_space<vmem_shared>>
        %dma_wait3A_36 = arith.constant 0 : i32
        %dma_wait3A_37 = tpu.memref_slice %arg9[%add3A_31, %dma_wait3A_36] : memref<10240x128xf32, #tpu.memory_space<vmem_shared>> -> memref<128x128xf32, #tpu.memory_space<vmem_shared>>
        tpu.wait_dma2 semaphore(%run_scoped3A : memref<!tpu.dma_semaphore, #tpu.memory_space<semaphore_mem>>) src(%arg8 : memref<128x128xf32, #tpu.memory_space<vmem>>) dst(%dma_wait3A_37 : memref<128x128xf32, #tpu.memory_space<vmem_shared>>)
        tpu.yield
      }) : () -> ()
    }
    %scan3A_10 = arith.constant 5 : i32
    %barrier3A = arith.constant 0 : index
    tpu.barrier barrier_id(%barrier3A)
    %scan3A_11 = arith.constant 0 : i32
    %scan3A_12 = arith.constant 79 : i32
    %scan3A_13 = arith.addi %scan3A_11, %scan3A_12 : i32
    %scan3A_14 = arith.constant 1 : i32
    scf.for %scan3A_22 = %scan3A_11 to %scan3A_13 step %scan3A_14  : i32 {
      %mul3A_23 = arith.constant 1 : i32
      %mul3A_24 = arith.muli %scan3A_22, %mul3A_23 : i32
      %add3A_25 = arith.constant 0 : i32
      %add3A_26 = arith.addi %add3A_25, %mul3A_24 : i32
      "tpu.region"() ({
        %run_scoped3A = tpu.sem_alloc : memref<!tpu.dma_semaphore, #tpu.memory_space<semaphore_mem>>
        %dma_start3A = arith.constant 0 : i32
        %dma_start3A_27 = tpu.memref_slice %arg6[%add3A_26, %dma_start3A] : memref<79x128xi32, #tpu.memory_space<vmem>> -> memref<1x128xi32, #tpu.memory_space<vmem>>
        %dma_start3A_28 = tpu.memref_squeeze %dma_start3A_27 : memref<1x128xi32, #tpu.memory_space<vmem>> -> memref<128xi32, #tpu.memory_space<vmem>>
        %dma_start3A_29 = arith.constant 0 : i32
        %dma_start3A_30 = arith.constant 0 : i32
        %dma_start3A_31 = tpu.memref_slice %arg2[%dma_start3A_29, %dma_start3A_30] : memref<10000x128xf32, #tpu.memory_space<hbm>> -> memref<10000x128xf32, #tpu.memory_space<hbm>>
        tpu.enqueue_indirect_dma source(%dma_start3A_31 : memref<10000x128xf32, #tpu.memory_space<hbm>>) target(%arg8 : memref<128x128xf32, #tpu.memory_space<vmem>>) offsets(%dma_start3A_28 : memref<128xi32, #tpu.memory_space<vmem>>) semaphore(%run_scoped3A : memref<!tpu.dma_semaphore, #tpu.memory_space<semaphore_mem>>)
        %dma_wait3A = arith.constant 0 : i32
        %dma_wait3A_32 = tpu.memref_slice %arg6[%add3A_26, %dma_wait3A] : memref<79x128xi32, #tpu.memory_space<vmem>> -> memref<1x128xi32, #tpu.memory_space<vmem>>
        %dma_wait3A_33 = tpu.memref_squeeze %dma_wait3A_32 : memref<1x128xi32, #tpu.memory_space<vmem>> -> memref<128xi32, #tpu.memory_space<vmem>>
        %dma_wait3A_34 = arith.constant 0 : i32
        %dma_wait3A_35 = arith.constant 0 : i32
        %dma_wait3A_36 = tpu.memref_slice %arg2[%dma_wait3A_34, %dma_wait3A_35] : memref<10000x128xf32, #tpu.memory_space<hbm>> -> memref<10000x128xf32, #tpu.memory_space<hbm>>
        tpu.wait_indirect_dma semaphore(%run_scoped3A : memref<!tpu.dma_semaphore, #tpu.memory_space<semaphore_mem>>) src(%dma_wait3A_36 : memref<10000x128xf32, #tpu.memory_space<hbm>>) dst(%arg8 : memref<128x128xf32, #tpu.memory_space<vmem>>)
        tpu.yield
      }) : () -> ()
      "tpu.region"() ({
        %run_scoped3A = tpu.sem_alloc : memref<!tpu.dma_semaphore, #tpu.memory_space<semaphore_mem>>
        %dma_start3A = arith.constant 0 : i32
        %dma_start3A_27 = tpu.memref_slice %arg7[%add3A_26, %dma_start3A] : memref<79x128xi32, #tpu.memory_space<vmem>> -> memref<1x128xi32, #tpu.memory_space<vmem>>
        %dma_start3A_28 = tpu.memref_squeeze %dma_start3A_27 : memref<1x128xi32, #tpu.memory_space<vmem>> -> memref<128xi32, #tpu.memory_space<vmem>>
        %dma_start3A_29 = arith.constant 0 : i32
        %dma_start3A_30 = arith.constant 0 : i32
        %dma_start3A_31 = tpu.memref_slice %arg9[%dma_start3A_29, %dma_start3A_30] : memref<10240x128xf32, #tpu.memory_space<vmem_shared>> -> memref<10240x128xf32, #tpu.memory_space<vmem_shared>>
        tpu.enqueue_indirect_dma source(%arg8 : memref<128x128xf32, #tpu.memory_space<vmem>>) target(%dma_start3A_31 : memref<10240x128xf32, #tpu.memory_space<vmem_shared>>) offsets(%dma_start3A_28 : memref<128xi32, #tpu.memory_space<vmem>>) semaphore(%run_scoped3A : memref<!tpu.dma_semaphore, #tpu.memory_space<semaphore_mem>>) {add = true}
        %dma_wait3A = arith.constant 0 : i32
        %dma_wait3A_32 = tpu.memref_slice %arg7[%add3A_26, %dma_wait3A] : memref<79x128xi32, #tpu.memory_space<vmem>> -> memref<1x128xi32, #tpu.memory_space<vmem>>
        %dma_wait3A_33 = tpu.memref_squeeze %dma_wait3A_32 : memref<1x128xi32, #tpu.memory_space<vmem>> -> memref<128xi32, #tpu.memory_space<vmem>>
        %dma_wait3A_34 = arith.constant 0 : i32
        %dma_wait3A_35 = arith.constant 0 : i32
        %dma_wait3A_36 = tpu.memref_slice %arg9[%dma_wait3A_34, %dma_wait3A_35] : memref<10240x128xf32, #tpu.memory_space<vmem_shared>> -> memref<10240x128xf32, #tpu.memory_space<vmem_shared>>
        tpu.wait_indirect_dma semaphore(%run_scoped3A : memref<!tpu.dma_semaphore, #tpu.memory_space<semaphore_mem>>) src(%arg8 : memref<128x128xf32, #tpu.memory_space<vmem>>) dst(%dma_wait3A_36 : memref<10240x128xf32, #tpu.memory_space<vmem_shared>>)
        tpu.yield
      }) : () -> ()
    }
    %scan3A_15 = arith.constant 79 : i32
    %barrier3A_16 = arith.constant 0 : index
    tpu.barrier barrier_id(%barrier3A_16)
    %scan3A_17 = arith.constant 0 : i32
    %scan3A_18 = arith.constant 5 : i32
    %scan3A_19 = arith.addi %scan3A_17, %scan3A_18 : i32
    %scan3A_20 = arith.constant 1 : i32
    scf.for %scan3A_22 = %scan3A_17 to %scan3A_19 step %scan3A_20  : i32 {
      %mul3A_23 = arith.constant 1 : i32
      %mul3A_24 = arith.muli %scan3A_22, %mul3A_23 : i32
      %add3A_25 = arith.constant 0 : i32
      %add3A_26 = arith.addi %add3A_25, %mul3A_24 : i32
      %mul3A_27 = arith.constant 640 : i32
      %mul3A_28 = arith.muli %arg1, %mul3A_27 : i32
      %mul3A_29 = arith.constant 128 : i32
      %mul3A_30 = arith.muli %add3A_26, %mul3A_29 : i32
      %add3A_31 = arith.addi %mul3A_28, %mul3A_30 : i32
      "tpu.region"() ({
        %run_scoped3A = tpu.sem_alloc : memref<!tpu.dma_semaphore, #tpu.memory_space<semaphore_mem>>
        %dma_start3A = arith.constant 0 : i32
        %dma_start3A_32 = tpu.memref_slice %arg5[%arg0, %add3A_31, %dma_start3A] : memref<2x10240x128xf32, #tpu.memory_space<hbm>> -> memref<1x128x128xf32, #tpu.memory_space<hbm>>
        %dma_start3A_33 = tpu.memref_squeeze %dma_start3A_32 : memref<1x128x128xf32, #tpu.memory_space<hbm>> -> memref<128x128xf32, #tpu.memory_space<hbm>>
        %dma_start3A_34 = arith.constant 0 : i32
        %dma_start3A_35 = tpu.memref_slice %arg9[%add3A_31, %dma_start3A_34] : memref<10240x128xf32, #tpu.memory_space<vmem_shared>> -> memref<128x128xf32, #tpu.memory_space<vmem_shared>>
        tpu.enqueue_dma source(%dma_start3A_35 : memref<128x128xf32, #tpu.memory_space<vmem_shared>>) target(%dma_start3A_33 : memref<128x128xf32, #tpu.memory_space<hbm>>) target_semaphore(%run_scoped3A : memref<!tpu.dma_semaphore, #tpu.memory_space<semaphore_mem>>)
        %dma_wait3A = arith.constant 0 : i32
        %dma_wait3A_36 = tpu.memref_slice %arg5[%arg0, %add3A_31, %dma_wait3A] : memref<2x10240x128xf32, #tpu.memory_space<hbm>> -> memref<1x128x128xf32, #tpu.memory_space<hbm>>
        %dma_wait3A_37 = tpu.memref_squeeze %dma_wait3A_36 : memref<1x128x128xf32, #tpu.memory_space<hbm>> -> memref<128x128xf32, #tpu.memory_space<hbm>>
        %dma_wait3A_38 = arith.constant 0 : i32
        %dma_wait3A_39 = tpu.memref_slice %arg9[%add3A_31, %dma_wait3A_38] : memref<10240x128xf32, #tpu.memory_space<vmem_shared>> -> memref<128x128xf32, #tpu.memory_space<vmem_shared>>
        tpu.wait_dma2 semaphore(%run_scoped3A : memref<!tpu.dma_semaphore, #tpu.memory_space<semaphore_mem>>) src(%dma_wait3A_39 : memref<128x128xf32, #tpu.memory_space<vmem_shared>>) dst(%dma_wait3A_37 : memref<128x128xf32, #tpu.memory_space<hbm>>)
        tpu.yield
      }) : () -> ()
    }
    %scan3A_21 = arith.constant 5 : i32
    return
  }
}

module attributes {stable_mosaic.version = 14 : i64} {
  func.func @_linear_body(%arg0: i32, %arg1: memref<2000x128xf32, #tpu.memory_space<vmem>>, %arg2: memref<128x128xf32, #tpu.memory_space<vmem>>, %arg3: memref<128xf32, #tpu.memory_space<vmem>>, %arg4: memref<2000x128xf32, #tpu.memory_space<vmem>>) attributes {dimension_semantics = [#tpu.dimension_semantics<arbitrary>], iteration_bounds = array<i64: 5>, scalar_prefetch = 0 : i64, scratch_operands = 0 : i64, tpu.core_type = #tpu.core_type<tc>, window_params = [{transform_indices = @transform_0, window_bounds = array<i64: 2000, 128>}, {pipeline_mode = #tpu.pipeline_mode<synchronous>, transform_indices = @transform_1, window_bounds = array<i64: 128, 128>}, {pipeline_mode = #tpu.pipeline_mode<synchronous>, transform_indices = @transform_2, window_bounds = array<i64: 128>}, {transform_indices = @transform_3, window_bounds = array<i64: 2000, 128>}]} {
    %get3A = arith.constant 0 : index
    %get3A_0 = arith.constant 0 : index
    %get3A_1 = vector.load %arg1[%get3A, %get3A_0] : memref<2000x128xf32, #tpu.memory_space<vmem>>, vector<2000x128xf32>
    %get3A_2 = arith.constant 0 : index
    %get3A_3 = arith.constant 0 : index
    %get3A_4 = vector.load %arg2[%get3A_2, %get3A_3] : memref<128x128xf32, #tpu.memory_space<vmem>>, vector<128x128xf32>
    %dot_general3A = arith.constant dense<0.000000e+00> : vector<2000x128xf32>
    %dot_general3A_5 = tpu.matmul %get3A_1, %get3A_4, %dot_general3A {dimension_numbers = #tpu.dot_dimension_numbers<[1], [0], [0], [1], [0, 0, 1, 1], [], []>, transpose_lhs_hint = false} : vector<2000x128xf32>, vector<128x128xf32>, vector<2000x128xf32> -> vector<2000x128xf32>
    %get3A_6 = arith.constant 0 : index
    %get3A_7 = vector.load %arg3[%get3A_6] : memref<128xf32, #tpu.memory_space<vmem>>, vector<128xf32>
    %broadcast_in_dim3A = vector.shape_cast %get3A_7 : vector<128xf32> to vector<1x128xf32>
    %add3A = vector.broadcast %broadcast_in_dim3A : vector<1x128xf32> to vector<2000x128xf32>
    %add3A_8 = arith.addf %dot_general3A_5, %add3A : vector<2000x128xf32>
    %swap3A = arith.constant 0 : index
    %swap3A_9 = arith.constant 0 : index
    %swap3A_10 = vector.load %arg4[%swap3A, %swap3A_9] : memref<2000x128xf32, #tpu.memory_space<vmem>>, vector<2000x128xf32>
    tpu.vector_store %arg4[%swap3A, %swap3A_9], %add3A_8 {strides = array<i32>} : memref<2000x128xf32, #tpu.memory_space<vmem>>, vector<2000x128xf32>,
    return
  }
  func.func @transform_0(%arg0: i32) -> (i32, i32) {
    %c0_i32 = arith.constant 0 : i32
    %c0_i32_0 = arith.constant 0 : i32
    return %arg0, %c0_i32 : i32, i32
  }
  func.func @transform_1(%arg0: i32) -> (i32, i32) {
    %c0_i32 = arith.constant 0 : i32
    %c0_i32_0 = arith.constant 0 : i32
    %c0_i32_1 = arith.constant 0 : i32
    return %c0_i32, %c0_i32_0 : i32, i32
  }
  func.func @transform_2(%arg0: i32) -> i32 {
    %c0_i32 = arith.constant 0 : i32
    %c0_i32_0 = arith.constant 0 : i32
    return %c0_i32 : i32
  }
  func.func @transform_3(%arg0: i32) -> (i32, i32) {
    %c0_i32 = arith.constant 0 : i32
    %c0_i32_0 = arith.constant 0 : i32
    return %arg0, %c0_i32 : i32, i32
  }
}

module attributes {stable_mosaic.version = 14 : i64} {
  func.func @_prep_body(%arg0: i32, %arg1: memref<2000x2xf32, #tpu.memory_space<vmem>>, %arg2: memref<2000x128xf32, #tpu.memory_space<vmem>>, %arg3: memref<2000x128xf32, #tpu.memory_space<vmem>>, %arg4: memref<2000x1xf32, #tpu.memory_space<vmem>>) attributes {dimension_semantics = [#tpu.dimension_semantics<arbitrary>], iteration_bounds = array<i64: 5>, scalar_prefetch = 0 : i64, scratch_operands = 0 : i64, tpu.core_type = #tpu.core_type<tc>, window_params = [{transform_indices = @transform_0, window_bounds = array<i64: 2000, 2>}, {transform_indices = @transform_1, window_bounds = array<i64: 2000, 128>}, {transform_indices = @transform_2, window_bounds = array<i64: 2000, 128>}, {transform_indices = @transform_3, window_bounds = array<i64: 2000, 1>}]} {
    %get3A = arith.constant 0 : index
    %get3A_0 = arith.constant 0 : index
    %get3A_1 = vector.load %arg1[%get3A, %get3A_0] : memref<2000x2xf32, #tpu.memory_space<vmem>>, vector<2000x1xf32>
    %get3A_2 = vector.shape_cast %get3A_1 : vector<2000x1xf32> to vector<2000xf32>
    %get3A_3 = arith.constant 0 : index
    %get3A_4 = arith.constant 1 : index
    %get3A_5 = vector.load %arg1[%get3A_3, %get3A_4] : memref<2000x2xf32, #tpu.memory_space<vmem>>, vector<2000x1xf32>
    %get3A_6 = vector.shape_cast %get3A_5 : vector<2000x1xf32> to vector<2000xf32>
    %add3A = arith.addf %get3A_2, %get3A_6 : vector<2000xf32>
    %add3A_7 = arith.constant 1.000000e+00 : f32
    %add3A_8 = vector.broadcast %add3A_7 : f32 to vector<2000xf32>
    %add3A_9 = arith.addf %add3A, %add3A_8 : vector<2000xf32>
    %rsqrt3A = math.rsqrt %add3A_9 : vector<2000xf32>
    %get3A_10 = arith.constant 0 : index
    %get3A_11 = arith.constant 0 : index
    %get3A_12 = vector.load %arg2[%get3A_10, %get3A_11] : memref<2000x128xf32, #tpu.memory_space<vmem>>, vector<2000x128xf32>
    %broadcast_in_dim3A = vector.shape_cast %rsqrt3A : vector<2000xf32> to vector<2000x1xf32>
    %mul3A = vector.broadcast %broadcast_in_dim3A : vector<2000x1xf32> to vector<2000x128xf32>
    %mul3A_13 = arith.mulf %get3A_12, %mul3A : vector<2000x128xf32>
    %swap3A = arith.constant 0 : index
    %swap3A_14 = arith.constant 0 : index
    %swap3A_15 = vector.load %arg3[%swap3A, %swap3A_14] : memref<2000x128xf32, #tpu.memory_space<vmem>>, vector<2000x128xf32>
    tpu.vector_store %arg3[%swap3A, %swap3A_14], %mul3A_13 {strides = array<i32>} : memref<2000x128xf32, #tpu.memory_space<vmem>>, vector<2000x128xf32>,
    %broadcast_in_dim3A_16 = vector.shape_cast %rsqrt3A : vector<2000xf32> to vector<2000x1xf32>
    %swap3A_17 = arith.constant 0 : index
    %swap3A_18 = arith.constant 0 : index
    %swap3A_19 = vector.load %arg4[%swap3A_17, %swap3A_18] : memref<2000x1xf32, #tpu.memory_space<vmem>>, vector<2000x1xf32>
    tpu.vector_store %arg4[%swap3A_17, %swap3A_18], %broadcast_in_dim3A_16 {strides = array<i32>} : memref<2000x1xf32, #tpu.memory_space<vmem>>, vector<2000x1xf32>,
    return
  }
  func.func @transform_0(%arg0: i32) -> (i32, i32) {
    %c0_i32 = arith.constant 0 : i32
    %c0_i32_0 = arith.constant 0 : i32
    return %arg0, %c0_i32 : i32, i32
  }
  func.func @transform_1(%arg0: i32) -> (i32, i32) {
    %c0_i32 = arith.constant 0 : i32
    %c0_i32_0 = arith.constant 0 : i32
    return %arg0, %c0_i32 : i32, i32
  }
  func.func @transform_2(%arg0: i32) -> (i32, i32) {
    %c0_i32 = arith.constant 0 : i32
    %c0_i32_0 = arith.constant 0 : i32
    return %arg0, %c0_i32 : i32, i32
  }
  func.func @transform_3(%arg0: i32) -> (i32, i32) {
    %c0_i32 = arith.constant 0 : i32
    %c0_i32_0 = arith.constant 0 : i32
    return %arg0, %c0_i32 : i32, i32
  }
}

module attributes {stable_mosaic.version = 14 : i64} {
  func.func @_post_body(%arg0: i32, %arg1: memref<2x2000x128xf32, #tpu.memory_space<vmem>>, %arg2: memref<2000x128xf32, #tpu.memory_space<vmem>>, %arg3: memref<2000x1xf32, #tpu.memory_space<vmem>>, %arg4: memref<128x1xf32, #tpu.memory_space<vmem>>, %arg5: memref<2000x128xf32, #tpu.memory_space<vmem>>, %arg6: memref<2000x1xf32, #tpu.memory_space<vmem>>) attributes {dimension_semantics = [#tpu.dimension_semantics<arbitrary>], iteration_bounds = array<i64: 5>, scalar_prefetch = 0 : i64, scratch_operands = 0 : i64, tpu.core_type = #tpu.core_type<tc>, window_params = [{transform_indices = @transform_0, window_bounds = array<i64: 2, 2000, 128>}, {transform_indices = @transform_1, window_bounds = array<i64: 2000, 128>}, {transform_indices = @transform_2, window_bounds = array<i64: 2000, 1>}, {pipeline_mode = #tpu.pipeline_mode<synchronous>, transform_indices = @transform_3, window_bounds = array<i64: 128, 1>}, {transform_indices = @transform_4, window_bounds = array<i64: 2000, 128>}, {transform_indices = @transform_5, window_bounds = array<i64: 2000, 1>}]} {
    %get3A = arith.constant 0 : index
    %get3A_0 = arith.constant 0 : index
    %get3A_1 = arith.constant 0 : index
    %get3A_2 = vector.load %arg1[%get3A, %get3A_0, %get3A_1] : memref<2x2000x128xf32, #tpu.memory_space<vmem>>, vector<1x2000x128xf32>
    %get3A_3 = vector.shape_cast %get3A_2 : vector<1x2000x128xf32> to vector<2000x128xf32>
    %get3A_4 = arith.constant 1 : index
    %get3A_5 = arith.constant 0 : index
    %get3A_6 = arith.constant 0 : index
    %get3A_7 = vector.load %arg1[%get3A_4, %get3A_5, %get3A_6] : memref<2x2000x128xf32, #tpu.memory_space<vmem>>, vector<1x2000x128xf32>
    %get3A_8 = vector.shape_cast %get3A_7 : vector<1x2000x128xf32> to vector<2000x128xf32>
    %add3A = arith.addf %get3A_3, %get3A_8 : vector<2000x128xf32>
    %get3A_9 = arith.constant 0 : index
    %get3A_10 = arith.constant 0 : index
    %get3A_11 = vector.load %arg2[%get3A_9, %get3A_10] : memref<2000x128xf32, #tpu.memory_space<vmem>>, vector<2000x128xf32>
    %add3A_12 = arith.addf %add3A, %get3A_11 : vector<2000x128xf32>
    %get3A_13 = arith.constant 0 : index
    %get3A_14 = arith.constant 0 : index
    %get3A_15 = vector.load %arg3[%get3A_13, %get3A_14] : memref<2000x1xf32, #tpu.memory_space<vmem>>, vector<2000x1xf32>
    %mul3A = vector.broadcast %get3A_15 : vector<2000x1xf32> to vector<2000x128xf32>
    %mul3A_16 = arith.mulf %add3A_12, %mul3A : vector<2000x128xf32>
    %get3A_17 = arith.constant 0 : index
    %get3A_18 = arith.constant 0 : index
    %get3A_19 = vector.load %arg4[%get3A_17, %get3A_18] : memref<128x1xf32, #tpu.memory_space<vmem>>, vector<128x1xf32>
    %dot_general3A = arith.constant dense<0.000000e+00> : vector<2000x1xf32>
    %dot_general3A_20 = tpu.matmul %mul3A_16, %get3A_19, %dot_general3A {dimension_numbers = #tpu.dot_dimension_numbers<[1], [0], [0], [1], [0, 0, 1, 1], [], []>, transpose_lhs_hint = false} : vector<2000x128xf32>, vector<128x1xf32>, vector<2000x1xf32> -> vector<2000x1xf32>
    %tanh3A = math.tanh %dot_general3A_20 : vector<2000x1xf32>
    %swap3A = arith.constant 0 : index
    %swap3A_21 = arith.constant 0 : index
    %swap3A_22 = vector.load %arg6[%swap3A, %swap3A_21] : memref<2000x1xf32, #tpu.memory_space<vmem>>, vector<2000x1xf32>
    tpu.vector_store %arg6[%swap3A, %swap3A_21], %tanh3A {strides = array<i32>} : memref<2000x1xf32, #tpu.memory_space<vmem>>, vector<2000x1xf32>,
    %max3A = arith.constant 0.000000e+00 : f32
    %max3A_23 = vector.broadcast %max3A : f32 to vector<2000x128xf32>
    %max3A_24 = arith.maximumf %mul3A_16, %max3A_23 : vector<2000x128xf32>
    %swap3A_25 = arith.constant 0 : index
    %swap3A_26 = arith.constant 0 : index
    %swap3A_27 = vector.load %arg5[%swap3A_25, %swap3A_26] : memref<2000x128xf32, #tpu.memory_space<vmem>>, vector<2000x128xf32>
    tpu.vector_store %arg5[%swap3A_25, %swap3A_26], %max3A_24 {strides = array<i32>} : memref<2000x128xf32, #tpu.memory_space<vmem>>, vector<2000x128xf32>,
    return
  }
  func.func @transform_0(%arg0: i32) -> (i32, i32, i32) {
    %c0_i32 = arith.constant 0 : i32
    %c0_i32_0 = arith.constant 0 : i32
    %c0_i32_1 = arith.constant 0 : i32
    return %c0_i32, %arg0, %c0_i32_0 : i32, i32, i32
  }
  func.func @transform_1(%arg0: i32) -> (i32, i32) {
    %c0_i32 = arith.constant 0 : i32
    %c0_i32_0 = arith.constant 0 : i32
    return %arg0, %c0_i32 : i32, i32
  }
  func.func @transform_2(%arg0: i32) -> (i32, i32) {
    %c0_i32 = arith.constant 0 : i32
    %c0_i32_0 = arith.constant 0 : i32
    return %arg0, %c0_i32 : i32, i32
  }
  func.func @transform_3(%arg0: i32) -> (i32, i32) {
    %c0_i32 = arith.constant 0 : i32
    %c0_i32_0 = arith.constant 0 : i32
    %c0_i32_1 = arith.constant 0 : i32
    return %c0_i32, %c0_i32_0 : i32, i32
  }
  func.func @transform_4(%arg0: i32) -> (i32, i32) {
    %c0_i32 = arith.constant 0 : i32
    %c0_i32_0 = arith.constant 0 : i32
    return %arg0, %c0_i32 : i32, i32
  }
  func.func @transform_5(%arg0: i32) -> (i32, i32) {
    %c0_i32 = arith.constant 0 : i32
    %c0_i32_0 = arith.constant 0 : i32
    return %arg0, %c0_i32 : i32, i32
  }
}

module attributes {stable_mosaic.version = 14 : i64} {
  func.func @_pool_body(%arg0: memref<10000x1xf32, #tpu.memory_space<vmem>>, %arg1: memref<10000x1xf32, #tpu.memory_space<vmem>>, %arg2: memref<10000x128xf32, #tpu.memory_space<vmem>>, %arg3: memref<10000x128xf32, #tpu.memory_space<vmem>>, %arg4: memref<10000x1xf32, #tpu.memory_space<vmem>>) attributes {dimension_semantics = [], scalar_prefetch = 0 : i64, scratch_operands = 0 : i64, tpu.core_type = #tpu.core_type<tc>} {
    %get3A = arith.constant 0 : index
    %get3A_0 = arith.constant 0 : index
    %get3A_1 = vector.load %arg0[%get3A, %get3A_0] : memref<10000x1xf32, #tpu.memory_space<vmem>>, vector<10000x1xf32>
    %get3A_2 = arith.constant 0 : index
    %get3A_3 = arith.constant 0 : index
    %get3A_4 = vector.load %arg1[%get3A_2, %get3A_3] : memref<10000x1xf32, #tpu.memory_space<vmem>>, vector<10000x1xf32>
    %bitcast_convert_type3A = tpu.bitcast %get3A_1 : vector<10000x1xf32> -> vector<10000x1xi32>
    %shift_right_arithmetic3A = arith.constant 31 : i32
    %shift_right_arithmetic3A_5 = vector.broadcast %shift_right_arithmetic3A : i32 to vector<10000x1xi32>
    %shift_right_arithmetic3A_6 = arith.shrsi %bitcast_convert_type3A, %shift_right_arithmetic3A_5 : vector<10000x1xi32>
    %and3A = arith.constant 2147483647 : i32
    %and3A_7 = vector.broadcast %and3A : i32 to vector<10000x1xi32>
    %and3A_8 = arith.andi %shift_right_arithmetic3A_6, %and3A_7 : vector<10000x1xi32>
    %xor3A = arith.xori %bitcast_convert_type3A, %and3A_8 : vector<10000x1xi32>
    %gt3A = arith.constant 0.000000e+00 : f32
    %gt3A_9 = vector.broadcast %gt3A : f32 to vector<10000x1xf32>
    %gt3A_10 = arith.cmpf ogt, %get3A_4, %gt3A_9 : vector<10000x1xf32>
    %jit3A = arith.constant -2147483648 : i32
    %broadcast_in_dim3A = vector.broadcast %jit3A : i32 to vector<10000x1xi32>
    %select_n3A = arith.select %gt3A_10, %xor3A, %broadcast_in_dim3A : vector<10000x1xi1>, vector<10000x1xi32>
    %ge3A = arith.constant 0 : i32
    %ge3A_11 = vector.broadcast %ge3A : i32 to vector<10000x1xi32>
    %ge3A_12 = arith.cmpi sge, %select_n3A, %ge3A_11 : vector<10000x1xi32>
    %convert_element_type3A = arith.extui %ge3A_12 : vector<10000x1xi1> to vector<10000x1xi32>
    %reduce_sum3A = vector.shape_cast %convert_element_type3A : vector<10000x1xi32> to vector<1x10000x1xi32>
    %reduce_sum3A_13 = arith.constant dense<0> : vector<1xi32>
    %reduce_sum3A_14 = vector.multi_reduction <add>, %reduce_sum3A, %reduce_sum3A_13 [1, 2] : vector<1x10000x1xi32> to vector<1xi32>
    %reduce_sum3A_15 = vector.shape_cast %reduce_sum3A_14 : vector<1xi32> to vector<1x1x1xi32>
    %reduce_sum3A_16 = vector.extract %reduce_sum3A_15[0, 0, 0] : i32 from vector<1x1x1xi32>
    %ge3A_17 = arith.constant 5000 : i32
    %ge3A_18 = arith.cmpi sge, %reduce_sum3A_16, %ge3A_17 : i32
    %jit3A_19 = arith.constant 0 : i32
    %jit3A_20 = arith.constant -2147483648 : i32
    %select_n3A_21 = arith.select %ge3A_18, %jit3A_19, %jit3A_20 : i32
    %ge3A_22 = arith.constant 5000 : i32
    %ge3A_23 = arith.cmpi sge, %reduce_sum3A_16, %ge3A_22 : i32
    %jit3A_24 = arith.constant 2147483647 : i32
    %jit3A_25 = arith.constant -1 : i32
    %select_n3A_26 = arith.select %ge3A_23, %jit3A_24, %jit3A_25 : i32
    %scan3A = arith.constant 5000 : i32
    %scan3A_27 = arith.constant 0 : i32
    %scan3A_28 = arith.constant 31 : i32
    %scan3A_29 = arith.addi %scan3A_27, %scan3A_28 : i32
    %scan3A_30 = arith.constant 1 : i32
    %scan3A_31:2 = scf.for %scan3A_69 = %scan3A_27 to %scan3A_29 step %scan3A_30 iter_args(%scan3A_70 = %select_n3A_21, %scan3A_71 = %select_n3A_26) -> (i32, i32)  : i32 {
      %sub3A_72 = arith.subi %scan3A_71, %scan3A_70 : i32
      %shift_right_arithmetic3A_73 = arith.constant 1 : i32
      %shift_right_arithmetic3A_74 = arith.shrsi %sub3A_72, %shift_right_arithmetic3A_73 : i32
      %add3A = arith.addi %scan3A_70, %shift_right_arithmetic3A_74 : i32
      %gt3A_75 = vector.broadcast %add3A : i32 to vector<10000x1xi32>
      %gt3A_76 = arith.cmpi sgt, %select_n3A, %gt3A_75 : vector<10000x1xi32>
      %convert_element_type3A_77 = arith.extui %gt3A_76 : vector<10000x1xi1> to vector<10000x1xi32>
      %reduce_sum3A_78 = vector.shape_cast %convert_element_type3A_77 : vector<10000x1xi32> to vector<1x10000x1xi32>
      %reduce_sum3A_79 = arith.constant dense<0> : vector<1xi32>
      %reduce_sum3A_80 = vector.multi_reduction <add>, %reduce_sum3A_78, %reduce_sum3A_79 [1, 2] : vector<1x10000x1xi32> to vector<1xi32>
      %reduce_sum3A_81 = vector.shape_cast %reduce_sum3A_80 : vector<1xi32> to vector<1x1x1xi32>
      %reduce_sum3A_82 = vector.extract %reduce_sum3A_81[0, 0, 0] : i32 from vector<1x1x1xi32>
      %lt3A_83 = arith.cmpi slt, %reduce_sum3A_82, %scan3A : i32
      %add3A_84 = arith.constant 1 : i32
      %add3A_85 = arith.addi %add3A, %add3A_84 : i32
      %select_n3A_86 = arith.select %lt3A_83, %scan3A_70, %add3A_85 : i32
      %select_n3A_87 = arith.select %lt3A_83, %add3A, %scan3A_71 : i32
      scf.yield %select_n3A_86, %select_n3A_87 : i32, i32
    }
    %gt3A_32 = vector.broadcast %scan3A_31#0 : i32 to vector<10000x1xi32>
    %gt3A_33 = arith.cmpi sgt, %select_n3A, %gt3A_32 : vector<10000x1xi32>
    %convert_element_type3A_34 = arith.extui %gt3A_33 : vector<10000x1xi1> to vector<10000x1xi32>
    %reduce_sum3A_35 = vector.shape_cast %convert_element_type3A_34 : vector<10000x1xi32> to vector<1x10000x1xi32>
    %reduce_sum3A_36 = arith.constant dense<0> : vector<1xi32>
    %reduce_sum3A_37 = vector.multi_reduction <add>, %reduce_sum3A_35, %reduce_sum3A_36 [1, 2] : vector<1x10000x1xi32> to vector<1xi32>
    %reduce_sum3A_38 = vector.shape_cast %reduce_sum3A_37 : vector<1xi32> to vector<1x1x1xi32>
    %reduce_sum3A_39 = vector.extract %reduce_sum3A_38[0, 0, 0] : i32 from vector<1x1x1xi32>
    %sub3A = arith.constant 5000 : i32
    %sub3A_40 = arith.subi %sub3A, %reduce_sum3A_39 : i32
    %eq3A = vector.broadcast %scan3A_31#0 : i32 to vector<10000x1xi32>
    %eq3A_41 = arith.cmpi eq, %select_n3A, %eq3A : vector<10000x1xi32>
    %iota3A = tpu.iota {dimensions = array<i32: 0>} : vector<10000x1xi32>
    %scan3A_42 = arith.constant 0 : i32
    %scan3A_43 = arith.constant 10000 : i32
    %scan3A_44 = arith.constant 0 : i32
    %scan3A_45 = arith.constant 14 : i32
    %scan3A_46 = arith.addi %scan3A_44, %scan3A_45 : i32
    %scan3A_47 = arith.constant 1 : i32
    %scan3A_48:2 = scf.for %scan3A_69 = %scan3A_44 to %scan3A_46 step %scan3A_47 iter_args(%scan3A_70 = %scan3A_42, %scan3A_71 = %scan3A_43) -> (i32, i32)  : i32 {
      %add3A = arith.addi %scan3A_70, %scan3A_71 : i32
      %shift_right_arithmetic3A_72 = arith.constant 1 : i32
      %shift_right_arithmetic3A_73 = arith.shrsi %add3A, %shift_right_arithmetic3A_72 : i32
      %lt3A_74 = vector.broadcast %shift_right_arithmetic3A_73 : i32 to vector<10000x1xi32>
      %lt3A_75 = arith.cmpi slt, %iota3A, %lt3A_74 : vector<10000x1xi32>
      %and3A_76 = arith.andi %eq3A_41, %lt3A_75 : vector<10000x1xi1>
      %convert_element_type3A_77 = arith.extui %and3A_76 : vector<10000x1xi1> to vector<10000x1xi32>
      %reduce_sum3A_78 = vector.shape_cast %convert_element_type3A_77 : vector<10000x1xi32> to vector<1x10000x1xi32>
      %reduce_sum3A_79 = arith.constant dense<0> : vector<1xi32>
      %reduce_sum3A_80 = vector.multi_reduction <add>, %reduce_sum3A_78, %reduce_sum3A_79 [1, 2] : vector<1x10000x1xi32> to vector<1xi32>
      %reduce_sum3A_81 = vector.shape_cast %reduce_sum3A_80 : vector<1xi32> to vector<1x1x1xi32>
      %reduce_sum3A_82 = vector.extract %reduce_sum3A_81[0, 0, 0] : i32 from vector<1x1x1xi32>
      %ge3A_83 = arith.cmpi sge, %reduce_sum3A_82, %sub3A_40 : i32
      %add3A_84 = arith.constant 1 : i32
      %add3A_85 = arith.addi %shift_right_arithmetic3A_73, %add3A_84 : i32
      %select_n3A_86 = arith.select %ge3A_83, %scan3A_70, %add3A_85 : i32
      %select_n3A_87 = arith.select %ge3A_83, %shift_right_arithmetic3A_73, %scan3A_71 : i32
      scf.yield %select_n3A_86, %select_n3A_87 : i32, i32
    }
    %gt3A_49 = vector.broadcast %scan3A_31#0 : i32 to vector<10000x1xi32>
    %gt3A_50 = arith.cmpi sgt, %select_n3A, %gt3A_49 : vector<10000x1xi32>
    %lt3A = vector.broadcast %scan3A_48#0 : i32 to vector<10000x1xi32>
    %lt3A_51 = arith.cmpi slt, %iota3A, %lt3A : vector<10000x1xi32>
    %and3A_52 = arith.andi %eq3A_41, %lt3A_51 : vector<10000x1xi1>
    %or3A = arith.ori %gt3A_50, %and3A_52 : vector<10000x1xi1>
    %convert_element_type3A_53 = arith.extui %or3A : vector<10000x1xi1> to vector<10000x1xi32>
    %convert_element_type3A_54 = arith.sitofp %convert_element_type3A_53 : vector<10000x1xi32> to vector<10000x1xf32>
    %swap3A = arith.constant 0 : index
    %swap3A_55 = arith.constant 0 : index
    %swap3A_56 = vector.load %arg4[%swap3A, %swap3A_55] : memref<10000x1xf32, #tpu.memory_space<vmem>>, vector<10000x1xf32>
    tpu.vector_store %arg4[%swap3A, %swap3A_55], %convert_element_type3A_54 {strides = array<i32>} : memref<10000x1xf32, #tpu.memory_space<vmem>>, vector<10000x1xf32>,
    %get3A_57 = arith.constant 0 : index
    %get3A_58 = arith.constant 0 : index
    %get3A_59 = vector.load %arg2[%get3A_57, %get3A_58] : memref<10000x128xf32, #tpu.memory_space<vmem>>, vector<10000x128xf32>
    %tanh3A = math.tanh %get3A_1 : vector<10000x1xf32>
    %mul3A = vector.broadcast %tanh3A : vector<10000x1xf32> to vector<10000x128xf32>
    %mul3A_60 = arith.mulf %get3A_59, %mul3A : vector<10000x128xf32>
    %jit3A_61 = arith.constant 0.000000e+00 : f32
    %broadcast_in_dim3A_62 = vector.shape_cast %or3A : vector<10000x1xi1> to vector<10000x1xi1>
    %broadcast_in_dim3A_63 = vector.broadcast %broadcast_in_dim3A_62 : vector<10000x1xi1> to vector<10000x128xi1>
    %broadcast_in_dim3A_64 = vector.broadcast %jit3A_61 : f32 to vector<10000x128xf32>
    %select_n3A_65 = arith.select %broadcast_in_dim3A_63, %mul3A_60, %broadcast_in_dim3A_64 : vector<10000x128xi1>, vector<10000x128xf32>
    %swap3A_66 = arith.constant 0 : index
    %swap3A_67 = arith.constant 0 : index
    %swap3A_68 = vector.load %arg3[%swap3A_66, %swap3A_67] : memref<10000x128xf32, #tpu.memory_space<vmem>>, vector<10000x128xf32>
    tpu.vector_store %arg3[%swap3A_66, %swap3A_67], %select_n3A_65 {strides = array<i32>} : memref<10000x128xf32, #tpu.memory_space<vmem>>, vector<10000x128xf32>,
    return
  }
}

module attributes {stable_mosaic.version = 14 : i64} {
  func.func @_pool_body(%arg0: memref<10000x1xf32, #tpu.memory_space<vmem>>, %arg1: memref<10000x1xf32, #tpu.memory_space<vmem>>, %arg2: memref<10000x128xf32, #tpu.memory_space<vmem>>, %arg3: memref<10000x128xf32, #tpu.memory_space<vmem>>, %arg4: memref<10000x1xf32, #tpu.memory_space<vmem>>) attributes {dimension_semantics = [], scalar_prefetch = 0 : i64, scratch_operands = 0 : i64, tpu.core_type = #tpu.core_type<tc>} {
    %get3A = arith.constant 0 : index
    %get3A_0 = arith.constant 0 : index
    %get3A_1 = vector.load %arg0[%get3A, %get3A_0] : memref<10000x1xf32, #tpu.memory_space<vmem>>, vector<10000x1xf32>
    %get3A_2 = arith.constant 0 : index
    %get3A_3 = arith.constant 0 : index
    %get3A_4 = vector.load %arg1[%get3A_2, %get3A_3] : memref<10000x1xf32, #tpu.memory_space<vmem>>, vector<10000x1xf32>
    %bitcast_convert_type3A = tpu.bitcast %get3A_1 : vector<10000x1xf32> -> vector<10000x1xi32>
    %shift_right_arithmetic3A = arith.constant 31 : i32
    %shift_right_arithmetic3A_5 = vector.broadcast %shift_right_arithmetic3A : i32 to vector<10000x1xi32>
    %shift_right_arithmetic3A_6 = arith.shrsi %bitcast_convert_type3A, %shift_right_arithmetic3A_5 : vector<10000x1xi32>
    %and3A = arith.constant 2147483647 : i32
    %and3A_7 = vector.broadcast %and3A : i32 to vector<10000x1xi32>
    %and3A_8 = arith.andi %shift_right_arithmetic3A_6, %and3A_7 : vector<10000x1xi32>
    %xor3A = arith.xori %bitcast_convert_type3A, %and3A_8 : vector<10000x1xi32>
    %gt3A = arith.constant 0.000000e+00 : f32
    %gt3A_9 = vector.broadcast %gt3A : f32 to vector<10000x1xf32>
    %gt3A_10 = arith.cmpf ogt, %get3A_4, %gt3A_9 : vector<10000x1xf32>
    %jit3A = arith.constant -2147483648 : i32
    %broadcast_in_dim3A = vector.broadcast %jit3A : i32 to vector<10000x1xi32>
    %select_n3A = arith.select %gt3A_10, %xor3A, %broadcast_in_dim3A : vector<10000x1xi1>, vector<10000x1xi32>
    %ge3A = arith.constant 0 : i32
    %ge3A_11 = vector.broadcast %ge3A : i32 to vector<10000x1xi32>
    %ge3A_12 = arith.cmpi sge, %select_n3A, %ge3A_11 : vector<10000x1xi32>
    %convert_element_type3A = arith.extui %ge3A_12 : vector<10000x1xi1> to vector<10000x1xi32>
    %reduce_sum3A = vector.shape_cast %convert_element_type3A : vector<10000x1xi32> to vector<1x10000x1xi32>
    %reduce_sum3A_13 = arith.constant dense<0> : vector<1xi32>
    %reduce_sum3A_14 = vector.multi_reduction <add>, %reduce_sum3A, %reduce_sum3A_13 [1, 2] : vector<1x10000x1xi32> to vector<1xi32>
    %reduce_sum3A_15 = vector.shape_cast %reduce_sum3A_14 : vector<1xi32> to vector<1x1x1xi32>
    %reduce_sum3A_16 = vector.extract %reduce_sum3A_15[0, 0, 0] : i32 from vector<1x1x1xi32>
    %ge3A_17 = arith.constant 2500 : i32
    %ge3A_18 = arith.cmpi sge, %reduce_sum3A_16, %ge3A_17 : i32
    %jit3A_19 = arith.constant 0 : i32
    %jit3A_20 = arith.constant -2147483648 : i32
    %select_n3A_21 = arith.select %ge3A_18, %jit3A_19, %jit3A_20 : i32
    %ge3A_22 = arith.constant 2500 : i32
    %ge3A_23 = arith.cmpi sge, %reduce_sum3A_16, %ge3A_22 : i32
    %jit3A_24 = arith.constant 2147483647 : i32
    %jit3A_25 = arith.constant -1 : i32
    %select_n3A_26 = arith.select %ge3A_23, %jit3A_24, %jit3A_25 : i32
    %scan3A = arith.constant 2500 : i32
    %scan3A_27 = arith.constant 0 : i32
    %scan3A_28 = arith.constant 31 : i32
    %scan3A_29 = arith.addi %scan3A_27, %scan3A_28 : i32
    %scan3A_30 = arith.constant 1 : i32
    %scan3A_31:2 = scf.for %scan3A_69 = %scan3A_27 to %scan3A_29 step %scan3A_30 iter_args(%scan3A_70 = %select_n3A_21, %scan3A_71 = %select_n3A_26) -> (i32, i32)  : i32 {
      %sub3A_72 = arith.subi %scan3A_71, %scan3A_70 : i32
      %shift_right_arithmetic3A_73 = arith.constant 1 : i32
      %shift_right_arithmetic3A_74 = arith.shrsi %sub3A_72, %shift_right_arithmetic3A_73 : i32
      %add3A = arith.addi %scan3A_70, %shift_right_arithmetic3A_74 : i32
      %gt3A_75 = vector.broadcast %add3A : i32 to vector<10000x1xi32>
      %gt3A_76 = arith.cmpi sgt, %select_n3A, %gt3A_75 : vector<10000x1xi32>
      %convert_element_type3A_77 = arith.extui %gt3A_76 : vector<10000x1xi1> to vector<10000x1xi32>
      %reduce_sum3A_78 = vector.shape_cast %convert_element_type3A_77 : vector<10000x1xi32> to vector<1x10000x1xi32>
      %reduce_sum3A_79 = arith.constant dense<0> : vector<1xi32>
      %reduce_sum3A_80 = vector.multi_reduction <add>, %reduce_sum3A_78, %reduce_sum3A_79 [1, 2] : vector<1x10000x1xi32> to vector<1xi32>
      %reduce_sum3A_81 = vector.shape_cast %reduce_sum3A_80 : vector<1xi32> to vector<1x1x1xi32>
      %reduce_sum3A_82 = vector.extract %reduce_sum3A_81[0, 0, 0] : i32 from vector<1x1x1xi32>
      %lt3A_83 = arith.cmpi slt, %reduce_sum3A_82, %scan3A : i32
      %add3A_84 = arith.constant 1 : i32
      %add3A_85 = arith.addi %add3A, %add3A_84 : i32
      %select_n3A_86 = arith.select %lt3A_83, %scan3A_70, %add3A_85 : i32
      %select_n3A_87 = arith.select %lt3A_83, %add3A, %scan3A_71 : i32
      scf.yield %select_n3A_86, %select_n3A_87 : i32, i32
    }
    %gt3A_32 = vector.broadcast %scan3A_31#0 : i32 to vector<10000x1xi32>
    %gt3A_33 = arith.cmpi sgt, %select_n3A, %gt3A_32 : vector<10000x1xi32>
    %convert_element_type3A_34 = arith.extui %gt3A_33 : vector<10000x1xi1> to vector<10000x1xi32>
    %reduce_sum3A_35 = vector.shape_cast %convert_element_type3A_34 : vector<10000x1xi32> to vector<1x10000x1xi32>
    %reduce_sum3A_36 = arith.constant dense<0> : vector<1xi32>
    %reduce_sum3A_37 = vector.multi_reduction <add>, %reduce_sum3A_35, %reduce_sum3A_36 [1, 2] : vector<1x10000x1xi32> to vector<1xi32>
    %reduce_sum3A_38 = vector.shape_cast %reduce_sum3A_37 : vector<1xi32> to vector<1x1x1xi32>
    %reduce_sum3A_39 = vector.extract %reduce_sum3A_38[0, 0, 0] : i32 from vector<1x1x1xi32>
    %sub3A = arith.constant 2500 : i32
    %sub3A_40 = arith.subi %sub3A, %reduce_sum3A_39 : i32
    %eq3A = vector.broadcast %scan3A_31#0 : i32 to vector<10000x1xi32>
    %eq3A_41 = arith.cmpi eq, %select_n3A, %eq3A : vector<10000x1xi32>
    %iota3A = tpu.iota {dimensions = array<i32: 0>} : vector<10000x1xi32>
    %scan3A_42 = arith.constant 0 : i32
    %scan3A_43 = arith.constant 10000 : i32
    %scan3A_44 = arith.constant 0 : i32
    %scan3A_45 = arith.constant 14 : i32
    %scan3A_46 = arith.addi %scan3A_44, %scan3A_45 : i32
    %scan3A_47 = arith.constant 1 : i32
    %scan3A_48:2 = scf.for %scan3A_69 = %scan3A_44 to %scan3A_46 step %scan3A_47 iter_args(%scan3A_70 = %scan3A_42, %scan3A_71 = %scan3A_43) -> (i32, i32)  : i32 {
      %add3A = arith.addi %scan3A_70, %scan3A_71 : i32
      %shift_right_arithmetic3A_72 = arith.constant 1 : i32
      %shift_right_arithmetic3A_73 = arith.shrsi %add3A, %shift_right_arithmetic3A_72 : i32
      %lt3A_74 = vector.broadcast %shift_right_arithmetic3A_73 : i32 to vector<10000x1xi32>
      %lt3A_75 = arith.cmpi slt, %iota3A, %lt3A_74 : vector<10000x1xi32>
      %and3A_76 = arith.andi %eq3A_41, %lt3A_75 : vector<10000x1xi1>
      %convert_element_type3A_77 = arith.extui %and3A_76 : vector<10000x1xi1> to vector<10000x1xi32>
      %reduce_sum3A_78 = vector.shape_cast %convert_element_type3A_77 : vector<10000x1xi32> to vector<1x10000x1xi32>
      %reduce_sum3A_79 = arith.constant dense<0> : vector<1xi32>
      %reduce_sum3A_80 = vector.multi_reduction <add>, %reduce_sum3A_78, %reduce_sum3A_79 [1, 2] : vector<1x10000x1xi32> to vector<1xi32>
      %reduce_sum3A_81 = vector.shape_cast %reduce_sum3A_80 : vector<1xi32> to vector<1x1x1xi32>
      %reduce_sum3A_82 = vector.extract %reduce_sum3A_81[0, 0, 0] : i32 from vector<1x1x1xi32>
      %ge3A_83 = arith.cmpi sge, %reduce_sum3A_82, %sub3A_40 : i32
      %add3A_84 = arith.constant 1 : i32
      %add3A_85 = arith.addi %shift_right_arithmetic3A_73, %add3A_84 : i32
      %select_n3A_86 = arith.select %ge3A_83, %scan3A_70, %add3A_85 : i32
      %select_n3A_87 = arith.select %ge3A_83, %shift_right_arithmetic3A_73, %scan3A_71 : i32
      scf.yield %select_n3A_86, %select_n3A_87 : i32, i32
    }
    %gt3A_49 = vector.broadcast %scan3A_31#0 : i32 to vector<10000x1xi32>
    %gt3A_50 = arith.cmpi sgt, %select_n3A, %gt3A_49 : vector<10000x1xi32>
    %lt3A = vector.broadcast %scan3A_48#0 : i32 to vector<10000x1xi32>
    %lt3A_51 = arith.cmpi slt, %iota3A, %lt3A : vector<10000x1xi32>
    %and3A_52 = arith.andi %eq3A_41, %lt3A_51 : vector<10000x1xi1>
    %or3A = arith.ori %gt3A_50, %and3A_52 : vector<10000x1xi1>
    %convert_element_type3A_53 = arith.extui %or3A : vector<10000x1xi1> to vector<10000x1xi32>
    %convert_element_type3A_54 = arith.sitofp %convert_element_type3A_53 : vector<10000x1xi32> to vector<10000x1xf32>
    %swap3A = arith.constant 0 : index
    %swap3A_55 = arith.constant 0 : index
    %swap3A_56 = vector.load %arg4[%swap3A, %swap3A_55] : memref<10000x1xf32, #tpu.memory_space<vmem>>, vector<10000x1xf32>
    tpu.vector_store %arg4[%swap3A, %swap3A_55], %convert_element_type3A_54 {strides = array<i32>} : memref<10000x1xf32, #tpu.memory_space<vmem>>, vector<10000x1xf32>,
    %get3A_57 = arith.constant 0 : index
    %get3A_58 = arith.constant 0 : index
    %get3A_59 = vector.load %arg2[%get3A_57, %get3A_58] : memref<10000x128xf32, #tpu.memory_space<vmem>>, vector<10000x128xf32>
    %tanh3A = math.tanh %get3A_1 : vector<10000x1xf32>
    %mul3A = vector.broadcast %tanh3A : vector<10000x1xf32> to vector<10000x128xf32>
    %mul3A_60 = arith.mulf %get3A_59, %mul3A : vector<10000x128xf32>
    %jit3A_61 = arith.constant 0.000000e+00 : f32
    %broadcast_in_dim3A_62 = vector.shape_cast %or3A : vector<10000x1xi1> to vector<10000x1xi1>
    %broadcast_in_dim3A_63 = vector.broadcast %broadcast_in_dim3A_62 : vector<10000x1xi1> to vector<10000x128xi1>
    %broadcast_in_dim3A_64 = vector.broadcast %jit3A_61 : f32 to vector<10000x128xf32>
    %select_n3A_65 = arith.select %broadcast_in_dim3A_63, %mul3A_60, %broadcast_in_dim3A_64 : vector<10000x128xi1>, vector<10000x128xf32>
    %swap3A_66 = arith.constant 0 : index
    %swap3A_67 = arith.constant 0 : index
    %swap3A_68 = vector.load %arg3[%swap3A_66, %swap3A_67] : memref<10000x128xf32, #tpu.memory_space<vmem>>, vector<10000x128xf32>
    tpu.vector_store %arg3[%swap3A_66, %swap3A_67], %select_n3A_65 {strides = array<i32>} : memref<10000x128xf32, #tpu.memory_space<vmem>>, vector<10000x128xf32>,
    return
  }
}

module attributes {stable_mosaic.version = 14 : i64} {
  func.func @_readout_body(%arg0: memref<10000x128xf32, #tpu.memory_space<vmem>>, %arg1: memref<10000x1xi32, #tpu.memory_space<vmem>>, %arg2: memref<10000x1xf32, #tpu.memory_space<vmem>>, %arg3: memref<16x256xf32, #tpu.memory_space<vmem>>) attributes {dimension_semantics = [], scalar_prefetch = 0 : i64, scratch_operands = 0 : i64, tpu.core_type = #tpu.core_type<tc>} {
    %get3A = arith.constant 0 : index
    %get3A_0 = arith.constant 0 : index
    %get3A_1 = vector.load %arg0[%get3A, %get3A_0] : memref<10000x128xf32, #tpu.memory_space<vmem>>, vector<10000x128xf32>
    %get3A_2 = arith.constant 0 : index
    %get3A_3 = arith.constant 0 : index
    %get3A_4 = vector.load %arg1[%get3A_2, %get3A_3] : memref<10000x1xi32, #tpu.memory_space<vmem>>, vector<10000x1xi32>
    %get3A_5 = arith.constant 0 : index
    %get3A_6 = arith.constant 0 : index
    %get3A_7 = vector.load %arg2[%get3A_5, %get3A_6] : memref<10000x1xf32, #tpu.memory_space<vmem>>, vector<10000x1xf32>
    %gt3A = arith.constant 0.000000e+00 : f32
    %gt3A_8 = vector.broadcast %gt3A : f32 to vector<10000x1xf32>
    %gt3A_9 = arith.cmpf ogt, %get3A_7, %gt3A_8 : vector<10000x1xf32>
    %iota3A = tpu.iota {dimensions = array<i32: 1>} : vector<10000x16xi32>
    %eq3A = vector.broadcast %get3A_4 : vector<10000x1xi32> to vector<10000x16xi32>
    %eq3A_10 = arith.cmpi eq, %eq3A, %iota3A : vector<10000x16xi32>
    %and3A = vector.broadcast %gt3A_9 : vector<10000x1xi1> to vector<10000x16xi1>
    %and3A_11 = arith.andi %eq3A_10, %and3A : vector<10000x16xi1>
    %convert_element_type3A = arith.extui %and3A_11 : vector<10000x16xi1> to vector<10000x16xi32>
    %convert_element_type3A_12 = arith.sitofp %convert_element_type3A : vector<10000x16xi32> to vector<10000x16xf32>
    %reduce_sum3A = arith.constant dense<0.000000e+00> : vector<16xf32>
    %reduce_sum3A_13 = vector.multi_reduction <add>, %convert_element_type3A_12, %reduce_sum3A [0] : vector<10000x16xf32> to vector<16xf32>
    %dot_general3A = arith.constant dense<0.000000e+00> : vector<16x128xf32>
    %dot_general3A_14 = tpu.matmul %convert_element_type3A_12, %get3A_1, %dot_general3A {dimension_numbers = #tpu.dot_dimension_numbers<[0], [0], [1], [1], [0, 1, 1, 1], [], []>, transpose_lhs_hint = false} : vector<10000x16xf32>, vector<10000x128xf32>, vector<16x128xf32> -> vector<16x128xf32>
    %max3A = arith.constant 1.000000e+00 : f32
    %max3A_15 = vector.broadcast %max3A : f32 to vector<16xf32>
    %max3A_16 = arith.maximumf %reduce_sum3A_13, %max3A_15 : vector<16xf32>
    %broadcast_in_dim3A = vector.shape_cast %max3A_16 : vector<16xf32> to vector<16x1xf32>
    %div3A = vector.broadcast %broadcast_in_dim3A : vector<16x1xf32> to vector<16x128xf32>
    %div3A_17 = arith.divf %dot_general3A_14, %div3A : vector<16x128xf32>
    %iota3A_18 = tpu.iota {dimensions = array<i32: 0>} : vector<16x1xi32>
    %broadcast_in_dim3A_19 = arith.constant 0.000000e+00 : f32
    %broadcast_in_dim3A_20 = vector.broadcast %broadcast_in_dim3A_19 : f32 to vector<16x128xf32>
    %scan3A = arith.constant -3.000000e+38 : f32
    %scan3A_21 = arith.constant 0 : i32
    %scan3A_22 = arith.constant 16 : i32
    %scan3A_23 = arith.addi %scan3A_21, %scan3A_22 : i32
    %scan3A_24 = arith.constant 1 : i32
    %scan3A_25 = scf.for %scan3A_39 = %scan3A_21 to %scan3A_23 step %scan3A_24 iter_args(%scan3A_40 = %broadcast_in_dim3A_20) -> (vector<16x128xf32>)  : i32 {
      %eq3A_41 = vector.broadcast %scan3A_39 : i32 to vector<10000x1xi32>
      %eq3A_42 = arith.cmpi eq, %get3A_4, %eq3A_41 : vector<10000x1xi32>
      %and3A_43 = arith.andi %eq3A_42, %gt3A_9 : vector<10000x1xi1>
      %broadcast_in_dim3A_44 = vector.shape_cast %and3A_43 : vector<10000x1xi1> to vector<10000x1xi1>
      %broadcast_in_dim3A_45 = vector.broadcast %broadcast_in_dim3A_44 : vector<10000x1xi1> to vector<10000x128xi1>
      %broadcast_in_dim3A_46 = vector.broadcast %scan3A : f32 to vector<10000x128xf32>
      %select_n3A_47 = arith.select %broadcast_in_dim3A_45, %get3A_1, %broadcast_in_dim3A_46 : vector<10000x128xi1>, vector<10000x128xf32>
      %reduce_max3A = arith.constant dense<0xFF800000> : vector<128xf32>
      %reduce_max3A_48 = vector.multi_reduction <maximumf>, %select_n3A_47, %reduce_max3A [0] : vector<10000x128xf32> to vector<128xf32>
      %eq3A_49 = vector.broadcast %scan3A_39 : i32 to vector<16x1xi32>
      %eq3A_50 = arith.cmpi eq, %iota3A_18, %eq3A_49 : vector<16x1xi32>
      %broadcast_in_dim3A_51 = vector.shape_cast %reduce_max3A_48 : vector<128xf32> to vector<1x128xf32>
      %broadcast_in_dim3A_52 = vector.shape_cast %eq3A_50 : vector<16x1xi1> to vector<16x1xi1>
      %broadcast_in_dim3A_53 = vector.broadcast %broadcast_in_dim3A_52 : vector<16x1xi1> to vector<16x128xi1>
      %broadcast_in_dim3A_54 = vector.shape_cast %broadcast_in_dim3A_51 : vector<1x128xf32> to vector<1x128xf32>
      %broadcast_in_dim3A_55 = vector.broadcast %broadcast_in_dim3A_54 : vector<1x128xf32> to vector<16x128xf32>
      %select_n3A_56 = arith.select %broadcast_in_dim3A_53, %broadcast_in_dim3A_55, %scan3A_40 : vector<16x128xi1>, vector<16x128xf32>
      scf.yield %select_n3A_56 : vector<16x128xf32>
    }
    %scan3A_26 = arith.constant 16 : i32
    %broadcast_in_dim3A_27 = vector.shape_cast %reduce_sum3A_13 : vector<16xf32> to vector<16x1xf32>
    %gt3A_28 = arith.constant 0.000000e+00 : f32
    %gt3A_29 = vector.broadcast %gt3A_28 : f32 to vector<16x1xf32>
    %gt3A_30 = arith.cmpf ogt, %broadcast_in_dim3A_27, %gt3A_29 : vector<16x1xf32>
    %jit3A = arith.constant 0.000000e+00 : f32
    %broadcast_in_dim3A_31 = vector.shape_cast %gt3A_30 : vector<16x1xi1> to vector<16x1xi1>
    %broadcast_in_dim3A_32 = vector.broadcast %broadcast_in_dim3A_31 : vector<16x1xi1> to vector<16x128xi1>
    %broadcast_in_dim3A_33 = vector.broadcast %jit3A : f32 to vector<16x128xf32>
    %select_n3A = arith.select %broadcast_in_dim3A_32, %scan3A_25, %broadcast_in_dim3A_33 : vector<16x128xi1>, vector<16x128xf32>
    %swap3A = arith.constant 0 : index
    %swap3A_34 = arith.constant 0 : index
    %swap3A_35 = vector.load %arg3[%swap3A, %swap3A_34] : memref<16x256xf32, #tpu.memory_space<vmem>>, vector<16x128xf32>
    tpu.vector_store %arg3[%swap3A, %swap3A_34], %select_n3A {strides = array<i32>} : memref<16x256xf32, #tpu.memory_space<vmem>>, vector<16x128xf32>,
    %swap3A_36 = arith.constant 0 : index
    %swap3A_37 = arith.constant 128 : index
    %swap3A_38 = vector.load %arg3[%swap3A_36, %swap3A_37] : memref<16x256xf32, #tpu.memory_space<vmem>>, vector<16x128xf32>
    tpu.vector_store %arg3[%swap3A_36, %swap3A_37], %div3A_17 {strides = array<i32>} : memref<16x256xf32, #tpu.memory_space<vmem>>, vector<16x128xf32>,
    return
  }
}

module attributes {stable_mosaic.version = 14 : i64} {
  func.func @_post_body(%arg0: i32, %arg1: memref<2x2000x128xf32, #tpu.memory_space<vmem>>, %arg2: memref<2000x128xf32, #tpu.memory_space<vmem>>, %arg3: memref<2000x1xf32, #tpu.memory_space<vmem>>, %arg4: memref<128x1xf32, #tpu.memory_space<vmem>>, %arg5: memref<2000x128xf32, #tpu.memory_space<vmem>>, %arg6: memref<2000x1xf32, #tpu.memory_space<vmem>>) attributes {dimension_semantics = [#tpu.dimension_semantics<arbitrary>], iteration_bounds = array<i64: 5>, scalar_prefetch = 0 : i64, scratch_operands = 0 : i64, tpu.core_type = #tpu.core_type<tc>, window_params = [{transform_indices = @transform_0, window_bounds = array<i64: 2, 2000, 128>}, {transform_indices = @transform_1, window_bounds = array<i64: 2000, 128>}, {transform_indices = @transform_2, window_bounds = array<i64: 2000, 1>}, {pipeline_mode = #tpu.pipeline_mode<synchronous>, transform_indices = @transform_3, window_bounds = array<i64: 128, 1>}, {transform_indices = @transform_4, window_bounds = array<i64: 2000, 128>}, {transform_indices = @transform_5, window_bounds = array<i64: 2000, 1>}]} {
    %get3A = arith.constant 0 : index
    %get3A_0 = arith.constant 0 : index
    %get3A_1 = arith.constant 0 : index
    %get3A_2 = vector.load %arg1[%get3A, %get3A_0, %get3A_1] : memref<2x2000x128xf32, #tpu.memory_space<vmem>>, vector<1x2000x128xf32>
    %get3A_3 = vector.shape_cast %get3A_2 : vector<1x2000x128xf32> to vector<2000x128xf32>
    %get3A_4 = arith.constant 1 : index
    %get3A_5 = arith.constant 0 : index
    %get3A_6 = arith.constant 0 : index
    %get3A_7 = vector.load %arg1[%get3A_4, %get3A_5, %get3A_6] : memref<2x2000x128xf32, #tpu.memory_space<vmem>>, vector<1x2000x128xf32>
    %get3A_8 = vector.shape_cast %get3A_7 : vector<1x2000x128xf32> to vector<2000x128xf32>
    %add3A = arith.addf %get3A_3, %get3A_8 : vector<2000x128xf32>
    %get3A_9 = arith.constant 0 : index
    %get3A_10 = arith.constant 0 : index
    %get3A_11 = vector.load %arg2[%get3A_9, %get3A_10] : memref<2000x128xf32, #tpu.memory_space<vmem>>, vector<2000x128xf32>
    %add3A_12 = arith.addf %add3A, %get3A_11 : vector<2000x128xf32>
    %get3A_13 = arith.constant 0 : index
    %get3A_14 = arith.constant 0 : index
    %get3A_15 = vector.load %arg3[%get3A_13, %get3A_14] : memref<2000x1xf32, #tpu.memory_space<vmem>>, vector<2000x1xf32>
    %mul3A = vector.broadcast %get3A_15 : vector<2000x1xf32> to vector<2000x128xf32>
    %mul3A_16 = arith.mulf %add3A_12, %mul3A : vector<2000x128xf32>
    %get3A_17 = arith.constant 0 : index
    %get3A_18 = arith.constant 0 : index
    %get3A_19 = vector.load %arg4[%get3A_17, %get3A_18] : memref<128x1xf32, #tpu.memory_space<vmem>>, vector<128x1xf32>
    %dot_general3A = arith.constant dense<0.000000e+00> : vector<2000x1xf32>
    %dot_general3A_20 = tpu.matmul %mul3A_16, %get3A_19, %dot_general3A {dimension_numbers = #tpu.dot_dimension_numbers<[1], [0], [0], [1], [0, 0, 1, 1], [], []>, transpose_lhs_hint = false} : vector<2000x128xf32>, vector<128x1xf32>, vector<2000x1xf32> -> vector<2000x1xf32>
    %tanh3A = math.tanh %dot_general3A_20 : vector<2000x1xf32>
    %swap3A = arith.constant 0 : index
    %swap3A_21 = arith.constant 0 : index
    %swap3A_22 = vector.load %arg6[%swap3A, %swap3A_21] : memref<2000x1xf32, #tpu.memory_space<vmem>>, vector<2000x1xf32>
    tpu.vector_store %arg6[%swap3A, %swap3A_21], %tanh3A {strides = array<i32>} : memref<2000x1xf32, #tpu.memory_space<vmem>>, vector<2000x1xf32>,
    %max3A = arith.constant 0.000000e+00 : f32
    %max3A_23 = vector.broadcast %max3A : f32 to vector<2000x128xf32>
    %max3A_24 = arith.maximumf %mul3A_16, %max3A_23 : vector<2000x128xf32>
    %swap3A_25 = arith.constant 0 : index
    %swap3A_26 = arith.constant 0 : index
    %swap3A_27 = vector.load %arg5[%swap3A_25, %swap3A_26] : memref<2000x128xf32, #tpu.memory_space<vmem>>, vector<2000x128xf32>
    tpu.vector_store %arg5[%swap3A_25, %swap3A_26], %max3A_24 {strides = array<i32>} : memref<2000x128xf32, #tpu.memory_space<vmem>>, vector<2000x128xf32>,
    return
  }
  func.func @transform_0(%arg0: i32) -> (i32, i32, i32) {
    %c0_i32 = arith.constant 0 : i32
    %c0_i32_0 = arith.constant 0 : i32
    %c0_i32_1 = arith.constant 0 : i32
    return %c0_i32, %arg0, %c0_i32_0 : i32, i32, i32
  }
  func.func @transform_1(%arg0: i32) -> (i32, i32) {
    %c0_i32 = arith.constant 0 : i32
    %c0_i32_0 = arith.constant 0 : i32
    return %arg0, %c0_i32 : i32, i32
  }
  func.func @transform_2(%arg0: i32) -> (i32, i32) {
    %c0_i32 = arith.constant 0 : i32
    %c0_i32_0 = arith.constant 0 : i32
    return %arg0, %c0_i32 : i32, i32
  }
  func.func @transform_3(%arg0: i32) -> (i32, i32) {
    %c0_i32 = arith.constant 0 : i32
    %c0_i32_0 = arith.constant 0 : i32
    %c0_i32_1 = arith.constant 0 : i32
    return %c0_i32, %c0_i32_0 : i32, i32
  }
  func.func @transform_4(%arg0: i32) -> (i32, i32) {
    %c0_i32 = arith.constant 0 : i32
    %c0_i32_0 = arith.constant 0 : i32
    return %arg0, %c0_i32 : i32, i32
  }
  func.func @transform_5(%arg0: i32) -> (i32, i32) {
    %c0_i32 = arith.constant 0 : i32
    %c0_i32_0 = arith.constant 0 : i32
    return %arg0, %c0_i32 : i32, i32
  }
}

module attributes {stable_mosaic.version = 14 : i64} {
  func.func @_mlp_body(%arg0: memref<16x256xf32, #tpu.memory_space<vmem>>, %arg1: memref<16x256xf32, #tpu.memory_space<vmem>>, %arg2: memref<16x256xf32, #tpu.memory_space<vmem>>, %arg3: memref<256x128xf32, #tpu.memory_space<vmem>>, %arg4: memref<128xf32, #tpu.memory_space<vmem>>, %arg5: memref<128x64xf32, #tpu.memory_space<vmem>>, %arg6: memref<64xf32, #tpu.memory_space<vmem>>, %arg7: memref<64x10xf32, #tpu.memory_space<vmem>>, %arg8: memref<10xf32, #tpu.memory_space<vmem>>, %arg9: memref<16x10xf32, #tpu.memory_space<vmem>>) attributes {dimension_semantics = [], scalar_prefetch = 0 : i64, scratch_operands = 0 : i64, tpu.core_type = #tpu.core_type<tc>} {
    %get3A = arith.constant 0 : index
    %get3A_0 = arith.constant 0 : index
    %get3A_1 = vector.load %arg0[%get3A, %get3A_0] : memref<16x256xf32, #tpu.memory_space<vmem>>, vector<16x256xf32>
    %max3A = arith.constant 0.000000e+00 : f32
    %max3A_2 = vector.broadcast %max3A : f32 to vector<16x256xf32>
    %max3A_3 = arith.maximumf %get3A_1, %max3A_2 : vector<16x256xf32>
    %get3A_4 = arith.constant 0 : index
    %get3A_5 = arith.constant 0 : index
    %get3A_6 = vector.load %arg1[%get3A_4, %get3A_5] : memref<16x256xf32, #tpu.memory_space<vmem>>, vector<16x256xf32>
    %max3A_7 = arith.constant 0.000000e+00 : f32
    %max3A_8 = vector.broadcast %max3A_7 : f32 to vector<16x256xf32>
    %max3A_9 = arith.maximumf %get3A_6, %max3A_8 : vector<16x256xf32>
    %add3A = arith.addf %max3A_3, %max3A_9 : vector<16x256xf32>
    %get3A_10 = arith.constant 0 : index
    %get3A_11 = arith.constant 0 : index
    %get3A_12 = vector.load %arg2[%get3A_10, %get3A_11] : memref<16x256xf32, #tpu.memory_space<vmem>>, vector<16x256xf32>
    %max3A_13 = arith.constant 0.000000e+00 : f32
    %max3A_14 = vector.broadcast %max3A_13 : f32 to vector<16x256xf32>
    %max3A_15 = arith.maximumf %get3A_12, %max3A_14 : vector<16x256xf32>
    %add3A_16 = arith.addf %add3A, %max3A_15 : vector<16x256xf32>
    %get3A_17 = arith.constant 0 : index
    %get3A_18 = arith.constant 0 : index
    %get3A_19 = vector.load %arg3[%get3A_17, %get3A_18] : memref<256x128xf32, #tpu.memory_space<vmem>>, vector<256x128xf32>
    %dot_general3A = arith.constant dense<0.000000e+00> : vector<16x128xf32>
    %dot_general3A_20 = tpu.matmul %add3A_16, %get3A_19, %dot_general3A {dimension_numbers = #tpu.dot_dimension_numbers<[1], [0], [0], [1], [0, 0, 1, 1], [], []>, transpose_lhs_hint = false} : vector<16x256xf32>, vector<256x128xf32>, vector<16x128xf32> -> vector<16x128xf32>
    %get3A_21 = arith.constant 0 : index
    %get3A_22 = vector.load %arg4[%get3A_21] : memref<128xf32, #tpu.memory_space<vmem>>, vector<128xf32>
    %broadcast_in_dim3A = vector.shape_cast %get3A_22 : vector<128xf32> to vector<1x128xf32>
    %add3A_23 = vector.broadcast %broadcast_in_dim3A : vector<1x128xf32> to vector<16x128xf32>
    %add3A_24 = arith.addf %dot_general3A_20, %add3A_23 : vector<16x128xf32>
    %max3A_25 = arith.constant 0.000000e+00 : f32
    %max3A_26 = vector.broadcast %max3A_25 : f32 to vector<16x128xf32>
    %max3A_27 = arith.maximumf %add3A_24, %max3A_26 : vector<16x128xf32>
    %get3A_28 = arith.constant 0 : index
    %get3A_29 = arith.constant 0 : index
    %get3A_30 = vector.load %arg5[%get3A_28, %get3A_29] : memref<128x64xf32, #tpu.memory_space<vmem>>, vector<128x64xf32>
    %dot_general3A_31 = arith.constant dense<0.000000e+00> : vector<16x64xf32>
    %dot_general3A_32 = tpu.matmul %max3A_27, %get3A_30, %dot_general3A_31 {dimension_numbers = #tpu.dot_dimension_numbers<[1], [0], [0], [1], [0, 0, 1, 1], [], []>, transpose_lhs_hint = false} : vector<16x128xf32>, vector<128x64xf32>, vector<16x64xf32> -> vector<16x64xf32>
    %get3A_33 = arith.constant 0 : index
    %get3A_34 = vector.load %arg6[%get3A_33] : memref<64xf32, #tpu.memory_space<vmem>>, vector<64xf32>
    %broadcast_in_dim3A_35 = vector.shape_cast %get3A_34 : vector<64xf32> to vector<1x64xf32>
    %add3A_36 = vector.broadcast %broadcast_in_dim3A_35 : vector<1x64xf32> to vector<16x64xf32>
    %add3A_37 = arith.addf %dot_general3A_32, %add3A_36 : vector<16x64xf32>
    %max3A_38 = arith.constant 0.000000e+00 : f32
    %max3A_39 = vector.broadcast %max3A_38 : f32 to vector<16x64xf32>
    %max3A_40 = arith.maximumf %add3A_37, %max3A_39 : vector<16x64xf32>
    %get3A_41 = arith.constant 0 : index
    %get3A_42 = arith.constant 0 : index
    %get3A_43 = vector.load %arg7[%get3A_41, %get3A_42] : memref<64x10xf32, #tpu.memory_space<vmem>>, vector<64x10xf32>
    %dot_general3A_44 = arith.constant dense<0.000000e+00> : vector<16x10xf32>
    %dot_general3A_45 = tpu.matmul %max3A_40, %get3A_43, %dot_general3A_44 {dimension_numbers = #tpu.dot_dimension_numbers<[1], [0], [0], [1], [0, 0, 1, 1], [], []>, transpose_lhs_hint = false} : vector<16x64xf32>, vector<64x10xf32>, vector<16x10xf32> -> vector<16x10xf32>
    %get3A_46 = arith.constant 0 : index
    %get3A_47 = vector.load %arg8[%get3A_46] : memref<10xf32, #tpu.memory_space<vmem>>, vector<10xf32>
    %broadcast_in_dim3A_48 = vector.shape_cast %get3A_47 : vector<10xf32> to vector<1x10xf32>
    %add3A_49 = vector.broadcast %broadcast_in_dim3A_48 : vector<1x10xf32> to vector<16x10xf32>
    %add3A_50 = arith.addf %dot_general3A_45, %add3A_49 : vector<16x10xf32>
    %reduce_max3A = arith.constant dense<0xFF800000> : vector<16xf32>
    %reduce_max3A_51 = vector.multi_reduction <maximumf>, %add3A_50, %reduce_max3A [1] : vector<16x10xf32> to vector<16xf32>
    %broadcast_in_dim3A_52 = vector.shape_cast %reduce_max3A_51 : vector<16xf32> to vector<16x1xf32>
    %sub3A = vector.broadcast %broadcast_in_dim3A_52 : vector<16x1xf32> to vector<16x10xf32>
    %sub3A_53 = arith.subf %add3A_50, %sub3A : vector<16x10xf32>
    %exp3A = math.exp %sub3A_53 : vector<16x10xf32>
    %reduce_sum3A = arith.constant dense<0.000000e+00> : vector<16xf32>
    %reduce_sum3A_54 = vector.multi_reduction <add>, %exp3A, %reduce_sum3A [1] : vector<16x10xf32> to vector<16xf32>
    %broadcast_in_dim3A_55 = vector.shape_cast %reduce_sum3A_54 : vector<16xf32> to vector<16x1xf32>
    %log3A = math.log %broadcast_in_dim3A_55 : vector<16x1xf32>
    %add3A_56 = arith.addf %log3A, %broadcast_in_dim3A_52 : vector<16x1xf32>
    %sub3A_57 = vector.broadcast %add3A_56 : vector<16x1xf32> to vector<16x10xf32>
    %sub3A_58 = arith.subf %add3A_50, %sub3A_57 : vector<16x10xf32>
    %swap3A = arith.constant 0 : index
    %swap3A_59 = arith.constant 0 : index
    %swap3A_60 = vector.load %arg9[%swap3A, %swap3A_59] : memref<16x10xf32, #tpu.memory_space<vmem>>, vector<16x10xf32>
    tpu.vector_store %arg9[%swap3A, %swap3A_59], %sub3A_58 {strides = array<i32>} : memref<16x10xf32, #tpu.memory_space<vmem>>, vector<16x10xf32>,
    return
  }
}

</mosaic_0001>

<sc_bundles>
// kernel: kernel.23.cloned.1.call-start
scs
__scs_entry_jumppad:
0x0: {  	(pc) =	sbr.rel $0x88, $3  }
0x1: {  	(tag) =	ssettag $0x0;
	lr =	simm.s32 $0x1  }
0x2: {  	[smem:$0x3F8F] =	sst lr;
	_ =	strace $0xD0000000  }
0x3: {  	_ = 	snop  }
0x4: {  	_ = 	snop  }
0x5: {  	_ = 	snop  }
0x6: {  	_ = 	snop  }
0x7: {  	_ = 	snop  }
__scs_overlays_trampoline_lowered:
0x8: {  	[smem:$0x3F9E] =	sst s0  }
0x9: {  	[smem:$0x3F9F] =	sst s1  }
0xa: {  	[smem:$0x3FA0] =	sst s2  }
0xb: {  	[smem:$0x3FA1] =	sst s3  }
0xc: {  	[smem:$0x3FA2] =	sst s4  }
0xd: {  	[smem:$0x3FA3] =	sst s5  }
0xe: {  	[smem:$0x3FA4] =	sst s6  }
0xf: {  	[smem:$0x3FA5] =	sst s7  }
0x10: {  	[smem:$0x3FA6] =	sst s8  }
0x11: {  	[smem:$0x3FA7] =	sst s9;
	s0 =	simm.s32 @!p0 $0x0  }
0x12: {  	s1 =	sld [smem:$0x3F8D];
	s0 =	simm.s32 @p0 $0x1  }
0x13: {  	[smem:$0x3FA8] =	sst s0;
	s0 =	simm.s32 @!p1 $0x0  }
0x14: {  	s2 =	sld [smem:$0x3F8C];
	s0 =	simm.s32 @p1 $0x1  }
0x15: {  	[smem:$0x3FA9] =	sst s0;
	s0 =	simm.s32 @!p2 $0x0  }
0x16: {  	s3 =	sld [smem:$0x3FDB];
	s0 =	simm.s32 @p2 $0x1  }
0x17: {  	s4 =	simm.s32 $0x1BF5;
	[smem:$0x3FAB] =	sst s0  }
0x18: {  	s0 =	sld [smem:$0x3F8E];
	_ =	swait.ge [sflag:s4], $0x0  }
0x19: {  	s7 =	sld [smem:$0x3F8F]  }
0x1a: {  	s8 =	sadd.s32 $0xFFFFE003, lr  }
0x1b: {  	s9 =	sadd.s32 $0xFFFFFEF7, lr;
	s5 =	simm.s32 $0xFFFFFFFF;
	p2 =	slt.u32 s8, $0xFFFFF086  }
0x1c: {  	p1 =	slt.u32 s9, $0xF7A;
	s5 =	simm.s32 @!p2 $0x0  }
0x1d: {  	s5 =	simm.s32 @p1 $0x1;
	p0 =	seq.s32 s7, s2  }
0x1e: {  	s7 =	smul.u32 @!p0 $0xF7A, s2;
	p2 =	seq.s32 @!p0 s5, $0x0  }
0x1f: {  	s9 =	smul.u32 $0xF7A, s1;
	s8 =	simm.s32 @!p0 $0x1BF5;
	p2 =	por !p2, p0  }
0x20: {  	[sflag:s8] =	ssyncset.s32 @!p0 $0xFFFFF086;
	s6 =	sadd.s32 @!p0 s3, s7;
	s7 =	simm.s32 @!p0 $0x108  }
0x21: {  	s3 =	sadd.s32 s3, s9;
	s6 =	sadd.s32 @!p0 $0x88, s6;
	s7 =	simm.s32 @p2 $0x1082  }
0x22: {  	[simem:s7], [sflag:s8] =	dma.local @!p0 [hbm:s6], $0xF7A  }
0x23: {  	s9 =	sor.u32 $0xD0000000, s2;
	s6 =	simm.s32 $0x108;
	_ =	swait.ge @!p0 [sflag:s8], $0x0  }
0x24: {  	s3 =	sadd.s32 $0x88, s3;
	s6 =	simm.s32 @!p1 $0x1082;
	[sflag:s4] =	ssyncset.s32 $0xFFFFF086  }
0x25: {  	[simem:s6], [sflag:s4] =	dma.local [hbm:s3], $0xF7A  }
0x26: {  	[smem:$0x3F8F] =	sst s1;
	(tag) =	ssettag s2;
	_ =	strace s9  }
0x27: {  	s1 =	sld [smem:$0x3F9F]  }
0x28: {  	s2 =	sld [smem:$0x3FA0]  }
0x29: {  	s4 =	sld [smem:$0x3FA2]  }
0x2a: {  	p0 =	seq.s32 s5, $0x0;
	s5 =	sld [smem:$0x3FA3]  }
0x2b: {  	s6 =	sld [smem:$0x3FA4]  }
0x2c: {  	s7 =	sld [smem:$0x3FA5]  }
0x2d: {  	s3 =	simm.s32 $0x108;
	s8 =	sld [smem:$0x3FA6]  }
0x2e: {  	s3 =	simm.s32 @!p0 $0x1082;
	s9 =	sld [smem:$0x3FA7]  }
0x2f: {  	lr =	sadd.s32 s0, s3;
	s0 =	sld [smem:$0x3F9E]  }
0x30: {  	s3 =	sld [smem:$0x3FA1]  }
0x31: {  	[smem:$0x3FAA] =	sst s10  }
0x32: {  	s10 =	sld [smem:$0x3FA8];
	_ =	sdelay $0x3  }
0x33: {  	p0 =	seq.s32 s10, $0x1;
	s10 =	sld [smem:$0x3FAA];
	_ =	sdelay $0x3  }
0x34: {  	[smem:$0x3FAA] =	sst s10  }
0x35: {  	s10 =	sld [smem:$0x3FA9];
	_ =	sdelay $0x3  }
0x36: {  	p1 =	seq.s32 s10, $0x1;
	s10 =	sld [smem:$0x3FAA];
	_ =	sdelay $0x3  }
0x37: {  	[smem:$0x3FAA] =	sst s10  }
0x38: {  	s10 =	sld [smem:$0x3FAB]  }
0x39: {  	_ = 	snop;
	(pc) =	sbr.ind lr, $3  }
0x3a: {  	_ = 	snop  }
0x3b: {  	_ = 	snop  }
0x3c: {  	p2 =	seq.s32 s10, $0x1;
	s10 =	sld [smem:$0x3FAA]  }
0x3d: {  	_ =	shalt  }
0x3e: {  	_ =	shalt  }
0x3f: {  	_ =	shalt  }
0x40: {  	_ =	shalt  }
0x41: {  	_ =	shalt  }
0x42: {  	_ =	shalt  }
0x43: {  	_ =	shalt  }
0x44: {  	_ =	shalt  }
0x45: {  	_ =	shalt  }
0x46: {  	_ =	shalt  }
0x47: {  	_ =	shalt  }
0x48: {  	_ =	shalt  }
0x49: {  	_ =	shalt  }
0x4a: {  	_ =	shalt  }
0x4b: {  	_ =	shalt  }
0x4c: {  	_ =	shalt  }
0x4d: {  	_ =	shalt  }
0x4e: {  	_ =	shalt  }
0x4f: {  	_ =	shalt  }
0x50: {  	_ =	shalt  }
0x51: {  	_ =	shalt  }
0x52: {  	_ =	shalt  }
0x53: {  	_ =	shalt  }
0x54: {  	_ =	shalt  }
0x55: {  	_ =	shalt  }
0x56: {  	_ =	shalt  }
0x57: {  	_ =	shalt  }
0x58: {  	_ =	shalt  }
0x59: {  	_ =	shalt  }
0x5a: {  	_ =	shalt  }
0x5b: {  	_ =	shalt  }
0x5c: {  	_ =	shalt  }
0x5d: {  	_ =	shalt  }
0x5e: {  	_ =	shalt  }
0x5f: {  	_ =	shalt  }
0x60: {  	_ =	shalt  }
0x61: {  	_ =	shalt  }
0x62: {  	_ =	shalt  }
0x63: {  	_ =	shalt  }
0x64: {  	_ =	shalt  }
0x65: {  	_ =	shalt  }
0x66: {  	_ =	shalt  }
0x67: {  	_ =	shalt  }
0x68: {  	_ =	shalt  }
0x69: {  	_ =	shalt  }
0x6a: {  	_ =	shalt  }
0x6b: {  	_ =	shalt  }
0x6c: {  	_ =	shalt  }
0x6d: {  	_ =	shalt  }
0x6e: {  	_ =	shalt  }
0x6f: {  	_ =	shalt  }
0x70: {  	_ =	shalt  }
0x71: {  	_ =	shalt  }
0x72: {  	_ =	shalt  }
0x73: {  	_ =	shalt  }
0x74: {  	_ =	shalt  }
0x75: {  	_ =	shalt  }
0x76: {  	_ =	shalt  }
0x77: {  	_ =	shalt  }
0x78: {  	_ =	shalt  }
0x79: {  	_ =	shalt  }
0x7a: {  	_ =	shalt  }
0x7b: {  	_ =	shalt  }
0x7c: {  	_ =	shalt  }
0x7d: {  	_ =	shalt  }
0x7e: {  	_ =	shalt  }
0x7f: {  	_ =	shalt  }
0x80: {  	_ =	shalt  }
0x81: {  	_ =	shalt  }
0x82: {  	_ =	shalt  }
0x83: {  	_ =	shalt  }
0x84: {  	_ =	shalt  }
0x85: {  	_ =	shalt  }
0x86: {  	_ =	shalt  }
0x87: {  	_ =	shalt  }
.Lfunc_end0:
.L_simem_size_0:
called_computation_lowered:
.L_overlay_start_0:
0x88: {  	s2 =	sld [smem:$0x3FD9]  }
0x89: {  	s3 =	sld [smem:$0x3FFE];
	_ =	sdelay $0x1  }
0x8a: {  	s1 =	srdreg.scid  }
0x8b: {  	s0 =	sand.u32 $0x1, s1  }
0x8c: {  	s16 =	sshll.u32 s0, $0xA;
	s2 =	sadd.s32 s3, s2  }
0x8d: {  	s2 =	sadd.s32 s2, s16  }
0x8e: {  	[smem:$0x3FB6] =	sst s2  }
0x8f: {  	_ = 	snop  }
0x90: {  	(tm) =	ssettm $0x1  }
0x91: {  	s17 =	sld [smem:$0x3FFB];
	_ =	sdelay $0x3  }
0x92: {  	_ =	strace s17  }
0x93: {  	s2 =	sld [smem:$0x3FFC];
	_ =	sdelay $0x3  }
0x94: {  	_ =	strace s2  }
0x95: {  	s2 =	sld [smem:$0x3FFD];
	_ =	sdelay $0x3  }
0x96: {  	_ =	strace s2  }
0x97: {  	_ =	strace $0x8FFFFFFF  }
0x98: {  	s18 =	sld [smem:$0x3FDB];
	_ =	sdelay $0x1  }
0x99: {  	s19 =	simm.s32 $_scs_section_size  }
0x9a: {  	s4 =	simm.s32 $_size__tile_overlayer_lowered;
	s5 =	simm.s32 $_tile_overlayer_lowered  }
0x9b: {  	s22 =	simm.s32 $0x1BFF;
	s21 =	sshll.u32 s5, $0x1;
	s2 =	sadd.s32 s19, s18  }
0x9c: {  	s6 =	simm.s32 $0x0;
	s20 =	sshll.u32 s4, $0x1;
	s4 =	sadd.s32 s21, s2  }
0x9d: {  	[timem:s6], [sflag:s22] =	dma.local [hbm:s4], s20  }
0x9e: {  	_ =	swait.ge [sflag:s22], s20  }
0x9f: {  	s3 =	ssub.s32 $0x0, s20;
	[sflag:s22] =	ssyncset.done $0x0  }
0xa0: {  	[sflag:s22] =	ssyncadd.s32 s3;
	_ =	sdelay $0x1  }
0xa1: {  	s23 =	simm.s32 $0x1B8B  }
0xa2: {  	_ =	swait.ge [sflag:s23], $0x1  }
0xa3: {  	[sflag:s23] =	ssyncset.done $0x0  }
0xa4: {  	s25 =	simm.s32 $0x1B8E;
	s24 =	sld [smem:$0x3FFE];
	[sflag:s23] =	ssyncadd.s32 $0xFFFFFFFF  }
0xa5: {  	s26 =	simm.s32 $execute0_lowered;
	[smem:$0x3FD2] =	sst s25  }
0xa6: {  	s4 =	sshll.u32 s26, $0x1;
	_ =	strace $0x80000046;
	[dreg:$0x1] =	wrdreg $0xFFFFFFFF  }
0xa7: {  	s28 =	simm.s32 $_size_execute0_lowered;
	s2 =	sadd.s32 s2, s4;
	[dreg:$0x0] =	wrdreg $0x0  }
0xa8: {  	s4 =	sshll.u32 s28, $0x1;
	[dreg:$0x2] =	wrdreg s2  }
0xa9: {  	[dreg:$0x3] =	wrdreg s4  }
0xaa: {  	[dreg:$0x4] =	wrdreg $0xC0  }
0xab: {  	_ =	task [dreg:s6], $0x5FFFF  }
0xac: {  	[dreg:$0x1] =	wrdreg $0xFFFFFFFF  }
0xad: {  	[dreg:$0x0] =	wrdreg $0x60  }
0xae: {  	[dreg:$0x2] =	wrdreg s24  }
0xaf: {  	[dreg:$0x3] =	wrdreg $0xA3000  }
0xb0: {  	[dreg:$0x4] =	wrdreg $0x9  }
0xb1: {  	_ =	task.clear_ibuf [dreg:s6], $0x5FFFF;
	_ =	strace $0x90000046  }
0xb2: {  	s29 =	simm.s32 $0x9;
	_ =	strace $0x80000048  }
0xb3: {  	_ =	swait.ge [sflag:s29], $0x1  }
0xb4: {  	[sflag:s29] =	ssyncadd.s32 $0xFFFFFFFF  }
0xb5: {  	_ =	strace $0x90000048  }
0xb6: {  	_ =	sfence  }
0xb7: {  	s30 =	sld [smem:$0x0];
	_ =	sdelay $0x2  }
0xb8: {  	s31 =	sshll.u32 s1, $0xD;
	s1 =	sshrl.u32 s1, $0x2  }
0xb9: {  	s3 =	sand.u32 $0x4000, s31;
	s1 =	sadd.s32 s1, s30  }
0xba: {  	s0 =	sor.u32 s3, s0;
	s1 =	sshll.u32 s1, $0x11  }
0xbb: {  	s0 =	sor.u32 s1, s0  }
0xbc: {  	s0 =	sadd.s32 $0x8F2B, s0  }
0xbd: {  	[sflag:s0] =	ssyncadd.remote.s32 $0x1  }
0xbe: {  	_ =	sfence.sel $0xFFFF  }
0xbf: {  	[dreg:$0x0] =	wrdreg $0xFFFFFFFF;
	(pc) =	sbr.abs _section_cstart, $3  }
0xc0: {  	[dreg:$0x1] =	wrdreg $0xFFFFFFFF  }
0xc1: {  	_ =	task.clear_ibuf [dreg:s6], $0x2FFFF;
	_ =	strace $0x9FFFFFFF  }
0xc2: {  	(tm) =	ssettm $0x7FFFFFFF  }
0xc3: {  	_ =	shalt  }
tec
execute0_lowered:
.L_overlay_start_1:
0x0: {  	(tag) =	ssettag $0x1  }
0x1: {  	s5 =	rddreg [dreg:$0x0]  }
0x2: {  	s2 =	rddreg [dreg:$0x1]  }
0x3: {  	s0 =	rddreg [dreg:$0x2];
	s4 =	srdreg.scid  }
0x4: {  	s3 =	simm.s32 $0x0;
	s1 =	stileid.u32;
	s13 =	simm.s32 $0x2800  }
0x5: {  	s14 =	simm.s32 $0xA080;
	s15 =	simm.s32 $0x80;
	s16 =	simm.s32 $0x7800  }
0x6: {  	s19 =	simm.s32 $0x20;
	s20 =	simm.s32 $0x10;
	s21 =	simm.s32 $0x7880  }
0x7: {  	s22 =	simm.s32 $0x0;
	s6 =	sand.u32 $0x1, s4;
	s7 =	smul.u32 $0x500, s1  }
0x8: {  	[smem:$0x7FF] =	sst s3;
	s29 =	smul.u32 $0xA00, s1;
	s17 =	sshll.u32 s1, $0x6  }
0x9: {  	s4 =	sshll.u32 s6, $0x4;
	_ =	strace $0x80000047;
	s8 =	sshll.u32 s6, $0x7  }
0xa: {  	s6 =	ssub.s32 $0x2, s6;
	s17 =	sor.u32 $0x1C01, s17;
	s9 =	sor.u32 s1, s4  }
0xb: {  	s4 =	sadd.s32 $0x1C600, s5;
	s7 =	sor.u32 s8, s7;
	s30 =	sshrl.u32 s6, $0x1  }
0xc: {  	s31 =	sshrl.u32 s29, $0x2;
	s28 =	smul.u32 $0x500, s9;
	s7 =	sshrl.u32 s7, $0x3  }
0xd: {  	s12 =	ssub.s32 s6, s30;
	s10 =	sadd.s32 s7, s5;
	s7 =	sadd.s32 s31, s2  }
0xe: {  	s11 =	sadd.s32 s28, s5;
	s8 =	sadd.s32 $0x1CC00, s10;
	s10 =	smax.u32 s12, $0x1  }
0xf: {  	s12 =	simm.s32 $0x1;
	s18 =	sshrl.u32 s7, $0x3;
	s5 =	sadd.s32 $0x8600, s11  }
0x10: {  	v0 =	vimm.f32 $0.0e+00;
	v1 =	vimm.f32 $1.000000000e+00;
	s6 =	sadd.s32 $0x12600, s11;
	s9 =	sadd.s32 $0x1D600, s11;
	s11 =	simm.s32 $0x5000  }
.LBB2_1:
0x11: {  	[tilespmem:s11], [sflag:$0x1] =	stream.linear.gather [hbm4b:s4+s3], $0x2800, $0x38;
	[tilespmem:$0xA580] =	vst v63  }
0x12: {  	_ =	swait.ge [sflag:s12], $0x2800  }
0x13: {  	[sflag:s12] =	ssyncset.done $0x0  }
0x14: {  	[sflag:s12] =	ssyncadd.s32 $0xFFFFD800  }
0x15: {  	[tilespmem:s3], [sflag:$0x1] =	stream.linear.gather [hbm4b:s5+s3], $0x2780, $0x38;
	[tilespmem:$0xA580] =	vst v63  }
0x16: {  	_ =	swait.ge [sflag:s12], $0x2780  }
0x17: {  	[sflag:s12] =	ssyncset.done $0x0  }
0x18: {  	[sflag:s12] =	ssyncadd.s32 $0xFFFFD880  }
0x19: {  	[tilespmem:s13], [sflag:$0x1] =	stream.linear.gather [hbm4b:s6+s3], $0x2780, $0x38;
	[tilespmem:$0xA580] =	vst v63  }
0x1a: {  	_ =	swait.ge [sflag:s12], $0x2780  }
0x1b: {  	[sflag:s12] =	ssyncset.done $0x0  }
0x1c: {  	[sflag:s12] =	ssyncadd.s32 $0xFFFFD880  }
0x1d: {  	[tilespmem:$0xA080] =	vst v0  }
0x1e: {  	[tilespmem:$0xA090] =	vst v0  }
0x1f: {  	[tilespmem:$0xA0A0] =	vst v0  }
0x20: {  	[tilespmem:$0xA0B0] =	vst v0  }
0x21: {  	[tilespmem:$0xA0C0] =	vst v0  }
0x22: {  	[tilespmem:$0xA0D0] =	vst v0  }
0x23: {  	[tilespmem:$0xA0E0] =	vst v0  }
0x24: {  	[tilespmem:$0xA0F0] =	vst v0  }
0x25: {  	[tilespmem:$0xA100] =	vst v0  }
0x26: {  	[tilespmem:$0xA110] =	vst v0  }
0x27: {  	[tilespmem:$0xA120] =	vst v0  }
0x28: {  	[tilespmem:$0xA130] =	vst v0  }
0x29: {  	[tilespmem:$0xA140] =	vst v0  }
0x2a: {  	[tilespmem:$0xA150] =	vst v0  }
0x2b: {  	[tilespmem:$0xA160] =	vst v0  }
0x2c: {  	[tilespmem:$0xA170] =	vst v0  }
0x2d: {  	[tilespmem:$0xA180] =	vst v0  }
0x2e: {  	[tilespmem:$0xA190] =	vst v0  }
0x2f: {  	[tilespmem:$0xA1A0] =	vst v0  }
0x30: {  	[tilespmem:$0xA1B0] =	vst v0  }
0x31: {  	[tilespmem:$0xA1C0] =	vst v0  }
0x32: {  	[tilespmem:$0xA1D0] =	vst v0  }
0x33: {  	[tilespmem:$0xA1E0] =	vst v0  }
0x34: {  	[tilespmem:$0xA1F0] =	vst v0  }
0x35: {  	[tilespmem:$0xA200] =	vst v0  }
0x36: {  	[tilespmem:$0xA210] =	vst v0  }
0x37: {  	[tilespmem:$0xA220] =	vst v0  }
0x38: {  	[tilespmem:$0xA230] =	vst v0  }
0x39: {  	[tilespmem:$0xA240] =	vst v0  }
0x3a: {  	[tilespmem:$0xA250] =	vst v0  }
0x3b: {  	[tilespmem:$0xA260] =	vst v0  }
0x3c: {  	[tilespmem:$0xA270] =	vst v0  }
0x3d: {  	[tilespmem:$0xA280] =	vst v0  }
0x3e: {  	[tilespmem:$0xA290] =	vst v0  }
0x3f: {  	[tilespmem:$0xA2A0] =	vst v0  }
0x40: {  	[tilespmem:$0xA2B0] =	vst v0  }
0x41: {  	[tilespmem:$0xA2C0] =	vst v0  }
0x42: {  	[tilespmem:$0xA2D0] =	vst v0  }
0x43: {  	[tilespmem:$0xA2E0] =	vst v0  }
0x44: {  	[tilespmem:$0xA2F0] =	vst v0  }
0x45: {  	[tilespmem:$0x7800] =	vst v1  }
0x46: {  	[tilespmem:$0x7810] =	vst v1  }
0x47: {  	[tilespmem:$0x7820] =	vst v1  }
0x48: {  	[tilespmem:$0x7830] =	vst v1  }
0x49: {  	[tilespmem:$0x7840] =	vst v1  }
0x4a: {  	[tilespmem:$0x7850] =	vst v1  }
0x4b: {  	[tilespmem:$0x7860] =	vst v1  }
0x4c: {  	[tilespmem:$0x7870] =	vst v1  }
0x4d: {  	[spmem:s7] =	stream.linear.scatter [tilespmem:s14], [sflag:$0x1], $0x280, $0x38;
	[tilespmem:$0xA580] =	vst v63  }
0x4e: {  	_ =	swait.ge [sflag:s12], $0x280  }
0x4f: {  	[sflag:s12] =	ssyncset.done $0x0  }
0x50: {  	[sflag:s12] =	ssyncadd.s32 $0xFFFFFD80  }
0x51: {  	s23 =	simm.s32 $0x0;
	[bflag:$0x0] =	sbarrier.arrive $0xFFFF  }
0x52: {  	v2 =	vld [tilespmem:s23+$0x0]  }
0x53: {  	v3 =	vld [tilespmem:s23+$0x2800];
	_ =	sdelay $0x6  }
0x54: {  	v2 =	vld.idx.msk [tilespmem:v2+s11+$0x0], $0xffff  }
0x55: {  	v4 =	vld.idx.msk [tilespmem:v3+s11+$0x0], $0xffff;
	_ =	sdelay $0x1  }
0x56: {  	v5 =	vld [tilespmem:s23+$0x10]  }
0x57: {  	v6 =	vld [tilespmem:s23+$0x2810];
	_ =	sdelay $0x1  }
0x58: {  	v2 =	vmul.u32 v2, v4;
	_ =	sdelay $0x1  }
0x59: {  	vm0 =	vgt.s32 v2, $0x0  }
0x5a: {  	v2 =	vnsel vm0, $0x2710, v3  }
0x5b: {  	[tilespmem:s23+$0x7880] =	vst v2  }
0x5c: {  	v2 =	vld.idx.msk [tilespmem:v5+s11+$0x0], $0xffff  }
0x5d: {  	v3 =	vld.idx.msk [tilespmem:v6+s11+$0x0], $0xffff;
	_ =	sdelay $0x1  }
0x5e: {  	v4 =	vld [tilespmem:s23+$0x20]  }
0x5f: {  	v5 =	vld [tilespmem:s23+$0x2820];
	_ =	sdelay $0x1  }
0x60: {  	v2 =	vmul.u32 v2, v3;
	_ =	sdelay $0x1  }
0x61: {  	vm10 =	vgt.s32 v2, $0x0  }
0x62: {  	v2 =	vnsel vm10, $0x2710, v6  }
0x63: {  	[tilespmem:s23+$0x7890] =	vst v2  }
0x64: {  	v2 =	vld.idx.msk [tilespmem:v4+s11+$0x0], $0xffff  }
0x65: {  	v3 =	vld.idx.msk [tilespmem:v5+s11+$0x0], $0xffff;
	_ =	sdelay $0x1  }
0x66: {  	v4 =	vld [tilespmem:s23+$0x30]  }
0x67: {  	v6 =	vld [tilespmem:s23+$0x2830];
	_ =	sdelay $0x1  }
0x68: {  	v2 =	vmul.u32 v2, v3;
	_ =	sdelay $0x1  }
0x69: {  	vm11 =	vgt.s32 v2, $0x0  }
0x6a: {  	v2 =	vnsel vm11, $0x2710, v5  }
0x6b: {  	[tilespmem:s23+$0x78A0] =	vst v2  }
0x6c: {  	v2 =	vld.idx.msk [tilespmem:v4+s11+$0x0], $0xffff  }
0x6d: {  	v3 =	vld.idx.msk [tilespmem:v6+s11+$0x0], $0xffff;
	_ =	sdelay $0x1  }
0x6e: {  	v4 =	vld [tilespmem:s23+$0x40]  }
0x6f: {  	v5 =	vld [tilespmem:s23+$0x2840];
	_ =	sdelay $0x1  }
0x70: {  	v2 =	vmul.u32 v2, v3;
	_ =	sdelay $0x1  }
0x71: {  	vm12 =	vgt.s32 v2, $0x0  }
0x72: {  	v2 =	vnsel vm12, $0x2710, v6  }
0x73: {  	[tilespmem:s23+$0x78B0] =	vst v2  }
0x74: {  	v2 =	vld.idx.msk [tilespmem:v4+s11+$0x0], $0xffff  }
0x75: {  	v3 =	vld.idx.msk [tilespmem:v5+s11+$0x0], $0xffff;
	_ =	sdelay $0x1  }
0x76: {  	v4 =	vld [tilespmem:s23+$0x50]  }
0x77: {  	v6 =	vld [tilespmem:s23+$0x2850];
	_ =	sdelay $0x1  }
0x78: {  	v2 =	vmul.u32 v2, v3;
	_ =	sdelay $0x1  }
0x79: {  	vm13 =	vgt.s32 v2, $0x0  }
0x7a: {  	v2 =	vnsel vm13, $0x2710, v5  }
0x7b: {  	[tilespmem:s23+$0x78C0] =	vst v2  }
0x7c: {  	v2 =	vld.idx.msk [tilespmem:v4+s11+$0x0], $0xffff  }
0x7d: {  	v3 =	vld.idx.msk [tilespmem:v6+s11+$0x0], $0xffff;
	_ =	sdelay $0x1  }
0x7e: {  	v4 =	vld [tilespmem:s23+$0x60]  }
0x7f: {  	v5 =	vld [tilespmem:s23+$0x2860];
	_ =	sdelay $0x1  }
0x80: {  	v2 =	vmul.u32 v2, v3;
	_ =	sdelay $0x1  }
0x81: {  	vm14 =	vgt.s32 v2, $0x0  }
0x82: {  	v2 =	vnsel vm14, $0x2710, v6  }
0x83: {  	[tilespmem:s23+$0x78D0] =	vst v2  }
0x84: {  	v3 =	vld.idx.msk [tilespmem:v4+s11+$0x0], $0xffff  }
0x85: {  	v4 =	vld.idx.msk [tilespmem:v5+s11+$0x0], $0xffff;
	_ =	sdelay $0x1  }
0x86: {  	v6 =	vld [tilespmem:s23+$0x70]  }
0x87: {  	v2 =	vld [tilespmem:s23+$0x2870];
	_ =	sdelay $0x1  }
0x88: {  	v3 =	vmul.u32 v3, v4;
	_ =	sdelay $0x1  }
0x89: {  	vm15 =	vgt.s32 v3, $0x0  }
0x8a: {  	v3 =	vnsel vm15, $0x2710, v5  }
0x8b: {  	[tilespmem:s23+$0x78E0] =	vst v3  }
0x8c: {  	v3 =	vld.idx.msk [tilespmem:v6+s11+$0x0], $0xffff  }
0x8d: {  	v4 =	vld.idx.msk [tilespmem:v2+s11+$0x0], $0xffff;
	_ =	sdelay $0x1  }
0x8e: {  	s24 =	simm.s32 $0x200;
	s25 =	simm.s32 $0x7880  }
.LBB2_2:
0x8f: {  	_ =	sdelay $0x1  }
0x90: {  	p0 =	sne.s32 s24, $0x9C00;
	s26 =	smov.u32 s24;
	s24 =	sadd.s32 $0x200, s24;
	v3 =	vmul.u32 v3, v4  }
0x91: {  	_ = 	snop  }
0x92: {  	vm0 =	vgt.s32 v3, $0x0  }
0x93: {  	v2 =	vnsel vm0, $0x2710, v2  }
0x94: {  	[tilespmem:s23+$0x78F0] =	vst v2  }
0x95: {  	[spmem:s2] =	stream.indirect.scatter.add.f32 [tilespmem:s16], [sflag:$0x1], $0x1, s25, s15, $0xb8;
	[tilespmem:$0xA580] =	vst v63  }
0x96: {  	_ =	swait.ge [sflag:s12], $0x80  }
0x97: {  	[sflag:s12] =	ssyncset.done $0x0  }
0x98: {  	s23 =	sshra.s32 s26, $0x2;
	[sflag:s12] =	ssyncadd.s32 $0xFFFFFF80  }
0x99: {  	v2 =	vld [tilespmem:s23+$0x0]  }
0x9a: {  	v3 =	vld [tilespmem:s23+$0x2800];
	_ =	sdelay $0x6  }
0x9b: {  	v2 =	vld.idx.msk [tilespmem:v2+s11+$0x0], $0xffff  }
0x9c: {  	v4 =	vld.idx.msk [tilespmem:v3+s11+$0x0], $0xffff;
	_ =	sdelay $0x1  }
0x9d: {  	v5 =	vld [tilespmem:s23+$0x2810]  }
0x9e: {  	v6 =	vld [tilespmem:s23+$0x10];
	_ =	sdelay $0x2  }
0x9f: {  	v2 =	vmul.u32 v2, v4;
	_ =	sdelay $0x1  }
0xa0: {  	vm0 =	vgt.s32 v2, $0x0  }
0xa1: {  	v2 =	vnsel vm0, $0x2710, v3  }
0xa2: {  	[tilespmem:s23+$0x7880] =	vst v2  }
0xa3: {  	v2 =	vld.idx.msk [tilespmem:v6+s11+$0x0], $0xffff  }
0xa4: {  	v3 =	vld.idx.msk [tilespmem:v5+s11+$0x0], $0xffff;
	_ =	sdelay $0x1  }
0xa5: {  	v4 =	vld [tilespmem:s23+$0x2820]  }
0xa6: {  	v6 =	vld [tilespmem:s23+$0x20];
	_ =	sdelay $0x2  }
0xa7: {  	v2 =	vmul.u32 v2, v3;
	_ =	sdelay $0x1  }
0xa8: {  	vm0 =	vgt.s32 v2, $0x0  }
0xa9: {  	v2 =	vnsel vm0, $0x2710, v5  }
0xaa: {  	[tilespmem:s23+$0x7890] =	vst v2  }
0xab: {  	v2 =	vld.idx.msk [tilespmem:v6+s11+$0x0], $0xffff  }
0xac: {  	v3 =	vld.idx.msk [tilespmem:v4+s11+$0x0], $0xffff;
	_ =	sdelay $0x1  }
0xad: {  	v5 =	vld [tilespmem:s23+$0x2830]  }
0xae: {  	v6 =	vld [tilespmem:s23+$0x30];
	_ =	sdelay $0x2  }
0xaf: {  	v2 =	vmul.u32 v2, v3;
	_ =	sdelay $0x1  }
0xb0: {  	vm0 =	vgt.s32 v2, $0x0  }
0xb1: {  	v2 =	vnsel vm0, $0x2710, v4  }
0xb2: {  	[tilespmem:s23+$0x78A0] =	vst v2  }
0xb3: {  	v2 =	vld.idx.msk [tilespmem:v6+s11+$0x0], $0xffff  }
0xb4: {  	v3 =	vld.idx.msk [tilespmem:v5+s11+$0x0], $0xffff;
	_ =	sdelay $0x1  }
0xb5: {  	v4 =	vld [tilespmem:s23+$0x2840]  }
0xb6: {  	v6 =	vld [tilespmem:s23+$0x40];
	_ =	sdelay $0x2  }
0xb7: {  	v2 =	vmul.u32 v2, v3;
	_ =	sdelay $0x1  }
0xb8: {  	vm0 =	vgt.s32 v2, $0x0  }
0xb9: {  	v2 =	vnsel vm0, $0x2710, v5  }
0xba: {  	[tilespmem:s23+$0x78B0] =	vst v2  }
0xbb: {  	v2 =	vld.idx.msk [tilespmem:v6+s11+$0x0], $0xffff  }
0xbc: {  	v3 =	vld.idx.msk [tilespmem:v4+s11+$0x0], $0xffff;
	_ =	sdelay $0x1  }
0xbd: {  	v5 =	vld [tilespmem:s23+$0x2850]  }
0xbe: {  	v6 =	vld [tilespmem:s23+$0x50];
	_ =	sdelay $0x2  }
0xbf: {  	v2 =	vmul.u32 v2, v3;
	_ =	sdelay $0x1  }
0xc0: {  	vm0 =	vgt.s32 v2, $0x0  }
0xc1: {  	v2 =	vnsel vm0, $0x2710, v4  }
0xc2: {  	[tilespmem:s23+$0x78C0] =	vst v2  }
0xc3: {  	v2 =	vld.idx.msk [tilespmem:v6+s11+$0x0], $0xffff  }
0xc4: {  	v3 =	vld.idx.msk [tilespmem:v5+s11+$0x0], $0xffff;
	_ =	sdelay $0x1  }
0xc5: {  	v4 =	vld [tilespmem:s23+$0x2860]  }
0xc6: {  	v6 =	vld [tilespmem:s23+$0x60];
	_ =	sdelay $0x2  }
0xc7: {  	v2 =	vmul.u32 v2, v3;
	_ =	sdelay $0x1  }
0xc8: {  	vm0 =	vgt.s32 v2, $0x0  }
0xc9: {  	v2 =	vnsel vm0, $0x2710, v5  }
0xca: {  	[tilespmem:s23+$0x78D0] =	vst v2  }
0xcb: {  	v3 =	vld.idx.msk [tilespmem:v6+s11+$0x0], $0xffff  }
0xcc: {  	v5 =	vld.idx.msk [tilespmem:v4+s11+$0x0], $0xffff;
	_ =	sdelay $0x1  }
0xcd: {  	v2 =	vld [tilespmem:s23+$0x2870]  }
0xce: {  	v6 =	vld [tilespmem:s23+$0x70];
	_ =	sdelay $0x2  }
0xcf: {  	v3 =	vmul.u32 v3, v5;
	_ =	sdelay $0x1  }
0xd0: {  	vm0 =	vgt.s32 v3, $0x0  }
0xd1: {  	v3 =	vnsel vm0, $0x2710, v4  }
.Ltmp0:
0xd2: {  	[tilespmem:s23+$0x78E0] =	vst v3;
	(pc) =	sbr.rel @p0 .LBB2_2-.Ltmp0, $3  }
0xd3: {  	v3 =	vld.idx.msk [tilespmem:v6+s11+$0x0], $0xffff  }
0xd4: {  	v4 =	vld.idx.msk [tilespmem:v2+s11+$0x0], $0xffff;
	_ =	sdelay $0x1  }
0xd5: {  	s25 =	sadd.s32 $0x7880, s23  }
0xd6: {  	_ =	sdelay $0x1  }
0xd7: {  	v3 =	vmul.u32 v3, v4;
	_ =	sdelay $0x1  }
0xd8: {  	vm0 =	vgt.s32 v3, $0x0  }
0xd9: {  	v2 =	vnsel vm0, $0x2710, v2  }
0xda: {  	[tilespmem:s23+$0x78F0] =	vst v2  }
0xdb: {  	[spmem:s2] =	stream.indirect.scatter.add.f32 [tilespmem:s16], [sflag:$0x1], $0x1, s25, s15, $0xb8;
	[tilespmem:$0xA580] =	vst v63  }
0xdc: {  	_ =	swait.ge [sflag:s12], $0x80  }
0xdd: {  	[sflag:s12] =	ssyncset.done $0x0  }
0xde: {  	[sflag:s12] =	ssyncadd.s32 $0xFFFFFF80  }
0xdf: {  	[bflag:$0x0] =	sbarrier.arrive $0xFFFF  }
0xe0: {  	[hbm:s8@s19], [sflag:s17] =	dma.strided [spmem:s18@s20], $0x50, s12, $0x10   }
0xe1: {  	s22 =	sadd.s32 $0x1, s22;
	_ =	swait.ge [sflag:s12], $0x50  }
0xe2: {  	p0 =	sne.s32 s22, s10;
	[sflag:s12] =	ssyncset.done $0x0  }
.Ltmp1:
0xe3: {  	[sflag:s12] =	ssyncadd.s32 $0xFFFFFFB0;
	(pc) =	sbr.rel @p0 .LBB2_1-.Ltmp1, $4  }
0xe4: {  	[hbm4b:s9+s3] =	stream.linear.scatter [tilespmem:s21], [sflag:$0x1], $0x2780, $0x38;
	[tilespmem:$0xA580] =	vst v63  }
0xe5: {  	_ =	swait.ge [sflag:s12], $0x2780  }
0xe6: {  	[sflag:s12] =	ssyncset.done $0x0  }
0xe7: {  	[sflag:s12] =	ssyncadd.s32 $0xFFFFD880  }
0xe8: {  	_ =	sfence.sel $0x180000  }
0xe9: {  	[bflag:$0x0] =	sbarrier.arrive $0xFFFF  }
0xea: {  	p0 =	sne.s32 s1, $0x0;
	_ =	strace $0x90000047  }
0xeb: {  	s0 =	sadd.s32 @!p0 $0x100000, s0;
	[bflag:$0x2] =	sbarrier.arrive $0xFFFF  }
0xec: {  	[sflag:s0] =	ssyncadd.tile.s32 @!p0 $0x1;
	_ =	shalt  }
.Lfunc_end2:
_tile_overlayer_lowered:
.L_overlay_start_2:
0xed: {  	(tag) =	ssettag $0x2  }
0xee: {  	s0 =	rddreg [dreg:$0x0];
	s2 =	stileid.u32  }
0xef: {  	s1 =	rddreg [dreg:$0x1];
	p0 =	sne.s32 s2, $0x0  }
0xf0: {  	s3 =	rddreg [dreg:$0x2];
	[bflag:$0x3] =	sbarrier.arrive $0xFFFF;
	s2 =	simm.s32 @!p0 $0x1C01  }
0xf1: {  	[timem:s3], [sflag:s2] =	dma.local @!p0 [hbm:s0], s1  }
0xf2: {  	s0 =	simm.s32 @!p0 $0x1  }
0xf3: {  	_ =	swait.ge @!p0 [sflag:s0], s1  }
0xf4: {  	s1 =	ssub.s32 @!p0 $0x0, s1;
	[sflag:s0] =	ssyncset.done @!p0 $0x0  }
0xf5: {  	[sflag:s0] =	ssyncadd.s32 @!p0 s1  }
0xf6: {  	[bflag:$0x3] =	sbarrier.arrive $0xFFFF  }
0xf7: {  	_ =	shalt  }

// kernel: kernel.26.cloned.1.call-start
scs
__scs_entry_jumppad:
0x0: {  	(pc) =	sbr.rel $0x88, $3  }
0x1: {  	(tag) =	ssettag $0x0;
	lr =	simm.s32 $0x1  }
0x2: {  	[smem:$0x3F8F] =	sst lr;
	_ =	strace $0xD0000000  }
0x3: {  	_ = 	snop  }
0x4: {  	_ = 	snop  }
0x5: {  	_ = 	snop  }
0x6: {  	_ = 	snop  }
0x7: {  	_ = 	snop  }
__scs_overlays_trampoline_lowered:
0x8: {  	[smem:$0x3F9E] =	sst s0  }
0x9: {  	[smem:$0x3F9F] =	sst s1  }
0xa: {  	[smem:$0x3FA0] =	sst s2  }
0xb: {  	[smem:$0x3FA1] =	sst s3  }
0xc: {  	[smem:$0x3FA2] =	sst s4  }
0xd: {  	[smem:$0x3FA3] =	sst s5  }
0xe: {  	[smem:$0x3FA4] =	sst s6  }
0xf: {  	[smem:$0x3FA5] =	sst s7  }
0x10: {  	[smem:$0x3FA6] =	sst s8  }
0x11: {  	[smem:$0x3FA7] =	sst s9;
	s0 =	simm.s32 @!p0 $0x0  }
0x12: {  	s1 =	sld [smem:$0x3F8D];
	s0 =	simm.s32 @p0 $0x1  }
0x13: {  	[smem:$0x3FA8] =	sst s0;
	s0 =	simm.s32 @!p1 $0x0  }
0x14: {  	s2 =	sld [smem:$0x3F8C];
	s0 =	simm.s32 @p1 $0x1  }
0x15: {  	[smem:$0x3FA9] =	sst s0;
	s0 =	simm.s32 @!p2 $0x0  }
0x16: {  	s3 =	sld [smem:$0x3FDB];
	s0 =	simm.s32 @p2 $0x1  }
0x17: {  	s4 =	simm.s32 $0x1BF5;
	[smem:$0x3FAB] =	sst s0  }
0x18: {  	s0 =	sld [smem:$0x3F8E];
	_ =	swait.ge [sflag:s4], $0x0  }
0x19: {  	s7 =	sld [smem:$0x3F8F]  }
0x1a: {  	s8 =	sadd.s32 $0xFFFFE003, lr  }
0x1b: {  	s9 =	sadd.s32 $0xFFFFFEF7, lr;
	s5 =	simm.s32 $0xFFFFFFFF;
	p2 =	slt.u32 s8, $0xFFFFF086  }
0x1c: {  	p1 =	slt.u32 s9, $0xF7A;
	s5 =	simm.s32 @!p2 $0x0  }
0x1d: {  	s5 =	simm.s32 @p1 $0x1;
	p0 =	seq.s32 s7, s2  }
0x1e: {  	s7 =	smul.u32 @!p0 $0xF7A, s2;
	p2 =	seq.s32 @!p0 s5, $0x0  }
0x1f: {  	s9 =	smul.u32 $0xF7A, s1;
	s8 =	simm.s32 @!p0 $0x1BF5;
	p2 =	por !p2, p0  }
0x20: {  	[sflag:s8] =	ssyncset.s32 @!p0 $0xFFFFF086;
	s6 =	sadd.s32 @!p0 s3, s7;
	s7 =	simm.s32 @!p0 $0x108  }
0x21: {  	s3 =	sadd.s32 s3, s9;
	s6 =	sadd.s32 @!p0 $0x88, s6;
	s7 =	simm.s32 @p2 $0x1082  }
0x22: {  	[simem:s7], [sflag:s8] =	dma.local @!p0 [hbm:s6], $0xF7A  }
0x23: {  	s9 =	sor.u32 $0xD0000000, s2;
	s6 =	simm.s32 $0x108;
	_ =	swait.ge @!p0 [sflag:s8], $0x0  }
0x24: {  	s3 =	sadd.s32 $0x88, s3;
	s6 =	simm.s32 @!p1 $0x1082;
	[sflag:s4] =	ssyncset.s32 $0xFFFFF086  }
0x25: {  	[simem:s6], [sflag:s4] =	dma.local [hbm:s3], $0xF7A  }
0x26: {  	[smem:$0x3F8F] =	sst s1;
	(tag) =	ssettag s2;
	_ =	strace s9  }
0x27: {  	s1 =	sld [smem:$0x3F9F]  }
0x28: {  	s2 =	sld [smem:$0x3FA0]  }
0x29: {  	s4 =	sld [smem:$0x3FA2]  }
0x2a: {  	p0 =	seq.s32 s5, $0x0;
	s5 =	sld [smem:$0x3FA3]  }
0x2b: {  	s6 =	sld [smem:$0x3FA4]  }
0x2c: {  	s7 =	sld [smem:$0x3FA5]  }
0x2d: {  	s3 =	simm.s32 $0x108;
	s8 =	sld [smem:$0x3FA6]  }
0x2e: {  	s3 =	simm.s32 @!p0 $0x1082;
	s9 =	sld [smem:$0x3FA7]  }
0x2f: {  	lr =	sadd.s32 s0, s3;
	s0 =	sld [smem:$0x3F9E]  }
0x30: {  	s3 =	sld [smem:$0x3FA1]  }
0x31: {  	[smem:$0x3FAA] =	sst s10  }
0x32: {  	s10 =	sld [smem:$0x3FA8];
	_ =	sdelay $0x3  }
0x33: {  	p0 =	seq.s32 s10, $0x1;
	s10 =	sld [smem:$0x3FAA];
	_ =	sdelay $0x3  }
0x34: {  	[smem:$0x3FAA] =	sst s10  }
0x35: {  	s10 =	sld [smem:$0x3FA9];
	_ =	sdelay $0x3  }
0x36: {  	p1 =	seq.s32 s10, $0x1;
	s10 =	sld [smem:$0x3FAA];
	_ =	sdelay $0x3  }
0x37: {  	[smem:$0x3FAA] =	sst s10  }
0x38: {  	s10 =	sld [smem:$0x3FAB]  }
0x39: {  	_ = 	snop;
	(pc) =	sbr.ind lr, $3  }
0x3a: {  	_ = 	snop  }
0x3b: {  	_ = 	snop  }
0x3c: {  	p2 =	seq.s32 s10, $0x1;
	s10 =	sld [smem:$0x3FAA]  }
0x3d: {  	_ =	shalt  }
0x3e: {  	_ =	shalt  }
0x3f: {  	_ =	shalt  }
0x40: {  	_ =	shalt  }
0x41: {  	_ =	shalt  }
0x42: {  	_ =	shalt  }
0x43: {  	_ =	shalt  }
0x44: {  	_ =	shalt  }
0x45: {  	_ =	shalt  }
0x46: {  	_ =	shalt  }
0x47: {  	_ =	shalt  }
0x48: {  	_ =	shalt  }
0x49: {  	_ =	shalt  }
0x4a: {  	_ =	shalt  }
0x4b: {  	_ =	shalt  }
0x4c: {  	_ =	shalt  }
0x4d: {  	_ =	shalt  }
0x4e: {  	_ =	shalt  }
0x4f: {  	_ =	shalt  }
0x50: {  	_ =	shalt  }
0x51: {  	_ =	shalt  }
0x52: {  	_ =	shalt  }
0x53: {  	_ =	shalt  }
0x54: {  	_ =	shalt  }
0x55: {  	_ =	shalt  }
0x56: {  	_ =	shalt  }
0x57: {  	_ =	shalt  }
0x58: {  	_ =	shalt  }
0x59: {  	_ =	shalt  }
0x5a: {  	_ =	shalt  }
0x5b: {  	_ =	shalt  }
0x5c: {  	_ =	shalt  }
0x5d: {  	_ =	shalt  }
0x5e: {  	_ =	shalt  }
0x5f: {  	_ =	shalt  }
0x60: {  	_ =	shalt  }
0x61: {  	_ =	shalt  }
0x62: {  	_ =	shalt  }
0x63: {  	_ =	shalt  }
0x64: {  	_ =	shalt  }
0x65: {  	_ =	shalt  }
0x66: {  	_ =	shalt  }
0x67: {  	_ =	shalt  }
0x68: {  	_ =	shalt  }
0x69: {  	_ =	shalt  }
0x6a: {  	_ =	shalt  }
0x6b: {  	_ =	shalt  }
0x6c: {  	_ =	shalt  }
0x6d: {  	_ =	shalt  }
0x6e: {  	_ =	shalt  }
0x6f: {  	_ =	shalt  }
0x70: {  	_ =	shalt  }
0x71: {  	_ =	shalt  }
0x72: {  	_ =	shalt  }
0x73: {  	_ =	shalt  }
0x74: {  	_ =	shalt  }
0x75: {  	_ =	shalt  }
0x76: {  	_ =	shalt  }
0x77: {  	_ =	shalt  }
0x78: {  	_ =	shalt  }
0x79: {  	_ =	shalt  }
0x7a: {  	_ =	shalt  }
0x7b: {  	_ =	shalt  }
0x7c: {  	_ =	shalt  }
0x7d: {  	_ =	shalt  }
0x7e: {  	_ =	shalt  }
0x7f: {  	_ =	shalt  }
0x80: {  	_ =	shalt  }
0x81: {  	_ =	shalt  }
0x82: {  	_ =	shalt  }
0x83: {  	_ =	shalt  }
0x84: {  	_ =	shalt  }
0x85: {  	_ =	shalt  }
0x86: {  	_ =	shalt  }
0x87: {  	_ =	shalt  }
.Lfunc_end0:
.L_simem_size_0:
called_computation.1_lowered:
.L_overlay_start_0:
0x88: {  	s2 =	sld [smem:$0x3FD9]  }
0x89: {  	s3 =	sld [smem:$0x3FFE];
	_ =	sdelay $0x1  }
0x8a: {  	s1 =	srdreg.scid  }
0x8b: {  	s0 =	sand.u32 $0x1, s1  }
0x8c: {  	s16 =	sshll.u32 s0, $0xA;
	s2 =	sadd.s32 s3, s2  }
0x8d: {  	s2 =	sadd.s32 s2, s16  }
0x8e: {  	[smem:$0x3FB6] =	sst s2  }
0x8f: {  	_ = 	snop  }
0x90: {  	(tm) =	ssettm $0x1  }
0x91: {  	s17 =	sld [smem:$0x3FFB];
	_ =	sdelay $0x3  }
0x92: {  	_ =	strace s17  }
0x93: {  	s2 =	sld [smem:$0x3FFC];
	_ =	sdelay $0x3  }
0x94: {  	_ =	strace s2  }
0x95: {  	s2 =	sld [smem:$0x3FFD];
	_ =	sdelay $0x3  }
0x96: {  	_ =	strace s2  }
0x97: {  	_ =	strace $0x8FFFFFFF  }
0x98: {  	s18 =	sld [smem:$0x3FDB];
	_ =	sdelay $0x1  }
0x99: {  	s19 =	simm.s32 $_scs_section_size  }
0x9a: {  	s4 =	simm.s32 $_size__tile_overlayer_lowered;
	s5 =	simm.s32 $_tile_overlayer_lowered  }
0x9b: {  	s22 =	simm.s32 $0x1BFF;
	s21 =	sshll.u32 s5, $0x1;
	s2 =	sadd.s32 s19, s18  }
0x9c: {  	s6 =	simm.s32 $0x0;
	s20 =	sshll.u32 s4, $0x1;
	s4 =	sadd.s32 s21, s2  }
0x9d: {  	[timem:s6], [sflag:s22] =	dma.local [hbm:s4], s20  }
0x9e: {  	_ =	swait.ge [sflag:s22], s20  }
0x9f: {  	s3 =	ssub.s32 $0x0, s20;
	[sflag:s22] =	ssyncset.done $0x0  }
0xa0: {  	[sflag:s22] =	ssyncadd.s32 s3;
	_ =	sdelay $0x1  }
0xa1: {  	s23 =	simm.s32 $0x1B8B  }
0xa2: {  	_ =	swait.ge [sflag:s23], $0x1  }
0xa3: {  	[sflag:s23] =	ssyncset.done $0x0  }
0xa4: {  	s25 =	simm.s32 $0x1B8E;
	s24 =	sld [smem:$0x3FFE];
	[sflag:s23] =	ssyncadd.s32 $0xFFFFFFFF  }
0xa5: {  	s26 =	simm.s32 $execute0_lowered;
	[smem:$0x3FD2] =	sst s25  }
0xa6: {  	s4 =	sshll.u32 s26, $0x1;
	_ =	strace $0x80000049;
	[dreg:$0x1] =	wrdreg $0xFFFFFFFF  }
0xa7: {  	s28 =	simm.s32 $_size_execute0_lowered;
	s2 =	sadd.s32 s2, s4;
	[dreg:$0x0] =	wrdreg $0x0  }
0xa8: {  	s4 =	sshll.u32 s28, $0x1;
	[dreg:$0x2] =	wrdreg s2  }
0xa9: {  	[dreg:$0x3] =	wrdreg s4  }
0xaa: {  	[dreg:$0x4] =	wrdreg $0xC0  }
0xab: {  	_ =	task [dreg:s6], $0x5FFFF  }
0xac: {  	[dreg:$0x1] =	wrdreg $0xFFFFFFFF  }
0xad: {  	[dreg:$0x0] =	wrdreg $0x60  }
0xae: {  	[dreg:$0x2] =	wrdreg s24  }
0xaf: {  	[dreg:$0x3] =	wrdreg $0x90000  }
0xb0: {  	[dreg:$0x4] =	wrdreg $0x9  }
0xb1: {  	_ =	task.clear_ibuf [dreg:s6], $0x5FFFF;
	_ =	strace $0x90000049  }
0xb2: {  	s29 =	simm.s32 $0x9;
	_ =	strace $0x8000004B  }
0xb3: {  	_ =	swait.ge [sflag:s29], $0x1  }
0xb4: {  	[sflag:s29] =	ssyncadd.s32 $0xFFFFFFFF  }
0xb5: {  	_ =	strace $0x9000004B  }
0xb6: {  	_ =	sfence  }
0xb7: {  	s30 =	sld [smem:$0x0];
	_ =	sdelay $0x2  }
0xb8: {  	s31 =	sshll.u32 s1, $0xD;
	s1 =	sshrl.u32 s1, $0x2  }
0xb9: {  	s3 =	sand.u32 $0x4000, s31;
	s1 =	sadd.s32 s1, s30  }
0xba: {  	s0 =	sor.u32 s3, s0;
	s1 =	sshll.u32 s1, $0x11  }
0xbb: {  	s0 =	sor.u32 s1, s0  }
0xbc: {  	s0 =	sadd.s32 $0x8F2B, s0  }
0xbd: {  	[sflag:s0] =	ssyncadd.remote.s32 $0x1  }
0xbe: {  	_ =	sfence.sel $0xFFFF  }
0xbf: {  	[dreg:$0x0] =	wrdreg $0xFFFFFFFF;
	(pc) =	sbr.abs _section_cstart, $3  }
0xc0: {  	[dreg:$0x1] =	wrdreg $0xFFFFFFFF  }
0xc1: {  	_ =	task.clear_ibuf [dreg:s6], $0x2FFFF;
	_ =	strace $0x9FFFFFFF  }
0xc2: {  	(tm) =	ssettm $0x7FFFFFFF  }
0xc3: {  	_ =	shalt  }
tec
execute0_lowered:
.L_overlay_start_1:
0x0: {  	(tag) =	ssettag $0x1  }
0x1: {  	s0 =	srdreg.scid;
	s5 =	rddreg [dreg:$0x0]  }
0x2: {  	s2 =	rddreg [dreg:$0x1];
	s1 =	stileid.u32;
	s3 =	simm.s32 $0x0  }
0x3: {  	s6 =	sand.u32 $0x1, s0;
	s0 =	rddreg [dreg:$0x2];
	s15 =	smul.u32 $0x14000, s1  }
0x4: {  	[smem:$0x7FF] =	sst s3;
	s17 =	sadd.s32 $0x4E800, s5;
	s8 =	smul.u32 $0x50000, s1  }
0x5: {  	s4 =	sshll.u32 s6, $0x4;
	s16 =	smul.u32 $0x140000, s6;
	s6 =	ssub.s32 $0x2, s6  }
0x6: {  	_ =	strace $0x8000004A;
	s4 =	sor.u32 s1, s4;
	s24 =	sshrl.u32 s6, $0x1  }
0x7: {  	s25 =	sshrl.u32 s8, $0x2;
	s18 =	sadd.s32 $0x4000, s15;
	s19 =	sadd.s32 $0x8000, s15  }
0x8: {  	s20 =	sadd.s32 $0xC000, s15;
	s23 =	sadd.s32 $0x10000, s15;
	s7 =	smul.u32 $0x500, s4  }
0x9: {  	s4 =	sadd.s32 $0x27600, s5;
	s9 =	ssub.s32 s6, s24;
	s10 =	sadd.s32 s16, s15  }
0xa: {  	s13 =	sadd.s32 s16, s18;
	s22 =	sadd.s32 s18, s2;
	s28 =	sadd.s32 s16, s19  }
0xb: {  	s21 =	sadd.s32 s16, s20;
	s30 =	sadd.s32 s16, s23;
	s24 =	sadd.s32 s19, s2  }
0xc: {  	s19 =	simm.s32 $0x2800;
	s26 =	sshrl.u32 s10, $0x3;
	s9 =	smax.u32 s9, $0x1  }
0xd: {  	s14 =	sshrl.u32 s13, $0x3;
	s18 =	sshrl.u32 s28, $0x3;
	s29 =	sshrl.u32 s21, $0x3  }
0xe: {  	s31 =	sshrl.u32 s30, $0x3;
	s21 =	simm.s32 $0x80;
	s22 =	sshrl.u32 s22, $0x3  }
0xf: {  	s7 =	sadd.s32 s7, s5;
	s8 =	sadd.s32 s17, s26;
	s14 =	sadd.s32 s17, s14  }
0x10: {  	s15 =	sadd.s32 s17, s18;
	s16 =	sadd.s32 s17, s29;
	s17 =	sadd.s32 s17, s31  }
0x11: {  	s26 =	sadd.s32 s23, s2;
	s18 =	simm.s32 $0x1;
	s23 =	sshrl.u32 s24, $0x3  }
0x12: {  	s5 =	sadd.s32 $0x8600, s7;
	s6 =	sadd.s32 $0x1D600, s7;
	s7 =	sadd.s32 s25, s2  }
0x13: {  	s25 =	sadd.s32 s20, s2;
	s20 =	simm.s32 $0x5000;
	s10 =	sadd.s32 $0x4000, s7  }
0x14: {  	s11 =	sadd.s32 $0x8000, s7;
	s12 =	sadd.s32 $0xC000, s7;
	s13 =	sadd.s32 $0x10000, s7  }
0x15: {  	v0 =	vimm.f32 $0.0e+00;
	s24 =	sshrl.u32 s25, $0x3;
	s25 =	sshrl.u32 s26, $0x3;
	s26 =	simm.s32 $0x0  }
.LBB2_1:
0x16: {  	[tilespmem:s3], [sflag:$0x1] =	stream.linear.gather [hbm4b:s5+s3], $0x2780, $0x38;
	[tilespmem:$0x1D000] =	vst v63  }
0x17: {  	_ =	swait.ge [sflag:s18], $0x2780  }
0x18: {  	[sflag:s18] =	ssyncset.done $0x0  }
0x19: {  	[sflag:s18] =	ssyncadd.s32 $0xFFFFD880  }
0x1a: {  	[tilespmem:s19], [sflag:$0x1] =	stream.linear.gather [hbm4b:s6+s3], $0x2780, $0x38;
	[tilespmem:$0x1D000] =	vst v63  }
0x1b: {  	_ =	swait.ge [sflag:s18], $0x2780  }
0x1c: {  	[sflag:s18] =	ssyncset.done $0x0  }
0x1d: {  	s28 =	simm.s32 $0x0;
	s29 =	simm.s32 $0x200;
	[sflag:s18] =	ssyncadd.s32 $0xFFFFD880  }
.LBB2_2:
0x1e: {  	p0 =	sne.s32 s29, $0xFE00;
	[tilespmem:s28+$0x5070] =	vst v0  }
0x1f: {  	[tilespmem:s28+$0x5000] =	vst v0  }
0x20: {  	[tilespmem:s28+$0x5010] =	vst v0  }
.Ltmp0:
0x21: {  	[tilespmem:s28+$0x5020] =	vst v0;
	(pc) =	sbr.rel @p0 .LBB2_2-.Ltmp0, $4  }
0x22: {  	[tilespmem:s28+$0x5030] =	vst v0  }
0x23: {  	[tilespmem:s28+$0x5040] =	vst v0  }
0x24: {  	[tilespmem:s28+$0x5050] =	vst v0  }
0x25: {  	[tilespmem:s28+$0x5060] =	vst v0;
	s28 =	sshra.s32 s29, $0x2;
	s29 =	sadd.s32 $0x200, s29  }
0x26: {  	[tilespmem:s28+$0x5070] =	vst v0  }
0x27: {  	[tilespmem:s28+$0x5000] =	vst v0  }
0x28: {  	[tilespmem:s28+$0x5010] =	vst v0  }
0x29: {  	[tilespmem:s28+$0x5020] =	vst v0  }
0x2a: {  	[tilespmem:s28+$0x5030] =	vst v0  }
0x2b: {  	[tilespmem:s28+$0x5040] =	vst v0  }
0x2c: {  	[tilespmem:s28+$0x5050] =	vst v0  }
0x2d: {  	[tilespmem:s28+$0x5060] =	vst v0  }
0x2e: {  	[spmem:s7] =	stream.linear.scatter [tilespmem:s20], [sflag:$0x1], $0x4000, $0x38;
	[tilespmem:$0x1D000] =	vst v63  }
0x2f: {  	_ =	swait.ge [sflag:s18], $0x4000  }
0x30: {  	[sflag:s18] =	ssyncset.done $0x0  }
0x31: {  	[sflag:s18] =	ssyncadd.s32 $0xFFFFC000  }
0x32: {  	[spmem:s10] =	stream.linear.scatter [tilespmem:s20], [sflag:$0x1], $0x4000, $0x38;
	[tilespmem:$0x1D000] =	vst v63  }
0x33: {  	_ =	swait.ge [sflag:s18], $0x4000  }
0x34: {  	[sflag:s18] =	ssyncset.done $0x0  }
0x35: {  	[sflag:s18] =	ssyncadd.s32 $0xFFFFC000  }
0x36: {  	[spmem:s11] =	stream.linear.scatter [tilespmem:s20], [sflag:$0x1], $0x4000, $0x38;
	[tilespmem:$0x1D000] =	vst v63  }
0x37: {  	_ =	swait.ge [sflag:s18], $0x4000  }
0x38: {  	[sflag:s18] =	ssyncset.done $0x0  }
0x39: {  	[sflag:s18] =	ssyncadd.s32 $0xFFFFC000  }
0x3a: {  	[spmem:s12] =	stream.linear.scatter [tilespmem:s20], [sflag:$0x1], $0x4000, $0x38;
	[tilespmem:$0x1D000] =	vst v63  }
0x3b: {  	_ =	swait.ge [sflag:s18], $0x4000  }
0x3c: {  	[sflag:s18] =	ssyncset.done $0x0  }
0x3d: {  	[sflag:s18] =	ssyncadd.s32 $0xFFFFC000  }
0x3e: {  	[spmem:s13] =	stream.linear.scatter [tilespmem:s20], [sflag:$0x1], $0x4000, $0x38;
	[tilespmem:$0x1D000] =	vst v63  }
0x3f: {  	_ =	swait.ge [sflag:s18], $0x4000  }
0x40: {  	[sflag:s18] =	ssyncset.done $0x0  }
0x41: {  	[sflag:s18] =	ssyncadd.s32 $0xFFFFC000  }
0x42: {  	s28 =	simm.s32 $0x0;
	[bflag:$0x0] =	sbarrier.arrive $0xFFFF  }
0x43: {  	[tilespmem:s20], [sflag:$0x1] =	stream.indirect.gather [hbm4b:s4+s21], $0x80, s28, s21, $0xb8;
	[tilespmem:$0x1D000] =	vst v63  }
0x44: {  	_ =	swait.ge [sflag:s18], $0x4000  }
0x45: {  	[sflag:s18] =	ssyncset.done $0x0  }
0x46: {  	s28 =	simm.s32 $0x2800;
	[sflag:s18] =	ssyncadd.s32 $0xFFFFC000  }
0x47: {  	[spmem:s2] =	stream.indirect.scatter.add.f32 [tilespmem:s20], [sflag:$0x1], $0x80, s28, s21, $0xb8;
	[tilespmem:$0x1D000] =	vst v63  }
0x48: {  	_ =	swait.ge [sflag:s18], $0x4000  }
0x49: {  	s29 =	simm.s32 $0x400;
	s28 =	simm.s32 $0x200;
	[sflag:s18] =	ssyncset.done $0x0  }
.LBB2_4:
0x4a: {  	s30 =	sshra.s32 s28, $0x2  }
0x4b: {  	[sflag:s18] =	ssyncadd.s32 $0xFFFFC000;
	s28 =	smov.u32 s29;
	s31 =	sadd.s32 $0x200, s29  }
0x4c: {  	[tilespmem:s20], [sflag:$0x1] =	stream.indirect.gather [hbm4b:s4+s21], $0x80, s30, s21, $0xb8;
	[tilespmem:$0x1D000] =	vst v63  }
0x4d: {  	p0 =	sne.s32 s29, $0x9C00;
	_ =	swait.ge [sflag:s18], $0x4000  }
.Ltmp1:
0x4e: {  	[sflag:s18] =	ssyncset.done $0x0;
	(pc) =	sbr.rel @p0 .LBB2_4-.Ltmp1, $4  }
0x4f: {  	s29 =	sadd.s32 $0x2800, s30;
	[sflag:s18] =	ssyncadd.s32 $0xFFFFC000  }
0x50: {  	[spmem:s2] =	stream.indirect.scatter.add.f32 [tilespmem:s20], [sflag:$0x1], $0x80, s29, s21, $0xb8;
	[tilespmem:$0x1D000] =	vst v63  }
0x51: {  	_ =	swait.ge [sflag:s18], $0x4000  }
0x52: {  	s29 =	smov.u32 s31;
	[sflag:s18] =	ssyncset.done $0x0  }
0x53: {  	s28 =	sshra.s32 s28, $0x2;
	[sflag:s18] =	ssyncadd.s32 $0xFFFFC000  }
0x54: {  	[tilespmem:s20], [sflag:$0x1] =	stream.indirect.gather [hbm4b:s4+s21], $0x80, s28, s21, $0xb8;
	[tilespmem:$0x1D000] =	vst v63  }
0x55: {  	_ =	swait.ge [sflag:s18], $0x4000  }
0x56: {  	[sflag:s18] =	ssyncset.done $0x0  }
0x57: {  	s28 =	sadd.s32 $0x2800, s28;
	[sflag:s18] =	ssyncadd.s32 $0xFFFFC000  }
0x58: {  	[spmem:s2] =	stream.indirect.scatter.add.f32 [tilespmem:s20], [sflag:$0x1], $0x80, s28, s21, $0xb8;
	[tilespmem:$0x1D000] =	vst v63  }
0x59: {  	_ =	swait.ge [sflag:s18], $0x4000  }
0x5a: {  	[sflag:s18] =	ssyncset.done $0x0  }
0x5b: {  	s31 =	sshll.u32 s1, $0x6;
	[sflag:s18] =	ssyncadd.s32 $0xFFFFC000  }
0x5c: {  	s29 =	sshrl.u32 s7, $0x3;
	s28 =	sor.u32 $0x1C01, s31;
	[bflag:$0x0] =	sbarrier.arrive $0xFFFF  }
0x5d: {  	[hbm:s8], [sflag:s28] =	dma.local [spmem:s29], $0x800  }
0x5e: {  	_ =	swait.ge [sflag:s18], $0x800  }
0x5f: {  	[sflag:s18] =	ssyncset.done $0x0  }
0x60: {  	[sflag:s18] =	ssyncadd.s32 $0xFFFFF800  }
0x61: {  	[hbm:s14], [sflag:s28] =	dma.local [spmem:s22], $0x800  }
0x62: {  	_ =	swait.ge [sflag:s18], $0x800  }
0x63: {  	[sflag:s18] =	ssyncset.done $0x0  }
0x64: {  	[sflag:s18] =	ssyncadd.s32 $0xFFFFF800  }
0x65: {  	[hbm:s15], [sflag:s28] =	dma.local [spmem:s23], $0x800  }
0x66: {  	_ =	swait.ge [sflag:s18], $0x800  }
0x67: {  	[sflag:s18] =	ssyncset.done $0x0  }
0x68: {  	[sflag:s18] =	ssyncadd.s32 $0xFFFFF800  }
0x69: {  	[hbm:s16], [sflag:s28] =	dma.local [spmem:s24], $0x800  }
0x6a: {  	s26 =	sadd.s32 $0x1, s26;
	_ =	swait.ge [sflag:s18], $0x800  }
0x6b: {  	p0 =	sne.s32 s26, s9;
	[sflag:s18] =	ssyncset.done $0x0  }
.Ltmp2:
0x6c: {  	[sflag:s18] =	ssyncadd.s32 $0xFFFFF800;
	(pc) =	sbr.rel @p0 .LBB2_1-.Ltmp2, $4  }
0x6d: {  	[hbm:s17], [sflag:s28] =	dma.local [spmem:s25], $0x800  }
0x6e: {  	_ =	swait.ge [sflag:s18], $0x800  }
0x6f: {  	[sflag:s18] =	ssyncset.done $0x0  }
0x70: {  	[sflag:s18] =	ssyncadd.s32 $0xFFFFF800  }
0x71: {  	_ =	sfence.sel $0x180000  }
0x72: {  	[bflag:$0x0] =	sbarrier.arrive $0xFFFF  }
0x73: {  	p0 =	sne.s32 s1, $0x0;
	_ =	strace $0x9000004A  }
0x74: {  	s0 =	sadd.s32 @!p0 $0x100000, s0;
	[bflag:$0x2] =	sbarrier.arrive $0xFFFF  }
0x75: {  	[sflag:s0] =	ssyncadd.tile.s32 @!p0 $0x1;
	_ =	shalt  }
.Lfunc_end2:
_tile_overlayer_lowered:
.L_overlay_start_2:
0x76: {  	(tag) =	ssettag $0x2  }
0x77: {  	s0 =	rddreg [dreg:$0x0];
	s2 =	stileid.u32  }
0x78: {  	s1 =	rddreg [dreg:$0x1];
	p0 =	sne.s32 s2, $0x0  }
0x79: {  	s3 =	rddreg [dreg:$0x2];
	[bflag:$0x3] =	sbarrier.arrive $0xFFFF;
	s2 =	simm.s32 @!p0 $0x1C01  }
0x7a: {  	[timem:s3], [sflag:s2] =	dma.local @!p0 [hbm:s0], s1  }
0x7b: {  	s0 =	simm.s32 @!p0 $0x1  }
0x7c: {  	_ =	swait.ge @!p0 [sflag:s0], s1  }
0x7d: {  	s1 =	ssub.s32 @!p0 $0x0, s1;
	[sflag:s0] =	ssyncset.done @!p0 $0x0  }
0x7e: {  	[sflag:s0] =	ssyncadd.s32 @!p0 s1  }
0x7f: {  	[bflag:$0x3] =	sbarrier.arrive $0xFFFF  }
0x80: {  	_ =	shalt  }

// kernel: kernel.29.cloned.1.call-start
scs
__scs_entry_jumppad:
0x0: {  	(pc) =	sbr.rel $0x88, $3  }
0x1: {  	(tag) =	ssettag $0x0;
	lr =	simm.s32 $0x1  }
0x2: {  	[smem:$0x3F8F] =	sst lr;
	_ =	strace $0xD0000000  }
0x3: {  	_ = 	snop  }
0x4: {  	_ = 	snop  }
0x5: {  	_ = 	snop  }
0x6: {  	_ = 	snop  }
0x7: {  	_ = 	snop  }
__scs_overlays_trampoline_lowered:
0x8: {  	[smem:$0x3F9E] =	sst s0  }
0x9: {  	[smem:$0x3F9F] =	sst s1  }
0xa: {  	[smem:$0x3FA0] =	sst s2  }
0xb: {  	[smem:$0x3FA1] =	sst s3  }
0xc: {  	[smem:$0x3FA2] =	sst s4  }
0xd: {  	[smem:$0x3FA3] =	sst s5  }
0xe: {  	[smem:$0x3FA4] =	sst s6  }
0xf: {  	[smem:$0x3FA5] =	sst s7  }
0x10: {  	[smem:$0x3FA6] =	sst s8  }
0x11: {  	[smem:$0x3FA7] =	sst s9;
	s0 =	simm.s32 @!p0 $0x0  }
0x12: {  	s1 =	sld [smem:$0x3F8D];
	s0 =	simm.s32 @p0 $0x1  }
0x13: {  	[smem:$0x3FA8] =	sst s0;
	s0 =	simm.s32 @!p1 $0x0  }
0x14: {  	s2 =	sld [smem:$0x3F8C];
	s0 =	simm.s32 @p1 $0x1  }
0x15: {  	[smem:$0x3FA9] =	sst s0;
	s0 =	simm.s32 @!p2 $0x0  }
0x16: {  	s3 =	sld [smem:$0x3FDB];
	s0 =	simm.s32 @p2 $0x1  }
0x17: {  	s4 =	simm.s32 $0x1BF5;
	[smem:$0x3FAB] =	sst s0  }
0x18: {  	s0 =	sld [smem:$0x3F8E];
	_ =	swait.ge [sflag:s4], $0x0  }
0x19: {  	s7 =	sld [smem:$0x3F8F]  }
0x1a: {  	s8 =	sadd.s32 $0xFFFFE003, lr  }
0x1b: {  	s9 =	sadd.s32 $0xFFFFFEF7, lr;
	s5 =	simm.s32 $0xFFFFFFFF;
	p2 =	slt.u32 s8, $0xFFFFF086  }
0x1c: {  	p1 =	slt.u32 s9, $0xF7A;
	s5 =	simm.s32 @!p2 $0x0  }
0x1d: {  	s5 =	simm.s32 @p1 $0x1;
	p0 =	seq.s32 s7, s2  }
0x1e: {  	s7 =	smul.u32 @!p0 $0xF7A, s2;
	p2 =	seq.s32 @!p0 s5, $0x0  }
0x1f: {  	s9 =	smul.u32 $0xF7A, s1;
	s8 =	simm.s32 @!p0 $0x1BF5;
	p2 =	por !p2, p0  }
0x20: {  	[sflag:s8] =	ssyncset.s32 @!p0 $0xFFFFF086;
	s6 =	sadd.s32 @!p0 s3, s7;
	s7 =	simm.s32 @!p0 $0x108  }
0x21: {  	s3 =	sadd.s32 s3, s9;
	s6 =	sadd.s32 @!p0 $0x88, s6;
	s7 =	simm.s32 @p2 $0x1082  }
0x22: {  	[simem:s7], [sflag:s8] =	dma.local @!p0 [hbm:s6], $0xF7A  }
0x23: {  	s9 =	sor.u32 $0xD0000000, s2;
	s6 =	simm.s32 $0x108;
	_ =	swait.ge @!p0 [sflag:s8], $0x0  }
0x24: {  	s3 =	sadd.s32 $0x88, s3;
	s6 =	simm.s32 @!p1 $0x1082;
	[sflag:s4] =	ssyncset.s32 $0xFFFFF086  }
0x25: {  	[simem:s6], [sflag:s4] =	dma.local [hbm:s3], $0xF7A  }
0x26: {  	[smem:$0x3F8F] =	sst s1;
	(tag) =	ssettag s2;
	_ =	strace s9  }
0x27: {  	s1 =	sld [smem:$0x3F9F]  }
0x28: {  	s2 =	sld [smem:$0x3FA0]  }
0x29: {  	s4 =	sld [smem:$0x3FA2]  }
0x2a: {  	p0 =	seq.s32 s5, $0x0;
	s5 =	sld [smem:$0x3FA3]  }
0x2b: {  	s6 =	sld [smem:$0x3FA4]  }
0x2c: {  	s7 =	sld [smem:$0x3FA5]  }
0x2d: {  	s3 =	simm.s32 $0x108;
	s8 =	sld [smem:$0x3FA6]  }
0x2e: {  	s3 =	simm.s32 @!p0 $0x1082;
	s9 =	sld [smem:$0x3FA7]  }
0x2f: {  	lr =	sadd.s32 s0, s3;
	s0 =	sld [smem:$0x3F9E]  }
0x30: {  	s3 =	sld [smem:$0x3FA1]  }
0x31: {  	[smem:$0x3FAA] =	sst s10  }
0x32: {  	s10 =	sld [smem:$0x3FA8];
	_ =	sdelay $0x3  }
0x33: {  	p0 =	seq.s32 s10, $0x1;
	s10 =	sld [smem:$0x3FAA];
	_ =	sdelay $0x3  }
0x34: {  	[smem:$0x3FAA] =	sst s10  }
0x35: {  	s10 =	sld [smem:$0x3FA9];
	_ =	sdelay $0x3  }
0x36: {  	p1 =	seq.s32 s10, $0x1;
	s10 =	sld [smem:$0x3FAA];
	_ =	sdelay $0x3  }
0x37: {  	[smem:$0x3FAA] =	sst s10  }
0x38: {  	s10 =	sld [smem:$0x3FAB]  }
0x39: {  	_ = 	snop;
	(pc) =	sbr.ind lr, $3  }
0x3a: {  	_ = 	snop  }
0x3b: {  	_ = 	snop  }
0x3c: {  	p2 =	seq.s32 s10, $0x1;
	s10 =	sld [smem:$0x3FAA]  }
0x3d: {  	_ =	shalt  }
0x3e: {  	_ =	shalt  }
0x3f: {  	_ =	shalt  }
0x40: {  	_ =	shalt  }
0x41: {  	_ =	shalt  }
0x42: {  	_ =	shalt  }
0x43: {  	_ =	shalt  }
0x44: {  	_ =	shalt  }
0x45: {  	_ =	shalt  }
0x46: {  	_ =	shalt  }
0x47: {  	_ =	shalt  }
0x48: {  	_ =	shalt  }
0x49: {  	_ =	shalt  }
0x4a: {  	_ =	shalt  }
0x4b: {  	_ =	shalt  }
0x4c: {  	_ =	shalt  }
0x4d: {  	_ =	shalt  }
0x4e: {  	_ =	shalt  }
0x4f: {  	_ =	shalt  }
0x50: {  	_ =	shalt  }
0x51: {  	_ =	shalt  }
0x52: {  	_ =	shalt  }
0x53: {  	_ =	shalt  }
0x54: {  	_ =	shalt  }
0x55: {  	_ =	shalt  }
0x56: {  	_ =	shalt  }
0x57: {  	_ =	shalt  }
0x58: {  	_ =	shalt  }
0x59: {  	_ =	shalt  }
0x5a: {  	_ =	shalt  }
0x5b: {  	_ =	shalt  }
0x5c: {  	_ =	shalt  }
0x5d: {  	_ =	shalt  }
0x5e: {  	_ =	shalt  }
0x5f: {  	_ =	shalt  }
0x60: {  	_ =	shalt  }
0x61: {  	_ =	shalt  }
0x62: {  	_ =	shalt  }
0x63: {  	_ =	shalt  }
0x64: {  	_ =	shalt  }
0x65: {  	_ =	shalt  }
0x66: {  	_ =	shalt  }
0x67: {  	_ =	shalt  }
0x68: {  	_ =	shalt  }
0x69: {  	_ =	shalt  }
0x6a: {  	_ =	shalt  }
0x6b: {  	_ =	shalt  }
0x6c: {  	_ =	shalt  }
0x6d: {  	_ =	shalt  }
0x6e: {  	_ =	shalt  }
0x6f: {  	_ =	shalt  }
0x70: {  	_ =	shalt  }
0x71: {  	_ =	shalt  }
0x72: {  	_ =	shalt  }
0x73: {  	_ =	shalt  }
0x74: {  	_ =	shalt  }
0x75: {  	_ =	shalt  }
0x76: {  	_ =	shalt  }
0x77: {  	_ =	shalt  }
0x78: {  	_ =	shalt  }
0x79: {  	_ =	shalt  }
0x7a: {  	_ =	shalt  }
0x7b: {  	_ =	shalt  }
0x7c: {  	_ =	shalt  }
0x7d: {  	_ =	shalt  }
0x7e: {  	_ =	shalt  }
0x7f: {  	_ =	shalt  }
0x80: {  	_ =	shalt  }
0x81: {  	_ =	shalt  }
0x82: {  	_ =	shalt  }
0x83: {  	_ =	shalt  }
0x84: {  	_ =	shalt  }
0x85: {  	_ =	shalt  }
0x86: {  	_ =	shalt  }
0x87: {  	_ =	shalt  }
.Lfunc_end0:
.L_simem_size_0:
called_computation.2_lowered:
.L_overlay_start_0:
0x88: {  	s2 =	sld [smem:$0x3FD9]  }
0x89: {  	s3 =	sld [smem:$0x3FFE];
	_ =	sdelay $0x1  }
0x8a: {  	s1 =	srdreg.scid  }
0x8b: {  	s0 =	sand.u32 $0x1, s1  }
0x8c: {  	s16 =	sshll.u32 s0, $0xA;
	s2 =	sadd.s32 s3, s2  }
0x8d: {  	s2 =	sadd.s32 s2, s16  }
0x8e: {  	[smem:$0x3FB6] =	sst s2  }
0x8f: {  	_ = 	snop  }
0x90: {  	(tm) =	ssettm $0x1  }
0x91: {  	s17 =	sld [smem:$0x3FFB];
	_ =	sdelay $0x3  }
0x92: {  	_ =	strace s17  }
0x93: {  	s2 =	sld [smem:$0x3FFC];
	_ =	sdelay $0x3  }
0x94: {  	_ =	strace s2  }
0x95: {  	s2 =	sld [smem:$0x3FFD];
	_ =	sdelay $0x3  }
0x96: {  	_ =	strace s2  }
0x97: {  	_ =	strace $0x8FFFFFFF  }
0x98: {  	s18 =	sld [smem:$0x3FDB];
	_ =	sdelay $0x1  }
0x99: {  	s19 =	simm.s32 $_scs_section_size  }
0x9a: {  	s4 =	simm.s32 $_size__tile_overlayer_lowered;
	s5 =	simm.s32 $_tile_overlayer_lowered  }
0x9b: {  	s22 =	simm.s32 $0x1BFF;
	s21 =	sshll.u32 s5, $0x1;
	s2 =	sadd.s32 s19, s18  }
0x9c: {  	s6 =	simm.s32 $0x0;
	s20 =	sshll.u32 s4, $0x1;
	s4 =	sadd.s32 s21, s2  }
0x9d: {  	[timem:s6], [sflag:s22] =	dma.local [hbm:s4], s20  }
0x9e: {  	_ =	swait.ge [sflag:s22], s20  }
0x9f: {  	s3 =	ssub.s32 $0x0, s20;
	[sflag:s22] =	ssyncset.done $0x0  }
0xa0: {  	[sflag:s22] =	ssyncadd.s32 s3;
	_ =	sdelay $0x1  }
0xa1: {  	s23 =	simm.s32 $0x1B8B  }
0xa2: {  	_ =	swait.ge [sflag:s23], $0x1  }
0xa3: {  	[sflag:s23] =	ssyncset.done $0x0  }
0xa4: {  	s25 =	simm.s32 $0x1B8E;
	s24 =	sld [smem:$0x3FFE];
	[sflag:s23] =	ssyncadd.s32 $0xFFFFFFFF  }
0xa5: {  	s26 =	simm.s32 $execute0_lowered;
	[smem:$0x3FD2] =	sst s25  }
0xa6: {  	s4 =	sshll.u32 s26, $0x1;
	_ =	strace $0x8000004C;
	[dreg:$0x1] =	wrdreg $0xFFFFFFFF  }
0xa7: {  	s28 =	simm.s32 $_size_execute0_lowered;
	s2 =	sadd.s32 s2, s4;
	[dreg:$0x0] =	wrdreg $0x0  }
0xa8: {  	s4 =	sshll.u32 s28, $0x1;
	[dreg:$0x2] =	wrdreg s2  }
0xa9: {  	[dreg:$0x3] =	wrdreg s4  }
0xaa: {  	[dreg:$0x4] =	wrdreg $0xC0  }
0xab: {  	_ =	task [dreg:s6], $0x5FFFF  }
0xac: {  	[dreg:$0x1] =	wrdreg $0xFFFFFFFF  }
0xad: {  	[dreg:$0x0] =	wrdreg $0x60  }
0xae: {  	[dreg:$0x2] =	wrdreg s24  }
0xaf: {  	[dreg:$0x3] =	wrdreg $0xA3000  }
0xb0: {  	[dreg:$0x4] =	wrdreg $0x9  }
0xb1: {  	_ =	task.clear_ibuf [dreg:s6], $0x5FFFF;
	_ =	strace $0x9000004C  }
0xb2: {  	s29 =	simm.s32 $0x9;
	_ =	strace $0x8000004E  }
0xb3: {  	_ =	swait.ge [sflag:s29], $0x1  }
0xb4: {  	[sflag:s29] =	ssyncadd.s32 $0xFFFFFFFF  }
0xb5: {  	_ =	strace $0x9000004E  }
0xb6: {  	_ =	sfence  }
0xb7: {  	s30 =	sld [smem:$0x0];
	_ =	sdelay $0x2  }
0xb8: {  	s31 =	sshll.u32 s1, $0xD;
	s1 =	sshrl.u32 s1, $0x2  }
0xb9: {  	s3 =	sand.u32 $0x4000, s31;
	s1 =	sadd.s32 s1, s30  }
0xba: {  	s0 =	sor.u32 s3, s0;
	s1 =	sshll.u32 s1, $0x11  }
0xbb: {  	s0 =	sor.u32 s1, s0  }
0xbc: {  	s0 =	sadd.s32 $0x8F2B, s0  }
0xbd: {  	[sflag:s0] =	ssyncadd.remote.s32 $0x1  }
0xbe: {  	_ =	sfence.sel $0xFFFF  }
0xbf: {  	[dreg:$0x0] =	wrdreg $0xFFFFFFFF;
	(pc) =	sbr.abs _section_cstart, $3  }
0xc0: {  	[dreg:$0x1] =	wrdreg $0xFFFFFFFF  }
0xc1: {  	_ =	task.clear_ibuf [dreg:s6], $0x2FFFF;
	_ =	strace $0x9FFFFFFF  }
0xc2: {  	(tm) =	ssettm $0x7FFFFFFF  }
0xc3: {  	_ =	shalt  }
tec
execute0_lowered:
.L_overlay_start_1:
0x0: {  	(tag) =	ssettag $0x1  }
0x1: {  	s5 =	rddreg [dreg:$0x0]  }
0x2: {  	s2 =	rddreg [dreg:$0x1]  }
0x3: {  	s0 =	rddreg [dreg:$0x2];
	s4 =	srdreg.scid  }
0x4: {  	s3 =	simm.s32 $0x0;
	s1 =	stileid.u32;
	s13 =	simm.s32 $0x2800  }
0x5: {  	s14 =	simm.s32 $0xA080;
	s15 =	simm.s32 $0x80;
	s16 =	simm.s32 $0x7800  }
0x6: {  	s19 =	simm.s32 $0x20;
	s20 =	simm.s32 $0x10;
	s21 =	simm.s32 $0x7880  }
0x7: {  	s22 =	simm.s32 $0x0;
	s6 =	sand.u32 $0x1, s4;
	s7 =	smul.u32 $0x500, s1  }
0x8: {  	[smem:$0x7FF] =	sst s3;
	s29 =	smul.u32 $0xA00, s1;
	s17 =	sshll.u32 s1, $0x6  }
0x9: {  	s4 =	sshll.u32 s6, $0x4;
	_ =	strace $0x8000004D;
	s8 =	sshll.u32 s6, $0x7  }
0xa: {  	s6 =	ssub.s32 $0x2, s6;
	s17 =	sor.u32 $0x1C01, s17;
	s9 =	sor.u32 s1, s4  }
0xb: {  	s4 =	sadd.s32 $0x6AA00, s5;
	s7 =	sor.u32 s8, s7;
	s30 =	sshrl.u32 s6, $0x1  }
0xc: {  	s31 =	sshrl.u32 s29, $0x2;
	s28 =	smul.u32 $0x500, s9;
	s7 =	sshrl.u32 s7, $0x3  }
0xd: {  	s12 =	ssub.s32 s6, s30;
	s10 =	sadd.s32 s7, s5;
	s7 =	sadd.s32 s31, s2  }
0xe: {  	s11 =	sadd.s32 s28, s5;
	s8 =	sadd.s32 $0x6B000, s10;
	s10 =	smax.u32 s12, $0x1  }
0xf: {  	s12 =	simm.s32 $0x1;
	s18 =	sshrl.u32 s7, $0x3;
	s5 =	sadd.s32 $0x8600, s11  }
0x10: {  	v0 =	vimm.f32 $0.0e+00;
	v1 =	vimm.f32 $1.000000000e+00;
	s6 =	sadd.s32 $0x12600, s11;
	s9 =	sadd.s32 $0x6BA00, s11;
	s11 =	simm.s32 $0x5000  }
.LBB2_1:
0x11: {  	[tilespmem:s11], [sflag:$0x1] =	stream.linear.gather [hbm4b:s4+s3], $0x2800, $0x38;
	[tilespmem:$0xA580] =	vst v63  }
0x12: {  	_ =	swait.ge [sflag:s12], $0x2800  }
0x13: {  	[sflag:s12] =	ssyncset.done $0x0  }
0x14: {  	[sflag:s12] =	ssyncadd.s32 $0xFFFFD800  }
0x15: {  	[tilespmem:s3], [sflag:$0x1] =	stream.linear.gather [hbm4b:s5+s3], $0x2780, $0x38;
	[tilespmem:$0xA580] =	vst v63  }
0x16: {  	_ =	swait.ge [sflag:s12], $0x2780  }
0x17: {  	[sflag:s12] =	ssyncset.done $0x0  }
0x18: {  	[sflag:s12] =	ssyncadd.s32 $0xFFFFD880  }
0x19: {  	[tilespmem:s13], [sflag:$0x1] =	stream.linear.gather [hbm4b:s6+s3], $0x2780, $0x38;
	[tilespmem:$0xA580] =	vst v63  }
0x1a: {  	_ =	swait.ge [sflag:s12], $0x2780  }
0x1b: {  	[sflag:s12] =	ssyncset.done $0x0  }
0x1c: {  	[sflag:s12] =	ssyncadd.s32 $0xFFFFD880  }
0x1d: {  	[tilespmem:$0xA080] =	vst v0  }
0x1e: {  	[tilespmem:$0xA090] =	vst v0  }
0x1f: {  	[tilespmem:$0xA0A0] =	vst v0  }
0x20: {  	[tilespmem:$0xA0B0] =	vst v0  }
0x21: {  	[tilespmem:$0xA0C0] =	vst v0  }
0x22: {  	[tilespmem:$0xA0D0] =	vst v0  }
0x23: {  	[tilespmem:$0xA0E0] =	vst v0  }
0x24: {  	[tilespmem:$0xA0F0] =	vst v0  }
0x25: {  	[tilespmem:$0xA100] =	vst v0  }
0x26: {  	[tilespmem:$0xA110] =	vst v0  }
0x27: {  	[tilespmem:$0xA120] =	vst v0  }
0x28: {  	[tilespmem:$0xA130] =	vst v0  }
0x29: {  	[tilespmem:$0xA140] =	vst v0  }
0x2a: {  	[tilespmem:$0xA150] =	vst v0  }
0x2b: {  	[tilespmem:$0xA160] =	vst v0  }
0x2c: {  	[tilespmem:$0xA170] =	vst v0  }
0x2d: {  	[tilespmem:$0xA180] =	vst v0  }
0x2e: {  	[tilespmem:$0xA190] =	vst v0  }
0x2f: {  	[tilespmem:$0xA1A0] =	vst v0  }
0x30: {  	[tilespmem:$0xA1B0] =	vst v0  }
0x31: {  	[tilespmem:$0xA1C0] =	vst v0  }
0x32: {  	[tilespmem:$0xA1D0] =	vst v0  }
0x33: {  	[tilespmem:$0xA1E0] =	vst v0  }
0x34: {  	[tilespmem:$0xA1F0] =	vst v0  }
0x35: {  	[tilespmem:$0xA200] =	vst v0  }
0x36: {  	[tilespmem:$0xA210] =	vst v0  }
0x37: {  	[tilespmem:$0xA220] =	vst v0  }
0x38: {  	[tilespmem:$0xA230] =	vst v0  }
0x39: {  	[tilespmem:$0xA240] =	vst v0  }
0x3a: {  	[tilespmem:$0xA250] =	vst v0  }
0x3b: {  	[tilespmem:$0xA260] =	vst v0  }
0x3c: {  	[tilespmem:$0xA270] =	vst v0  }
0x3d: {  	[tilespmem:$0xA280] =	vst v0  }
0x3e: {  	[tilespmem:$0xA290] =	vst v0  }
0x3f: {  	[tilespmem:$0xA2A0] =	vst v0  }
0x40: {  	[tilespmem:$0xA2B0] =	vst v0  }
0x41: {  	[tilespmem:$0xA2C0] =	vst v0  }
0x42: {  	[tilespmem:$0xA2D0] =	vst v0  }
0x43: {  	[tilespmem:$0xA2E0] =	vst v0  }
0x44: {  	[tilespmem:$0xA2F0] =	vst v0  }
0x45: {  	[tilespmem:$0x7800] =	vst v1  }
0x46: {  	[tilespmem:$0x7810] =	vst v1  }
0x47: {  	[tilespmem:$0x7820] =	vst v1  }
0x48: {  	[tilespmem:$0x7830] =	vst v1  }
0x49: {  	[tilespmem:$0x7840] =	vst v1  }
0x4a: {  	[tilespmem:$0x7850] =	vst v1  }
0x4b: {  	[tilespmem:$0x7860] =	vst v1  }
0x4c: {  	[tilespmem:$0x7870] =	vst v1  }
0x4d: {  	[spmem:s7] =	stream.linear.scatter [tilespmem:s14], [sflag:$0x1], $0x280, $0x38;
	[tilespmem:$0xA580] =	vst v63  }
0x4e: {  	_ =	swait.ge [sflag:s12], $0x280  }
0x4f: {  	[sflag:s12] =	ssyncset.done $0x0  }
0x50: {  	[sflag:s12] =	ssyncadd.s32 $0xFFFFFD80  }
0x51: {  	s23 =	simm.s32 $0x0;
	[bflag:$0x0] =	sbarrier.arrive $0xFFFF  }
0x52: {  	v2 =	vld [tilespmem:s23+$0x0]  }
0x53: {  	v3 =	vld [tilespmem:s23+$0x2800];
	_ =	sdelay $0x6  }
0x54: {  	v2 =	vld.idx.msk [tilespmem:v2+s11+$0x0], $0xffff  }
0x55: {  	v4 =	vld.idx.msk [tilespmem:v3+s11+$0x0], $0xffff;
	_ =	sdelay $0x1  }
0x56: {  	v5 =	vld [tilespmem:s23+$0x10]  }
0x57: {  	v6 =	vld [tilespmem:s23+$0x2810];
	_ =	sdelay $0x1  }
0x58: {  	v2 =	vmul.u32 v2, v4;
	_ =	sdelay $0x1  }
0x59: {  	vm0 =	vgt.s32 v2, $0x0  }
0x5a: {  	v2 =	vnsel vm0, $0x2710, v3  }
0x5b: {  	[tilespmem:s23+$0x7880] =	vst v2  }
0x5c: {  	v2 =	vld.idx.msk [tilespmem:v5+s11+$0x0], $0xffff  }
0x5d: {  	v3 =	vld.idx.msk [tilespmem:v6+s11+$0x0], $0xffff;
	_ =	sdelay $0x1  }
0x5e: {  	v4 =	vld [tilespmem:s23+$0x20]  }
0x5f: {  	v5 =	vld [tilespmem:s23+$0x2820];
	_ =	sdelay $0x1  }
0x60: {  	v2 =	vmul.u32 v2, v3;
	_ =	sdelay $0x1  }
0x61: {  	vm10 =	vgt.s32 v2, $0x0  }
0x62: {  	v2 =	vnsel vm10, $0x2710, v6  }
0x63: {  	[tilespmem:s23+$0x7890] =	vst v2  }
0x64: {  	v2 =	vld.idx.msk [tilespmem:v4+s11+$0x0], $0xffff  }
0x65: {  	v3 =	vld.idx.msk [tilespmem:v5+s11+$0x0], $0xffff;
	_ =	sdelay $0x1  }
0x66: {  	v4 =	vld [tilespmem:s23+$0x30]  }
0x67: {  	v6 =	vld [tilespmem:s23+$0x2830];
	_ =	sdelay $0x1  }
0x68: {  	v2 =	vmul.u32 v2, v3;
	_ =	sdelay $0x1  }
0x69: {  	vm11 =	vgt.s32 v2, $0x0  }
0x6a: {  	v2 =	vnsel vm11, $0x2710, v5  }
0x6b: {  	[tilespmem:s23+$0x78A0] =	vst v2  }
0x6c: {  	v2 =	vld.idx.msk [tilespmem:v4+s11+$0x0], $0xffff  }
0x6d: {  	v3 =	vld.idx.msk [tilespmem:v6+s11+$0x0], $0xffff;
	_ =	sdelay $0x1  }
0x6e: {  	v4 =	vld [tilespmem:s23+$0x40]  }
0x6f: {  	v5 =	vld [tilespmem:s23+$0x2840];
	_ =	sdelay $0x1  }
0x70: {  	v2 =	vmul.u32 v2, v3;
	_ =	sdelay $0x1  }
0x71: {  	vm12 =	vgt.s32 v2, $0x0  }
0x72: {  	v2 =	vnsel vm12, $0x2710, v6  }
0x73: {  	[tilespmem:s23+$0x78B0] =	vst v2  }
0x74: {  	v2 =	vld.idx.msk [tilespmem:v4+s11+$0x0], $0xffff  }
0x75: {  	v3 =	vld.idx.msk [tilespmem:v5+s11+$0x0], $0xffff;
	_ =	sdelay $0x1  }
0x76: {  	v4 =	vld [tilespmem:s23+$0x50]  }
0x77: {  	v6 =	vld [tilespmem:s23+$0x2850];
	_ =	sdelay $0x1  }
0x78: {  	v2 =	vmul.u32 v2, v3;
	_ =	sdelay $0x1  }
0x79: {  	vm13 =	vgt.s32 v2, $0x0  }
0x7a: {  	v2 =	vnsel vm13, $0x2710, v5  }
0x7b: {  	[tilespmem:s23+$0x78C0] =	vst v2  }
0x7c: {  	v2 =	vld.idx.msk [tilespmem:v4+s11+$0x0], $0xffff  }
0x7d: {  	v3 =	vld.idx.msk [tilespmem:v6+s11+$0x0], $0xffff;
	_ =	sdelay $0x1  }
0x7e: {  	v4 =	vld [tilespmem:s23+$0x60]  }
0x7f: {  	v5 =	vld [tilespmem:s23+$0x2860];
	_ =	sdelay $0x1  }
0x80: {  	v2 =	vmul.u32 v2, v3;
	_ =	sdelay $0x1  }
0x81: {  	vm14 =	vgt.s32 v2, $0x0  }
0x82: {  	v2 =	vnsel vm14, $0x2710, v6  }
0x83: {  	[tilespmem:s23+$0x78D0] =	vst v2  }
0x84: {  	v3 =	vld.idx.msk [tilespmem:v4+s11+$0x0], $0xffff  }
0x85: {  	v4 =	vld.idx.msk [tilespmem:v5+s11+$0x0], $0xffff;
	_ =	sdelay $0x1  }
0x86: {  	v6 =	vld [tilespmem:s23+$0x70]  }
0x87: {  	v2 =	vld [tilespmem:s23+$0x2870];
	_ =	sdelay $0x1  }
0x88: {  	v3 =	vmul.u32 v3, v4;
	_ =	sdelay $0x1  }
0x89: {  	vm15 =	vgt.s32 v3, $0x0  }
0x8a: {  	v3 =	vnsel vm15, $0x2710, v5  }
0x8b: {  	[tilespmem:s23+$0x78E0] =	vst v3  }
0x8c: {  	v3 =	vld.idx.msk [tilespmem:v6+s11+$0x0], $0xffff  }
0x8d: {  	v4 =	vld.idx.msk [tilespmem:v2+s11+$0x0], $0xffff;
	_ =	sdelay $0x1  }
0x8e: {  	s24 =	simm.s32 $0x200;
	s25 =	simm.s32 $0x7880  }
.LBB2_2:
0x8f: {  	_ =	sdelay $0x1  }
0x90: {  	p0 =	sne.s32 s24, $0x9C00;
	s26 =	smov.u32 s24;
	s24 =	sadd.s32 $0x200, s24;
	v3 =	vmul.u32 v3, v4  }
0x91: {  	_ = 	snop  }
0x92: {  	vm0 =	vgt.s32 v3, $0x0  }
0x93: {  	v2 =	vnsel vm0, $0x2710, v2  }
0x94: {  	[tilespmem:s23+$0x78F0] =	vst v2  }
0x95: {  	[spmem:s2] =	stream.indirect.scatter.add.f32 [tilespmem:s16], [sflag:$0x1], $0x1, s25, s15, $0xb8;
	[tilespmem:$0xA580] =	vst v63  }
0x96: {  	_ =	swait.ge [sflag:s12], $0x80  }
0x97: {  	[sflag:s12] =	ssyncset.done $0x0  }
0x98: {  	s23 =	sshra.s32 s26, $0x2;
	[sflag:s12] =	ssyncadd.s32 $0xFFFFFF80  }
0x99: {  	v2 =	vld [tilespmem:s23+$0x0]  }
0x9a: {  	v3 =	vld [tilespmem:s23+$0x2800];
	_ =	sdelay $0x6  }
0x9b: {  	v2 =	vld.idx.msk [tilespmem:v2+s11+$0x0], $0xffff  }
0x9c: {  	v4 =	vld.idx.msk [tilespmem:v3+s11+$0x0], $0xffff;
	_ =	sdelay $0x1  }
0x9d: {  	v5 =	vld [tilespmem:s23+$0x2810]  }
0x9e: {  	v6 =	vld [tilespmem:s23+$0x10];
	_ =	sdelay $0x2  }
0x9f: {  	v2 =	vmul.u32 v2, v4;
	_ =	sdelay $0x1  }
0xa0: {  	vm0 =	vgt.s32 v2, $0x0  }
0xa1: {  	v2 =	vnsel vm0, $0x2710, v3  }
0xa2: {  	[tilespmem:s23+$0x7880] =	vst v2  }
0xa3: {  	v2 =	vld.idx.msk [tilespmem:v6+s11+$0x0], $0xffff  }
0xa4: {  	v3 =	vld.idx.msk [tilespmem:v5+s11+$0x0], $0xffff;
	_ =	sdelay $0x1  }
0xa5: {  	v4 =	vld [tilespmem:s23+$0x2820]  }
0xa6: {  	v6 =	vld [tilespmem:s23+$0x20];
	_ =	sdelay $0x2  }
0xa7: {  	v2 =	vmul.u32 v2, v3;
	_ =	sdelay $0x1  }
0xa8: {  	vm0 =	vgt.s32 v2, $0x0  }
0xa9: {  	v2 =	vnsel vm0, $0x2710, v5  }
0xaa: {  	[tilespmem:s23+$0x7890] =	vst v2  }
0xab: {  	v2 =	vld.idx.msk [tilespmem:v6+s11+$0x0], $0xffff  }
0xac: {  	v3 =	vld.idx.msk [tilespmem:v4+s11+$0x0], $0xffff;
	_ =	sdelay $0x1  }
0xad: {  	v5 =	vld [tilespmem:s23+$0x2830]  }
0xae: {  	v6 =	vld [tilespmem:s23+$0x30];
	_ =	sdelay $0x2  }
0xaf: {  	v2 =	vmul.u32 v2, v3;
	_ =	sdelay $0x1  }
0xb0: {  	vm0 =	vgt.s32 v2, $0x0  }
0xb1: {  	v2 =	vnsel vm0, $0x2710, v4  }
0xb2: {  	[tilespmem:s23+$0x78A0] =	vst v2  }
0xb3: {  	v2 =	vld.idx.msk [tilespmem:v6+s11+$0x0], $0xffff  }
0xb4: {  	v3 =	vld.idx.msk [tilespmem:v5+s11+$0x0], $0xffff;
	_ =	sdelay $0x1  }
0xb5: {  	v4 =	vld [tilespmem:s23+$0x2840]  }
0xb6: {  	v6 =	vld [tilespmem:s23+$0x40];
	_ =	sdelay $0x2  }
0xb7: {  	v2 =	vmul.u32 v2, v3;
	_ =	sdelay $0x1  }
0xb8: {  	vm0 =	vgt.s32 v2, $0x0  }
0xb9: {  	v2 =	vnsel vm0, $0x2710, v5  }
0xba: {  	[tilespmem:s23+$0x78B0] =	vst v2  }
0xbb: {  	v2 =	vld.idx.msk [tilespmem:v6+s11+$0x0], $0xffff  }
0xbc: {  	v3 =	vld.idx.msk [tilespmem:v4+s11+$0x0], $0xffff;
	_ =	sdelay $0x1  }
0xbd: {  	v5 =	vld [tilespmem:s23+$0x2850]  }
0xbe: {  	v6 =	vld [tilespmem:s23+$0x50];
	_ =	sdelay $0x2  }
0xbf: {  	v2 =	vmul.u32 v2, v3;
	_ =	sdelay $0x1  }
0xc0: {  	vm0 =	vgt.s32 v2, $0x0  }
0xc1: {  	v2 =	vnsel vm0, $0x2710, v4  }
0xc2: {  	[tilespmem:s23+$0x78C0] =	vst v2  }
0xc3: {  	v2 =	vld.idx.msk [tilespmem:v6+s11+$0x0], $0xffff  }
0xc4: {  	v3 =	vld.idx.msk [tilespmem:v5+s11+$0x0], $0xffff;
	_ =	sdelay $0x1  }
0xc5: {  	v4 =	vld [tilespmem:s23+$0x2860]  }
0xc6: {  	v6 =	vld [tilespmem:s23+$0x60];
	_ =	sdelay $0x2  }
0xc7: {  	v2 =	vmul.u32 v2, v3;
	_ =	sdelay $0x1  }
0xc8: {  	vm0 =	vgt.s32 v2, $0x0  }
0xc9: {  	v2 =	vnsel vm0, $0x2710, v5  }
0xca: {  	[tilespmem:s23+$0x78D0] =	vst v2  }
0xcb: {  	v3 =	vld.idx.msk [tilespmem:v6+s11+$0x0], $0xffff  }
0xcc: {  	v5 =	vld.idx.msk [tilespmem:v4+s11+$0x0], $0xffff;
	_ =	sdelay $0x1  }
0xcd: {  	v2 =	vld [tilespmem:s23+$0x2870]  }
0xce: {  	v6 =	vld [tilespmem:s23+$0x70];
	_ =	sdelay $0x2  }
0xcf: {  	v3 =	vmul.u32 v3, v5;
	_ =	sdelay $0x1  }
0xd0: {  	vm0 =	vgt.s32 v3, $0x0  }
0xd1: {  	v3 =	vnsel vm0, $0x2710, v4  }
.Ltmp0:
0xd2: {  	[tilespmem:s23+$0x78E0] =	vst v3;
	(pc) =	sbr.rel @p0 .LBB2_2-.Ltmp0, $3  }
0xd3: {  	v3 =	vld.idx.msk [tilespmem:v6+s11+$0x0], $0xffff  }
0xd4: {  	v4 =	vld.idx.msk [tilespmem:v2+s11+$0x0], $0xffff;
	_ =	sdelay $0x1  }
0xd5: {  	s25 =	sadd.s32 $0x7880, s23  }
0xd6: {  	_ =	sdelay $0x1  }
0xd7: {  	v3 =	vmul.u32 v3, v4;
	_ =	sdelay $0x1  }
0xd8: {  	vm0 =	vgt.s32 v3, $0x0  }
0xd9: {  	v2 =	vnsel vm0, $0x2710, v2  }
0xda: {  	[tilespmem:s23+$0x78F0] =	vst v2  }
0xdb: {  	[spmem:s2] =	stream.indirect.scatter.add.f32 [tilespmem:s16], [sflag:$0x1], $0x1, s25, s15, $0xb8;
	[tilespmem:$0xA580] =	vst v63  }
0xdc: {  	_ =	swait.ge [sflag:s12], $0x80  }
0xdd: {  	[sflag:s12] =	ssyncset.done $0x0  }
0xde: {  	[sflag:s12] =	ssyncadd.s32 $0xFFFFFF80  }
0xdf: {  	[bflag:$0x0] =	sbarrier.arrive $0xFFFF  }
0xe0: {  	[hbm:s8@s19], [sflag:s17] =	dma.strided [spmem:s18@s20], $0x50, s12, $0x10   }
0xe1: {  	s22 =	sadd.s32 $0x1, s22;
	_ =	swait.ge [sflag:s12], $0x50  }
0xe2: {  	p0 =	sne.s32 s22, s10;
	[sflag:s12] =	ssyncset.done $0x0  }
.Ltmp1:
0xe3: {  	[sflag:s12] =	ssyncadd.s32 $0xFFFFFFB0;
	(pc) =	sbr.rel @p0 .LBB2_1-.Ltmp1, $4  }
0xe4: {  	[hbm4b:s9+s3] =	stream.linear.scatter [tilespmem:s21], [sflag:$0x1], $0x2780, $0x38;
	[tilespmem:$0xA580] =	vst v63  }
0xe5: {  	_ =	swait.ge [sflag:s12], $0x2780  }
0xe6: {  	[sflag:s12] =	ssyncset.done $0x0  }
0xe7: {  	[sflag:s12] =	ssyncadd.s32 $0xFFFFD880  }
0xe8: {  	_ =	sfence.sel $0x180000  }
0xe9: {  	[bflag:$0x0] =	sbarrier.arrive $0xFFFF  }
0xea: {  	p0 =	sne.s32 s1, $0x0;
	_ =	strace $0x9000004D  }
0xeb: {  	s0 =	sadd.s32 @!p0 $0x100000, s0;
	[bflag:$0x2] =	sbarrier.arrive $0xFFFF  }
0xec: {  	[sflag:s0] =	ssyncadd.tile.s32 @!p0 $0x1;
	_ =	shalt  }
.Lfunc_end2:
_tile_overlayer_lowered:
.L_overlay_start_2:
0xed: {  	(tag) =	ssettag $0x2  }
0xee: {  	s0 =	rddreg [dreg:$0x0];
	s2 =	stileid.u32  }
0xef: {  	s1 =	rddreg [dreg:$0x1];
	p0 =	sne.s32 s2, $0x0  }
0xf0: {  	s3 =	rddreg [dreg:$0x2];
	[bflag:$0x3] =	sbarrier.arrive $0xFFFF;
	s2 =	simm.s32 @!p0 $0x1C01  }
0xf1: {  	[timem:s3], [sflag:s2] =	dma.local @!p0 [hbm:s0], s1  }
0xf2: {  	s0 =	simm.s32 @!p0 $0x1  }
0xf3: {  	_ =	swait.ge @!p0 [sflag:s0], s1  }
0xf4: {  	s1 =	ssub.s32 @!p0 $0x0, s1;
	[sflag:s0] =	ssyncset.done @!p0 $0x0  }
0xf5: {  	[sflag:s0] =	ssyncadd.s32 @!p0 s1  }
0xf6: {  	[bflag:$0x3] =	sbarrier.arrive $0xFFFF  }
0xf7: {  	_ =	shalt  }

// kernel: kernel.32.cloned.1.call-start
scs
__scs_entry_jumppad:
0x0: {  	(pc) =	sbr.rel $0x88, $3  }
0x1: {  	(tag) =	ssettag $0x0;
	lr =	simm.s32 $0x1  }
0x2: {  	[smem:$0x3F8F] =	sst lr;
	_ =	strace $0xD0000000  }
0x3: {  	_ = 	snop  }
0x4: {  	_ = 	snop  }
0x5: {  	_ = 	snop  }
0x6: {  	_ = 	snop  }
0x7: {  	_ = 	snop  }
__scs_overlays_trampoline_lowered:
0x8: {  	[smem:$0x3F9E] =	sst s0  }
0x9: {  	[smem:$0x3F9F] =	sst s1  }
0xa: {  	[smem:$0x3FA0] =	sst s2  }
0xb: {  	[smem:$0x3FA1] =	sst s3  }
0xc: {  	[smem:$0x3FA2] =	sst s4  }
0xd: {  	[smem:$0x3FA3] =	sst s5  }
0xe: {  	[smem:$0x3FA4] =	sst s6  }
0xf: {  	[smem:$0x3FA5] =	sst s7  }
0x10: {  	[smem:$0x3FA6] =	sst s8  }
0x11: {  	[smem:$0x3FA7] =	sst s9;
	s0 =	simm.s32 @!p0 $0x0  }
0x12: {  	s1 =	sld [smem:$0x3F8D];
	s0 =	simm.s32 @p0 $0x1  }
0x13: {  	[smem:$0x3FA8] =	sst s0;
	s0 =	simm.s32 @!p1 $0x0  }
0x14: {  	s2 =	sld [smem:$0x3F8C];
	s0 =	simm.s32 @p1 $0x1  }
0x15: {  	[smem:$0x3FA9] =	sst s0;
	s0 =	simm.s32 @!p2 $0x0  }
0x16: {  	s3 =	sld [smem:$0x3FDB];
	s0 =	simm.s32 @p2 $0x1  }
0x17: {  	s4 =	simm.s32 $0x1BF5;
	[smem:$0x3FAB] =	sst s0  }
0x18: {  	s0 =	sld [smem:$0x3F8E];
	_ =	swait.ge [sflag:s4], $0x0  }
0x19: {  	s7 =	sld [smem:$0x3F8F]  }
0x1a: {  	s8 =	sadd.s32 $0xFFFFE003, lr  }
0x1b: {  	s9 =	sadd.s32 $0xFFFFFEF7, lr;
	s5 =	simm.s32 $0xFFFFFFFF;
	p2 =	slt.u32 s8, $0xFFFFF086  }
0x1c: {  	p1 =	slt.u32 s9, $0xF7A;
	s5 =	simm.s32 @!p2 $0x0  }
0x1d: {  	s5 =	simm.s32 @p1 $0x1;
	p0 =	seq.s32 s7, s2  }
0x1e: {  	s7 =	smul.u32 @!p0 $0xF7A, s2;
	p2 =	seq.s32 @!p0 s5, $0x0  }
0x1f: {  	s9 =	smul.u32 $0xF7A, s1;
	s8 =	simm.s32 @!p0 $0x1BF5;
	p2 =	por !p2, p0  }
0x20: {  	[sflag:s8] =	ssyncset.s32 @!p0 $0xFFFFF086;
	s6 =	sadd.s32 @!p0 s3, s7;
	s7 =	simm.s32 @!p0 $0x108  }
0x21: {  	s3 =	sadd.s32 s3, s9;
	s6 =	sadd.s32 @!p0 $0x88, s6;
	s7 =	simm.s32 @p2 $0x1082  }
0x22: {  	[simem:s7], [sflag:s8] =	dma.local @!p0 [hbm:s6], $0xF7A  }
0x23: {  	s9 =	sor.u32 $0xD0000000, s2;
	s6 =	simm.s32 $0x108;
	_ =	swait.ge @!p0 [sflag:s8], $0x0  }
0x24: {  	s3 =	sadd.s32 $0x88, s3;
	s6 =	simm.s32 @!p1 $0x1082;
	[sflag:s4] =	ssyncset.s32 $0xFFFFF086  }
0x25: {  	[simem:s6], [sflag:s4] =	dma.local [hbm:s3], $0xF7A  }
0x26: {  	[smem:$0x3F8F] =	sst s1;
	(tag) =	ssettag s2;
	_ =	strace s9  }
0x27: {  	s1 =	sld [smem:$0x3F9F]  }
0x28: {  	s2 =	sld [smem:$0x3FA0]  }
0x29: {  	s4 =	sld [smem:$0x3FA2]  }
0x2a: {  	p0 =	seq.s32 s5, $0x0;
	s5 =	sld [smem:$0x3FA3]  }
0x2b: {  	s6 =	sld [smem:$0x3FA4]  }
0x2c: {  	s7 =	sld [smem:$0x3FA5]  }
0x2d: {  	s3 =	simm.s32 $0x108;
	s8 =	sld [smem:$0x3FA6]  }
0x2e: {  	s3 =	simm.s32 @!p0 $0x1082;
	s9 =	sld [smem:$0x3FA7]  }
0x2f: {  	lr =	sadd.s32 s0, s3;
	s0 =	sld [smem:$0x3F9E]  }
0x30: {  	s3 =	sld [smem:$0x3FA1]  }
0x31: {  	[smem:$0x3FAA] =	sst s10  }
0x32: {  	s10 =	sld [smem:$0x3FA8];
	_ =	sdelay $0x3  }
0x33: {  	p0 =	seq.s32 s10, $0x1;
	s10 =	sld [smem:$0x3FAA];
	_ =	sdelay $0x3  }
0x34: {  	[smem:$0x3FAA] =	sst s10  }
0x35: {  	s10 =	sld [smem:$0x3FA9];
	_ =	sdelay $0x3  }
0x36: {  	p1 =	seq.s32 s10, $0x1;
	s10 =	sld [smem:$0x3FAA];
	_ =	sdelay $0x3  }
0x37: {  	[smem:$0x3FAA] =	sst s10  }
0x38: {  	s10 =	sld [smem:$0x3FAB]  }
0x39: {  	_ = 	snop;
	(pc) =	sbr.ind lr, $3  }
0x3a: {  	_ = 	snop  }
0x3b: {  	_ = 	snop  }
0x3c: {  	p2 =	seq.s32 s10, $0x1;
	s10 =	sld [smem:$0x3FAA]  }
0x3d: {  	_ =	shalt  }
0x3e: {  	_ =	shalt  }
0x3f: {  	_ =	shalt  }
0x40: {  	_ =	shalt  }
0x41: {  	_ =	shalt  }
0x42: {  	_ =	shalt  }
0x43: {  	_ =	shalt  }
0x44: {  	_ =	shalt  }
0x45: {  	_ =	shalt  }
0x46: {  	_ =	shalt  }
0x47: {  	_ =	shalt  }
0x48: {  	_ =	shalt  }
0x49: {  	_ =	shalt  }
0x4a: {  	_ =	shalt  }
0x4b: {  	_ =	shalt  }
0x4c: {  	_ =	shalt  }
0x4d: {  	_ =	shalt  }
0x4e: {  	_ =	shalt  }
0x4f: {  	_ =	shalt  }
0x50: {  	_ =	shalt  }
0x51: {  	_ =	shalt  }
0x52: {  	_ =	shalt  }
0x53: {  	_ =	shalt  }
0x54: {  	_ =	shalt  }
0x55: {  	_ =	shalt  }
0x56: {  	_ =	shalt  }
0x57: {  	_ =	shalt  }
0x58: {  	_ =	shalt  }
0x59: {  	_ =	shalt  }
0x5a: {  	_ =	shalt  }
0x5b: {  	_ =	shalt  }
0x5c: {  	_ =	shalt  }
0x5d: {  	_ =	shalt  }
0x5e: {  	_ =	shalt  }
0x5f: {  	_ =	shalt  }
0x60: {  	_ =	shalt  }
0x61: {  	_ =	shalt  }
0x62: {  	_ =	shalt  }
0x63: {  	_ =	shalt  }
0x64: {  	_ =	shalt  }
0x65: {  	_ =	shalt  }
0x66: {  	_ =	shalt  }
0x67: {  	_ =	shalt  }
0x68: {  	_ =	shalt  }
0x69: {  	_ =	shalt  }
0x6a: {  	_ =	shalt  }
0x6b: {  	_ =	shalt  }
0x6c: {  	_ =	shalt  }
0x6d: {  	_ =	shalt  }
0x6e: {  	_ =	shalt  }
0x6f: {  	_ =	shalt  }
0x70: {  	_ =	shalt  }
0x71: {  	_ =	shalt  }
0x72: {  	_ =	shalt  }
0x73: {  	_ =	shalt  }
0x74: {  	_ =	shalt  }
0x75: {  	_ =	shalt  }
0x76: {  	_ =	shalt  }
0x77: {  	_ =	shalt  }
0x78: {  	_ =	shalt  }
0x79: {  	_ =	shalt  }
0x7a: {  	_ =	shalt  }
0x7b: {  	_ =	shalt  }
0x7c: {  	_ =	shalt  }
0x7d: {  	_ =	shalt  }
0x7e: {  	_ =	shalt  }
0x7f: {  	_ =	shalt  }
0x80: {  	_ =	shalt  }
0x81: {  	_ =	shalt  }
0x82: {  	_ =	shalt  }
0x83: {  	_ =	shalt  }
0x84: {  	_ =	shalt  }
0x85: {  	_ =	shalt  }
0x86: {  	_ =	shalt  }
0x87: {  	_ =	shalt  }
.Lfunc_end0:
.L_simem_size_0:
called_computation.3_lowered:
.L_overlay_start_0:
0x88: {  	s2 =	sld [smem:$0x3FD9]  }
0x89: {  	s3 =	sld [smem:$0x3FFE];
	_ =	sdelay $0x1  }
0x8a: {  	s1 =	srdreg.scid  }
0x8b: {  	s0 =	sand.u32 $0x1, s1  }
0x8c: {  	s16 =	sshll.u32 s0, $0xA;
	s2 =	sadd.s32 s3, s2  }
0x8d: {  	s2 =	sadd.s32 s2, s16  }
0x8e: {  	[smem:$0x3FB6] =	sst s2  }
0x8f: {  	_ = 	snop  }
0x90: {  	(tm) =	ssettm $0x1  }
0x91: {  	s17 =	sld [smem:$0x3FFB];
	_ =	sdelay $0x3  }
0x92: {  	_ =	strace s17  }
0x93: {  	s2 =	sld [smem:$0x3FFC];
	_ =	sdelay $0x3  }
0x94: {  	_ =	strace s2  }
0x95: {  	s2 =	sld [smem:$0x3FFD];
	_ =	sdelay $0x3  }
0x96: {  	_ =	strace s2  }
0x97: {  	_ =	strace $0x8FFFFFFF  }
0x98: {  	s18 =	sld [smem:$0x3FDB];
	_ =	sdelay $0x1  }
0x99: {  	s19 =	simm.s32 $_scs_section_size  }
0x9a: {  	s4 =	simm.s32 $_size__tile_overlayer_lowered;
	s5 =	simm.s32 $_tile_overlayer_lowered  }
0x9b: {  	s22 =	simm.s32 $0x1BFF;
	s21 =	sshll.u32 s5, $0x1;
	s2 =	sadd.s32 s19, s18  }
0x9c: {  	s6 =	simm.s32 $0x0;
	s20 =	sshll.u32 s4, $0x1;
	s4 =	sadd.s32 s21, s2  }
0x9d: {  	[timem:s6], [sflag:s22] =	dma.local [hbm:s4], s20  }
0x9e: {  	_ =	swait.ge [sflag:s22], s20  }
0x9f: {  	s3 =	ssub.s32 $0x0, s20;
	[sflag:s22] =	ssyncset.done $0x0  }
0xa0: {  	[sflag:s22] =	ssyncadd.s32 s3;
	_ =	sdelay $0x1  }
0xa1: {  	s23 =	simm.s32 $0x1B8B  }
0xa2: {  	_ =	swait.ge [sflag:s23], $0x1  }
0xa3: {  	[sflag:s23] =	ssyncset.done $0x0  }
0xa4: {  	s25 =	simm.s32 $0x1B8E;
	s24 =	sld [smem:$0x3FFE];
	[sflag:s23] =	ssyncadd.s32 $0xFFFFFFFF  }
0xa5: {  	s26 =	simm.s32 $execute0_lowered;
	[smem:$0x3FD2] =	sst s25  }
0xa6: {  	s4 =	sshll.u32 s26, $0x1;
	_ =	strace $0x8000004F;
	[dreg:$0x1] =	wrdreg $0xFFFFFFFF  }
0xa7: {  	s28 =	simm.s32 $_size_execute0_lowered;
	s2 =	sadd.s32 s2, s4;
	[dreg:$0x0] =	wrdreg $0x0  }
0xa8: {  	s4 =	sshll.u32 s28, $0x1;
	[dreg:$0x2] =	wrdreg s2  }
0xa9: {  	[dreg:$0x3] =	wrdreg s4  }
0xaa: {  	[dreg:$0x4] =	wrdreg $0xC0  }
0xab: {  	_ =	task [dreg:s6], $0x5FFFF  }
0xac: {  	[dreg:$0x1] =	wrdreg $0xFFFFFFFF  }
0xad: {  	[dreg:$0x0] =	wrdreg $0x60  }
0xae: {  	[dreg:$0x2] =	wrdreg s24  }
0xaf: {  	[dreg:$0x3] =	wrdreg $0x90000  }
0xb0: {  	[dreg:$0x4] =	wrdreg $0x9  }
0xb1: {  	_ =	task.clear_ibuf [dreg:s6], $0x5FFFF;
	_ =	strace $0x9000004F  }
0xb2: {  	s29 =	simm.s32 $0x9;
	_ =	strace $0x80000051  }
0xb3: {  	_ =	swait.ge [sflag:s29], $0x1  }
0xb4: {  	[sflag:s29] =	ssyncadd.s32 $0xFFFFFFFF  }
0xb5: {  	_ =	strace $0x90000051  }
0xb6: {  	_ =	sfence  }
0xb7: {  	s30 =	sld [smem:$0x0];
	_ =	sdelay $0x2  }
0xb8: {  	s31 =	sshll.u32 s1, $0xD;
	s1 =	sshrl.u32 s1, $0x2  }
0xb9: {  	s3 =	sand.u32 $0x4000, s31;
	s1 =	sadd.s32 s1, s30  }
0xba: {  	s0 =	sor.u32 s3, s0;
	s1 =	sshll.u32 s1, $0x11  }
0xbb: {  	s0 =	sor.u32 s1, s0  }
0xbc: {  	s0 =	sadd.s32 $0x8F2B, s0  }
0xbd: {  	[sflag:s0] =	ssyncadd.remote.s32 $0x1  }
0xbe: {  	_ =	sfence.sel $0xFFFF  }
0xbf: {  	[dreg:$0x0] =	wrdreg $0xFFFFFFFF;
	(pc) =	sbr.abs _section_cstart, $3  }
0xc0: {  	[dreg:$0x1] =	wrdreg $0xFFFFFFFF  }
0xc1: {  	_ =	task.clear_ibuf [dreg:s6], $0x2FFFF;
	_ =	strace $0x9FFFFFFF  }
0xc2: {  	(tm) =	ssettm $0x7FFFFFFF  }
0xc3: {  	_ =	shalt  }
tec
execute0_lowered:
.L_overlay_start_1:
0x0: {  	(tag) =	ssettag $0x1  }
0x1: {  	s0 =	srdreg.scid;
	s5 =	rddreg [dreg:$0x0]  }
0x2: {  	s2 =	rddreg [dreg:$0x1];
	s1 =	stileid.u32;
	s3 =	simm.s32 $0x0  }
0x3: {  	s6 =	sand.u32 $0x1, s0;
	s0 =	rddreg [dreg:$0x2];
	s15 =	smul.u32 $0x14000, s1  }
0x4: {  	[smem:$0x7FF] =	sst s3;
	s17 =	sadd.s32 $0x9CC00, s5;
	s8 =	smul.u32 $0x50000, s1  }
0x5: {  	s4 =	sshll.u32 s6, $0x4;
	s16 =	smul.u32 $0x140000, s6;
	s6 =	ssub.s32 $0x2, s6  }
0x6: {  	_ =	strace $0x80000050;
	s4 =	sor.u32 s1, s4;
	s24 =	sshrl.u32 s6, $0x1  }
0x7: {  	s25 =	sshrl.u32 s8, $0x2;
	s18 =	sadd.s32 $0x4000, s15;
	s19 =	sadd.s32 $0x8000, s15  }
0x8: {  	s20 =	sadd.s32 $0xC000, s15;
	s23 =	sadd.s32 $0x10000, s15;
	s7 =	smul.u32 $0x500, s4  }
0x9: {  	s4 =	sadd.s32 $0x75A00, s5;
	s9 =	ssub.s32 s6, s24;
	s10 =	sadd.s32 s16, s15  }
0xa: {  	s13 =	sadd.s32 s16, s18;
	s22 =	sadd.s32 s18, s2;
	s28 =	sadd.s32 s16, s19  }
0xb: {  	s21 =	sadd.s32 s16, s20;
	s30 =	sadd.s32 s16, s23;
	s24 =	sadd.s32 s19, s2  }
0xc: {  	s19 =	simm.s32 $0x2800;
	s26 =	sshrl.u32 s10, $0x3;
	s9 =	smax.u32 s9, $0x1  }
0xd: {  	s14 =	sshrl.u32 s13, $0x3;
	s18 =	sshrl.u32 s28, $0x3;
	s29 =	sshrl.u32 s21, $0x3  }
0xe: {  	s31 =	sshrl.u32 s30, $0x3;
	s21 =	simm.s32 $0x80;
	s22 =	sshrl.u32 s22, $0x3  }
0xf: {  	s7 =	sadd.s32 s7, s5;
	s8 =	sadd.s32 s17, s26;
	s14 =	sadd.s32 s17, s14  }
0x10: {  	s15 =	sadd.s32 s17, s18;
	s16 =	sadd.s32 s17, s29;
	s17 =	sadd.s32 s17, s31  }
0x11: {  	s26 =	sadd.s32 s23, s2;
	s18 =	simm.s32 $0x1;
	s23 =	sshrl.u32 s24, $0x3  }
0x12: {  	s5 =	sadd.s32 $0x8600, s7;
	s6 =	sadd.s32 $0x6BA00, s7;
	s7 =	sadd.s32 s25, s2  }
0x13: {  	s25 =	sadd.s32 s20, s2;
	s20 =	simm.s32 $0x5000;
	s10 =	sadd.s32 $0x4000, s7  }
0x14: {  	s11 =	sadd.s32 $0x8000, s7;
	s12 =	sadd.s32 $0xC000, s7;
	s13 =	sadd.s32 $0x10000, s7  }
0x15: {  	v0 =	vimm.f32 $0.0e+00;
	s24 =	sshrl.u32 s25, $0x3;
	s25 =	sshrl.u32 s26, $0x3;
	s26 =	simm.s32 $0x0  }
.LBB2_1:
0x16: {  	[tilespmem:s3], [sflag:$0x1] =	stream.linear.gather [hbm4b:s5+s3], $0x2780, $0x38;
	[tilespmem:$0x1D000] =	vst v63  }
0x17: {  	_ =	swait.ge [sflag:s18], $0x2780  }
0x18: {  	[sflag:s18] =	ssyncset.done $0x0  }
0x19: {  	[sflag:s18] =	ssyncadd.s32 $0xFFFFD880  }
0x1a: {  	[tilespmem:s19], [sflag:$0x1] =	stream.linear.gather [hbm4b:s6+s3], $0x2780, $0x38;
	[tilespmem:$0x1D000] =	vst v63  }
0x1b: {  	_ =	swait.ge [sflag:s18], $0x2780  }
0x1c: {  	[sflag:s18] =	ssyncset.done $0x0  }
0x1d: {  	s28 =	simm.s32 $0x0;
	s29 =	simm.s32 $0x200;
	[sflag:s18] =	ssyncadd.s32 $0xFFFFD880  }
.LBB2_2:
0x1e: {  	p0 =	sne.s32 s29, $0xFE00;
	[tilespmem:s28+$0x5070] =	vst v0  }
0x1f: {  	[tilespmem:s28+$0x5000] =	vst v0  }
0x20: {  	[tilespmem:s28+$0x5010] =	vst v0  }
.Ltmp0:
0x21: {  	[tilespmem:s28+$0x5020] =	vst v0;
	(pc) =	sbr.rel @p0 .LBB2_2-.Ltmp0, $4  }
0x22: {  	[tilespmem:s28+$0x5030] =	vst v0  }
0x23: {  	[tilespmem:s28+$0x5040] =	vst v0  }
0x24: {  	[tilespmem:s28+$0x5050] =	vst v0  }
0x25: {  	[tilespmem:s28+$0x5060] =	vst v0;
	s28 =	sshra.s32 s29, $0x2;
	s29 =	sadd.s32 $0x200, s29  }
0x26: {  	[tilespmem:s28+$0x5070] =	vst v0  }
0x27: {  	[tilespmem:s28+$0x5000] =	vst v0  }
0x28: {  	[tilespmem:s28+$0x5010] =	vst v0  }
0x29: {  	[tilespmem:s28+$0x5020] =	vst v0  }
0x2a: {  	[tilespmem:s28+$0x5030] =	vst v0  }
0x2b: {  	[tilespmem:s28+$0x5040] =	vst v0  }
0x2c: {  	[tilespmem:s28+$0x5050] =	vst v0  }
0x2d: {  	[tilespmem:s28+$0x5060] =	vst v0  }
0x2e: {  	[spmem:s7] =	stream.linear.scatter [tilespmem:s20], [sflag:$0x1], $0x4000, $0x38;
	[tilespmem:$0x1D000] =	vst v63  }
0x2f: {  	_ =	swait.ge [sflag:s18], $0x4000  }
0x30: {  	[sflag:s18] =	ssyncset.done $0x0  }
0x31: {  	[sflag:s18] =	ssyncadd.s32 $0xFFFFC000  }
0x32: {  	[spmem:s10] =	stream.linear.scatter [tilespmem:s20], [sflag:$0x1], $0x4000, $0x38;
	[tilespmem:$0x1D000] =	vst v63  }
0x33: {  	_ =	swait.ge [sflag:s18], $0x4000  }
0x34: {  	[sflag:s18] =	ssyncset.done $0x0  }
0x35: {  	[sflag:s18] =	ssyncadd.s32 $0xFFFFC000  }
0x36: {  	[spmem:s11] =	stream.linear.scatter [tilespmem:s20], [sflag:$0x1], $0x4000, $0x38;
	[tilespmem:$0x1D000] =	vst v63  }
0x37: {  	_ =	swait.ge [sflag:s18], $0x4000  }
0x38: {  	[sflag:s18] =	ssyncset.done $0x0  }
0x39: {  	[sflag:s18] =	ssyncadd.s32 $0xFFFFC000  }
0x3a: {  	[spmem:s12] =	stream.linear.scatter [tilespmem:s20], [sflag:$0x1], $0x4000, $0x38;
	[tilespmem:$0x1D000] =	vst v63  }
0x3b: {  	_ =	swait.ge [sflag:s18], $0x4000  }
0x3c: {  	[sflag:s18] =	ssyncset.done $0x0  }
0x3d: {  	[sflag:s18] =	ssyncadd.s32 $0xFFFFC000  }
0x3e: {  	[spmem:s13] =	stream.linear.scatter [tilespmem:s20], [sflag:$0x1], $0x4000, $0x38;
	[tilespmem:$0x1D000] =	vst v63  }
0x3f: {  	_ =	swait.ge [sflag:s18], $0x4000  }
0x40: {  	[sflag:s18] =	ssyncset.done $0x0  }
0x41: {  	[sflag:s18] =	ssyncadd.s32 $0xFFFFC000  }
0x42: {  	s28 =	simm.s32 $0x0;
	[bflag:$0x0] =	sbarrier.arrive $0xFFFF  }
0x43: {  	[tilespmem:s20], [sflag:$0x1] =	stream.indirect.gather [hbm4b:s4+s21], $0x80, s28, s21, $0xb8;
	[tilespmem:$0x1D000] =	vst v63  }
0x44: {  	_ =	swait.ge [sflag:s18], $0x4000  }
0x45: {  	[sflag:s18] =	ssyncset.done $0x0  }
0x46: {  	s28 =	simm.s32 $0x2800;
	[sflag:s18] =	ssyncadd.s32 $0xFFFFC000  }
0x47: {  	[spmem:s2] =	stream.indirect.scatter.add.f32 [tilespmem:s20], [sflag:$0x1], $0x80, s28, s21, $0xb8;
	[tilespmem:$0x1D000] =	vst v63  }
0x48: {  	_ =	swait.ge [sflag:s18], $0x4000  }
0x49: {  	s29 =	simm.s32 $0x400;
	s28 =	simm.s32 $0x200;
	[sflag:s18] =	ssyncset.done $0x0  }
.LBB2_4:
0x4a: {  	s30 =	sshra.s32 s28, $0x2  }
0x4b: {  	[sflag:s18] =	ssyncadd.s32 $0xFFFFC000;
	s28 =	smov.u32 s29;
	s31 =	sadd.s32 $0x200, s29  }
0x4c: {  	[tilespmem:s20], [sflag:$0x1] =	stream.indirect.gather [hbm4b:s4+s21], $0x80, s30, s21, $0xb8;
	[tilespmem:$0x1D000] =	vst v63  }
0x4d: {  	p0 =	sne.s32 s29, $0x9C00;
	_ =	swait.ge [sflag:s18], $0x4000  }
.Ltmp1:
0x4e: {  	[sflag:s18] =	ssyncset.done $0x0;
	(pc) =	sbr.rel @p0 .LBB2_4-.Ltmp1, $4  }
0x4f: {  	s29 =	sadd.s32 $0x2800, s30;
	[sflag:s18] =	ssyncadd.s32 $0xFFFFC000  }
0x50: {  	[spmem:s2] =	stream.indirect.scatter.add.f32 [tilespmem:s20], [sflag:$0x1], $0x80, s29, s21, $0xb8;
	[tilespmem:$0x1D000] =	vst v63  }
0x51: {  	_ =	swait.ge [sflag:s18], $0x4000  }
0x52: {  	s29 =	smov.u32 s31;
	[sflag:s18] =	ssyncset.done $0x0  }
0x53: {  	s28 =	sshra.s32 s28, $0x2;
	[sflag:s18] =	ssyncadd.s32 $0xFFFFC000  }
0x54: {  	[tilespmem:s20], [sflag:$0x1] =	stream.indirect.gather [hbm4b:s4+s21], $0x80, s28, s21, $0xb8;
	[tilespmem:$0x1D000] =	vst v63  }
0x55: {  	_ =	swait.ge [sflag:s18], $0x4000  }
0x56: {  	[sflag:s18] =	ssyncset.done $0x0  }
0x57: {  	s28 =	sadd.s32 $0x2800, s28;
	[sflag:s18] =	ssyncadd.s32 $0xFFFFC000  }
0x58: {  	[spmem:s2] =	stream.indirect.scatter.add.f32 [tilespmem:s20], [sflag:$0x1], $0x80, s28, s21, $0xb8;
	[tilespmem:$0x1D000] =	vst v63  }
0x59: {  	_ =	swait.ge [sflag:s18], $0x4000  }
0x5a: {  	[sflag:s18] =	ssyncset.done $0x0  }
0x5b: {  	s31 =	sshll.u32 s1, $0x6;
	[sflag:s18] =	ssyncadd.s32 $0xFFFFC000  }
0x5c: {  	s29 =	sshrl.u32 s7, $0x3;
	s28 =	sor.u32 $0x1C01, s31;
	[bflag:$0x0] =	sbarrier.arrive $0xFFFF  }
0x5d: {  	[hbm:s8], [sflag:s28] =	dma.local [spmem:s29], $0x800  }
0x5e: {  	_ =	swait.ge [sflag:s18], $0x800  }
0x5f: {  	[sflag:s18] =	ssyncset.done $0x0  }
0x60: {  	[sflag:s18] =	ssyncadd.s32 $0xFFFFF800  }
0x61: {  	[hbm:s14], [sflag:s28] =	dma.local [spmem:s22], $0x800  }
0x62: {  	_ =	swait.ge [sflag:s18], $0x800  }
0x63: {  	[sflag:s18] =	ssyncset.done $0x0  }
0x64: {  	[sflag:s18] =	ssyncadd.s32 $0xFFFFF800  }
0x65: {  	[hbm:s15], [sflag:s28] =	dma.local [spmem:s23], $0x800  }
0x66: {  	_ =	swait.ge [sflag:s18], $0x800  }
0x67: {  	[sflag:s18] =	ssyncset.done $0x0  }
0x68: {  	[sflag:s18] =	ssyncadd.s32 $0xFFFFF800  }
0x69: {  	[hbm:s16], [sflag:s28] =	dma.local [spmem:s24], $0x800  }
0x6a: {  	s26 =	sadd.s32 $0x1, s26;
	_ =	swait.ge [sflag:s18], $0x800  }
0x6b: {  	p0 =	sne.s32 s26, s9;
	[sflag:s18] =	ssyncset.done $0x0  }
.Ltmp2:
0x6c: {  	[sflag:s18] =	ssyncadd.s32 $0xFFFFF800;
	(pc) =	sbr.rel @p0 .LBB2_1-.Ltmp2, $4  }
0x6d: {  	[hbm:s17], [sflag:s28] =	dma.local [spmem:s25], $0x800  }
0x6e: {  	_ =	swait.ge [sflag:s18], $0x800  }
0x6f: {  	[sflag:s18] =	ssyncset.done $0x0  }
0x70: {  	[sflag:s18] =	ssyncadd.s32 $0xFFFFF800  }
0x71: {  	_ =	sfence.sel $0x180000  }
0x72: {  	[bflag:$0x0] =	sbarrier.arrive $0xFFFF  }
0x73: {  	p0 =	sne.s32 s1, $0x0;
	_ =	strace $0x90000050  }
0x74: {  	s0 =	sadd.s32 @!p0 $0x100000, s0;
	[bflag:$0x2] =	sbarrier.arrive $0xFFFF  }
0x75: {  	[sflag:s0] =	ssyncadd.tile.s32 @!p0 $0x1;
	_ =	shalt  }
.Lfunc_end2:
_tile_overlayer_lowered:
.L_overlay_start_2:
0x76: {  	(tag) =	ssettag $0x2  }
0x77: {  	s0 =	rddreg [dreg:$0x0];
	s2 =	stileid.u32  }
0x78: {  	s1 =	rddreg [dreg:$0x1];
	p0 =	sne.s32 s2, $0x0  }
0x79: {  	s3 =	rddreg [dreg:$0x2];
	[bflag:$0x3] =	sbarrier.arrive $0xFFFF;
	s2 =	simm.s32 @!p0 $0x1C01  }
0x7a: {  	[timem:s3], [sflag:s2] =	dma.local @!p0 [hbm:s0], s1  }
0x7b: {  	s0 =	simm.s32 @!p0 $0x1  }
0x7c: {  	_ =	swait.ge @!p0 [sflag:s0], s1  }
0x7d: {  	s1 =	ssub.s32 @!p0 $0x0, s1;
	[sflag:s0] =	ssyncset.done @!p0 $0x0  }
0x7e: {  	[sflag:s0] =	ssyncadd.s32 @!p0 s1  }
0x7f: {  	[bflag:$0x3] =	sbarrier.arrive $0xFFFF  }
0x80: {  	_ =	shalt  }

// kernel: kernel.35.cloned.1.call-start
scs
__scs_entry_jumppad:
0x0: {  	(pc) =	sbr.rel $0x88, $3  }
0x1: {  	(tag) =	ssettag $0x0;
	lr =	simm.s32 $0x1  }
0x2: {  	[smem:$0x3F8F] =	sst lr;
	_ =	strace $0xD0000000  }
0x3: {  	_ = 	snop  }
0x4: {  	_ = 	snop  }
0x5: {  	_ = 	snop  }
0x6: {  	_ = 	snop  }
0x7: {  	_ = 	snop  }
__scs_overlays_trampoline_lowered:
0x8: {  	[smem:$0x3F9E] =	sst s0  }
0x9: {  	[smem:$0x3F9F] =	sst s1  }
0xa: {  	[smem:$0x3FA0] =	sst s2  }
0xb: {  	[smem:$0x3FA1] =	sst s3  }
0xc: {  	[smem:$0x3FA2] =	sst s4  }
0xd: {  	[smem:$0x3FA3] =	sst s5  }
0xe: {  	[smem:$0x3FA4] =	sst s6  }
0xf: {  	[smem:$0x3FA5] =	sst s7  }
0x10: {  	[smem:$0x3FA6] =	sst s8  }
0x11: {  	[smem:$0x3FA7] =	sst s9;
	s0 =	simm.s32 @!p0 $0x0  }
0x12: {  	s1 =	sld [smem:$0x3F8D];
	s0 =	simm.s32 @p0 $0x1  }
0x13: {  	[smem:$0x3FA8] =	sst s0;
	s0 =	simm.s32 @!p1 $0x0  }
0x14: {  	s2 =	sld [smem:$0x3F8C];
	s0 =	simm.s32 @p1 $0x1  }
0x15: {  	[smem:$0x3FA9] =	sst s0;
	s0 =	simm.s32 @!p2 $0x0  }
0x16: {  	s3 =	sld [smem:$0x3FDB];
	s0 =	simm.s32 @p2 $0x1  }
0x17: {  	s4 =	simm.s32 $0x1BF5;
	[smem:$0x3FAB] =	sst s0  }
0x18: {  	s0 =	sld [smem:$0x3F8E];
	_ =	swait.ge [sflag:s4], $0x0  }
0x19: {  	s7 =	sld [smem:$0x3F8F]  }
0x1a: {  	s8 =	sadd.s32 $0xFFFFE003, lr  }
0x1b: {  	s9 =	sadd.s32 $0xFFFFFEF7, lr;
	s5 =	simm.s32 $0xFFFFFFFF;
	p2 =	slt.u32 s8, $0xFFFFF086  }
0x1c: {  	p1 =	slt.u32 s9, $0xF7A;
	s5 =	simm.s32 @!p2 $0x0  }
0x1d: {  	s5 =	simm.s32 @p1 $0x1;
	p0 =	seq.s32 s7, s2  }
0x1e: {  	s7 =	smul.u32 @!p0 $0xF7A, s2;
	p2 =	seq.s32 @!p0 s5, $0x0  }
0x1f: {  	s9 =	smul.u32 $0xF7A, s1;
	s8 =	simm.s32 @!p0 $0x1BF5;
	p2 =	por !p2, p0  }
0x20: {  	[sflag:s8] =	ssyncset.s32 @!p0 $0xFFFFF086;
	s6 =	sadd.s32 @!p0 s3, s7;
	s7 =	simm.s32 @!p0 $0x108  }
0x21: {  	s3 =	sadd.s32 s3, s9;
	s6 =	sadd.s32 @!p0 $0x88, s6;
	s7 =	simm.s32 @p2 $0x1082  }
0x22: {  	[simem:s7], [sflag:s8] =	dma.local @!p0 [hbm:s6], $0xF7A  }
0x23: {  	s9 =	sor.u32 $0xD0000000, s2;
	s6 =	simm.s32 $0x108;
	_ =	swait.ge @!p0 [sflag:s8], $0x0  }
0x24: {  	s3 =	sadd.s32 $0x88, s3;
	s6 =	simm.s32 @!p1 $0x1082;
	[sflag:s4] =	ssyncset.s32 $0xFFFFF086  }
0x25: {  	[simem:s6], [sflag:s4] =	dma.local [hbm:s3], $0xF7A  }
0x26: {  	[smem:$0x3F8F] =	sst s1;
	(tag) =	ssettag s2;
	_ =	strace s9  }
0x27: {  	s1 =	sld [smem:$0x3F9F]  }
0x28: {  	s2 =	sld [smem:$0x3FA0]  }
0x29: {  	s4 =	sld [smem:$0x3FA2]  }
0x2a: {  	p0 =	seq.s32 s5, $0x0;
	s5 =	sld [smem:$0x3FA3]  }
0x2b: {  	s6 =	sld [smem:$0x3FA4]  }
0x2c: {  	s7 =	sld [smem:$0x3FA5]  }
0x2d: {  	s3 =	simm.s32 $0x108;
	s8 =	sld [smem:$0x3FA6]  }
0x2e: {  	s3 =	simm.s32 @!p0 $0x1082;
	s9 =	sld [smem:$0x3FA7]  }
0x2f: {  	lr =	sadd.s32 s0, s3;
	s0 =	sld [smem:$0x3F9E]  }
0x30: {  	s3 =	sld [smem:$0x3FA1]  }
0x31: {  	[smem:$0x3FAA] =	sst s10  }
0x32: {  	s10 =	sld [smem:$0x3FA8];
	_ =	sdelay $0x3  }
0x33: {  	p0 =	seq.s32 s10, $0x1;
	s10 =	sld [smem:$0x3FAA];
	_ =	sdelay $0x3  }
0x34: {  	[smem:$0x3FAA] =	sst s10  }
0x35: {  	s10 =	sld [smem:$0x3FA9];
	_ =	sdelay $0x3  }
0x36: {  	p1 =	seq.s32 s10, $0x1;
	s10 =	sld [smem:$0x3FAA];
	_ =	sdelay $0x3  }
0x37: {  	[smem:$0x3FAA] =	sst s10  }
0x38: {  	s10 =	sld [smem:$0x3FAB]  }
0x39: {  	_ = 	snop;
	(pc) =	sbr.ind lr, $3  }
0x3a: {  	_ = 	snop  }
0x3b: {  	_ = 	snop  }
0x3c: {  	p2 =	seq.s32 s10, $0x1;
	s10 =	sld [smem:$0x3FAA]  }
0x3d: {  	_ =	shalt  }
0x3e: {  	_ =	shalt  }
0x3f: {  	_ =	shalt  }
0x40: {  	_ =	shalt  }
0x41: {  	_ =	shalt  }
0x42: {  	_ =	shalt  }
0x43: {  	_ =	shalt  }
0x44: {  	_ =	shalt  }
0x45: {  	_ =	shalt  }
0x46: {  	_ =	shalt  }
0x47: {  	_ =	shalt  }
0x48: {  	_ =	shalt  }
0x49: {  	_ =	shalt  }
0x4a: {  	_ =	shalt  }
0x4b: {  	_ =	shalt  }
0x4c: {  	_ =	shalt  }
0x4d: {  	_ =	shalt  }
0x4e: {  	_ =	shalt  }
0x4f: {  	_ =	shalt  }
0x50: {  	_ =	shalt  }
0x51: {  	_ =	shalt  }
0x52: {  	_ =	shalt  }
0x53: {  	_ =	shalt  }
0x54: {  	_ =	shalt  }
0x55: {  	_ =	shalt  }
0x56: {  	_ =	shalt  }
0x57: {  	_ =	shalt  }
0x58: {  	_ =	shalt  }
0x59: {  	_ =	shalt  }
0x5a: {  	_ =	shalt  }
0x5b: {  	_ =	shalt  }
0x5c: {  	_ =	shalt  }
0x5d: {  	_ =	shalt  }
0x5e: {  	_ =	shalt  }
0x5f: {  	_ =	shalt  }
0x60: {  	_ =	shalt  }
0x61: {  	_ =	shalt  }
0x62: {  	_ =	shalt  }
0x63: {  	_ =	shalt  }
0x64: {  	_ =	shalt  }
0x65: {  	_ =	shalt  }
0x66: {  	_ =	shalt  }
0x67: {  	_ =	shalt  }
0x68: {  	_ =	shalt  }
0x69: {  	_ =	shalt  }
0x6a: {  	_ =	shalt  }
0x6b: {  	_ =	shalt  }
0x6c: {  	_ =	shalt  }
0x6d: {  	_ =	shalt  }
0x6e: {  	_ =	shalt  }
0x6f: {  	_ =	shalt  }
0x70: {  	_ =	shalt  }
0x71: {  	_ =	shalt  }
0x72: {  	_ =	shalt  }
0x73: {  	_ =	shalt  }
0x74: {  	_ =	shalt  }
0x75: {  	_ =	shalt  }
0x76: {  	_ =	shalt  }
0x77: {  	_ =	shalt  }
0x78: {  	_ =	shalt  }
0x79: {  	_ =	shalt  }
0x7a: {  	_ =	shalt  }
0x7b: {  	_ =	shalt  }
0x7c: {  	_ =	shalt  }
0x7d: {  	_ =	shalt  }
0x7e: {  	_ =	shalt  }
0x7f: {  	_ =	shalt  }
0x80: {  	_ =	shalt  }
0x81: {  	_ =	shalt  }
0x82: {  	_ =	shalt  }
0x83: {  	_ =	shalt  }
0x84: {  	_ =	shalt  }
0x85: {  	_ =	shalt  }
0x86: {  	_ =	shalt  }
0x87: {  	_ =	shalt  }
.Lfunc_end0:
.L_simem_size_0:
called_computation.4_lowered:
.L_overlay_start_0:
0x88: {  	s2 =	sld [smem:$0x3FD9]  }
0x89: {  	s3 =	sld [smem:$0x3FFE];
	_ =	sdelay $0x1  }
0x8a: {  	s1 =	srdreg.scid  }
0x8b: {  	s0 =	sand.u32 $0x1, s1  }
0x8c: {  	s16 =	sshll.u32 s0, $0xA;
	s2 =	sadd.s32 s3, s2  }
0x8d: {  	s2 =	sadd.s32 s2, s16  }
0x8e: {  	[smem:$0x3FB6] =	sst s2  }
0x8f: {  	_ = 	snop  }
0x90: {  	(tm) =	ssettm $0x1  }
0x91: {  	s17 =	sld [smem:$0x3FFB];
	_ =	sdelay $0x3  }
0x92: {  	_ =	strace s17  }
0x93: {  	s2 =	sld [smem:$0x3FFC];
	_ =	sdelay $0x3  }
0x94: {  	_ =	strace s2  }
0x95: {  	s2 =	sld [smem:$0x3FFD];
	_ =	sdelay $0x3  }
0x96: {  	_ =	strace s2  }
0x97: {  	_ =	strace $0x8FFFFFFF  }
0x98: {  	s18 =	sld [smem:$0x3FDB];
	_ =	sdelay $0x1  }
0x99: {  	s19 =	simm.s32 $_scs_section_size  }
0x9a: {  	s4 =	simm.s32 $_size__tile_overlayer_lowered;
	s5 =	simm.s32 $_tile_overlayer_lowered  }
0x9b: {  	s22 =	simm.s32 $0x1BFF;
	s21 =	sshll.u32 s5, $0x1;
	s2 =	sadd.s32 s19, s18  }
0x9c: {  	s6 =	simm.s32 $0x0;
	s20 =	sshll.u32 s4, $0x1;
	s4 =	sadd.s32 s21, s2  }
0x9d: {  	[timem:s6], [sflag:s22] =	dma.local [hbm:s4], s20  }
0x9e: {  	_ =	swait.ge [sflag:s22], s20  }
0x9f: {  	s3 =	ssub.s32 $0x0, s20;
	[sflag:s22] =	ssyncset.done $0x0  }
0xa0: {  	[sflag:s22] =	ssyncadd.s32 s3;
	_ =	sdelay $0x1  }
0xa1: {  	s23 =	simm.s32 $0x1B8B  }
0xa2: {  	_ =	swait.ge [sflag:s23], $0x1  }
0xa3: {  	[sflag:s23] =	ssyncset.done $0x0  }
0xa4: {  	s25 =	simm.s32 $0x1B8E;
	s24 =	sld [smem:$0x3FFE];
	[sflag:s23] =	ssyncadd.s32 $0xFFFFFFFF  }
0xa5: {  	s26 =	simm.s32 $execute0_lowered;
	[smem:$0x3FD2] =	sst s25  }
0xa6: {  	s4 =	sshll.u32 s26, $0x1;
	_ =	strace $0x80000052;
	[dreg:$0x1] =	wrdreg $0xFFFFFFFF  }
0xa7: {  	s28 =	simm.s32 $_size_execute0_lowered;
	s2 =	sadd.s32 s2, s4;
	[dreg:$0x0] =	wrdreg $0x0  }
0xa8: {  	s4 =	sshll.u32 s28, $0x1;
	[dreg:$0x2] =	wrdreg s2  }
0xa9: {  	[dreg:$0x3] =	wrdreg s4  }
0xaa: {  	[dreg:$0x4] =	wrdreg $0xC0  }
0xab: {  	_ =	task [dreg:s6], $0x5FFFF  }
0xac: {  	[dreg:$0x1] =	wrdreg $0xFFFFFFFF  }
0xad: {  	[dreg:$0x0] =	wrdreg $0x60  }
0xae: {  	[dreg:$0x2] =	wrdreg s24  }
0xaf: {  	[dreg:$0x3] =	wrdreg $0xA3000  }
0xb0: {  	[dreg:$0x4] =	wrdreg $0x9  }
0xb1: {  	_ =	task.clear_ibuf [dreg:s6], $0x5FFFF;
	_ =	strace $0x90000052  }
0xb2: {  	s29 =	simm.s32 $0x9;
	_ =	strace $0x80000054  }
0xb3: {  	_ =	swait.ge [sflag:s29], $0x1  }
0xb4: {  	[sflag:s29] =	ssyncadd.s32 $0xFFFFFFFF  }
0xb5: {  	_ =	strace $0x90000054  }
0xb6: {  	_ =	sfence  }
0xb7: {  	s30 =	sld [smem:$0x0];
	_ =	sdelay $0x2  }
0xb8: {  	s31 =	sshll.u32 s1, $0xD;
	s1 =	sshrl.u32 s1, $0x2  }
0xb9: {  	s3 =	sand.u32 $0x4000, s31;
	s1 =	sadd.s32 s1, s30  }
0xba: {  	s0 =	sor.u32 s3, s0;
	s1 =	sshll.u32 s1, $0x11  }
0xbb: {  	s0 =	sor.u32 s1, s0  }
0xbc: {  	s0 =	sadd.s32 $0x8F2B, s0  }
0xbd: {  	[sflag:s0] =	ssyncadd.remote.s32 $0x1  }
0xbe: {  	_ =	sfence.sel $0xFFFF  }
0xbf: {  	[dreg:$0x0] =	wrdreg $0xFFFFFFFF;
	(pc) =	sbr.abs _section_cstart, $3  }
0xc0: {  	[dreg:$0x1] =	wrdreg $0xFFFFFFFF  }
0xc1: {  	_ =	task.clear_ibuf [dreg:s6], $0x2FFFF;
	_ =	strace $0x9FFFFFFF  }
0xc2: {  	(tm) =	ssettm $0x7FFFFFFF  }
0xc3: {  	_ =	shalt  }
tec
execute0_lowered:
.L_overlay_start_1:
0x0: {  	(tag) =	ssettag $0x1  }
0x1: {  	s5 =	rddreg [dreg:$0x0]  }
0x2: {  	s2 =	rddreg [dreg:$0x1]  }
0x3: {  	s0 =	rddreg [dreg:$0x2];
	s4 =	srdreg.scid  }
0x4: {  	s3 =	simm.s32 $0x0;
	s1 =	stileid.u32;
	s13 =	simm.s32 $0x2800  }
0x5: {  	s14 =	simm.s32 $0xA080;
	s15 =	simm.s32 $0x80;
	s16 =	simm.s32 $0x7800  }
0x6: {  	s19 =	simm.s32 $0x20;
	s20 =	simm.s32 $0x10;
	s21 =	simm.s32 $0x7880  }
0x7: {  	s22 =	simm.s32 $0x0;
	s6 =	sand.u32 $0x1, s4;
	s7 =	smul.u32 $0x500, s1  }
0x8: {  	[smem:$0x7FF] =	sst s3;
	s29 =	smul.u32 $0xA00, s1;
	s17 =	sshll.u32 s1, $0x6  }
0x9: {  	s4 =	sshll.u32 s6, $0x4;
	_ =	strace $0x80000053;
	s8 =	sshll.u32 s6, $0x7  }
0xa: {  	s6 =	ssub.s32 $0x2, s6;
	s17 =	sor.u32 $0x1C01, s17;
	s9 =	sor.u32 s1, s4  }
0xb: {  	s4 =	sadd.s32 $0xB8E00, s5;
	s7 =	sor.u32 s8, s7;
	s30 =	sshrl.u32 s6, $0x1  }
0xc: {  	s31 =	sshrl.u32 s29, $0x2;
	s28 =	smul.u32 $0x500, s9;
	s7 =	sshrl.u32 s7, $0x3  }
0xd: {  	s12 =	ssub.s32 s6, s30;
	s10 =	sadd.s32 s7, s5;
	s7 =	sadd.s32 s31, s2  }
0xe: {  	s11 =	sadd.s32 s28, s5;
	s8 =	sadd.s32 $0xB9400, s10;
	s10 =	smax.u32 s12, $0x1  }
0xf: {  	s12 =	simm.s32 $0x1;
	s18 =	sshrl.u32 s7, $0x3;
	s5 =	sadd.s32 $0x8600, s11  }
0x10: {  	v0 =	vimm.f32 $0.0e+00;
	v1 =	vimm.f32 $1.000000000e+00;
	s6 =	sadd.s32 $0x12600, s11;
	s9 =	sadd.s32 $0xB9E00, s11;
	s11 =	simm.s32 $0x5000  }
.LBB2_1:
0x11: {  	[tilespmem:s11], [sflag:$0x1] =	stream.linear.gather [hbm4b:s4+s3], $0x2800, $0x38;
	[tilespmem:$0xA580] =	vst v63  }
0x12: {  	_ =	swait.ge [sflag:s12], $0x2800  }
0x13: {  	[sflag:s12] =	ssyncset.done $0x0  }
0x14: {  	[sflag:s12] =	ssyncadd.s32 $0xFFFFD800  }
0x15: {  	[tilespmem:s3], [sflag:$0x1] =	stream.linear.gather [hbm4b:s5+s3], $0x2780, $0x38;
	[tilespmem:$0xA580] =	vst v63  }
0x16: {  	_ =	swait.ge [sflag:s12], $0x2780  }
0x17: {  	[sflag:s12] =	ssyncset.done $0x0  }
0x18: {  	[sflag:s12] =	ssyncadd.s32 $0xFFFFD880  }
0x19: {  	[tilespmem:s13], [sflag:$0x1] =	stream.linear.gather [hbm4b:s6+s3], $0x2780, $0x38;
	[tilespmem:$0xA580] =	vst v63  }
0x1a: {  	_ =	swait.ge [sflag:s12], $0x2780  }
0x1b: {  	[sflag:s12] =	ssyncset.done $0x0  }
0x1c: {  	[sflag:s12] =	ssyncadd.s32 $0xFFFFD880  }
0x1d: {  	[tilespmem:$0xA080] =	vst v0  }
0x1e: {  	[tilespmem:$0xA090] =	vst v0  }
0x1f: {  	[tilespmem:$0xA0A0] =	vst v0  }
0x20: {  	[tilespmem:$0xA0B0] =	vst v0  }
0x21: {  	[tilespmem:$0xA0C0] =	vst v0  }
0x22: {  	[tilespmem:$0xA0D0] =	vst v0  }
0x23: {  	[tilespmem:$0xA0E0] =	vst v0  }
0x24: {  	[tilespmem:$0xA0F0] =	vst v0  }
0x25: {  	[tilespmem:$0xA100] =	vst v0  }
0x26: {  	[tilespmem:$0xA110] =	vst v0  }
0x27: {  	[tilespmem:$0xA120] =	vst v0  }
0x28: {  	[tilespmem:$0xA130] =	vst v0  }
0x29: {  	[tilespmem:$0xA140] =	vst v0  }
0x2a: {  	[tilespmem:$0xA150] =	vst v0  }
0x2b: {  	[tilespmem:$0xA160] =	vst v0  }
0x2c: {  	[tilespmem:$0xA170] =	vst v0  }
0x2d: {  	[tilespmem:$0xA180] =	vst v0  }
0x2e: {  	[tilespmem:$0xA190] =	vst v0  }
0x2f: {  	[tilespmem:$0xA1A0] =	vst v0  }
0x30: {  	[tilespmem:$0xA1B0] =	vst v0  }
0x31: {  	[tilespmem:$0xA1C0] =	vst v0  }
0x32: {  	[tilespmem:$0xA1D0] =	vst v0  }
0x33: {  	[tilespmem:$0xA1E0] =	vst v0  }
0x34: {  	[tilespmem:$0xA1F0] =	vst v0  }
0x35: {  	[tilespmem:$0xA200] =	vst v0  }
0x36: {  	[tilespmem:$0xA210] =	vst v0  }
0x37: {  	[tilespmem:$0xA220] =	vst v0  }
0x38: {  	[tilespmem:$0xA230] =	vst v0  }
0x39: {  	[tilespmem:$0xA240] =	vst v0  }
0x3a: {  	[tilespmem:$0xA250] =	vst v0  }
0x3b: {  	[tilespmem:$0xA260] =	vst v0  }
0x3c: {  	[tilespmem:$0xA270] =	vst v0  }
0x3d: {  	[tilespmem:$0xA280] =	vst v0  }
0x3e: {  	[tilespmem:$0xA290] =	vst v0  }
0x3f: {  	[tilespmem:$0xA2A0] =	vst v0  }
0x40: {  	[tilespmem:$0xA2B0] =	vst v0  }
0x41: {  	[tilespmem:$0xA2C0] =	vst v0  }
0x42: {  	[tilespmem:$0xA2D0] =	vst v0  }
0x43: {  	[tilespmem:$0xA2E0] =	vst v0  }
0x44: {  	[tilespmem:$0xA2F0] =	vst v0  }
0x45: {  	[tilespmem:$0x7800] =	vst v1  }
0x46: {  	[tilespmem:$0x7810] =	vst v1  }
0x47: {  	[tilespmem:$0x7820] =	vst v1  }
0x48: {  	[tilespmem:$0x7830] =	vst v1  }
0x49: {  	[tilespmem:$0x7840] =	vst v1  }
0x4a: {  	[tilespmem:$0x7850] =	vst v1  }
0x4b: {  	[tilespmem:$0x7860] =	vst v1  }
0x4c: {  	[tilespmem:$0x7870] =	vst v1  }
0x4d: {  	[spmem:s7] =	stream.linear.scatter [tilespmem:s14], [sflag:$0x1], $0x280, $0x38;
	[tilespmem:$0xA580] =	vst v63  }
0x4e: {  	_ =	swait.ge [sflag:s12], $0x280  }
0x4f: {  	[sflag:s12] =	ssyncset.done $0x0  }
0x50: {  	[sflag:s12] =	ssyncadd.s32 $0xFFFFFD80  }
0x51: {  	s23 =	simm.s32 $0x0;
	[bflag:$0x0] =	sbarrier.arrive $0xFFFF  }
0x52: {  	v2 =	vld [tilespmem:s23+$0x0]  }
0x53: {  	v3 =	vld [tilespmem:s23+$0x2800];
	_ =	sdelay $0x6  }
0x54: {  	v2 =	vld.idx.msk [tilespmem:v2+s11+$0x0], $0xffff  }
0x55: {  	v4 =	vld.idx.msk [tilespmem:v3+s11+$0x0], $0xffff;
	_ =	sdelay $0x1  }
0x56: {  	v5 =	vld [tilespmem:s23+$0x10]  }
0x57: {  	v6 =	vld [tilespmem:s23+$0x2810];
	_ =	sdelay $0x1  }
0x58: {  	v2 =	vmul.u32 v2, v4;
	_ =	sdelay $0x1  }
0x59: {  	vm0 =	vgt.s32 v2, $0x0  }
0x5a: {  	v2 =	vnsel vm0, $0x2710, v3  }
0x5b: {  	[tilespmem:s23+$0x7880] =	vst v2  }
0x5c: {  	v2 =	vld.idx.msk [tilespmem:v5+s11+$0x0], $0xffff  }
0x5d: {  	v3 =	vld.idx.msk [tilespmem:v6+s11+$0x0], $0xffff;
	_ =	sdelay $0x1  }
0x5e: {  	v4 =	vld [tilespmem:s23+$0x20]  }
0x5f: {  	v5 =	vld [tilespmem:s23+$0x2820];
	_ =	sdelay $0x1  }
0x60: {  	v2 =	vmul.u32 v2, v3;
	_ =	sdelay $0x1  }
0x61: {  	vm10 =	vgt.s32 v2, $0x0  }
0x62: {  	v2 =	vnsel vm10, $0x2710, v6  }
0x63: {  	[tilespmem:s23+$0x7890] =	vst v2  }
0x64: {  	v2 =	vld.idx.msk [tilespmem:v4+s11+$0x0], $0xffff  }
0x65: {  	v3 =	vld.idx.msk [tilespmem:v5+s11+$0x0], $0xffff;
	_ =	sdelay $0x1  }
0x66: {  	v4 =	vld [tilespmem:s23+$0x30]  }
0x67: {  	v6 =	vld [tilespmem:s23+$0x2830];
	_ =	sdelay $0x1  }
0x68: {  	v2 =	vmul.u32 v2, v3;
	_ =	sdelay $0x1  }
0x69: {  	vm11 =	vgt.s32 v2, $0x0  }
0x6a: {  	v2 =	vnsel vm11, $0x2710, v5  }
0x6b: {  	[tilespmem:s23+$0x78A0] =	vst v2  }
0x6c: {  	v2 =	vld.idx.msk [tilespmem:v4+s11+$0x0], $0xffff  }
0x6d: {  	v3 =	vld.idx.msk [tilespmem:v6+s11+$0x0], $0xffff;
	_ =	sdelay $0x1  }
0x6e: {  	v4 =	vld [tilespmem:s23+$0x40]  }
0x6f: {  	v5 =	vld [tilespmem:s23+$0x2840];
	_ =	sdelay $0x1  }
0x70: {  	v2 =	vmul.u32 v2, v3;
	_ =	sdelay $0x1  }
0x71: {  	vm12 =	vgt.s32 v2, $0x0  }
0x72: {  	v2 =	vnsel vm12, $0x2710, v6  }
0x73: {  	[tilespmem:s23+$0x78B0] =	vst v2  }
0x74: {  	v2 =	vld.idx.msk [tilespmem:v4+s11+$0x0], $0xffff  }
0x75: {  	v3 =	vld.idx.msk [tilespmem:v5+s11+$0x0], $0xffff;
	_ =	sdelay $0x1  }
0x76: {  	v4 =	vld [tilespmem:s23+$0x50]  }
0x77: {  	v6 =	vld [tilespmem:s23+$0x2850];
	_ =	sdelay $0x1  }
0x78: {  	v2 =	vmul.u32 v2, v3;
	_ =	sdelay $0x1  }
0x79: {  	vm13 =	vgt.s32 v2, $0x0  }
0x7a: {  	v2 =	vnsel vm13, $0x2710, v5  }
0x7b: {  	[tilespmem:s23+$0x78C0] =	vst v2  }
0x7c: {  	v2 =	vld.idx.msk [tilespmem:v4+s11+$0x0], $0xffff  }
0x7d: {  	v3 =	vld.idx.msk [tilespmem:v6+s11+$0x0], $0xffff;
	_ =	sdelay $0x1  }
0x7e: {  	v4 =	vld [tilespmem:s23+$0x60]  }
0x7f: {  	v5 =	vld [tilespmem:s23+$0x2860];
	_ =	sdelay $0x1  }
0x80: {  	v2 =	vmul.u32 v2, v3;
	_ =	sdelay $0x1  }
0x81: {  	vm14 =	vgt.s32 v2, $0x0  }
0x82: {  	v2 =	vnsel vm14, $0x2710, v6  }
0x83: {  	[tilespmem:s23+$0x78D0] =	vst v2  }
0x84: {  	v3 =	vld.idx.msk [tilespmem:v4+s11+$0x0], $0xffff  }
0x85: {  	v4 =	vld.idx.msk [tilespmem:v5+s11+$0x0], $0xffff;
	_ =	sdelay $0x1  }
0x86: {  	v6 =	vld [tilespmem:s23+$0x70]  }
0x87: {  	v2 =	vld [tilespmem:s23+$0x2870];
	_ =	sdelay $0x1  }
0x88: {  	v3 =	vmul.u32 v3, v4;
	_ =	sdelay $0x1  }
0x89: {  	vm15 =	vgt.s32 v3, $0x0  }
0x8a: {  	v3 =	vnsel vm15, $0x2710, v5  }
0x8b: {  	[tilespmem:s23+$0x78E0] =	vst v3  }
0x8c: {  	v3 =	vld.idx.msk [tilespmem:v6+s11+$0x0], $0xffff  }
0x8d: {  	v4 =	vld.idx.msk [tilespmem:v2+s11+$0x0], $0xffff;
	_ =	sdelay $0x1  }
0x8e: {  	s24 =	simm.s32 $0x200;
	s25 =	simm.s32 $0x7880  }
.LBB2_2:
0x8f: {  	_ =	sdelay $0x1  }
0x90: {  	p0 =	sne.s32 s24, $0x9C00;
	s26 =	smov.u32 s24;
	s24 =	sadd.s32 $0x200, s24;
	v3 =	vmul.u32 v3, v4  }
0x91: {  	_ = 	snop  }
0x92: {  	vm0 =	vgt.s32 v3, $0x0  }
0x93: {  	v2 =	vnsel vm0, $0x2710, v2  }
0x94: {  	[tilespmem:s23+$0x78F0] =	vst v2  }
0x95: {  	[spmem:s2] =	stream.indirect.scatter.add.f32 [tilespmem:s16], [sflag:$0x1], $0x1, s25, s15, $0xb8;
	[tilespmem:$0xA580] =	vst v63  }
0x96: {  	_ =	swait.ge [sflag:s12], $0x80  }
0x97: {  	[sflag:s12] =	ssyncset.done $0x0  }
0x98: {  	s23 =	sshra.s32 s26, $0x2;
	[sflag:s12] =	ssyncadd.s32 $0xFFFFFF80  }
0x99: {  	v2 =	vld [tilespmem:s23+$0x0]  }
0x9a: {  	v3 =	vld [tilespmem:s23+$0x2800];
	_ =	sdelay $0x6  }
0x9b: {  	v2 =	vld.idx.msk [tilespmem:v2+s11+$0x0], $0xffff  }
0x9c: {  	v4 =	vld.idx.msk [tilespmem:v3+s11+$0x0], $0xffff;
	_ =	sdelay $0x1  }
0x9d: {  	v5 =	vld [tilespmem:s23+$0x2810]  }
0x9e: {  	v6 =	vld [tilespmem:s23+$0x10];
	_ =	sdelay $0x2  }
0x9f: {  	v2 =	vmul.u32 v2, v4;
	_ =	sdelay $0x1  }
0xa0: {  	vm0 =	vgt.s32 v2, $0x0  }
0xa1: {  	v2 =	vnsel vm0, $0x2710, v3  }
0xa2: {  	[tilespmem:s23+$0x7880] =	vst v2  }
0xa3: {  	v2 =	vld.idx.msk [tilespmem:v6+s11+$0x0], $0xffff  }
0xa4: {  	v3 =	vld.idx.msk [tilespmem:v5+s11+$0x0], $0xffff;
	_ =	sdelay $0x1  }
0xa5: {  	v4 =	vld [tilespmem:s23+$0x2820]  }
0xa6: {  	v6 =	vld [tilespmem:s23+$0x20];
	_ =	sdelay $0x2  }
0xa7: {  	v2 =	vmul.u32 v2, v3;
	_ =	sdelay $0x1  }
0xa8: {  	vm0 =	vgt.s32 v2, $0x0  }
0xa9: {  	v2 =	vnsel vm0, $0x2710, v5  }
0xaa: {  	[tilespmem:s23+$0x7890] =	vst v2  }
0xab: {  	v2 =	vld.idx.msk [tilespmem:v6+s11+$0x0], $0xffff  }
0xac: {  	v3 =	vld.idx.msk [tilespmem:v4+s11+$0x0], $0xffff;
	_ =	sdelay $0x1  }
0xad: {  	v5 =	vld [tilespmem:s23+$0x2830]  }
0xae: {  	v6 =	vld [tilespmem:s23+$0x30];
	_ =	sdelay $0x2  }
0xaf: {  	v2 =	vmul.u32 v2, v3;
	_ =	sdelay $0x1  }
0xb0: {  	vm0 =	vgt.s32 v2, $0x0  }
0xb1: {  	v2 =	vnsel vm0, $0x2710, v4  }
0xb2: {  	[tilespmem:s23+$0x78A0] =	vst v2  }
0xb3: {  	v2 =	vld.idx.msk [tilespmem:v6+s11+$0x0], $0xffff  }
0xb4: {  	v3 =	vld.idx.msk [tilespmem:v5+s11+$0x0], $0xffff;
	_ =	sdelay $0x1  }
0xb5: {  	v4 =	vld [tilespmem:s23+$0x2840]  }
0xb6: {  	v6 =	vld [tilespmem:s23+$0x40];
	_ =	sdelay $0x2  }
0xb7: {  	v2 =	vmul.u32 v2, v3;
	_ =	sdelay $0x1  }
0xb8: {  	vm0 =	vgt.s32 v2, $0x0  }
0xb9: {  	v2 =	vnsel vm0, $0x2710, v5  }
0xba: {  	[tilespmem:s23+$0x78B0] =	vst v2  }
0xbb: {  	v2 =	vld.idx.msk [tilespmem:v6+s11+$0x0], $0xffff  }
0xbc: {  	v3 =	vld.idx.msk [tilespmem:v4+s11+$0x0], $0xffff;
	_ =	sdelay $0x1  }
0xbd: {  	v5 =	vld [tilespmem:s23+$0x2850]  }
0xbe: {  	v6 =	vld [tilespmem:s23+$0x50];
	_ =	sdelay $0x2  }
0xbf: {  	v2 =	vmul.u32 v2, v3;
	_ =	sdelay $0x1  }
0xc0: {  	vm0 =	vgt.s32 v2, $0x0  }
0xc1: {  	v2 =	vnsel vm0, $0x2710, v4  }
0xc2: {  	[tilespmem:s23+$0x78C0] =	vst v2  }
0xc3: {  	v2 =	vld.idx.msk [tilespmem:v6+s11+$0x0], $0xffff  }
0xc4: {  	v3 =	vld.idx.msk [tilespmem:v5+s11+$0x0], $0xffff;
	_ =	sdelay $0x1  }
0xc5: {  	v4 =	vld [tilespmem:s23+$0x2860]  }
0xc6: {  	v6 =	vld [tilespmem:s23+$0x60];
	_ =	sdelay $0x2  }
0xc7: {  	v2 =	vmul.u32 v2, v3;
	_ =	sdelay $0x1  }
0xc8: {  	vm0 =	vgt.s32 v2, $0x0  }
0xc9: {  	v2 =	vnsel vm0, $0x2710, v5  }
0xca: {  	[tilespmem:s23+$0x78D0] =	vst v2  }
0xcb: {  	v3 =	vld.idx.msk [tilespmem:v6+s11+$0x0], $0xffff  }
0xcc: {  	v5 =	vld.idx.msk [tilespmem:v4+s11+$0x0], $0xffff;
	_ =	sdelay $0x1  }
0xcd: {  	v2 =	vld [tilespmem:s23+$0x2870]  }
0xce: {  	v6 =	vld [tilespmem:s23+$0x70];
	_ =	sdelay $0x2  }
0xcf: {  	v3 =	vmul.u32 v3, v5;
	_ =	sdelay $0x1  }
0xd0: {  	vm0 =	vgt.s32 v3, $0x0  }
0xd1: {  	v3 =	vnsel vm0, $0x2710, v4  }
.Ltmp0:
0xd2: {  	[tilespmem:s23+$0x78E0] =	vst v3;
	(pc) =	sbr.rel @p0 .LBB2_2-.Ltmp0, $3  }
0xd3: {  	v3 =	vld.idx.msk [tilespmem:v6+s11+$0x0], $0xffff  }
0xd4: {  	v4 =	vld.idx.msk [tilespmem:v2+s11+$0x0], $0xffff;
	_ =	sdelay $0x1  }
0xd5: {  	s25 =	sadd.s32 $0x7880, s23  }
0xd6: {  	_ =	sdelay $0x1  }
0xd7: {  	v3 =	vmul.u32 v3, v4;
	_ =	sdelay $0x1  }
0xd8: {  	vm0 =	vgt.s32 v3, $0x0  }
0xd9: {  	v2 =	vnsel vm0, $0x2710, v2  }
0xda: {  	[tilespmem:s23+$0x78F0] =	vst v2  }
0xdb: {  	[spmem:s2] =	stream.indirect.scatter.add.f32 [tilespmem:s16], [sflag:$0x1], $0x1, s25, s15, $0xb8;
	[tilespmem:$0xA580] =	vst v63  }
0xdc: {  	_ =	swait.ge [sflag:s12], $0x80  }
0xdd: {  	[sflag:s12] =	ssyncset.done $0x0  }
0xde: {  	[sflag:s12] =	ssyncadd.s32 $0xFFFFFF80  }
0xdf: {  	[bflag:$0x0] =	sbarrier.arrive $0xFFFF  }
0xe0: {  	[hbm:s8@s19], [sflag:s17] =	dma.strided [spmem:s18@s20], $0x50, s12, $0x10   }
0xe1: {  	s22 =	sadd.s32 $0x1, s22;
	_ =	swait.ge [sflag:s12], $0x50  }
0xe2: {  	p0 =	sne.s32 s22, s10;
	[sflag:s12] =	ssyncset.done $0x0  }
.Ltmp1:
0xe3: {  	[sflag:s12] =	ssyncadd.s32 $0xFFFFFFB0;
	(pc) =	sbr.rel @p0 .LBB2_1-.Ltmp1, $4  }
0xe4: {  	[hbm4b:s9+s3] =	stream.linear.scatter [tilespmem:s21], [sflag:$0x1], $0x2780, $0x38;
	[tilespmem:$0xA580] =	vst v63  }
0xe5: {  	_ =	swait.ge [sflag:s12], $0x2780  }
0xe6: {  	[sflag:s12] =	ssyncset.done $0x0  }
0xe7: {  	[sflag:s12] =	ssyncadd.s32 $0xFFFFD880  }
0xe8: {  	_ =	sfence.sel $0x180000  }
0xe9: {  	[bflag:$0x0] =	sbarrier.arrive $0xFFFF  }
0xea: {  	p0 =	sne.s32 s1, $0x0;
	_ =	strace $0x90000053  }
0xeb: {  	s0 =	sadd.s32 @!p0 $0x100000, s0;
	[bflag:$0x2] =	sbarrier.arrive $0xFFFF  }
0xec: {  	[sflag:s0] =	ssyncadd.tile.s32 @!p0 $0x1;
	_ =	shalt  }
.Lfunc_end2:
_tile_overlayer_lowered:
.L_overlay_start_2:
0xed: {  	(tag) =	ssettag $0x2  }
0xee: {  	s0 =	rddreg [dreg:$0x0];
	s2 =	stileid.u32  }
0xef: {  	s1 =	rddreg [dreg:$0x1];
	p0 =	sne.s32 s2, $0x0  }
0xf0: {  	s3 =	rddreg [dreg:$0x2];
	[bflag:$0x3] =	sbarrier.arrive $0xFFFF;
	s2 =	simm.s32 @!p0 $0x1C01  }
0xf1: {  	[timem:s3], [sflag:s2] =	dma.local @!p0 [hbm:s0], s1  }
0xf2: {  	s0 =	simm.s32 @!p0 $0x1  }
0xf3: {  	_ =	swait.ge @!p0 [sflag:s0], s1  }
0xf4: {  	s1 =	ssub.s32 @!p0 $0x0, s1;
	[sflag:s0] =	ssyncset.done @!p0 $0x0  }
0xf5: {  	[sflag:s0] =	ssyncadd.s32 @!p0 s1  }
0xf6: {  	[bflag:$0x3] =	sbarrier.arrive $0xFFFF  }
0xf7: {  	_ =	shalt  }

// kernel: kernel.38.cloned.1.call-start
scs
__scs_entry_jumppad:
0x0: {  	(pc) =	sbr.rel $0x88, $3  }
0x1: {  	(tag) =	ssettag $0x0;
	lr =	simm.s32 $0x1  }
0x2: {  	[smem:$0x3F8F] =	sst lr;
	_ =	strace $0xD0000000  }
0x3: {  	_ = 	snop  }
0x4: {  	_ = 	snop  }
0x5: {  	_ = 	snop  }
0x6: {  	_ = 	snop  }
0x7: {  	_ = 	snop  }
__scs_overlays_trampoline_lowered:
0x8: {  	[smem:$0x3F9E] =	sst s0  }
0x9: {  	[smem:$0x3F9F] =	sst s1  }
0xa: {  	[smem:$0x3FA0] =	sst s2  }
0xb: {  	[smem:$0x3FA1] =	sst s3  }
0xc: {  	[smem:$0x3FA2] =	sst s4  }
0xd: {  	[smem:$0x3FA3] =	sst s5  }
0xe: {  	[smem:$0x3FA4] =	sst s6  }
0xf: {  	[smem:$0x3FA5] =	sst s7  }
0x10: {  	[smem:$0x3FA6] =	sst s8  }
0x11: {  	[smem:$0x3FA7] =	sst s9;
	s0 =	simm.s32 @!p0 $0x0  }
0x12: {  	s1 =	sld [smem:$0x3F8D];
	s0 =	simm.s32 @p0 $0x1  }
0x13: {  	[smem:$0x3FA8] =	sst s0;
	s0 =	simm.s32 @!p1 $0x0  }
0x14: {  	s2 =	sld [smem:$0x3F8C];
	s0 =	simm.s32 @p1 $0x1  }
0x15: {  	[smem:$0x3FA9] =	sst s0;
	s0 =	simm.s32 @!p2 $0x0  }
0x16: {  	s3 =	sld [smem:$0x3FDB];
	s0 =	simm.s32 @p2 $0x1  }
0x17: {  	s4 =	simm.s32 $0x1BF5;
	[smem:$0x3FAB] =	sst s0  }
0x18: {  	s0 =	sld [smem:$0x3F8E];
	_ =	swait.ge [sflag:s4], $0x0  }
0x19: {  	s7 =	sld [smem:$0x3F8F]  }
0x1a: {  	s8 =	sadd.s32 $0xFFFFE003, lr  }
0x1b: {  	s9 =	sadd.s32 $0xFFFFFEF7, lr;
	s5 =	simm.s32 $0xFFFFFFFF;
	p2 =	slt.u32 s8, $0xFFFFF086  }
0x1c: {  	p1 =	slt.u32 s9, $0xF7A;
	s5 =	simm.s32 @!p2 $0x0  }
0x1d: {  	s5 =	simm.s32 @p1 $0x1;
	p0 =	seq.s32 s7, s2  }
0x1e: {  	s7 =	smul.u32 @!p0 $0xF7A, s2;
	p2 =	seq.s32 @!p0 s5, $0x0  }
0x1f: {  	s9 =	smul.u32 $0xF7A, s1;
	s8 =	simm.s32 @!p0 $0x1BF5;
	p2 =	por !p2, p0  }
0x20: {  	[sflag:s8] =	ssyncset.s32 @!p0 $0xFFFFF086;
	s6 =	sadd.s32 @!p0 s3, s7;
	s7 =	simm.s32 @!p0 $0x108  }
0x21: {  	s3 =	sadd.s32 s3, s9;
	s6 =	sadd.s32 @!p0 $0x88, s6;
	s7 =	simm.s32 @p2 $0x1082  }
0x22: {  	[simem:s7], [sflag:s8] =	dma.local @!p0 [hbm:s6], $0xF7A  }
0x23: {  	s9 =	sor.u32 $0xD0000000, s2;
	s6 =	simm.s32 $0x108;
	_ =	swait.ge @!p0 [sflag:s8], $0x0  }
0x24: {  	s3 =	sadd.s32 $0x88, s3;
	s6 =	simm.s32 @!p1 $0x1082;
	[sflag:s4] =	ssyncset.s32 $0xFFFFF086  }
0x25: {  	[simem:s6], [sflag:s4] =	dma.local [hbm:s3], $0xF7A  }
0x26: {  	[smem:$0x3F8F] =	sst s1;
	(tag) =	ssettag s2;
	_ =	strace s9  }
0x27: {  	s1 =	sld [smem:$0x3F9F]  }
0x28: {  	s2 =	sld [smem:$0x3FA0]  }
0x29: {  	s4 =	sld [smem:$0x3FA2]  }
0x2a: {  	p0 =	seq.s32 s5, $0x0;
	s5 =	sld [smem:$0x3FA3]  }
0x2b: {  	s6 =	sld [smem:$0x3FA4]  }
0x2c: {  	s7 =	sld [smem:$0x3FA5]  }
0x2d: {  	s3 =	simm.s32 $0x108;
	s8 =	sld [smem:$0x3FA6]  }
0x2e: {  	s3 =	simm.s32 @!p0 $0x1082;
	s9 =	sld [smem:$0x3FA7]  }
0x2f: {  	lr =	sadd.s32 s0, s3;
	s0 =	sld [smem:$0x3F9E]  }
0x30: {  	s3 =	sld [smem:$0x3FA1]  }
0x31: {  	[smem:$0x3FAA] =	sst s10  }
0x32: {  	s10 =	sld [smem:$0x3FA8];
	_ =	sdelay $0x3  }
0x33: {  	p0 =	seq.s32 s10, $0x1;
	s10 =	sld [smem:$0x3FAA];
	_ =	sdelay $0x3  }
0x34: {  	[smem:$0x3FAA] =	sst s10  }
0x35: {  	s10 =	sld [smem:$0x3FA9];
	_ =	sdelay $0x3  }
0x36: {  	p1 =	seq.s32 s10, $0x1;
	s10 =	sld [smem:$0x3FAA];
	_ =	sdelay $0x3  }
0x37: {  	[smem:$0x3FAA] =	sst s10  }
0x38: {  	s10 =	sld [smem:$0x3FAB]  }
0x39: {  	_ = 	snop;
	(pc) =	sbr.ind lr, $3  }
0x3a: {  	_ = 	snop  }
0x3b: {  	_ = 	snop  }
0x3c: {  	p2 =	seq.s32 s10, $0x1;
	s10 =	sld [smem:$0x3FAA]  }
0x3d: {  	_ =	shalt  }
0x3e: {  	_ =	shalt  }
0x3f: {  	_ =	shalt  }
0x40: {  	_ =	shalt  }
0x41: {  	_ =	shalt  }
0x42: {  	_ =	shalt  }
0x43: {  	_ =	shalt  }
0x44: {  	_ =	shalt  }
0x45: {  	_ =	shalt  }
0x46: {  	_ =	shalt  }
0x47: {  	_ =	shalt  }
0x48: {  	_ =	shalt  }
0x49: {  	_ =	shalt  }
0x4a: {  	_ =	shalt  }
0x4b: {  	_ =	shalt  }
0x4c: {  	_ =	shalt  }
0x4d: {  	_ =	shalt  }
0x4e: {  	_ =	shalt  }
0x4f: {  	_ =	shalt  }
0x50: {  	_ =	shalt  }
0x51: {  	_ =	shalt  }
0x52: {  	_ =	shalt  }
0x53: {  	_ =	shalt  }
0x54: {  	_ =	shalt  }
0x55: {  	_ =	shalt  }
0x56: {  	_ =	shalt  }
0x57: {  	_ =	shalt  }
0x58: {  	_ =	shalt  }
0x59: {  	_ =	shalt  }
0x5a: {  	_ =	shalt  }
0x5b: {  	_ =	shalt  }
0x5c: {  	_ =	shalt  }
0x5d: {  	_ =	shalt  }
0x5e: {  	_ =	shalt  }
0x5f: {  	_ =	shalt  }
0x60: {  	_ =	shalt  }
0x61: {  	_ =	shalt  }
0x62: {  	_ =	shalt  }
0x63: {  	_ =	shalt  }
0x64: {  	_ =	shalt  }
0x65: {  	_ =	shalt  }
0x66: {  	_ =	shalt  }
0x67: {  	_ =	shalt  }
0x68: {  	_ =	shalt  }
0x69: {  	_ =	shalt  }
0x6a: {  	_ =	shalt  }
0x6b: {  	_ =	shalt  }
0x6c: {  	_ =	shalt  }
0x6d: {  	_ =	shalt  }
0x6e: {  	_ =	shalt  }
0x6f: {  	_ =	shalt  }
0x70: {  	_ =	shalt  }
0x71: {  	_ =	shalt  }
0x72: {  	_ =	shalt  }
0x73: {  	_ =	shalt  }
0x74: {  	_ =	shalt  }
0x75: {  	_ =	shalt  }
0x76: {  	_ =	shalt  }
0x77: {  	_ =	shalt  }
0x78: {  	_ =	shalt  }
0x79: {  	_ =	shalt  }
0x7a: {  	_ =	shalt  }
0x7b: {  	_ =	shalt  }
0x7c: {  	_ =	shalt  }
0x7d: {  	_ =	shalt  }
0x7e: {  	_ =	shalt  }
0x7f: {  	_ =	shalt  }
0x80: {  	_ =	shalt  }
0x81: {  	_ =	shalt  }
0x82: {  	_ =	shalt  }
0x83: {  	_ =	shalt  }
0x84: {  	_ =	shalt  }
0x85: {  	_ =	shalt  }
0x86: {  	_ =	shalt  }
0x87: {  	_ =	shalt  }
.Lfunc_end0:
.L_simem_size_0:
called_computation.5_lowered:
.L_overlay_start_0:
0x88: {  	s2 =	sld [smem:$0x3FD9]  }
0x89: {  	s3 =	sld [smem:$0x3FFE];
	_ =	sdelay $0x1  }
0x8a: {  	s1 =	srdreg.scid  }
0x8b: {  	s0 =	sand.u32 $0x1, s1  }
0x8c: {  	s16 =	sshll.u32 s0, $0xA;
	s2 =	sadd.s32 s3, s2  }
0x8d: {  	s2 =	sadd.s32 s2, s16  }
0x8e: {  	[smem:$0x3FB6] =	sst s2  }
0x8f: {  	_ = 	snop  }
0x90: {  	(tm) =	ssettm $0x1  }
0x91: {  	s17 =	sld [smem:$0x3FFB];
	_ =	sdelay $0x3  }
0x92: {  	_ =	strace s17  }
0x93: {  	s2 =	sld [smem:$0x3FFC];
	_ =	sdelay $0x3  }
0x94: {  	_ =	strace s2  }
0x95: {  	s2 =	sld [smem:$0x3FFD];
	_ =	sdelay $0x3  }
0x96: {  	_ =	strace s2  }
0x97: {  	_ =	strace $0x8FFFFFFF  }
0x98: {  	s18 =	sld [smem:$0x3FDB];
	_ =	sdelay $0x1  }
0x99: {  	s19 =	simm.s32 $_scs_section_size  }
0x9a: {  	s4 =	simm.s32 $_size__tile_overlayer_lowered;
	s5 =	simm.s32 $_tile_overlayer_lowered  }
0x9b: {  	s22 =	simm.s32 $0x1BFF;
	s21 =	sshll.u32 s5, $0x1;
	s2 =	sadd.s32 s19, s18  }
0x9c: {  	s6 =	simm.s32 $0x0;
	s20 =	sshll.u32 s4, $0x1;
	s4 =	sadd.s32 s21, s2  }
0x9d: {  	[timem:s6], [sflag:s22] =	dma.local [hbm:s4], s20  }
0x9e: {  	_ =	swait.ge [sflag:s22], s20  }
0x9f: {  	s3 =	ssub.s32 $0x0, s20;
	[sflag:s22] =	ssyncset.done $0x0  }
0xa0: {  	[sflag:s22] =	ssyncadd.s32 s3;
	_ =	sdelay $0x1  }
0xa1: {  	s23 =	simm.s32 $0x1B8B  }
0xa2: {  	_ =	swait.ge [sflag:s23], $0x1  }
0xa3: {  	[sflag:s23] =	ssyncset.done $0x0  }
0xa4: {  	s25 =	simm.s32 $0x1B8E;
	s24 =	sld [smem:$0x3FFE];
	[sflag:s23] =	ssyncadd.s32 $0xFFFFFFFF  }
0xa5: {  	s26 =	simm.s32 $execute0_lowered;
	[smem:$0x3FD2] =	sst s25  }
0xa6: {  	s4 =	sshll.u32 s26, $0x1;
	_ =	strace $0x80000055;
	[dreg:$0x1] =	wrdreg $0xFFFFFFFF  }
0xa7: {  	s28 =	simm.s32 $_size_execute0_lowered;
	s2 =	sadd.s32 s2, s4;
	[dreg:$0x0] =	wrdreg $0x0  }
0xa8: {  	s4 =	sshll.u32 s28, $0x1;
	[dreg:$0x2] =	wrdreg s2  }
0xa9: {  	[dreg:$0x3] =	wrdreg s4  }
0xaa: {  	[dreg:$0x4] =	wrdreg $0xC0  }
0xab: {  	_ =	task [dreg:s6], $0x5FFFF  }
0xac: {  	[dreg:$0x1] =	wrdreg $0xFFFFFFFF  }
0xad: {  	[dreg:$0x0] =	wrdreg $0x60  }
0xae: {  	[dreg:$0x2] =	wrdreg s24  }
0xaf: {  	[dreg:$0x3] =	wrdreg $0x90000  }
0xb0: {  	[dreg:$0x4] =	wrdreg $0x9  }
0xb1: {  	_ =	task.clear_ibuf [dreg:s6], $0x5FFFF;
	_ =	strace $0x90000055  }
0xb2: {  	s29 =	simm.s32 $0x9;
	_ =	strace $0x80000057  }
0xb3: {  	_ =	swait.ge [sflag:s29], $0x1  }
0xb4: {  	[sflag:s29] =	ssyncadd.s32 $0xFFFFFFFF  }
0xb5: {  	_ =	strace $0x90000057  }
0xb6: {  	_ =	sfence  }
0xb7: {  	s30 =	sld [smem:$0x0];
	_ =	sdelay $0x2  }
0xb8: {  	s31 =	sshll.u32 s1, $0xD;
	s1 =	sshrl.u32 s1, $0x2  }
0xb9: {  	s3 =	sand.u32 $0x4000, s31;
	s1 =	sadd.s32 s1, s30  }
0xba: {  	s0 =	sor.u32 s3, s0;
	s1 =	sshll.u32 s1, $0x11  }
0xbb: {  	s0 =	sor.u32 s1, s0  }
0xbc: {  	s0 =	sadd.s32 $0x8F2B, s0  }
0xbd: {  	[sflag:s0] =	ssyncadd.remote.s32 $0x1  }
0xbe: {  	_ =	sfence.sel $0xFFFF  }
0xbf: {  	[dreg:$0x0] =	wrdreg $0xFFFFFFFF;
	(pc) =	sbr.abs _section_cstart, $3  }
0xc0: {  	[dreg:$0x1] =	wrdreg $0xFFFFFFFF  }
0xc1: {  	_ =	task.clear_ibuf [dreg:s6], $0x2FFFF;
	_ =	strace $0x9FFFFFFF  }
0xc2: {  	(tm) =	ssettm $0x7FFFFFFF  }
0xc3: {  	_ =	shalt  }
tec
execute0_lowered:
.L_overlay_start_1:
0x0: {  	(tag) =	ssettag $0x1  }
0x1: {  	s0 =	srdreg.scid;
	s5 =	rddreg [dreg:$0x0]  }
0x2: {  	s2 =	rddreg [dreg:$0x1];
	s1 =	stileid.u32;
	s3 =	simm.s32 $0x0  }
0x3: {  	s6 =	sand.u32 $0x1, s0;
	s0 =	rddreg [dreg:$0x2];
	s15 =	smul.u32 $0x14000, s1  }
0x4: {  	[smem:$0x7FF] =	sst s3;
	s17 =	sadd.s32 $0x112200, s5;
	s8 =	smul.u32 $0x50000, s1  }
0x5: {  	s4 =	sshll.u32 s6, $0x4;
	s16 =	smul.u32 $0x140000, s6;
	s6 =	ssub.s32 $0x2, s6  }
0x6: {  	_ =	strace $0x80000056;
	s4 =	sor.u32 s1, s4;
	s24 =	sshrl.u32 s6, $0x1  }
0x7: {  	s25 =	sshrl.u32 s8, $0x2;
	s18 =	sadd.s32 $0x4000, s15;
	s19 =	sadd.s32 $0x8000, s15  }
0x8: {  	s20 =	sadd.s32 $0xC000, s15;
	s23 =	sadd.s32 $0x10000, s15;
	s7 =	smul.u32 $0x500, s4  }
0x9: {  	s4 =	sadd.s32 $0xC3E00, s5;
	s9 =	ssub.s32 s6, s24;
	s10 =	sadd.s32 s16, s15  }
0xa: {  	s13 =	sadd.s32 s16, s18;
	s22 =	sadd.s32 s18, s2;
	s28 =	sadd.s32 s16, s19  }
0xb: {  	s21 =	sadd.s32 s16, s20;
	s30 =	sadd.s32 s16, s23;
	s24 =	sadd.s32 s19, s2  }
0xc: {  	s19 =	simm.s32 $0x2800;
	s26 =	sshrl.u32 s10, $0x3;
	s9 =	smax.u32 s9, $0x1  }
0xd: {  	s14 =	sshrl.u32 s13, $0x3;
	s18 =	sshrl.u32 s28, $0x3;
	s29 =	sshrl.u32 s21, $0x3  }
0xe: {  	s31 =	sshrl.u32 s30, $0x3;
	s21 =	simm.s32 $0x80;
	s22 =	sshrl.u32 s22, $0x3  }
0xf: {  	s7 =	sadd.s32 s7, s5;
	s8 =	sadd.s32 s17, s26;
	s14 =	sadd.s32 s17, s14  }
0x10: {  	s15 =	sadd.s32 s17, s18;
	s16 =	sadd.s32 s17, s29;
	s17 =	sadd.s32 s17, s31  }
0x11: {  	s26 =	sadd.s32 s23, s2;
	s18 =	simm.s32 $0x1;
	s23 =	sshrl.u32 s24, $0x3  }
0x12: {  	s5 =	sadd.s32 $0x8600, s7;
	s6 =	sadd.s32 $0xB9E00, s7;
	s7 =	sadd.s32 s25, s2  }
0x13: {  	s25 =	sadd.s32 s20, s2;
	s20 =	simm.s32 $0x5000;
	s10 =	sadd.s32 $0x4000, s7  }
0x14: {  	s11 =	sadd.s32 $0x8000, s7;
	s12 =	sadd.s32 $0xC000, s7;
	s13 =	sadd.s32 $0x10000, s7  }
0x15: {  	v0 =	vimm.f32 $0.0e+00;
	s24 =	sshrl.u32 s25, $0x3;
	s25 =	sshrl.u32 s26, $0x3;
	s26 =	simm.s32 $0x0  }
.LBB2_1:
0x16: {  	[tilespmem:s3], [sflag:$0x1] =	stream.linear.gather [hbm4b:s5+s3], $0x2780, $0x38;
	[tilespmem:$0x1D000] =	vst v63  }
0x17: {  	_ =	swait.ge [sflag:s18], $0x2780  }
0x18: {  	[sflag:s18] =	ssyncset.done $0x0  }
0x19: {  	[sflag:s18] =	ssyncadd.s32 $0xFFFFD880  }
0x1a: {  	[tilespmem:s19], [sflag:$0x1] =	stream.linear.gather [hbm4b:s6+s3], $0x2780, $0x38;
	[tilespmem:$0x1D000] =	vst v63  }
0x1b: {  	_ =	swait.ge [sflag:s18], $0x2780  }
0x1c: {  	[sflag:s18] =	ssyncset.done $0x0  }
0x1d: {  	s28 =	simm.s32 $0x0;
	s29 =	simm.s32 $0x200;
	[sflag:s18] =	ssyncadd.s32 $0xFFFFD880  }
.LBB2_2:
0x1e: {  	p0 =	sne.s32 s29, $0xFE00;
	[tilespmem:s28+$0x5070] =	vst v0  }
0x1f: {  	[tilespmem:s28+$0x5000] =	vst v0  }
0x20: {  	[tilespmem:s28+$0x5010] =	vst v0  }
.Ltmp0:
0x21: {  	[tilespmem:s28+$0x5020] =	vst v0;
	(pc) =	sbr.rel @p0 .LBB2_2-.Ltmp0, $4  }
0x22: {  	[tilespmem:s28+$0x5030] =	vst v0  }
0x23: {  	[tilespmem:s28+$0x5040] =	vst v0  }
0x24: {  	[tilespmem:s28+$0x5050] =	vst v0  }
0x25: {  	[tilespmem:s28+$0x5060] =	vst v0;
	s28 =	sshra.s32 s29, $0x2;
	s29 =	sadd.s32 $0x200, s29  }
0x26: {  	[tilespmem:s28+$0x5070] =	vst v0  }
0x27: {  	[tilespmem:s28+$0x5000] =	vst v0  }
0x28: {  	[tilespmem:s28+$0x5010] =	vst v0  }
0x29: {  	[tilespmem:s28+$0x5020] =	vst v0  }
0x2a: {  	[tilespmem:s28+$0x5030] =	vst v0  }
0x2b: {  	[tilespmem:s28+$0x5040] =	vst v0  }
0x2c: {  	[tilespmem:s28+$0x5050] =	vst v0  }
0x2d: {  	[tilespmem:s28+$0x5060] =	vst v0  }
0x2e: {  	[spmem:s7] =	stream.linear.scatter [tilespmem:s20], [sflag:$0x1], $0x4000, $0x38;
	[tilespmem:$0x1D000] =	vst v63  }
0x2f: {  	_ =	swait.ge [sflag:s18], $0x4000  }
0x30: {  	[sflag:s18] =	ssyncset.done $0x0  }
0x31: {  	[sflag:s18] =	ssyncadd.s32 $0xFFFFC000  }
0x32: {  	[spmem:s10] =	stream.linear.scatter [tilespmem:s20], [sflag:$0x1], $0x4000, $0x38;
	[tilespmem:$0x1D000] =	vst v63  }
0x33: {  	_ =	swait.ge [sflag:s18], $0x4000  }
0x34: {  	[sflag:s18] =	ssyncset.done $0x0  }
0x35: {  	[sflag:s18] =	ssyncadd.s32 $0xFFFFC000  }
0x36: {  	[spmem:s11] =	stream.linear.scatter [tilespmem:s20], [sflag:$0x1], $0x4000, $0x38;
	[tilespmem:$0x1D000] =	vst v63  }
0x37: {  	_ =	swait.ge [sflag:s18], $0x4000  }
0x38: {  	[sflag:s18] =	ssyncset.done $0x0  }
0x39: {  	[sflag:s18] =	ssyncadd.s32 $0xFFFFC000  }
0x3a: {  	[spmem:s12] =	stream.linear.scatter [tilespmem:s20], [sflag:$0x1], $0x4000, $0x38;
	[tilespmem:$0x1D000] =	vst v63  }
0x3b: {  	_ =	swait.ge [sflag:s18], $0x4000  }
0x3c: {  	[sflag:s18] =	ssyncset.done $0x0  }
0x3d: {  	[sflag:s18] =	ssyncadd.s32 $0xFFFFC000  }
0x3e: {  	[spmem:s13] =	stream.linear.scatter [tilespmem:s20], [sflag:$0x1], $0x4000, $0x38;
	[tilespmem:$0x1D000] =	vst v63  }
0x3f: {  	_ =	swait.ge [sflag:s18], $0x4000  }
0x40: {  	[sflag:s18] =	ssyncset.done $0x0  }
0x41: {  	[sflag:s18] =	ssyncadd.s32 $0xFFFFC000  }
0x42: {  	s28 =	simm.s32 $0x0;
	[bflag:$0x0] =	sbarrier.arrive $0xFFFF  }
0x43: {  	[tilespmem:s20], [sflag:$0x1] =	stream.indirect.gather [hbm4b:s4+s21], $0x80, s28, s21, $0xb8;
	[tilespmem:$0x1D000] =	vst v63  }
0x44: {  	_ =	swait.ge [sflag:s18], $0x4000  }
0x45: {  	[sflag:s18] =	ssyncset.done $0x0  }
0x46: {  	s28 =	simm.s32 $0x2800;
	[sflag:s18] =	ssyncadd.s32 $0xFFFFC000  }
0x47: {  	[spmem:s2] =	stream.indirect.scatter.add.f32 [tilespmem:s20], [sflag:$0x1], $0x80, s28, s21, $0xb8;
	[tilespmem:$0x1D000] =	vst v63  }
0x48: {  	_ =	swait.ge [sflag:s18], $0x4000  }
0x49: {  	s29 =	simm.s32 $0x400;
	s28 =	simm.s32 $0x200;
	[sflag:s18] =	ssyncset.done $0x0  }
.LBB2_4:
0x4a: {  	s30 =	sshra.s32 s28, $0x2  }
0x4b: {  	[sflag:s18] =	ssyncadd.s32 $0xFFFFC000;
	s28 =	smov.u32 s29;
	s31 =	sadd.s32 $0x200, s29  }
0x4c: {  	[tilespmem:s20], [sflag:$0x1] =	stream.indirect.gather [hbm4b:s4+s21], $0x80, s30, s21, $0xb8;
	[tilespmem:$0x1D000] =	vst v63  }
0x4d: {  	p0 =	sne.s32 s29, $0x9C00;
	_ =	swait.ge [sflag:s18], $0x4000  }
.Ltmp1:
0x4e: {  	[sflag:s18] =	ssyncset.done $0x0;
	(pc) =	sbr.rel @p0 .LBB2_4-.Ltmp1, $4  }
0x4f: {  	s29 =	sadd.s32 $0x2800, s30;
	[sflag:s18] =	ssyncadd.s32 $0xFFFFC000  }
0x50: {  	[spmem:s2] =	stream.indirect.scatter.add.f32 [tilespmem:s20], [sflag:$0x1], $0x80, s29, s21, $0xb8;
	[tilespmem:$0x1D000] =	vst v63  }
0x51: {  	_ =	swait.ge [sflag:s18], $0x4000  }
0x52: {  	s29 =	smov.u32 s31;
	[sflag:s18] =	ssyncset.done $0x0  }
0x53: {  	s28 =	sshra.s32 s28, $0x2;
	[sflag:s18] =	ssyncadd.s32 $0xFFFFC000  }
0x54: {  	[tilespmem:s20], [sflag:$0x1] =	stream.indirect.gather [hbm4b:s4+s21], $0x80, s28, s21, $0xb8;
	[tilespmem:$0x1D000] =	vst v63  }
0x55: {  	_ =	swait.ge [sflag:s18], $0x4000  }
0x56: {  	[sflag:s18] =	ssyncset.done $0x0  }
0x57: {  	s28 =	sadd.s32 $0x2800, s28;
	[sflag:s18] =	ssyncadd.s32 $0xFFFFC000  }
0x58: {  	[spmem:s2] =	stream.indirect.scatter.add.f32 [tilespmem:s20], [sflag:$0x1], $0x80, s28, s21, $0xb8;
	[tilespmem:$0x1D000] =	vst v63  }
0x59: {  	_ =	swait.ge [sflag:s18], $0x4000  }
0x5a: {  	[sflag:s18] =	ssyncset.done $0x0  }
0x5b: {  	s31 =	sshll.u32 s1, $0x6;
	[sflag:s18] =	ssyncadd.s32 $0xFFFFC000  }
0x5c: {  	s29 =	sshrl.u32 s7, $0x3;
	s28 =	sor.u32 $0x1C01, s31;
	[bflag:$0x0] =	sbarrier.arrive $0xFFFF  }
0x5d: {  	[hbm:s8], [sflag:s28] =	dma.local [spmem:s29], $0x800  }
0x5e: {  	_ =	swait.ge [sflag:s18], $0x800  }
0x5f: {  	[sflag:s18] =	ssyncset.done $0x0  }
0x60: {  	[sflag:s18] =	ssyncadd.s32 $0xFFFFF800  }
0x61: {  	[hbm:s14], [sflag:s28] =	dma.local [spmem:s22], $0x800  }
0x62: {  	_ =	swait.ge [sflag:s18], $0x800  }
0x63: {  	[sflag:s18] =	ssyncset.done $0x0  }
0x64: {  	[sflag:s18] =	ssyncadd.s32 $0xFFFFF800  }
0x65: {  	[hbm:s15], [sflag:s28] =	dma.local [spmem:s23], $0x800  }
0x66: {  	_ =	swait.ge [sflag:s18], $0x800  }
0x67: {  	[sflag:s18] =	ssyncset.done $0x0  }
0x68: {  	[sflag:s18] =	ssyncadd.s32 $0xFFFFF800  }
0x69: {  	[hbm:s16], [sflag:s28] =	dma.local [spmem:s24], $0x800  }
0x6a: {  	s26 =	sadd.s32 $0x1, s26;
	_ =	swait.ge [sflag:s18], $0x800  }
0x6b: {  	p0 =	sne.s32 s26, s9;
	[sflag:s18] =	ssyncset.done $0x0  }
.Ltmp2:
0x6c: {  	[sflag:s18] =	ssyncadd.s32 $0xFFFFF800;
	(pc) =	sbr.rel @p0 .LBB2_1-.Ltmp2, $4  }
0x6d: {  	[hbm:s17], [sflag:s28] =	dma.local [spmem:s25], $0x800  }
0x6e: {  	_ =	swait.ge [sflag:s18], $0x800  }
0x6f: {  	[sflag:s18] =	ssyncset.done $0x0  }
0x70: {  	[sflag:s18] =	ssyncadd.s32 $0xFFFFF800  }
0x71: {  	_ =	sfence.sel $0x180000  }
0x72: {  	[bflag:$0x0] =	sbarrier.arrive $0xFFFF  }
0x73: {  	p0 =	sne.s32 s1, $0x0;
	_ =	strace $0x90000056  }
0x74: {  	s0 =	sadd.s32 @!p0 $0x100000, s0;
	[bflag:$0x2] =	sbarrier.arrive $0xFFFF  }
0x75: {  	[sflag:s0] =	ssyncadd.tile.s32 @!p0 $0x1;
	_ =	shalt  }
.Lfunc_end2:
_tile_overlayer_lowered:
.L_overlay_start_2:
0x76: {  	(tag) =	ssettag $0x2  }
0x77: {  	s0 =	rddreg [dreg:$0x0];
	s2 =	stileid.u32  }
0x78: {  	s1 =	rddreg [dreg:$0x1];
	p0 =	sne.s32 s2, $0x0  }
0x79: {  	s3 =	rddreg [dreg:$0x2];
	[bflag:$0x3] =	sbarrier.arrive $0xFFFF;
	s2 =	simm.s32 @!p0 $0x1C01  }
0x7a: {  	[timem:s3], [sflag:s2] =	dma.local @!p0 [hbm:s0], s1  }
0x7b: {  	s0 =	simm.s32 @!p0 $0x1  }
0x7c: {  	_ =	swait.ge @!p0 [sflag:s0], s1  }
0x7d: {  	s1 =	ssub.s32 @!p0 $0x0, s1;
	[sflag:s0] =	ssyncset.done @!p0 $0x0  }
0x7e: {  	[sflag:s0] =	ssyncadd.s32 @!p0 s1  }
0x7f: {  	[bflag:$0x3] =	sbarrier.arrive $0xFFFF  }
0x80: {  	_ =	shalt  }

</sc_bundles>
